<compile_context>
chip_gen: v7x
topology: tpu7x:2x2x1
jax: 0.10.2.dev20260603
libtpu: 0.0.44.dev20260713+nightly
codegen_flags: <defaults>
</compile_context>

<pallas_src>
import functools

import numpy as np
import jax
import jax.numpy as jnp
from jax import lax
from jax.experimental import pallas as pl
from jax.experimental.pallas import tpu as pltpu
from jax.experimental.pallas import tpu_sc as plsc

_C = 1000
_CP = 1024
_B = 16384
_K = 20
_NP = _K * (_K - 1) // 2
_W = 64

_BLK = 2048

_NC = 2
_NS = 16
_L = 16
_RH = _CP // _NC
_TW = _RH * _CP
_CHUNK = _B // _NS
_RT = _RH // _NS
_TSB = _RT * _CP
_ZB = 8192
_CC = _CP // _NS


def _argmax_body(s_ref, out_ref):
    s = s_ref[...]
    m = jnp.max(s, axis=1, keepdims=True)
    col = lax.broadcasted_iota(jnp.int32, s.shape, 1)
    out_ref[...] = jnp.min(jnp.where(s == m, col, _C), axis=1).astype(jnp.int32)


def _row_argmax(scores):
    return pl.pallas_call(
        _argmax_body,
        grid=(_B // _BLK,),
        in_specs=[pl.BlockSpec((_BLK, _C), lambda i: (i, 0))],
        out_specs=pl.BlockSpec((_BLK,), lambda i: (i,)),
        out_shape=jax.ShapeDtypeStruct((_B,), jnp.int32),
    )(scores)


def _hist_body(y_hbm, p_hbm, entry_hbm, argr_hbm,
               yv, pv, idxv, valv, zbuf, tsb, maxb, argb, mpv, apv, fm, fa,
               conf_sh, maxp_sh, argp_sh):
    c = lax.axis_index("c")
    s = lax.axis_index("s")
    base = s * _CHUNK
    row0 = _RH * c + _RT * s

    def zstep(i, _):
        zbuf[pl.ds(i * _L, _L)] = jnp.zeros((_L,), jnp.float32)
        return 0
    lax.fori_loop(0, _ZB // _L, zstep, 0)
    for q in range(_TSB // _ZB):
        pltpu.sync_copy(zbuf, conf_sh.at[pl.ds(s * _TSB + q * _ZB, _ZB)])

    pltpu.sync_copy(y_hbm.at[pl.ds(base, _CHUNK)], yv)
    pltpu.sync_copy(p_hbm.at[pl.ds(base, _CHUNK)], pv)
    cbase = c * _RH * _CP
    for k in range(_CHUNK // 128):
        for i in range(128 // _L):
            yi = yv[pl.ds(k * 128 + i * _L, _L)]
            pi = pv[pl.ds(k * 128 + i * _L, _L)]
            code = yi * _CP + pi - cbase
            ok = (code >= 0) & (code < _TW) & (yi != pi)
            dummy = (lax.broadcasted_iota(jnp.int32, (_L,), 0)
                     + base + k * 128 + i * _L)
            idxv[k, pl.ds(i * _L, _L)] = jnp.where(ok, code, dummy)
            valv[k, pl.ds(i * _L, _L)] = jnp.where(
                ok, jnp.full((_L,), 1.0, jnp.float32),
                jnp.zeros((_L,), jnp.float32))

    plsc.subcore_barrier()
    for k in range(_CHUNK // 128):
        pltpu.sync_copy(valv.at[k], conf_sh.at[idxv.at[k]], add=True)
    plsc.subcore_barrier()

    pltpu.sync_copy(conf_sh.at[pl.ds(s * _TSB, _TSB)], tsb)

    def col_chunk(v, _):
        def row_step(r, carry):
            m, a = carry
            for u in range(4):
                x = tsb[pl.ds((r * 4 + u) * _CP + v * _L, _L)]
                upd = x > m
                aabs = jnp.full((_L,), 0, jnp.int32) + (row0 + r * 4 + u)
                m = jnp.where(upd, x, m)
                a = jnp.where(upd, aabs, a)
            return m, a
        m, a = lax.fori_loop(
            0, _RT // 4, row_step,
            (jnp.full((_L,), -1.0, jnp.float32), jnp.zeros((_L,), jnp.int32)))
        maxb[pl.ds(v * _L, _L)] = m
        argb[pl.ds(v * _L, _L)] = a
        return 0
    lax.fori_loop(0, _CP // _L, col_chunk, 0)

    pltpu.sync_copy(maxb, maxp_sh.at[pl.ds(s * _CP, _CP)])
    pltpu.sync_copy(argb, argp_sh.at[pl.ds(s * _CP, _CP)])
    plsc.subcore_barrier()

    pltpu.sync_copy(maxp_sh, mpv)
    pltpu.sync_copy(argp_sh, apv)
    for q in range(_CC // _L):
        def comb_step(t, carry):
            m, a = carry
            x = mpv[pl.ds(t * _CP + s * _CC + q * _L, _L)]
            xa = apv[pl.ds(t * _CP + s * _CC + q * _L, _L)]
            upd = x > m
            return jnp.where(upd, x, m), jnp.where(upd, xa, a)
        m0 = mpv[pl.ds(s * _CC + q * _L, _L)]
        a0 = apv[pl.ds(s * _CC + q * _L, _L)]
        m, a = lax.fori_loop(1, _NS, comb_step, (m0, a0))
        fm[pl.ds(q * _L, _L)] = m
        fa[pl.ds(q * _L, _L)] = a

    pltpu.sync_copy(fm, entry_hbm.at[c, pl.ds(s * _CC, _CC)])
    pltpu.sync_copy(fa, argr_hbm.at[c, pl.ds(s * _CC, _CC)])


def _histogram(y, preds):
    mesh = plsc.VectorSubcoreMesh(core_axis_name="c", subcore_axis_name="s",
                                  num_cores=_NC, num_subcores=_NS)
    f = pl.kernel(
        _hist_body,
        out_type=[jax.ShapeDtypeStruct((_NC, _CP), jnp.float32),
                  jax.ShapeDtypeStruct((_NC, _CP), jnp.int32)],
        mesh=mesh,
        scratch_types=[
            pltpu.VMEM((_CHUNK,), jnp.int32),
            pltpu.VMEM((_CHUNK,), jnp.int32),
            pltpu.VMEM((_CHUNK // 128, 128), jnp.int32),
            pltpu.VMEM((_CHUNK // 128, 128), jnp.float32),
            pltpu.VMEM((_ZB,), jnp.float32),
            pltpu.VMEM((_TSB,), jnp.float32),
            pltpu.VMEM((_CP,), jnp.float32),
            pltpu.VMEM((_CP,), jnp.int32),
            pltpu.VMEM((_NS * _CP,), jnp.float32),
            pltpu.VMEM((_NS * _CP,), jnp.int32),
            pltpu.VMEM((_CC,), jnp.float32),
            pltpu.VMEM((_CC,), jnp.int32),
            pltpu.VMEM_SHARED((_TW,), jnp.float32),
            pltpu.VMEM_SHARED((_NS * _CP,), jnp.float32),
            pltpu.VMEM_SHARED((_NS * _CP,), jnp.int32),
        ],
    )
    return f(y, preds)


def _post_body(e_ref, a_ref, et_ref, at_ref, pairs_ref):
    e = e_ref[...]
    a = a_ref[...]
    e0, e1 = e[0:1, :], e[1:2, :]
    a0, a1 = a[0:1, :], a[1:2, :]
    take1 = e1 > e0
    entry = jnp.where(take1, e1, e0)
    idx = jnp.where(take1, a1, a0)
    et = et_ref[...]
    at = at_ref[...]
    e0c, e1c = et[:, 0:1], et[:, 1:2]
    a0c, a1c = at[:, 0:1], at[:, 1:2]
    take1c = e1c > e0c
    entry_c = jnp.where(take1c, e1c, e0c)
    idx_c = jnp.where(take1c, a1c, a0c)

    cio = lax.broadcasted_iota(jnp.int32, (_C, _CP), 0)
    pio = lax.broadcasted_iota(jnp.int32, (_C, _CP), 1)
    m = ((idx == cio) & (pio < _C)).astype(jnp.float32)
    counts = jnp.sum(m, axis=1, keepdims=True)
    totals = jnp.sum(m * entry, axis=1, keepdims=True)
    cioP = lax.broadcasted_iota(jnp.int32, (_CP, _C), 1)
    pioP = lax.broadcasted_iota(jnp.int32, (_CP, _C), 0)
    mP = ((idx_c == cioP) & (pioP < _C)).astype(jnp.float32)
    counts_r = jnp.sum(mP, axis=0, keepdims=True)
    totals_r = jnp.sum(mP * entry_c, axis=0, keepdims=True)

    cidx_c = lax.broadcasted_iota(jnp.int32, (_C, 1), 0)
    t_c = jnp.where(counts > 0.0, totals, -1.0)
    k2_c = (jnp.where(counts > 0.0, counts, -1.0) * 1024.0
            + (1023 - cidx_c).astype(jnp.float32))
    cidx_r = lax.broadcasted_iota(jnp.int32, (1, _C), 1)
    t_r = jnp.where(counts_r > 0.0, totals_r, -1.0)
    k2_r = (jnp.where(counts_r > 0.0, counts_r, -1.0) * 1024.0
            + (1023 - cidx_r).astype(jnp.float32))

    dom = (t_c > t_r) | ((t_c == t_r) & (k2_c > k2_r))
    rank = jnp.sum(dom.astype(jnp.float32), axis=0, keepdims=True)

    kio2 = lax.broadcasted_iota(jnp.int32, (_K, _C), 0)
    cio2 = lax.broadcasted_iota(jnp.int32, (_K, _C), 1)
    r = (kio2.astype(jnp.float32) == rank).astype(jnp.float32)

    ranked = jnp.sum(r * cio2.astype(jnp.float32), axis=1, keepdims=True)

    hit = r[:, :_W]
    tril = (lax.broadcasted_iota(jnp.int32, (_K, _K), 1)
            <= lax.broadcasted_iota(jnp.int32, (_K, _K), 0)).astype(jnp.float32)
    prefix = jnp.dot(tril, hit, preferred_element_type=jnp.float32)
    alive = (prefix == 0.0).astype(jnp.float32)
    incl = (lax.broadcasted_iota(jnp.int32, (_W, _W), 0)
            <= lax.broadcasted_iota(jnp.int32, (_W, _W), 1)).astype(jnp.float32)
    rank = jnp.dot(alive, incl, preferred_element_type=jnp.float32)

    kio = lax.broadcasted_iota(jnp.int32, (_NP, _K), 0)
    iio = lax.broadcasted_iota(jnp.int32, (_NP, _K), 1)
    start = (_K - 1) * iio - (iio * (iio - 1)) // 2
    g1 = ((kio >= start) & (kio < start + (_K - 1) - iio)).astype(jnp.float32)
    j1 = jnp.sum(g1 * (kio - start).astype(jnp.float32), axis=1,
                 keepdims=True) + 1.0

    first = jnp.dot(g1, ranked, preferred_element_type=jnp.float32)
    ai = jnp.dot(g1, alive, preferred_element_type=jnp.float32)
    ri = jnp.dot(g1, rank, preferred_element_type=jnp.float32)
    vio = lax.broadcasted_iota(jnp.int32, (_NP, _W), 1).astype(jnp.float32)
    second = jnp.sum(vio * ai * (ri == j1).astype(jnp.float32), axis=1,
                     keepdims=True)
    pairs_ref[...] = jnp.concatenate([first, second], axis=1).astype(jnp.int32)


def _post(entry2, argr2):
    return pl.pallas_call(
        _post_body,
        in_specs=[pl.BlockSpec((_NC, _CP), lambda: (0, 0)),
                  pl.BlockSpec((_NC, _CP), lambda: (0, 0)),
                  pl.BlockSpec((_CP, _NC), lambda: (0, 0)),
                  pl.BlockSpec((_CP, _NC), lambda: (0, 0))],
        out_specs=pl.BlockSpec((_NP, 2), lambda: (0, 0)),
        out_shape=jax.ShapeDtypeStruct((_NP, 2), jnp.int32),
    )(entry2, argr2, entry2.T, argr2.T)


def kernel(y, scores):
    preds = _row_argmax(scores)
    entry2, argr2 = _histogram(y, preds)
    return _post(entry2, argr2)

# --- scband reference (transcript-rebuilt; emitter-appended) ---
"""Pipeline reference for scband-hcc-71880572666195 (READ-ONLY COPY).

The authoritative reference and input builder live on the scoring server;
editing this copy changes nothing except your own understanding.
"""

import jax, jax.numpy as jnp
import numpy as np

NUM_CLASS = 1000
K_CORR = 20
BATCH = 16384


def setup_inputs(seed: int = 0) -> dict:
    key = jax.random.key(seed)
    k1, k2 = jax.random.split(key)
    y = jax.random.randint(k1, (BATCH,), 0, NUM_CLASS, dtype=jnp.int32)
    scores = jax.random.normal(k2, (BATCH, NUM_CLASS), dtype=jnp.float32)
    return {"y": y, "scores": scores}


def reference(y, scores):
    # confusion_matrix: conf[target, pred] += 1  (vectorized scatter-add)
    preds = jnp.argmax(scores, axis=1)
    conf = jnp.zeros((NUM_CLASS, NUM_CLASS), dtype=jnp.float32).at[y, preds].add(1.0)
    # mask out diagonal
    out = conf * (1.0 - jnp.eye(NUM_CLASS, dtype=jnp.float32))
    # rearrange_max_to_last: max over dim 0 (per column)
    entry = jnp.max(out, axis=0)
    idx = jnp.argmax(out, axis=0)
    counts = jnp.zeros(NUM_CLASS, dtype=jnp.float32).at[idx].add(1.0)
    totals = jnp.zeros(NUM_CLASS, dtype=jnp.float32).at[idx].add(entry)
    present = counts > 0
    ckey = jnp.where(present, counts, -jnp.inf)
    tkey = jnp.where(present, totals, -jnp.inf)
    # sort unique indices by count, descending (torch.sort descending)
    perm1 = jnp.argsort(-ckey, stable=True)
    # re-sort by number of highly-confused samples, descending
    perm2 = jnp.argsort(-tkey[perm1], stable=True)
    ranked = perm1[perm2][:K_CORR]
    # get_pairs_for_MMD
    aridx = jnp.arange(NUM_CLASS)

    def step(alive, e):
        alive = alive.at[e].set(False)
        firsts = jnp.sort(jnp.where(alive, aridx, NUM_CLASS))[:K_CORR - 1]
        return alive, firsts

    _, rows = jax.lax.scan(step, jnp.ones(NUM_CLASS, dtype=bool), ranked)
    i_idx = np.concatenate([np.full(K_CORR - 1 - i, i) for i in range(K_CORR)]).astype(np.int32)
    j_idx = np.concatenate([np.arange(K_CORR - 1 - i) for i in range(K_CORR)]).astype(np.int32)
    pairs = jnp.stack([ranked[i_idx], rows[i_idx, j_idx]], axis=1)
    return pairs.astype(jnp.int32)

if __name__ == "__main__":
    import jax
    _d = setup_inputs()
    print(jax.jit(kernel)(*tuple(_d.values())))

</pallas_src>

<mosaic_0001>
#map = affine_map<(d0, d1) -> (0)>
#map1 = affine_map<(d0, d1) -> (0, 0)>
module attributes {stable_mosaic.version = 14 : i64} {
  func.func @_hist_body(%arg0: i32, %arg1: i32, %arg2: memref<16384xi32, #tpu.memory_space<hbm>>, %arg3: memref<16384xi32, #tpu.memory_space<hbm>>, %arg4: memref<2x1024xf32, #tpu.memory_space<hbm>>, %arg5: memref<2x1024xi32, #tpu.memory_space<hbm>>, %arg6: memref<1024xi32, #tpu.memory_space<vmem>>, %arg7: memref<1024xi32, #tpu.memory_space<vmem>>, %arg8: memref<8x128xi32, #tpu.memory_space<vmem>>, %arg9: memref<8x128xf32, #tpu.memory_space<vmem>>, %arg10: memref<8192xf32, #tpu.memory_space<vmem>>, %arg11: memref<32768xf32, #tpu.memory_space<vmem>>, %arg12: memref<1024xf32, #tpu.memory_space<vmem>>, %arg13: memref<1024xi32, #tpu.memory_space<vmem>>, %arg14: memref<16384xf32, #tpu.memory_space<vmem>>, %arg15: memref<16384xi32, #tpu.memory_space<vmem>>, %arg16: memref<64xf32, #tpu.memory_space<vmem>>, %arg17: memref<64xi32, #tpu.memory_space<vmem>>, %arg18: memref<524288xf32, #tpu.memory_space<vmem_shared>>, %arg19: memref<16384xf32, #tpu.memory_space<vmem_shared>>, %arg20: memref<16384xi32, #tpu.memory_space<vmem_shared>>) attributes {dimension_semantics = [#tpu.dimension_semantics<core_parallel>, #tpu.dimension_semantics<subcore_parallel>], iteration_bounds = array<i64: 2, 16>, scalar_prefetch = 0 : i64, scratch_operands = 15 : i64, tpu.core_type = #tpu.core_type<sc_vector_subcore>, window_params = [{transform_indices = #map}, {transform_indices = #map}, {transform_indices = #map1}, {transform_indices = #map1}]} {
    %mul3A = arith.constant 1024 : i32
    %mul3A_0 = arith.muli %arg1, %mul3A : i32
    %mul3A_1 = arith.constant 512 : i32
    %mul3A_2 = arith.muli %mul3A_1, %arg0 : i32
    %mul3A_3 = arith.constant 32 : i32
    %mul3A_4 = arith.muli %mul3A_3, %arg1 : i32
    %add3A = arith.addi %mul3A_2, %mul3A_4 : i32
    %scan3A = arith.constant 0 : i32
    %scan3A_5 = arith.constant 0 : i32
    %scan3A_6 = arith.constant 512 : i32
    %scan3A_7 = arith.addi %scan3A_5, %scan3A_6 : i32
    %scan3A_8 = arith.constant 1 : i32
    %scan3A_9 = scf.for %scan3A_3239 = %scan3A_5 to %scan3A_7 step %scan3A_8 iter_args(%scan3A_3240 = %scan3A) -> (i32)  : i32 {
      %broadcast_in_dim3A_3241 = arith.constant 0.000000e+00 : f32
      %broadcast_in_dim3A_3242 = vector.broadcast %broadcast_in_dim3A_3241 : f32 to vector<16xf32>
      %mul3A_3243 = arith.constant 16 : i32
      %mul3A_3244 = arith.muli %scan3A_3239, %mul3A_3243 : i32
      %swap3A_3245 = arith.index_cast %mul3A_3244 : i32 to index
      %swap3A_3246 = tpu.vector_load %arg10[%swap3A_3245] {strides = array<i32>} : memref<8192xf32, #tpu.memory_space<vmem>>, vector<16xf32>,
      %swap3A_3247 = vector.shape_cast %swap3A_3246 : vector<16xf32> to vector<16xf32>
      %swap3A_3248 = vector.shape_cast %broadcast_in_dim3A_3242 : vector<16xf32> to vector<16xf32>
      tpu.vector_store %arg10[%swap3A_3245], %swap3A_3248 {strides = array<i32>} : memref<8192xf32, #tpu.memory_space<vmem>>, vector<16xf32>,
      %scan3A_3249 = arith.constant 0 : i32
      scf.yield %scan3A_3249 : i32
    }
    %scan3A_10 = arith.constant 512 : i32
    %mul3A_11 = arith.constant 32768 : i32
    %mul3A_12 = arith.muli %arg1, %mul3A_11 : i32
    %add3A_13 = arith.constant 0 : i32
    %add3A_14 = arith.addi %mul3A_12, %add3A_13 : i32
    "tpu.region"() ({
      %run_scoped3A_3239 = tpu.sem_alloc : memref<!tpu.dma_semaphore, #tpu.memory_space<semaphore_mem>>
      %dma_start3A = tpu.memref_slice %arg18[%add3A_14] : memref<524288xf32, #tpu.memory_space<vmem_shared>> -> memref<8192xf32, #tpu.memory_space<vmem_shared>>
      %dma_start3A_3240 = tpu.memref_slice %arg18[%add3A_14] : memref<524288xf32, #tpu.memory_space<vmem_shared>> -> memref<8192xf32, #tpu.memory_space<vmem_shared>>
      tpu.enqueue_dma source(%arg10 : memref<8192xf32, #tpu.memory_space<vmem>>) target(%dma_start3A_3240 : memref<8192xf32, #tpu.memory_space<vmem_shared>>) target_semaphore(%run_scoped3A_3239 : memref<!tpu.dma_semaphore, #tpu.memory_space<semaphore_mem>>)
      %dma_wait3A = tpu.memref_slice %arg18[%add3A_14] : memref<524288xf32, #tpu.memory_space<vmem_shared>> -> memref<8192xf32, #tpu.memory_space<vmem_shared>>
      %dma_wait3A_3241 = tpu.memref_slice %arg18[%add3A_14] : memref<524288xf32, #tpu.memory_space<vmem_shared>> -> memref<8192xf32, #tpu.memory_space<vmem_shared>>
      tpu.wait_dma2 semaphore(%run_scoped3A_3239 : memref<!tpu.dma_semaphore, #tpu.memory_space<semaphore_mem>>) src(%arg10 : memref<8192xf32, #tpu.memory_space<vmem>>) dst(%dma_wait3A_3241 : memref<8192xf32, #tpu.memory_space<vmem_shared>>)
      tpu.yield
    }) : () -> ()
    %mul3A_15 = arith.constant 32768 : i32
    %mul3A_16 = arith.muli %arg1, %mul3A_15 : i32
    %add3A_17 = arith.constant 8192 : i32
    %add3A_18 = arith.addi %mul3A_16, %add3A_17 : i32
    "tpu.region"() ({
      %run_scoped3A_3239 = tpu.sem_alloc : memref<!tpu.dma_semaphore, #tpu.memory_space<semaphore_mem>>
      %dma_start3A = tpu.memref_slice %arg18[%add3A_18] : memref<524288xf32, #tpu.memory_space<vmem_shared>> -> memref<8192xf32, #tpu.memory_space<vmem_shared>>
      %dma_start3A_3240 = tpu.memref_slice %arg18[%add3A_18] : memref<524288xf32, #tpu.memory_space<vmem_shared>> -> memref<8192xf32, #tpu.memory_space<vmem_shared>>
      tpu.enqueue_dma source(%arg10 : memref<8192xf32, #tpu.memory_space<vmem>>) target(%dma_start3A_3240 : memref<8192xf32, #tpu.memory_space<vmem_shared>>) target_semaphore(%run_scoped3A_3239 : memref<!tpu.dma_semaphore, #tpu.memory_space<semaphore_mem>>)
      %dma_wait3A = tpu.memref_slice %arg18[%add3A_18] : memref<524288xf32, #tpu.memory_space<vmem_shared>> -> memref<8192xf32, #tpu.memory_space<vmem_shared>>
      %dma_wait3A_3241 = tpu.memref_slice %arg18[%add3A_18] : memref<524288xf32, #tpu.memory_space<vmem_shared>> -> memref<8192xf32, #tpu.memory_space<vmem_shared>>
      tpu.wait_dma2 semaphore(%run_scoped3A_3239 : memref<!tpu.dma_semaphore, #tpu.memory_space<semaphore_mem>>) src(%arg10 : memref<8192xf32, #tpu.memory_space<vmem>>) dst(%dma_wait3A_3241 : memref<8192xf32, #tpu.memory_space<vmem_shared>>)
      tpu.yield
    }) : () -> ()
    %mul3A_19 = arith.constant 32768 : i32
    %mul3A_20 = arith.muli %arg1, %mul3A_19 : i32
    %add3A_21 = arith.constant 16384 : i32
    %add3A_22 = arith.addi %mul3A_20, %add3A_21 : i32
    "tpu.region"() ({
      %run_scoped3A_3239 = tpu.sem_alloc : memref<!tpu.dma_semaphore, #tpu.memory_space<semaphore_mem>>
      %dma_start3A = tpu.memref_slice %arg18[%add3A_22] : memref<524288xf32, #tpu.memory_space<vmem_shared>> -> memref<8192xf32, #tpu.memory_space<vmem_shared>>
      %dma_start3A_3240 = tpu.memref_slice %arg18[%add3A_22] : memref<524288xf32, #tpu.memory_space<vmem_shared>> -> memref<8192xf32, #tpu.memory_space<vmem_shared>>
      tpu.enqueue_dma source(%arg10 : memref<8192xf32, #tpu.memory_space<vmem>>) target(%dma_start3A_3240 : memref<8192xf32, #tpu.memory_space<vmem_shared>>) target_semaphore(%run_scoped3A_3239 : memref<!tpu.dma_semaphore, #tpu.memory_space<semaphore_mem>>)
      %dma_wait3A = tpu.memref_slice %arg18[%add3A_22] : memref<524288xf32, #tpu.memory_space<vmem_shared>> -> memref<8192xf32, #tpu.memory_space<vmem_shared>>
      %dma_wait3A_3241 = tpu.memref_slice %arg18[%add3A_22] : memref<524288xf32, #tpu.memory_space<vmem_shared>> -> memref<8192xf32, #tpu.memory_space<vmem_shared>>
      tpu.wait_dma2 semaphore(%run_scoped3A_3239 : memref<!tpu.dma_semaphore, #tpu.memory_space<semaphore_mem>>) src(%arg10 : memref<8192xf32, #tpu.memory_space<vmem>>) dst(%dma_wait3A_3241 : memref<8192xf32, #tpu.memory_space<vmem_shared>>)
      tpu.yield
    }) : () -> ()
    %mul3A_23 = arith.constant 32768 : i32
    %mul3A_24 = arith.muli %arg1, %mul3A_23 : i32
    %add3A_25 = arith.constant 24576 : i32
    %add3A_26 = arith.addi %mul3A_24, %add3A_25 : i32
    "tpu.region"() ({
      %run_scoped3A_3239 = tpu.sem_alloc : memref<!tpu.dma_semaphore, #tpu.memory_space<semaphore_mem>>
      %dma_start3A = tpu.memref_slice %arg18[%add3A_26] : memref<524288xf32, #tpu.memory_space<vmem_shared>> -> memref<8192xf32, #tpu.memory_space<vmem_shared>>
      %dma_start3A_3240 = tpu.memref_slice %arg18[%add3A_26] : memref<524288xf32, #tpu.memory_space<vmem_shared>> -> memref<8192xf32, #tpu.memory_space<vmem_shared>>
      tpu.enqueue_dma source(%arg10 : memref<8192xf32, #tpu.memory_space<vmem>>) target(%dma_start3A_3240 : memref<8192xf32, #tpu.memory_space<vmem_shared>>) target_semaphore(%run_scoped3A_3239 : memref<!tpu.dma_semaphore, #tpu.memory_space<semaphore_mem>>)
      %dma_wait3A = tpu.memref_slice %arg18[%add3A_26] : memref<524288xf32, #tpu.memory_space<vmem_shared>> -> memref<8192xf32, #tpu.memory_space<vmem_shared>>
      %dma_wait3A_3241 = tpu.memref_slice %arg18[%add3A_26] : memref<524288xf32, #tpu.memory_space<vmem_shared>> -> memref<8192xf32, #tpu.memory_space<vmem_shared>>
      tpu.wait_dma2 semaphore(%run_scoped3A_3239 : memref<!tpu.dma_semaphore, #tpu.memory_space<semaphore_mem>>) src(%arg10 : memref<8192xf32, #tpu.memory_space<vmem>>) dst(%dma_wait3A_3241 : memref<8192xf32, #tpu.memory_space<vmem_shared>>)
      tpu.yield
    }) : () -> ()
    "tpu.region"() ({
      %run_scoped3A_3239 = tpu.sem_alloc : memref<!tpu.dma_semaphore, #tpu.memory_space<semaphore_mem>>
      %dma_start3A = tpu.memref_slice %arg2[%mul3A_0] : memref<16384xi32, #tpu.memory_space<hbm>> -> memref<1024xi32, #tpu.memory_space<hbm>>
      %dma_start3A_3240 = tpu.memref_slice %arg2[%mul3A_0] : memref<16384xi32, #tpu.memory_space<hbm>> -> memref<1024xi32, #tpu.memory_space<hbm>>
      tpu.enqueue_dma source(%dma_start3A_3240 : memref<1024xi32, #tpu.memory_space<hbm>>) target(%arg6 : memref<1024xi32, #tpu.memory_space<vmem>>) target_semaphore(%run_scoped3A_3239 : memref<!tpu.dma_semaphore, #tpu.memory_space<semaphore_mem>>)
      %dma_wait3A = tpu.memref_slice %arg2[%mul3A_0] : memref<16384xi32, #tpu.memory_space<hbm>> -> memref<1024xi32, #tpu.memory_space<hbm>>
      %dma_wait3A_3241 = tpu.memref_slice %arg2[%mul3A_0] : memref<16384xi32, #tpu.memory_space<hbm>> -> memref<1024xi32, #tpu.memory_space<hbm>>
      tpu.wait_dma2 semaphore(%run_scoped3A_3239 : memref<!tpu.dma_semaphore, #tpu.memory_space<semaphore_mem>>) src(%dma_wait3A_3241 : memref<1024xi32, #tpu.memory_space<hbm>>) dst(%arg6 : memref<1024xi32, #tpu.memory_space<vmem>>)
      tpu.yield
    }) : () -> ()
    "tpu.region"() ({
      %run_scoped3A_3239 = tpu.sem_alloc : memref<!tpu.dma_semaphore, #tpu.memory_space<semaphore_mem>>
      %dma_start3A = tpu.memref_slice %arg3[%mul3A_0] : memref<16384xi32, #tpu.memory_space<hbm>> -> memref<1024xi32, #tpu.memory_space<hbm>>
      %dma_start3A_3240 = tpu.memref_slice %arg3[%mul3A_0] : memref<16384xi32, #tpu.memory_space<hbm>> -> memref<1024xi32, #tpu.memory_space<hbm>>
      tpu.enqueue_dma source(%dma_start3A_3240 : memref<1024xi32, #tpu.memory_space<hbm>>) target(%arg7 : memref<1024xi32, #tpu.memory_space<vmem>>) target_semaphore(%run_scoped3A_3239 : memref<!tpu.dma_semaphore, #tpu.memory_space<semaphore_mem>>)
      %dma_wait3A = tpu.memref_slice %arg3[%mul3A_0] : memref<16384xi32, #tpu.memory_space<hbm>> -> memref<1024xi32, #tpu.memory_space<hbm>>
      %dma_wait3A_3241 = tpu.memref_slice %arg3[%mul3A_0] : memref<16384xi32, #tpu.memory_space<hbm>> -> memref<1024xi32, #tpu.memory_space<hbm>>
      tpu.wait_dma2 semaphore(%run_scoped3A_3239 : memref<!tpu.dma_semaphore, #tpu.memory_space<semaphore_mem>>) src(%dma_wait3A_3241 : memref<1024xi32, #tpu.memory_space<hbm>>) dst(%arg7 : memref<1024xi32, #tpu.memory_space<vmem>>)
      tpu.yield
    }) : () -> ()
    %mul3A_27 = arith.constant 512 : i32
    %mul3A_28 = arith.muli %arg0, %mul3A_27 : i32
    %mul3A_29 = arith.constant 1024 : i32
    %mul3A_30 = arith.muli %mul3A_28, %mul3A_29 : i32
    %get3A = arith.constant 0 : index
    %get3A_31 = tpu.vector_load %arg6[%get3A] {strides = array<i32>} : memref<1024xi32, #tpu.memory_space<vmem>>, vector<16xi32>,
    %get3A_32 = vector.shape_cast %get3A_31 : vector<16xi32> to vector<16xi32>
    %get3A_33 = arith.constant 0 : index
    %get3A_34 = tpu.vector_load %arg7[%get3A_33] {strides = array<i32>} : memref<1024xi32, #tpu.memory_space<vmem>>, vector<16xi32>,
    %get3A_35 = vector.shape_cast %get3A_34 : vector<16xi32> to vector<16xi32>
    %mul3A_36 = arith.constant 1024 : i32
    %mul3A_37 = vector.broadcast %mul3A_36 : i32 to vector<16xi32>
    %mul3A_38 = arith.muli %get3A_32, %mul3A_37 : vector<16xi32>
    %add3A_39 = arith.addi %mul3A_38, %get3A_35 : vector<16xi32>
    %sub3A = vector.broadcast %mul3A_30 : i32 to vector<16xi32>
    %sub3A_40 = arith.subi %add3A_39, %sub3A : vector<16xi32>
    %ge3A = arith.constant 0 : i32
    %ge3A_41 = vector.broadcast %ge3A : i32 to vector<16xi32>
    %ge3A_42 = arith.cmpi sge, %sub3A_40, %ge3A_41 : vector<16xi32>
    %lt3A = arith.constant 524288 : i32
    %lt3A_43 = vector.broadcast %lt3A : i32 to vector<16xi32>
    %lt3A_44 = arith.cmpi slt, %sub3A_40, %lt3A_43 : vector<16xi32>
    %and3A = arith.andi %ge3A_42, %lt3A_44 : vector<16xi1>
    %ne3A = arith.cmpi ne, %get3A_32, %get3A_35 : vector<16xi32>
    %and3A_45 = arith.andi %and3A, %ne3A : vector<16xi1>
    %iota3A = tpu.iota {dimensions = array<i32: 0>} : vector<16xi32>
    %add3A_46 = vector.broadcast %mul3A_0 : i32 to vector<16xi32>
    %add3A_47 = arith.addi %iota3A, %add3A_46 : vector<16xi32>
    %add3A_48 = arith.constant 0 : i32
    %add3A_49 = vector.broadcast %add3A_48 : i32 to vector<16xi32>
    %add3A_50 = arith.addi %add3A_47, %add3A_49 : vector<16xi32>
    %add3A_51 = arith.constant 0 : i32
    %add3A_52 = vector.broadcast %add3A_51 : i32 to vector<16xi32>
    %add3A_53 = arith.addi %add3A_50, %add3A_52 : vector<16xi32>
    %select_n3A = arith.select %and3A_45, %sub3A_40, %add3A_53 : vector<16xi1>, vector<16xi32>
    %swap3A = arith.constant 0 : i32
    %swap3A_54 = arith.index_cast %swap3A : i32 to index
    %swap3A_55 = arith.constant 0 : index
    %swap3A_56 = tpu.vector_load %arg8[%swap3A_54, %swap3A_55] {strides = array<i32>} : memref<8x128xi32, #tpu.memory_space<vmem>>, vector<1x16xi32>,
    %swap3A_57 = vector.shape_cast %swap3A_56 : vector<1x16xi32> to vector<16xi32>
    %swap3A_58 = vector.shape_cast %select_n3A : vector<16xi32> to vector<1x16xi32>
    tpu.vector_store %arg8[%swap3A_54, %swap3A_55], %swap3A_58 {strides = array<i32>} : memref<8x128xi32, #tpu.memory_space<vmem>>, vector<1x16xi32>,
    %broadcast_in_dim3A = arith.constant 1.000000e+00 : f32
    %broadcast_in_dim3A_59 = vector.broadcast %broadcast_in_dim3A : f32 to vector<16xf32>
    %broadcast_in_dim3A_60 = arith.constant 0.000000e+00 : f32
    %broadcast_in_dim3A_61 = vector.broadcast %broadcast_in_dim3A_60 : f32 to vector<16xf32>
    %select_n3A_62 = arith.select %and3A_45, %broadcast_in_dim3A_59, %broadcast_in_dim3A_61 : vector<16xi1>, vector<16xf32>
    %swap3A_63 = arith.constant 0 : i32
    %swap3A_64 = arith.index_cast %swap3A_63 : i32 to index
    %swap3A_65 = arith.constant 0 : index
    %swap3A_66 = tpu.vector_load %arg9[%swap3A_64, %swap3A_65] {strides = array<i32>} : memref<8x128xf32, #tpu.memory_space<vmem>>, vector<1x16xf32>,
    %swap3A_67 = vector.shape_cast %swap3A_66 : vector<1x16xf32> to vector<16xf32>
    %swap3A_68 = vector.shape_cast %select_n3A_62 : vector<16xf32> to vector<1x16xf32>
    tpu.vector_store %arg9[%swap3A_64, %swap3A_65], %swap3A_68 {strides = array<i32>} : memref<8x128xf32, #tpu.memory_space<vmem>>, vector<1x16xf32>,
    %get3A_69 = arith.constant 16 : index
    %get3A_70 = tpu.vector_load %arg6[%get3A_69] {strides = array<i32>} : memref<1024xi32, #tpu.memory_space<vmem>>, vector<16xi32>,
    %get3A_71 = vector.shape_cast %get3A_70 : vector<16xi32> to vector<16xi32>
    %get3A_72 = arith.constant 16 : index
    %get3A_73 = tpu.vector_load %arg7[%get3A_72] {strides = array<i32>} : memref<1024xi32, #tpu.memory_space<vmem>>, vector<16xi32>,
    %get3A_74 = vector.shape_cast %get3A_73 : vector<16xi32> to vector<16xi32>
    %mul3A_75 = arith.constant 1024 : i32
    %mul3A_76 = vector.broadcast %mul3A_75 : i32 to vector<16xi32>
    %mul3A_77 = arith.muli %get3A_71, %mul3A_76 : vector<16xi32>
    %add3A_78 = arith.addi %mul3A_77, %get3A_74 : vector<16xi32>
    %sub3A_79 = vector.broadcast %mul3A_30 : i32 to vector<16xi32>
    %sub3A_80 = arith.subi %add3A_78, %sub3A_79 : vector<16xi32>
    %ge3A_81 = arith.constant 0 : i32
    %ge3A_82 = vector.broadcast %ge3A_81 : i32 to vector<16xi32>
    %ge3A_83 = arith.cmpi sge, %sub3A_80, %ge3A_82 : vector<16xi32>
    %lt3A_84 = arith.constant 524288 : i32
    %lt3A_85 = vector.broadcast %lt3A_84 : i32 to vector<16xi32>
    %lt3A_86 = arith.cmpi slt, %sub3A_80, %lt3A_85 : vector<16xi32>
    %and3A_87 = arith.andi %ge3A_83, %lt3A_86 : vector<16xi1>
    %ne3A_88 = arith.cmpi ne, %get3A_71, %get3A_74 : vector<16xi32>
    %and3A_89 = arith.andi %and3A_87, %ne3A_88 : vector<16xi1>
    %iota3A_90 = tpu.iota {dimensions = array<i32: 0>} : vector<16xi32>
    %add3A_91 = vector.broadcast %mul3A_0 : i32 to vector<16xi32>
    %add3A_92 = arith.addi %iota3A_90, %add3A_91 : vector<16xi32>
    %add3A_93 = arith.constant 0 : i32
    %add3A_94 = vector.broadcast %add3A_93 : i32 to vector<16xi32>
    %add3A_95 = arith.addi %add3A_92, %add3A_94 : vector<16xi32>
    %add3A_96 = arith.constant 16 : i32
    %add3A_97 = vector.broadcast %add3A_96 : i32 to vector<16xi32>
    %add3A_98 = arith.addi %add3A_95, %add3A_97 : vector<16xi32>
    %select_n3A_99 = arith.select %and3A_89, %sub3A_80, %add3A_98 : vector<16xi1>, vector<16xi32>
    %swap3A_100 = arith.constant 0 : i32
    %swap3A_101 = arith.index_cast %swap3A_100 : i32 to index
    %swap3A_102 = arith.constant 16 : index
    %swap3A_103 = tpu.vector_load %arg8[%swap3A_101, %swap3A_102] {strides = array<i32>} : memref<8x128xi32, #tpu.memory_space<vmem>>, vector<1x16xi32>,
    %swap3A_104 = vector.shape_cast %swap3A_103 : vector<1x16xi32> to vector<16xi32>
    %swap3A_105 = vector.shape_cast %select_n3A_99 : vector<16xi32> to vector<1x16xi32>
    tpu.vector_store %arg8[%swap3A_101, %swap3A_102], %swap3A_105 {strides = array<i32>} : memref<8x128xi32, #tpu.memory_space<vmem>>, vector<1x16xi32>,
    %broadcast_in_dim3A_106 = arith.constant 1.000000e+00 : f32
    %broadcast_in_dim3A_107 = vector.broadcast %broadcast_in_dim3A_106 : f32 to vector<16xf32>
    %broadcast_in_dim3A_108 = arith.constant 0.000000e+00 : f32
    %broadcast_in_dim3A_109 = vector.broadcast %broadcast_in_dim3A_108 : f32 to vector<16xf32>
    %select_n3A_110 = arith.select %and3A_89, %broadcast_in_dim3A_107, %broadcast_in_dim3A_109 : vector<16xi1>, vector<16xf32>
    %swap3A_111 = arith.constant 0 : i32
    %swap3A_112 = arith.index_cast %swap3A_111 : i32 to index
    %swap3A_113 = arith.constant 16 : index
    %swap3A_114 = tpu.vector_load %arg9[%swap3A_112, %swap3A_113] {strides = array<i32>} : memref<8x128xf32, #tpu.memory_space<vmem>>, vector<1x16xf32>,
    %swap3A_115 = vector.shape_cast %swap3A_114 : vector<1x16xf32> to vector<16xf32>
    %swap3A_116 = vector.shape_cast %select_n3A_110 : vector<16xf32> to vector<1x16xf32>
    tpu.vector_store %arg9[%swap3A_112, %swap3A_113], %swap3A_116 {strides = array<i32>} : memref<8x128xf32, #tpu.memory_space<vmem>>, vector<1x16xf32>,
    %get3A_117 = arith.constant 32 : index
    %get3A_118 = tpu.vector_load %arg6[%get3A_117] {strides = array<i32>} : memref<1024xi32, #tpu.memory_space<vmem>>, vector<16xi32>,
    %get3A_119 = vector.shape_cast %get3A_118 : vector<16xi32> to vector<16xi32>
    %get3A_120 = arith.constant 32 : index
    %get3A_121 = tpu.vector_load %arg7[%get3A_120] {strides = array<i32>} : memref<1024xi32, #tpu.memory_space<vmem>>, vector<16xi32>,
    %get3A_122 = vector.shape_cast %get3A_121 : vector<16xi32> to vector<16xi32>
    %mul3A_123 = arith.constant 1024 : i32
    %mul3A_124 = vector.broadcast %mul3A_123 : i32 to vector<16xi32>
    %mul3A_125 = arith.muli %get3A_119, %mul3A_124 : vector<16xi32>
    %add3A_126 = arith.addi %mul3A_125, %get3A_122 : vector<16xi32>
    %sub3A_127 = vector.broadcast %mul3A_30 : i32 to vector<16xi32>
    %sub3A_128 = arith.subi %add3A_126, %sub3A_127 : vector<16xi32>
    %ge3A_129 = arith.constant 0 : i32
    %ge3A_130 = vector.broadcast %ge3A_129 : i32 to vector<16xi32>
    %ge3A_131 = arith.cmpi sge, %sub3A_128, %ge3A_130 : vector<16xi32>
    %lt3A_132 = arith.constant 524288 : i32
    %lt3A_133 = vector.broadcast %lt3A_132 : i32 to vector<16xi32>
    %lt3A_134 = arith.cmpi slt, %sub3A_128, %lt3A_133 : vector<16xi32>
    %and3A_135 = arith.andi %ge3A_131, %lt3A_134 : vector<16xi1>
    %ne3A_136 = arith.cmpi ne, %get3A_119, %get3A_122 : vector<16xi32>
    %and3A_137 = arith.andi %and3A_135, %ne3A_136 : vector<16xi1>
    %iota3A_138 = tpu.iota {dimensions = array<i32: 0>} : vector<16xi32>
    %add3A_139 = vector.broadcast %mul3A_0 : i32 to vector<16xi32>
    %add3A_140 = arith.addi %iota3A_138, %add3A_139 : vector<16xi32>
    %add3A_141 = arith.constant 0 : i32
    %add3A_142 = vector.broadcast %add3A_141 : i32 to vector<16xi32>
    %add3A_143 = arith.addi %add3A_140, %add3A_142 : vector<16xi32>
    %add3A_144 = arith.constant 32 : i32
    %add3A_145 = vector.broadcast %add3A_144 : i32 to vector<16xi32>
    %add3A_146 = arith.addi %add3A_143, %add3A_145 : vector<16xi32>
    %select_n3A_147 = arith.select %and3A_137, %sub3A_128, %add3A_146 : vector<16xi1>, vector<16xi32>
    %swap3A_148 = arith.constant 0 : i32
    %swap3A_149 = arith.index_cast %swap3A_148 : i32 to index
    %swap3A_150 = arith.constant 32 : index
    %swap3A_151 = tpu.vector_load %arg8[%swap3A_149, %swap3A_150] {strides = array<i32>} : memref<8x128xi32, #tpu.memory_space<vmem>>, vector<1x16xi32>,
    %swap3A_152 = vector.shape_cast %swap3A_151 : vector<1x16xi32> to vector<16xi32>
    %swap3A_153 = vector.shape_cast %select_n3A_147 : vector<16xi32> to vector<1x16xi32>
    tpu.vector_store %arg8[%swap3A_149, %swap3A_150], %swap3A_153 {strides = array<i32>} : memref<8x128xi32, #tpu.memory_space<vmem>>, vector<1x16xi32>,
    %broadcast_in_dim3A_154 = arith.constant 1.000000e+00 : f32
    %broadcast_in_dim3A_155 = vector.broadcast %broadcast_in_dim3A_154 : f32 to vector<16xf32>
    %broadcast_in_dim3A_156 = arith.constant 0.000000e+00 : f32
    %broadcast_in_dim3A_157 = vector.broadcast %broadcast_in_dim3A_156 : f32 to vector<16xf32>
    %select_n3A_158 = arith.select %and3A_137, %broadcast_in_dim3A_155, %broadcast_in_dim3A_157 : vector<16xi1>, vector<16xf32>
    %swap3A_159 = arith.constant 0 : i32
    %swap3A_160 = arith.index_cast %swap3A_159 : i32 to index
    %swap3A_161 = arith.constant 32 : index
    %swap3A_162 = tpu.vector_load %arg9[%swap3A_160, %swap3A_161] {strides = array<i32>} : memref<8x128xf32, #tpu.memory_space<vmem>>, vector<1x16xf32>,
    %swap3A_163 = vector.shape_cast %swap3A_162 : vector<1x16xf32> to vector<16xf32>
    %swap3A_164 = vector.shape_cast %select_n3A_158 : vector<16xf32> to vector<1x16xf32>
    tpu.vector_store %arg9[%swap3A_160, %swap3A_161], %swap3A_164 {strides = array<i32>} : memref<8x128xf32, #tpu.memory_space<vmem>>, vector<1x16xf32>,
    %get3A_165 = arith.constant 48 : index
    %get3A_166 = tpu.vector_load %arg6[%get3A_165] {strides = array<i32>} : memref<1024xi32, #tpu.memory_space<vmem>>, vector<16xi32>,
    %get3A_167 = vector.shape_cast %get3A_166 : vector<16xi32> to vector<16xi32>
    %get3A_168 = arith.constant 48 : index
    %get3A_169 = tpu.vector_load %arg7[%get3A_168] {strides = array<i32>} : memref<1024xi32, #tpu.memory_space<vmem>>, vector<16xi32>,
    %get3A_170 = vector.shape_cast %get3A_169 : vector<16xi32> to vector<16xi32>
    %mul3A_171 = arith.constant 1024 : i32
    %mul3A_172 = vector.broadcast %mul3A_171 : i32 to vector<16xi32>
    %mul3A_173 = arith.muli %get3A_167, %mul3A_172 : vector<16xi32>
    %add3A_174 = arith.addi %mul3A_173, %get3A_170 : vector<16xi32>
    %sub3A_175 = vector.broadcast %mul3A_30 : i32 to vector<16xi32>
    %sub3A_176 = arith.subi %add3A_174, %sub3A_175 : vector<16xi32>
    %ge3A_177 = arith.constant 0 : i32
    %ge3A_178 = vector.broadcast %ge3A_177 : i32 to vector<16xi32>
    %ge3A_179 = arith.cmpi sge, %sub3A_176, %ge3A_178 : vector<16xi32>
    %lt3A_180 = arith.constant 524288 : i32
    %lt3A_181 = vector.broadcast %lt3A_180 : i32 to vector<16xi32>
    %lt3A_182 = arith.cmpi slt, %sub3A_176, %lt3A_181 : vector<16xi32>
    %and3A_183 = arith.andi %ge3A_179, %lt3A_182 : vector<16xi1>
    %ne3A_184 = arith.cmpi ne, %get3A_167, %get3A_170 : vector<16xi32>
    %and3A_185 = arith.andi %and3A_183, %ne3A_184 : vector<16xi1>
    %iota3A_186 = tpu.iota {dimensions = array<i32: 0>} : vector<16xi32>
    %add3A_187 = vector.broadcast %mul3A_0 : i32 to vector<16xi32>
    %add3A_188 = arith.addi %iota3A_186, %add3A_187 : vector<16xi32>
    %add3A_189 = arith.constant 0 : i32
    %add3A_190 = vector.broadcast %add3A_189 : i32 to vector<16xi32>
    %add3A_191 = arith.addi %add3A_188, %add3A_190 : vector<16xi32>
    %add3A_192 = arith.constant 48 : i32
    %add3A_193 = vector.broadcast %add3A_192 : i32 to vector<16xi32>
    %add3A_194 = arith.addi %add3A_191, %add3A_193 : vector<16xi32>
    %select_n3A_195 = arith.select %and3A_185, %sub3A_176, %add3A_194 : vector<16xi1>, vector<16xi32>
    %swap3A_196 = arith.constant 0 : i32
    %swap3A_197 = arith.index_cast %swap3A_196 : i32 to index
    %swap3A_198 = arith.constant 48 : index
    %swap3A_199 = tpu.vector_load %arg8[%swap3A_197, %swap3A_198] {strides = array<i32>} : memref<8x128xi32, #tpu.memory_space<vmem>>, vector<1x16xi32>,
    %swap3A_200 = vector.shape_cast %swap3A_199 : vector<1x16xi32> to vector<16xi32>
    %swap3A_201 = vector.shape_cast %select_n3A_195 : vector<16xi32> to vector<1x16xi32>
    tpu.vector_store %arg8[%swap3A_197, %swap3A_198], %swap3A_201 {strides = array<i32>} : memref<8x128xi32, #tpu.memory_space<vmem>>, vector<1x16xi32>,
    %broadcast_in_dim3A_202 = arith.constant 1.000000e+00 : f32
    %broadcast_in_dim3A_203 = vector.broadcast %broadcast_in_dim3A_202 : f32 to vector<16xf32>
    %broadcast_in_dim3A_204 = arith.constant 0.000000e+00 : f32
    %broadcast_in_dim3A_205 = vector.broadcast %broadcast_in_dim3A_204 : f32 to vector<16xf32>
    %select_n3A_206 = arith.select %and3A_185, %broadcast_in_dim3A_203, %broadcast_in_dim3A_205 : vector<16xi1>, vector<16xf32>
    %swap3A_207 = arith.constant 0 : i32
    %swap3A_208 = arith.index_cast %swap3A_207 : i32 to index
    %swap3A_209 = arith.constant 48 : index
    %swap3A_210 = tpu.vector_load %arg9[%swap3A_208, %swap3A_209] {strides = array<i32>} : memref<8x128xf32, #tpu.memory_space<vmem>>, vector<1x16xf32>,
    %swap3A_211 = vector.shape_cast %swap3A_210 : vector<1x16xf32> to vector<16xf32>
    %swap3A_212 = vector.shape_cast %select_n3A_206 : vector<16xf32> to vector<1x16xf32>
    tpu.vector_store %arg9[%swap3A_208, %swap3A_209], %swap3A_212 {strides = array<i32>} : memref<8x128xf32, #tpu.memory_space<vmem>>, vector<1x16xf32>,
    %get3A_213 = arith.constant 64 : index
    %get3A_214 = tpu.vector_load %arg6[%get3A_213] {strides = array<i32>} : memref<1024xi32, #tpu.memory_space<vmem>>, vector<16xi32>,
    %get3A_215 = vector.shape_cast %get3A_214 : vector<16xi32> to vector<16xi32>
    %get3A_216 = arith.constant 64 : index
    %get3A_217 = tpu.vector_load %arg7[%get3A_216] {strides = array<i32>} : memref<1024xi32, #tpu.memory_space<vmem>>, vector<16xi32>,
    %get3A_218 = vector.shape_cast %get3A_217 : vector<16xi32> to vector<16xi32>
    %mul3A_219 = arith.constant 1024 : i32
    %mul3A_220 = vector.broadcast %mul3A_219 : i32 to vector<16xi32>
    %mul3A_221 = arith.muli %get3A_215, %mul3A_220 : vector<16xi32>
    %add3A_222 = arith.addi %mul3A_221, %get3A_218 : vector<16xi32>
    %sub3A_223 = vector.broadcast %mul3A_30 : i32 to vector<16xi32>
    %sub3A_224 = arith.subi %add3A_222, %sub3A_223 : vector<16xi32>
    %ge3A_225 = arith.constant 0 : i32
    %ge3A_226 = vector.broadcast %ge3A_225 : i32 to vector<16xi32>
    %ge3A_227 = arith.cmpi sge, %sub3A_224, %ge3A_226 : vector<16xi32>
    %lt3A_228 = arith.constant 524288 : i32
    %lt3A_229 = vector.broadcast %lt3A_228 : i32 to vector<16xi32>
    %lt3A_230 = arith.cmpi slt, %sub3A_224, %lt3A_229 : vector<16xi32>
    %and3A_231 = arith.andi %ge3A_227, %lt3A_230 : vector<16xi1>
    %ne3A_232 = arith.cmpi ne, %get3A_215, %get3A_218 : vector<16xi32>
    %and3A_233 = arith.andi %and3A_231, %ne3A_232 : vector<16xi1>
    %iota3A_234 = tpu.iota {dimensions = array<i32: 0>} : vector<16xi32>
    %add3A_235 = vector.broadcast %mul3A_0 : i32 to vector<16xi32>
    %add3A_236 = arith.addi %iota3A_234, %add3A_235 : vector<16xi32>
    %add3A_237 = arith.constant 0 : i32
    %add3A_238 = vector.broadcast %add3A_237 : i32 to vector<16xi32>
    %add3A_239 = arith.addi %add3A_236, %add3A_238 : vector<16xi32>
    %add3A_240 = arith.constant 64 : i32
    %add3A_241 = vector.broadcast %add3A_240 : i32 to vector<16xi32>
    %add3A_242 = arith.addi %add3A_239, %add3A_241 : vector<16xi32>
    %select_n3A_243 = arith.select %and3A_233, %sub3A_224, %add3A_242 : vector<16xi1>, vector<16xi32>
    %swap3A_244 = arith.constant 0 : i32
    %swap3A_245 = arith.index_cast %swap3A_244 : i32 to index
    %swap3A_246 = arith.constant 64 : index
    %swap3A_247 = tpu.vector_load %arg8[%swap3A_245, %swap3A_246] {strides = array<i32>} : memref<8x128xi32, #tpu.memory_space<vmem>>, vector<1x16xi32>,
    %swap3A_248 = vector.shape_cast %swap3A_247 : vector<1x16xi32> to vector<16xi32>
    %swap3A_249 = vector.shape_cast %select_n3A_243 : vector<16xi32> to vector<1x16xi32>
    tpu.vector_store %arg8[%swap3A_245, %swap3A_246], %swap3A_249 {strides = array<i32>} : memref<8x128xi32, #tpu.memory_space<vmem>>, vector<1x16xi32>,
    %broadcast_in_dim3A_250 = arith.constant 1.000000e+00 : f32
    %broadcast_in_dim3A_251 = vector.broadcast %broadcast_in_dim3A_250 : f32 to vector<16xf32>
    %broadcast_in_dim3A_252 = arith.constant 0.000000e+00 : f32
    %broadcast_in_dim3A_253 = vector.broadcast %broadcast_in_dim3A_252 : f32 to vector<16xf32>
    %select_n3A_254 = arith.select %and3A_233, %broadcast_in_dim3A_251, %broadcast_in_dim3A_253 : vector<16xi1>, vector<16xf32>
    %swap3A_255 = arith.constant 0 : i32
    %swap3A_256 = arith.index_cast %swap3A_255 : i32 to index
    %swap3A_257 = arith.constant 64 : index
    %swap3A_258 = tpu.vector_load %arg9[%swap3A_256, %swap3A_257] {strides = array<i32>} : memref<8x128xf32, #tpu.memory_space<vmem>>, vector<1x16xf32>,
    %swap3A_259 = vector.shape_cast %swap3A_258 : vector<1x16xf32> to vector<16xf32>
    %swap3A_260 = vector.shape_cast %select_n3A_254 : vector<16xf32> to vector<1x16xf32>
    tpu.vector_store %arg9[%swap3A_256, %swap3A_257], %swap3A_260 {strides = array<i32>} : memref<8x128xf32, #tpu.memory_space<vmem>>, vector<1x16xf32>,
    %get3A_261 = arith.constant 80 : index
    %get3A_262 = tpu.vector_load %arg6[%get3A_261] {strides = array<i32>} : memref<1024xi32, #tpu.memory_space<vmem>>, vector<16xi32>,
    %get3A_263 = vector.shape_cast %get3A_262 : vector<16xi32> to vector<16xi32>
    %get3A_264 = arith.constant 80 : index
    %get3A_265 = tpu.vector_load %arg7[%get3A_264] {strides = array<i32>} : memref<1024xi32, #tpu.memory_space<vmem>>, vector<16xi32>,
    %get3A_266 = vector.shape_cast %get3A_265 : vector<16xi32> to vector<16xi32>
    %mul3A_267 = arith.constant 1024 : i32
    %mul3A_268 = vector.broadcast %mul3A_267 : i32 to vector<16xi32>
    %mul3A_269 = arith.muli %get3A_263, %mul3A_268 : vector<16xi32>
    %add3A_270 = arith.addi %mul3A_269, %get3A_266 : vector<16xi32>
    %sub3A_271 = vector.broadcast %mul3A_30 : i32 to vector<16xi32>
    %sub3A_272 = arith.subi %add3A_270, %sub3A_271 : vector<16xi32>
    %ge3A_273 = arith.constant 0 : i32
    %ge3A_274 = vector.broadcast %ge3A_273 : i32 to vector<16xi32>
    %ge3A_275 = arith.cmpi sge, %sub3A_272, %ge3A_274 : vector<16xi32>
    %lt3A_276 = arith.constant 524288 : i32
    %lt3A_277 = vector.broadcast %lt3A_276 : i32 to vector<16xi32>
    %lt3A_278 = arith.cmpi slt, %sub3A_272, %lt3A_277 : vector<16xi32>
    %and3A_279 = arith.andi %ge3A_275, %lt3A_278 : vector<16xi1>
    %ne3A_280 = arith.cmpi ne, %get3A_263, %get3A_266 : vector<16xi32>
    %and3A_281 = arith.andi %and3A_279, %ne3A_280 : vector<16xi1>
    %iota3A_282 = tpu.iota {dimensions = array<i32: 0>} : vector<16xi32>
    %add3A_283 = vector.broadcast %mul3A_0 : i32 to vector<16xi32>
    %add3A_284 = arith.addi %iota3A_282, %add3A_283 : vector<16xi32>
    %add3A_285 = arith.constant 0 : i32
    %add3A_286 = vector.broadcast %add3A_285 : i32 to vector<16xi32>
    %add3A_287 = arith.addi %add3A_284, %add3A_286 : vector<16xi32>
    %add3A_288 = arith.constant 80 : i32
    %add3A_289 = vector.broadcast %add3A_288 : i32 to vector<16xi32>
    %add3A_290 = arith.addi %add3A_287, %add3A_289 : vector<16xi32>
    %select_n3A_291 = arith.select %and3A_281, %sub3A_272, %add3A_290 : vector<16xi1>, vector<16xi32>
    %swap3A_292 = arith.constant 0 : i32
    %swap3A_293 = arith.index_cast %swap3A_292 : i32 to index
    %swap3A_294 = arith.constant 80 : index
    %swap3A_295 = tpu.vector_load %arg8[%swap3A_293, %swap3A_294] {strides = array<i32>} : memref<8x128xi32, #tpu.memory_space<vmem>>, vector<1x16xi32>,
    %swap3A_296 = vector.shape_cast %swap3A_295 : vector<1x16xi32> to vector<16xi32>
    %swap3A_297 = vector.shape_cast %select_n3A_291 : vector<16xi32> to vector<1x16xi32>
    tpu.vector_store %arg8[%swap3A_293, %swap3A_294], %swap3A_297 {strides = array<i32>} : memref<8x128xi32, #tpu.memory_space<vmem>>, vector<1x16xi32>,
    %broadcast_in_dim3A_298 = arith.constant 1.000000e+00 : f32
    %broadcast_in_dim3A_299 = vector.broadcast %broadcast_in_dim3A_298 : f32 to vector<16xf32>
    %broadcast_in_dim3A_300 = arith.constant 0.000000e+00 : f32
    %broadcast_in_dim3A_301 = vector.broadcast %broadcast_in_dim3A_300 : f32 to vector<16xf32>
    %select_n3A_302 = arith.select %and3A_281, %broadcast_in_dim3A_299, %broadcast_in_dim3A_301 : vector<16xi1>, vector<16xf32>
    %swap3A_303 = arith.constant 0 : i32
    %swap3A_304 = arith.index_cast %swap3A_303 : i32 to index
    %swap3A_305 = arith.constant 80 : index
    %swap3A_306 = tpu.vector_load %arg9[%swap3A_304, %swap3A_305] {strides = array<i32>} : memref<8x128xf32, #tpu.memory_space<vmem>>, vector<1x16xf32>,
    %swap3A_307 = vector.shape_cast %swap3A_306 : vector<1x16xf32> to vector<16xf32>
    %swap3A_308 = vector.shape_cast %select_n3A_302 : vector<16xf32> to vector<1x16xf32>
    tpu.vector_store %arg9[%swap3A_304, %swap3A_305], %swap3A_308 {strides = array<i32>} : memref<8x128xf32, #tpu.memory_space<vmem>>, vector<1x16xf32>,
    %get3A_309 = arith.constant 96 : index
    %get3A_310 = tpu.vector_load %arg6[%get3A_309] {strides = array<i32>} : memref<1024xi32, #tpu.memory_space<vmem>>, vector<16xi32>,
    %get3A_311 = vector.shape_cast %get3A_310 : vector<16xi32> to vector<16xi32>
    %get3A_312 = arith.constant 96 : index
    %get3A_313 = tpu.vector_load %arg7[%get3A_312] {strides = array<i32>} : memref<1024xi32, #tpu.memory_space<vmem>>, vector<16xi32>,
    %get3A_314 = vector.shape_cast %get3A_313 : vector<16xi32> to vector<16xi32>
    %mul3A_315 = arith.constant 1024 : i32
    %mul3A_316 = vector.broadcast %mul3A_315 : i32 to vector<16xi32>
    %mul3A_317 = arith.muli %get3A_311, %mul3A_316 : vector<16xi32>
    %add3A_318 = arith.addi %mul3A_317, %get3A_314 : vector<16xi32>
    %sub3A_319 = vector.broadcast %mul3A_30 : i32 to vector<16xi32>
    %sub3A_320 = arith.subi %add3A_318, %sub3A_319 : vector<16xi32>
    %ge3A_321 = arith.constant 0 : i32
    %ge3A_322 = vector.broadcast %ge3A_321 : i32 to vector<16xi32>
    %ge3A_323 = arith.cmpi sge, %sub3A_320, %ge3A_322 : vector<16xi32>
    %lt3A_324 = arith.constant 524288 : i32
    %lt3A_325 = vector.broadcast %lt3A_324 : i32 to vector<16xi32>
    %lt3A_326 = arith.cmpi slt, %sub3A_320, %lt3A_325 : vector<16xi32>
    %and3A_327 = arith.andi %ge3A_323, %lt3A_326 : vector<16xi1>
    %ne3A_328 = arith.cmpi ne, %get3A_311, %get3A_314 : vector<16xi32>
    %and3A_329 = arith.andi %and3A_327, %ne3A_328 : vector<16xi1>
    %iota3A_330 = tpu.iota {dimensions = array<i32: 0>} : vector<16xi32>
    %add3A_331 = vector.broadcast %mul3A_0 : i32 to vector<16xi32>
    %add3A_332 = arith.addi %iota3A_330, %add3A_331 : vector<16xi32>
    %add3A_333 = arith.constant 0 : i32
    %add3A_334 = vector.broadcast %add3A_333 : i32 to vector<16xi32>
    %add3A_335 = arith.addi %add3A_332, %add3A_334 : vector<16xi32>
    %add3A_336 = arith.constant 96 : i32
    %add3A_337 = vector.broadcast %add3A_336 : i32 to vector<16xi32>
    %add3A_338 = arith.addi %add3A_335, %add3A_337 : vector<16xi32>
    %select_n3A_339 = arith.select %and3A_329, %sub3A_320, %add3A_338 : vector<16xi1>, vector<16xi32>
    %swap3A_340 = arith.constant 0 : i32
    %swap3A_341 = arith.index_cast %swap3A_340 : i32 to index
    %swap3A_342 = arith.constant 96 : index
    %swap3A_343 = tpu.vector_load %arg8[%swap3A_341, %swap3A_342] {strides = array<i32>} : memref<8x128xi32, #tpu.memory_space<vmem>>, vector<1x16xi32>,
    %swap3A_344 = vector.shape_cast %swap3A_343 : vector<1x16xi32> to vector<16xi32>
    %swap3A_345 = vector.shape_cast %select_n3A_339 : vector<16xi32> to vector<1x16xi32>
    tpu.vector_store %arg8[%swap3A_341, %swap3A_342], %swap3A_345 {strides = array<i32>} : memref<8x128xi32, #tpu.memory_space<vmem>>, vector<1x16xi32>,
    %broadcast_in_dim3A_346 = arith.constant 1.000000e+00 : f32
    %broadcast_in_dim3A_347 = vector.broadcast %broadcast_in_dim3A_346 : f32 to vector<16xf32>
    %broadcast_in_dim3A_348 = arith.constant 0.000000e+00 : f32
    %broadcast_in_dim3A_349 = vector.broadcast %broadcast_in_dim3A_348 : f32 to vector<16xf32>
    %select_n3A_350 = arith.select %and3A_329, %broadcast_in_dim3A_347, %broadcast_in_dim3A_349 : vector<16xi1>, vector<16xf32>
    %swap3A_351 = arith.constant 0 : i32
    %swap3A_352 = arith.index_cast %swap3A_351 : i32 to index
    %swap3A_353 = arith.constant 96 : index
    %swap3A_354 = tpu.vector_load %arg9[%swap3A_352, %swap3A_353] {strides = array<i32>} : memref<8x128xf32, #tpu.memory_space<vmem>>, vector<1x16xf32>,
    %swap3A_355 = vector.shape_cast %swap3A_354 : vector<1x16xf32> to vector<16xf32>
    %swap3A_356 = vector.shape_cast %select_n3A_350 : vector<16xf32> to vector<1x16xf32>
    tpu.vector_store %arg9[%swap3A_352, %swap3A_353], %swap3A_356 {strides = array<i32>} : memref<8x128xf32, #tpu.memory_space<vmem>>, vector<1x16xf32>,
    %get3A_357 = arith.constant 112 : index
    %get3A_358 = tpu.vector_load %arg6[%get3A_357] {strides = array<i32>} : memref<1024xi32, #tpu.memory_space<vmem>>, vector<16xi32>,
    %get3A_359 = vector.shape_cast %get3A_358 : vector<16xi32> to vector<16xi32>
    %get3A_360 = arith.constant 112 : index
    %get3A_361 = tpu.vector_load %arg7[%get3A_360] {strides = array<i32>} : memref<1024xi32, #tpu.memory_space<vmem>>, vector<16xi32>,
    %get3A_362 = vector.shape_cast %get3A_361 : vector<16xi32> to vector<16xi32>
    %mul3A_363 = arith.constant 1024 : i32
    %mul3A_364 = vector.broadcast %mul3A_363 : i32 to vector<16xi32>
    %mul3A_365 = arith.muli %get3A_359, %mul3A_364 : vector<16xi32>
    %add3A_366 = arith.addi %mul3A_365, %get3A_362 : vector<16xi32>
    %sub3A_367 = vector.broadcast %mul3A_30 : i32 to vector<16xi32>
    %sub3A_368 = arith.subi %add3A_366, %sub3A_367 : vector<16xi32>
    %ge3A_369 = arith.constant 0 : i32
    %ge3A_370 = vector.broadcast %ge3A_369 : i32 to vector<16xi32>
    %ge3A_371 = arith.cmpi sge, %sub3A_368, %ge3A_370 : vector<16xi32>
    %lt3A_372 = arith.constant 524288 : i32
    %lt3A_373 = vector.broadcast %lt3A_372 : i32 to vector<16xi32>
    %lt3A_374 = arith.cmpi slt, %sub3A_368, %lt3A_373 : vector<16xi32>
    %and3A_375 = arith.andi %ge3A_371, %lt3A_374 : vector<16xi1>
    %ne3A_376 = arith.cmpi ne, %get3A_359, %get3A_362 : vector<16xi32>
    %and3A_377 = arith.andi %and3A_375, %ne3A_376 : vector<16xi1>
    %iota3A_378 = tpu.iota {dimensions = array<i32: 0>} : vector<16xi32>
    %add3A_379 = vector.broadcast %mul3A_0 : i32 to vector<16xi32>
    %add3A_380 = arith.addi %iota3A_378, %add3A_379 : vector<16xi32>
    %add3A_381 = arith.constant 0 : i32
    %add3A_382 = vector.broadcast %add3A_381 : i32 to vector<16xi32>
    %add3A_383 = arith.addi %add3A_380, %add3A_382 : vector<16xi32>
    %add3A_384 = arith.constant 112 : i32
    %add3A_385 = vector.broadcast %add3A_384 : i32 to vector<16xi32>
    %add3A_386 = arith.addi %add3A_383, %add3A_385 : vector<16xi32>
    %select_n3A_387 = arith.select %and3A_377, %sub3A_368, %add3A_386 : vector<16xi1>, vector<16xi32>
    %swap3A_388 = arith.constant 0 : i32
    %swap3A_389 = arith.index_cast %swap3A_388 : i32 to index
    %swap3A_390 = arith.constant 112 : index
    %swap3A_391 = tpu.vector_load %arg8[%swap3A_389, %swap3A_390] {strides = array<i32>} : memref<8x128xi32, #tpu.memory_space<vmem>>, vector<1x16xi32>,
    %swap3A_392 = vector.shape_cast %swap3A_391 : vector<1x16xi32> to vector<16xi32>
    %swap3A_393 = vector.shape_cast %select_n3A_387 : vector<16xi32> to vector<1x16xi32>
    tpu.vector_store %arg8[%swap3A_389, %swap3A_390], %swap3A_393 {strides = array<i32>} : memref<8x128xi32, #tpu.memory_space<vmem>>, vector<1x16xi32>,
    %broadcast_in_dim3A_394 = arith.constant 1.000000e+00 : f32
    %broadcast_in_dim3A_395 = vector.broadcast %broadcast_in_dim3A_394 : f32 to vector<16xf32>
    %broadcast_in_dim3A_396 = arith.constant 0.000000e+00 : f32
    %broadcast_in_dim3A_397 = vector.broadcast %broadcast_in_dim3A_396 : f32 to vector<16xf32>
    %select_n3A_398 = arith.select %and3A_377, %broadcast_in_dim3A_395, %broadcast_in_dim3A_397 : vector<16xi1>, vector<16xf32>
    %swap3A_399 = arith.constant 0 : i32
    %swap3A_400 = arith.index_cast %swap3A_399 : i32 to index
    %swap3A_401 = arith.constant 112 : index
    %swap3A_402 = tpu.vector_load %arg9[%swap3A_400, %swap3A_401] {strides = array<i32>} : memref<8x128xf32, #tpu.memory_space<vmem>>, vector<1x16xf32>,
    %swap3A_403 = vector.shape_cast %swap3A_402 : vector<1x16xf32> to vector<16xf32>
    %swap3A_404 = vector.shape_cast %select_n3A_398 : vector<16xf32> to vector<1x16xf32>
    tpu.vector_store %arg9[%swap3A_400, %swap3A_401], %swap3A_404 {strides = array<i32>} : memref<8x128xf32, #tpu.memory_space<vmem>>, vector<1x16xf32>,
    %get3A_405 = arith.constant 128 : index
    %get3A_406 = tpu.vector_load %arg6[%get3A_405] {strides = array<i32>} : memref<1024xi32, #tpu.memory_space<vmem>>, vector<16xi32>,
    %get3A_407 = vector.shape_cast %get3A_406 : vector<16xi32> to vector<16xi32>
    %get3A_408 = arith.constant 128 : index
    %get3A_409 = tpu.vector_load %arg7[%get3A_408] {strides = array<i32>} : memref<1024xi32, #tpu.memory_space<vmem>>, vector<16xi32>,
    %get3A_410 = vector.shape_cast %get3A_409 : vector<16xi32> to vector<16xi32>
    %mul3A_411 = arith.constant 1024 : i32
    %mul3A_412 = vector.broadcast %mul3A_411 : i32 to vector<16xi32>
    %mul3A_413 = arith.muli %get3A_407, %mul3A_412 : vector<16xi32>
    %add3A_414 = arith.addi %mul3A_413, %get3A_410 : vector<16xi32>
    %sub3A_415 = vector.broadcast %mul3A_30 : i32 to vector<16xi32>
    %sub3A_416 = arith.subi %add3A_414, %sub3A_415 : vector<16xi32>
    %ge3A_417 = arith.constant 0 : i32
    %ge3A_418 = vector.broadcast %ge3A_417 : i32 to vector<16xi32>
    %ge3A_419 = arith.cmpi sge, %sub3A_416, %ge3A_418 : vector<16xi32>
    %lt3A_420 = arith.constant 524288 : i32
    %lt3A_421 = vector.broadcast %lt3A_420 : i32 to vector<16xi32>
    %lt3A_422 = arith.cmpi slt, %sub3A_416, %lt3A_421 : vector<16xi32>
    %and3A_423 = arith.andi %ge3A_419, %lt3A_422 : vector<16xi1>
    %ne3A_424 = arith.cmpi ne, %get3A_407, %get3A_410 : vector<16xi32>
    %and3A_425 = arith.andi %and3A_423, %ne3A_424 : vector<16xi1>
    %iota3A_426 = tpu.iota {dimensions = array<i32: 0>} : vector<16xi32>
    %add3A_427 = vector.broadcast %mul3A_0 : i32 to vector<16xi32>
    %add3A_428 = arith.addi %iota3A_426, %add3A_427 : vector<16xi32>
    %add3A_429 = arith.constant 128 : i32
    %add3A_430 = vector.broadcast %add3A_429 : i32 to vector<16xi32>
    %add3A_431 = arith.addi %add3A_428, %add3A_430 : vector<16xi32>
    %add3A_432 = arith.constant 0 : i32
    %add3A_433 = vector.broadcast %add3A_432 : i32 to vector<16xi32>
    %add3A_434 = arith.addi %add3A_431, %add3A_433 : vector<16xi32>
    %select_n3A_435 = arith.select %and3A_425, %sub3A_416, %add3A_434 : vector<16xi1>, vector<16xi32>
    %swap3A_436 = arith.constant 1 : i32
    %swap3A_437 = arith.index_cast %swap3A_436 : i32 to index
    %swap3A_438 = arith.constant 0 : index
    %swap3A_439 = tpu.vector_load %arg8[%swap3A_437, %swap3A_438] {strides = array<i32>} : memref<8x128xi32, #tpu.memory_space<vmem>>, vector<1x16xi32>,
    %swap3A_440 = vector.shape_cast %swap3A_439 : vector<1x16xi32> to vector<16xi32>
    %swap3A_441 = vector.shape_cast %select_n3A_435 : vector<16xi32> to vector<1x16xi32>
    tpu.vector_store %arg8[%swap3A_437, %swap3A_438], %swap3A_441 {strides = array<i32>} : memref<8x128xi32, #tpu.memory_space<vmem>>, vector<1x16xi32>,
    %broadcast_in_dim3A_442 = arith.constant 1.000000e+00 : f32
    %broadcast_in_dim3A_443 = vector.broadcast %broadcast_in_dim3A_442 : f32 to vector<16xf32>
    %broadcast_in_dim3A_444 = arith.constant 0.000000e+00 : f32
    %broadcast_in_dim3A_445 = vector.broadcast %broadcast_in_dim3A_444 : f32 to vector<16xf32>
    %select_n3A_446 = arith.select %and3A_425, %broadcast_in_dim3A_443, %broadcast_in_dim3A_445 : vector<16xi1>, vector<16xf32>
    %swap3A_447 = arith.constant 1 : i32
    %swap3A_448 = arith.index_cast %swap3A_447 : i32 to index
    %swap3A_449 = arith.constant 0 : index
    %swap3A_450 = tpu.vector_load %arg9[%swap3A_448, %swap3A_449] {strides = array<i32>} : memref<8x128xf32, #tpu.memory_space<vmem>>, vector<1x16xf32>,
    %swap3A_451 = vector.shape_cast %swap3A_450 : vector<1x16xf32> to vector<16xf32>
    %swap3A_452 = vector.shape_cast %select_n3A_446 : vector<16xf32> to vector<1x16xf32>
    tpu.vector_store %arg9[%swap3A_448, %swap3A_449], %swap3A_452 {strides = array<i32>} : memref<8x128xf32, #tpu.memory_space<vmem>>, vector<1x16xf32>,
    %get3A_453 = arith.constant 144 : index
    %get3A_454 = tpu.vector_load %arg6[%get3A_453] {strides = array<i32>} : memref<1024xi32, #tpu.memory_space<vmem>>, vector<16xi32>,
    %get3A_455 = vector.shape_cast %get3A_454 : vector<16xi32> to vector<16xi32>
    %get3A_456 = arith.constant 144 : index
    %get3A_457 = tpu.vector_load %arg7[%get3A_456] {strides = array<i32>} : memref<1024xi32, #tpu.memory_space<vmem>>, vector<16xi32>,
    %get3A_458 = vector.shape_cast %get3A_457 : vector<16xi32> to vector<16xi32>
    %mul3A_459 = arith.constant 1024 : i32
    %mul3A_460 = vector.broadcast %mul3A_459 : i32 to vector<16xi32>
    %mul3A_461 = arith.muli %get3A_455, %mul3A_460 : vector<16xi32>
    %add3A_462 = arith.addi %mul3A_461, %get3A_458 : vector<16xi32>
    %sub3A_463 = vector.broadcast %mul3A_30 : i32 to vector<16xi32>
    %sub3A_464 = arith.subi %add3A_462, %sub3A_463 : vector<16xi32>
    %ge3A_465 = arith.constant 0 : i32
    %ge3A_466 = vector.broadcast %ge3A_465 : i32 to vector<16xi32>
    %ge3A_467 = arith.cmpi sge, %sub3A_464, %ge3A_466 : vector<16xi32>
    %lt3A_468 = arith.constant 524288 : i32
    %lt3A_469 = vector.broadcast %lt3A_468 : i32 to vector<16xi32>
    %lt3A_470 = arith.cmpi slt, %sub3A_464, %lt3A_469 : vector<16xi32>
    %and3A_471 = arith.andi %ge3A_467, %lt3A_470 : vector<16xi1>
    %ne3A_472 = arith.cmpi ne, %get3A_455, %get3A_458 : vector<16xi32>
    %and3A_473 = arith.andi %and3A_471, %ne3A_472 : vector<16xi1>
    %iota3A_474 = tpu.iota {dimensions = array<i32: 0>} : vector<16xi32>
    %add3A_475 = vector.broadcast %mul3A_0 : i32 to vector<16xi32>
    %add3A_476 = arith.addi %iota3A_474, %add3A_475 : vector<16xi32>
    %add3A_477 = arith.constant 128 : i32
    %add3A_478 = vector.broadcast %add3A_477 : i32 to vector<16xi32>
    %add3A_479 = arith.addi %add3A_476, %add3A_478 : vector<16xi32>
    %add3A_480 = arith.constant 16 : i32
    %add3A_481 = vector.broadcast %add3A_480 : i32 to vector<16xi32>
    %add3A_482 = arith.addi %add3A_479, %add3A_481 : vector<16xi32>
    %select_n3A_483 = arith.select %and3A_473, %sub3A_464, %add3A_482 : vector<16xi1>, vector<16xi32>
    %swap3A_484 = arith.constant 1 : i32
    %swap3A_485 = arith.index_cast %swap3A_484 : i32 to index
    %swap3A_486 = arith.constant 16 : index
    %swap3A_487 = tpu.vector_load %arg8[%swap3A_485, %swap3A_486] {strides = array<i32>} : memref<8x128xi32, #tpu.memory_space<vmem>>, vector<1x16xi32>,
    %swap3A_488 = vector.shape_cast %swap3A_487 : vector<1x16xi32> to vector<16xi32>
    %swap3A_489 = vector.shape_cast %select_n3A_483 : vector<16xi32> to vector<1x16xi32>
    tpu.vector_store %arg8[%swap3A_485, %swap3A_486], %swap3A_489 {strides = array<i32>} : memref<8x128xi32, #tpu.memory_space<vmem>>, vector<1x16xi32>,
    %broadcast_in_dim3A_490 = arith.constant 1.000000e+00 : f32
    %broadcast_in_dim3A_491 = vector.broadcast %broadcast_in_dim3A_490 : f32 to vector<16xf32>
    %broadcast_in_dim3A_492 = arith.constant 0.000000e+00 : f32
    %broadcast_in_dim3A_493 = vector.broadcast %broadcast_in_dim3A_492 : f32 to vector<16xf32>
    %select_n3A_494 = arith.select %and3A_473, %broadcast_in_dim3A_491, %broadcast_in_dim3A_493 : vector<16xi1>, vector<16xf32>
    %swap3A_495 = arith.constant 1 : i32
    %swap3A_496 = arith.index_cast %swap3A_495 : i32 to index
    %swap3A_497 = arith.constant 16 : index
    %swap3A_498 = tpu.vector_load %arg9[%swap3A_496, %swap3A_497] {strides = array<i32>} : memref<8x128xf32, #tpu.memory_space<vmem>>, vector<1x16xf32>,
    %swap3A_499 = vector.shape_cast %swap3A_498 : vector<1x16xf32> to vector<16xf32>
    %swap3A_500 = vector.shape_cast %select_n3A_494 : vector<16xf32> to vector<1x16xf32>
    tpu.vector_store %arg9[%swap3A_496, %swap3A_497], %swap3A_500 {strides = array<i32>} : memref<8x128xf32, #tpu.memory_space<vmem>>, vector<1x16xf32>,
    %get3A_501 = arith.constant 160 : index
    %get3A_502 = tpu.vector_load %arg6[%get3A_501] {strides = array<i32>} : memref<1024xi32, #tpu.memory_space<vmem>>, vector<16xi32>,
    %get3A_503 = vector.shape_cast %get3A_502 : vector<16xi32> to vector<16xi32>
    %get3A_504 = arith.constant 160 : index
    %get3A_505 = tpu.vector_load %arg7[%get3A_504] {strides = array<i32>} : memref<1024xi32, #tpu.memory_space<vmem>>, vector<16xi32>,
    %get3A_506 = vector.shape_cast %get3A_505 : vector<16xi32> to vector<16xi32>
    %mul3A_507 = arith.constant 1024 : i32
    %mul3A_508 = vector.broadcast %mul3A_507 : i32 to vector<16xi32>
    %mul3A_509 = arith.muli %get3A_503, %mul3A_508 : vector<16xi32>
    %add3A_510 = arith.addi %mul3A_509, %get3A_506 : vector<16xi32>
    %sub3A_511 = vector.broadcast %mul3A_30 : i32 to vector<16xi32>
    %sub3A_512 = arith.subi %add3A_510, %sub3A_511 : vector<16xi32>
    %ge3A_513 = arith.constant 0 : i32
    %ge3A_514 = vector.broadcast %ge3A_513 : i32 to vector<16xi32>
    %ge3A_515 = arith.cmpi sge, %sub3A_512, %ge3A_514 : vector<16xi32>
    %lt3A_516 = arith.constant 524288 : i32
    %lt3A_517 = vector.broadcast %lt3A_516 : i32 to vector<16xi32>
    %lt3A_518 = arith.cmpi slt, %sub3A_512, %lt3A_517 : vector<16xi32>
    %and3A_519 = arith.andi %ge3A_515, %lt3A_518 : vector<16xi1>
    %ne3A_520 = arith.cmpi ne, %get3A_503, %get3A_506 : vector<16xi32>
    %and3A_521 = arith.andi %and3A_519, %ne3A_520 : vector<16xi1>
    %iota3A_522 = tpu.iota {dimensions = array<i32: 0>} : vector<16xi32>
    %add3A_523 = vector.broadcast %mul3A_0 : i32 to vector<16xi32>
    %add3A_524 = arith.addi %iota3A_522, %add3A_523 : vector<16xi32>
    %add3A_525 = arith.constant 128 : i32
    %add3A_526 = vector.broadcast %add3A_525 : i32 to vector<16xi32>
    %add3A_527 = arith.addi %add3A_524, %add3A_526 : vector<16xi32>
    %add3A_528 = arith.constant 32 : i32
    %add3A_529 = vector.broadcast %add3A_528 : i32 to vector<16xi32>
    %add3A_530 = arith.addi %add3A_527, %add3A_529 : vector<16xi32>
    %select_n3A_531 = arith.select %and3A_521, %sub3A_512, %add3A_530 : vector<16xi1>, vector<16xi32>
    %swap3A_532 = arith.constant 1 : i32
    %swap3A_533 = arith.index_cast %swap3A_532 : i32 to index
    %swap3A_534 = arith.constant 32 : index
    %swap3A_535 = tpu.vector_load %arg8[%swap3A_533, %swap3A_534] {strides = array<i32>} : memref<8x128xi32, #tpu.memory_space<vmem>>, vector<1x16xi32>,
    %swap3A_536 = vector.shape_cast %swap3A_535 : vector<1x16xi32> to vector<16xi32>
    %swap3A_537 = vector.shape_cast %select_n3A_531 : vector<16xi32> to vector<1x16xi32>
    tpu.vector_store %arg8[%swap3A_533, %swap3A_534], %swap3A_537 {strides = array<i32>} : memref<8x128xi32, #tpu.memory_space<vmem>>, vector<1x16xi32>,
    %broadcast_in_dim3A_538 = arith.constant 1.000000e+00 : f32
    %broadcast_in_dim3A_539 = vector.broadcast %broadcast_in_dim3A_538 : f32 to vector<16xf32>
    %broadcast_in_dim3A_540 = arith.constant 0.000000e+00 : f32
    %broadcast_in_dim3A_541 = vector.broadcast %broadcast_in_dim3A_540 : f32 to vector<16xf32>
    %select_n3A_542 = arith.select %and3A_521, %broadcast_in_dim3A_539, %broadcast_in_dim3A_541 : vector<16xi1>, vector<16xf32>
    %swap3A_543 = arith.constant 1 : i32
    %swap3A_544 = arith.index_cast %swap3A_543 : i32 to index
    %swap3A_545 = arith.constant 32 : index
    %swap3A_546 = tpu.vector_load %arg9[%swap3A_544, %swap3A_545] {strides = array<i32>} : memref<8x128xf32, #tpu.memory_space<vmem>>, vector<1x16xf32>,
    %swap3A_547 = vector.shape_cast %swap3A_546 : vector<1x16xf32> to vector<16xf32>
    %swap3A_548 = vector.shape_cast %select_n3A_542 : vector<16xf32> to vector<1x16xf32>
    tpu.vector_store %arg9[%swap3A_544, %swap3A_545], %swap3A_548 {strides = array<i32>} : memref<8x128xf32, #tpu.memory_space<vmem>>, vector<1x16xf32>,
    %get3A_549 = arith.constant 176 : index
    %get3A_550 = tpu.vector_load %arg6[%get3A_549] {strides = array<i32>} : memref<1024xi32, #tpu.memory_space<vmem>>, vector<16xi32>,
    %get3A_551 = vector.shape_cast %get3A_550 : vector<16xi32> to vector<16xi32>
    %get3A_552 = arith.constant 176 : index
    %get3A_553 = tpu.vector_load %arg7[%get3A_552] {strides = array<i32>} : memref<1024xi32, #tpu.memory_space<vmem>>, vector<16xi32>,
    %get3A_554 = vector.shape_cast %get3A_553 : vector<16xi32> to vector<16xi32>
    %mul3A_555 = arith.constant 1024 : i32
    %mul3A_556 = vector.broadcast %mul3A_555 : i32 to vector<16xi32>
    %mul3A_557 = arith.muli %get3A_551, %mul3A_556 : vector<16xi32>
    %add3A_558 = arith.addi %mul3A_557, %get3A_554 : vector<16xi32>
    %sub3A_559 = vector.broadcast %mul3A_30 : i32 to vector<16xi32>
    %sub3A_560 = arith.subi %add3A_558, %sub3A_559 : vector<16xi32>
    %ge3A_561 = arith.constant 0 : i32
    %ge3A_562 = vector.broadcast %ge3A_561 : i32 to vector<16xi32>
    %ge3A_563 = arith.cmpi sge, %sub3A_560, %ge3A_562 : vector<16xi32>
    %lt3A_564 = arith.constant 524288 : i32
    %lt3A_565 = vector.broadcast %lt3A_564 : i32 to vector<16xi32>
    %lt3A_566 = arith.cmpi slt, %sub3A_560, %lt3A_565 : vector<16xi32>
    %and3A_567 = arith.andi %ge3A_563, %lt3A_566 : vector<16xi1>
    %ne3A_568 = arith.cmpi ne, %get3A_551, %get3A_554 : vector<16xi32>
    %and3A_569 = arith.andi %and3A_567, %ne3A_568 : vector<16xi1>
    %iota3A_570 = tpu.iota {dimensions = array<i32: 0>} : vector<16xi32>
    %add3A_571 = vector.broadcast %mul3A_0 : i32 to vector<16xi32>
    %add3A_572 = arith.addi %iota3A_570, %add3A_571 : vector<16xi32>
    %add3A_573 = arith.constant 128 : i32
    %add3A_574 = vector.broadcast %add3A_573 : i32 to vector<16xi32>
    %add3A_575 = arith.addi %add3A_572, %add3A_574 : vector<16xi32>
    %add3A_576 = arith.constant 48 : i32
    %add3A_577 = vector.broadcast %add3A_576 : i32 to vector<16xi32>
    %add3A_578 = arith.addi %add3A_575, %add3A_577 : vector<16xi32>
    %select_n3A_579 = arith.select %and3A_569, %sub3A_560, %add3A_578 : vector<16xi1>, vector<16xi32>
    %swap3A_580 = arith.constant 1 : i32
    %swap3A_581 = arith.index_cast %swap3A_580 : i32 to index
    %swap3A_582 = arith.constant 48 : index
    %swap3A_583 = tpu.vector_load %arg8[%swap3A_581, %swap3A_582] {strides = array<i32>} : memref<8x128xi32, #tpu.memory_space<vmem>>, vector<1x16xi32>,
    %swap3A_584 = vector.shape_cast %swap3A_583 : vector<1x16xi32> to vector<16xi32>
    %swap3A_585 = vector.shape_cast %select_n3A_579 : vector<16xi32> to vector<1x16xi32>
    tpu.vector_store %arg8[%swap3A_581, %swap3A_582], %swap3A_585 {strides = array<i32>} : memref<8x128xi32, #tpu.memory_space<vmem>>, vector<1x16xi32>,
    %broadcast_in_dim3A_586 = arith.constant 1.000000e+00 : f32
    %broadcast_in_dim3A_587 = vector.broadcast %broadcast_in_dim3A_586 : f32 to vector<16xf32>
    %broadcast_in_dim3A_588 = arith.constant 0.000000e+00 : f32
    %broadcast_in_dim3A_589 = vector.broadcast %broadcast_in_dim3A_588 : f32 to vector<16xf32>
    %select_n3A_590 = arith.select %and3A_569, %broadcast_in_dim3A_587, %broadcast_in_dim3A_589 : vector<16xi1>, vector<16xf32>
    %swap3A_591 = arith.constant 1 : i32
    %swap3A_592 = arith.index_cast %swap3A_591 : i32 to index
    %swap3A_593 = arith.constant 48 : index
    %swap3A_594 = tpu.vector_load %arg9[%swap3A_592, %swap3A_593] {strides = array<i32>} : memref<8x128xf32, #tpu.memory_space<vmem>>, vector<1x16xf32>,
    %swap3A_595 = vector.shape_cast %swap3A_594 : vector<1x16xf32> to vector<16xf32>
    %swap3A_596 = vector.shape_cast %select_n3A_590 : vector<16xf32> to vector<1x16xf32>
    tpu.vector_store %arg9[%swap3A_592, %swap3A_593], %swap3A_596 {strides = array<i32>} : memref<8x128xf32, #tpu.memory_space<vmem>>, vector<1x16xf32>,
    %get3A_597 = arith.constant 192 : index
    %get3A_598 = tpu.vector_load %arg6[%get3A_597] {strides = array<i32>} : memref<1024xi32, #tpu.memory_space<vmem>>, vector<16xi32>,
    %get3A_599 = vector.shape_cast %get3A_598 : vector<16xi32> to vector<16xi32>
    %get3A_600 = arith.constant 192 : index
    %get3A_601 = tpu.vector_load %arg7[%get3A_600] {strides = array<i32>} : memref<1024xi32, #tpu.memory_space<vmem>>, vector<16xi32>,
    %get3A_602 = vector.shape_cast %get3A_601 : vector<16xi32> to vector<16xi32>
    %mul3A_603 = arith.constant 1024 : i32
    %mul3A_604 = vector.broadcast %mul3A_603 : i32 to vector<16xi32>
    %mul3A_605 = arith.muli %get3A_599, %mul3A_604 : vector<16xi32>
    %add3A_606 = arith.addi %mul3A_605, %get3A_602 : vector<16xi32>
    %sub3A_607 = vector.broadcast %mul3A_30 : i32 to vector<16xi32>
    %sub3A_608 = arith.subi %add3A_606, %sub3A_607 : vector<16xi32>
    %ge3A_609 = arith.constant 0 : i32
    %ge3A_610 = vector.broadcast %ge3A_609 : i32 to vector<16xi32>
    %ge3A_611 = arith.cmpi sge, %sub3A_608, %ge3A_610 : vector<16xi32>
    %lt3A_612 = arith.constant 524288 : i32
    %lt3A_613 = vector.broadcast %lt3A_612 : i32 to vector<16xi32>
    %lt3A_614 = arith.cmpi slt, %sub3A_608, %lt3A_613 : vector<16xi32>
    %and3A_615 = arith.andi %ge3A_611, %lt3A_614 : vector<16xi1>
    %ne3A_616 = arith.cmpi ne, %get3A_599, %get3A_602 : vector<16xi32>
    %and3A_617 = arith.andi %and3A_615, %ne3A_616 : vector<16xi1>
    %iota3A_618 = tpu.iota {dimensions = array<i32: 0>} : vector<16xi32>
    %add3A_619 = vector.broadcast %mul3A_0 : i32 to vector<16xi32>
    %add3A_620 = arith.addi %iota3A_618, %add3A_619 : vector<16xi32>
    %add3A_621 = arith.constant 128 : i32
    %add3A_622 = vector.broadcast %add3A_621 : i32 to vector<16xi32>
    %add3A_623 = arith.addi %add3A_620, %add3A_622 : vector<16xi32>
    %add3A_624 = arith.constant 64 : i32
    %add3A_625 = vector.broadcast %add3A_624 : i32 to vector<16xi32>
    %add3A_626 = arith.addi %add3A_623, %add3A_625 : vector<16xi32>
    %select_n3A_627 = arith.select %and3A_617, %sub3A_608, %add3A_626 : vector<16xi1>, vector<16xi32>
    %swap3A_628 = arith.constant 1 : i32
    %swap3A_629 = arith.index_cast %swap3A_628 : i32 to index
    %swap3A_630 = arith.constant 64 : index
    %swap3A_631 = tpu.vector_load %arg8[%swap3A_629, %swap3A_630] {strides = array<i32>} : memref<8x128xi32, #tpu.memory_space<vmem>>, vector<1x16xi32>,
    %swap3A_632 = vector.shape_cast %swap3A_631 : vector<1x16xi32> to vector<16xi32>
    %swap3A_633 = vector.shape_cast %select_n3A_627 : vector<16xi32> to vector<1x16xi32>
    tpu.vector_store %arg8[%swap3A_629, %swap3A_630], %swap3A_633 {strides = array<i32>} : memref<8x128xi32, #tpu.memory_space<vmem>>, vector<1x16xi32>,
    %broadcast_in_dim3A_634 = arith.constant 1.000000e+00 : f32
    %broadcast_in_dim3A_635 = vector.broadcast %broadcast_in_dim3A_634 : f32 to vector<16xf32>
    %broadcast_in_dim3A_636 = arith.constant 0.000000e+00 : f32
    %broadcast_in_dim3A_637 = vector.broadcast %broadcast_in_dim3A_636 : f32 to vector<16xf32>
    %select_n3A_638 = arith.select %and3A_617, %broadcast_in_dim3A_635, %broadcast_in_dim3A_637 : vector<16xi1>, vector<16xf32>
    %swap3A_639 = arith.constant 1 : i32
    %swap3A_640 = arith.index_cast %swap3A_639 : i32 to index
    %swap3A_641 = arith.constant 64 : index
    %swap3A_642 = tpu.vector_load %arg9[%swap3A_640, %swap3A_641] {strides = array<i32>} : memref<8x128xf32, #tpu.memory_space<vmem>>, vector<1x16xf32>,
    %swap3A_643 = vector.shape_cast %swap3A_642 : vector<1x16xf32> to vector<16xf32>
    %swap3A_644 = vector.shape_cast %select_n3A_638 : vector<16xf32> to vector<1x16xf32>
    tpu.vector_store %arg9[%swap3A_640, %swap3A_641], %swap3A_644 {strides = array<i32>} : memref<8x128xf32, #tpu.memory_space<vmem>>, vector<1x16xf32>,
    %get3A_645 = arith.constant 208 : index
    %get3A_646 = tpu.vector_load %arg6[%get3A_645] {strides = array<i32>} : memref<1024xi32, #tpu.memory_space<vmem>>, vector<16xi32>,
    %get3A_647 = vector.shape_cast %get3A_646 : vector<16xi32> to vector<16xi32>
    %get3A_648 = arith.constant 208 : index
    %get3A_649 = tpu.vector_load %arg7[%get3A_648] {strides = array<i32>} : memref<1024xi32, #tpu.memory_space<vmem>>, vector<16xi32>,
    %get3A_650 = vector.shape_cast %get3A_649 : vector<16xi32> to vector<16xi32>
    %mul3A_651 = arith.constant 1024 : i32
    %mul3A_652 = vector.broadcast %mul3A_651 : i32 to vector<16xi32>
    %mul3A_653 = arith.muli %get3A_647, %mul3A_652 : vector<16xi32>
    %add3A_654 = arith.addi %mul3A_653, %get3A_650 : vector<16xi32>
    %sub3A_655 = vector.broadcast %mul3A_30 : i32 to vector<16xi32>
    %sub3A_656 = arith.subi %add3A_654, %sub3A_655 : vector<16xi32>
    %ge3A_657 = arith.constant 0 : i32
    %ge3A_658 = vector.broadcast %ge3A_657 : i32 to vector<16xi32>
    %ge3A_659 = arith.cmpi sge, %sub3A_656, %ge3A_658 : vector<16xi32>
    %lt3A_660 = arith.constant 524288 : i32
    %lt3A_661 = vector.broadcast %lt3A_660 : i32 to vector<16xi32>
    %lt3A_662 = arith.cmpi slt, %sub3A_656, %lt3A_661 : vector<16xi32>
    %and3A_663 = arith.andi %ge3A_659, %lt3A_662 : vector<16xi1>
    %ne3A_664 = arith.cmpi ne, %get3A_647, %get3A_650 : vector<16xi32>
    %and3A_665 = arith.andi %and3A_663, %ne3A_664 : vector<16xi1>
    %iota3A_666 = tpu.iota {dimensions = array<i32: 0>} : vector<16xi32>
    %add3A_667 = vector.broadcast %mul3A_0 : i32 to vector<16xi32>
    %add3A_668 = arith.addi %iota3A_666, %add3A_667 : vector<16xi32>
    %add3A_669 = arith.constant 128 : i32
    %add3A_670 = vector.broadcast %add3A_669 : i32 to vector<16xi32>
    %add3A_671 = arith.addi %add3A_668, %add3A_670 : vector<16xi32>
    %add3A_672 = arith.constant 80 : i32
    %add3A_673 = vector.broadcast %add3A_672 : i32 to vector<16xi32>
    %add3A_674 = arith.addi %add3A_671, %add3A_673 : vector<16xi32>
    %select_n3A_675 = arith.select %and3A_665, %sub3A_656, %add3A_674 : vector<16xi1>, vector<16xi32>
    %swap3A_676 = arith.constant 1 : i32
    %swap3A_677 = arith.index_cast %swap3A_676 : i32 to index
    %swap3A_678 = arith.constant 80 : index
    %swap3A_679 = tpu.vector_load %arg8[%swap3A_677, %swap3A_678] {strides = array<i32>} : memref<8x128xi32, #tpu.memory_space<vmem>>, vector<1x16xi32>,
    %swap3A_680 = vector.shape_cast %swap3A_679 : vector<1x16xi32> to vector<16xi32>
    %swap3A_681 = vector.shape_cast %select_n3A_675 : vector<16xi32> to vector<1x16xi32>
    tpu.vector_store %arg8[%swap3A_677, %swap3A_678], %swap3A_681 {strides = array<i32>} : memref<8x128xi32, #tpu.memory_space<vmem>>, vector<1x16xi32>,
    %broadcast_in_dim3A_682 = arith.constant 1.000000e+00 : f32
    %broadcast_in_dim3A_683 = vector.broadcast %broadcast_in_dim3A_682 : f32 to vector<16xf32>
    %broadcast_in_dim3A_684 = arith.constant 0.000000e+00 : f32
    %broadcast_in_dim3A_685 = vector.broadcast %broadcast_in_dim3A_684 : f32 to vector<16xf32>
    %select_n3A_686 = arith.select %and3A_665, %broadcast_in_dim3A_683, %broadcast_in_dim3A_685 : vector<16xi1>, vector<16xf32>
    %swap3A_687 = arith.constant 1 : i32
    %swap3A_688 = arith.index_cast %swap3A_687 : i32 to index
    %swap3A_689 = arith.constant 80 : index
    %swap3A_690 = tpu.vector_load %arg9[%swap3A_688, %swap3A_689] {strides = array<i32>} : memref<8x128xf32, #tpu.memory_space<vmem>>, vector<1x16xf32>,
    %swap3A_691 = vector.shape_cast %swap3A_690 : vector<1x16xf32> to vector<16xf32>
    %swap3A_692 = vector.shape_cast %select_n3A_686 : vector<16xf32> to vector<1x16xf32>
    tpu.vector_store %arg9[%swap3A_688, %swap3A_689], %swap3A_692 {strides = array<i32>} : memref<8x128xf32, #tpu.memory_space<vmem>>, vector<1x16xf32>,
    %get3A_693 = arith.constant 224 : index
    %get3A_694 = tpu.vector_load %arg6[%get3A_693] {strides = array<i32>} : memref<1024xi32, #tpu.memory_space<vmem>>, vector<16xi32>,
    %get3A_695 = vector.shape_cast %get3A_694 : vector<16xi32> to vector<16xi32>
    %get3A_696 = arith.constant 224 : index
    %get3A_697 = tpu.vector_load %arg7[%get3A_696] {strides = array<i32>} : memref<1024xi32, #tpu.memory_space<vmem>>, vector<16xi32>,
    %get3A_698 = vector.shape_cast %get3A_697 : vector<16xi32> to vector<16xi32>
    %mul3A_699 = arith.constant 1024 : i32
    %mul3A_700 = vector.broadcast %mul3A_699 : i32 to vector<16xi32>
    %mul3A_701 = arith.muli %get3A_695, %mul3A_700 : vector<16xi32>
    %add3A_702 = arith.addi %mul3A_701, %get3A_698 : vector<16xi32>
    %sub3A_703 = vector.broadcast %mul3A_30 : i32 to vector<16xi32>
    %sub3A_704 = arith.subi %add3A_702, %sub3A_703 : vector<16xi32>
    %ge3A_705 = arith.constant 0 : i32
    %ge3A_706 = vector.broadcast %ge3A_705 : i32 to vector<16xi32>
    %ge3A_707 = arith.cmpi sge, %sub3A_704, %ge3A_706 : vector<16xi32>
    %lt3A_708 = arith.constant 524288 : i32
    %lt3A_709 = vector.broadcast %lt3A_708 : i32 to vector<16xi32>
    %lt3A_710 = arith.cmpi slt, %sub3A_704, %lt3A_709 : vector<16xi32>
    %and3A_711 = arith.andi %ge3A_707, %lt3A_710 : vector<16xi1>
    %ne3A_712 = arith.cmpi ne, %get3A_695, %get3A_698 : vector<16xi32>
    %and3A_713 = arith.andi %and3A_711, %ne3A_712 : vector<16xi1>
    %iota3A_714 = tpu.iota {dimensions = array<i32: 0>} : vector<16xi32>
    %add3A_715 = vector.broadcast %mul3A_0 : i32 to vector<16xi32>
    %add3A_716 = arith.addi %iota3A_714, %add3A_715 : vector<16xi32>
    %add3A_717 = arith.constant 128 : i32
    %add3A_718 = vector.broadcast %add3A_717 : i32 to vector<16xi32>
    %add3A_719 = arith.addi %add3A_716, %add3A_718 : vector<16xi32>
    %add3A_720 = arith.constant 96 : i32
    %add3A_721 = vector.broadcast %add3A_720 : i32 to vector<16xi32>
    %add3A_722 = arith.addi %add3A_719, %add3A_721 : vector<16xi32>
    %select_n3A_723 = arith.select %and3A_713, %sub3A_704, %add3A_722 : vector<16xi1>, vector<16xi32>
    %swap3A_724 = arith.constant 1 : i32
    %swap3A_725 = arith.index_cast %swap3A_724 : i32 to index
    %swap3A_726 = arith.constant 96 : index
    %swap3A_727 = tpu.vector_load %arg8[%swap3A_725, %swap3A_726] {strides = array<i32>} : memref<8x128xi32, #tpu.memory_space<vmem>>, vector<1x16xi32>,
    %swap3A_728 = vector.shape_cast %swap3A_727 : vector<1x16xi32> to vector<16xi32>
    %swap3A_729 = vector.shape_cast %select_n3A_723 : vector<16xi32> to vector<1x16xi32>
    tpu.vector_store %arg8[%swap3A_725, %swap3A_726], %swap3A_729 {strides = array<i32>} : memref<8x128xi32, #tpu.memory_space<vmem>>, vector<1x16xi32>,
    %broadcast_in_dim3A_730 = arith.constant 1.000000e+00 : f32
    %broadcast_in_dim3A_731 = vector.broadcast %broadcast_in_dim3A_730 : f32 to vector<16xf32>
    %broadcast_in_dim3A_732 = arith.constant 0.000000e+00 : f32
    %broadcast_in_dim3A_733 = vector.broadcast %broadcast_in_dim3A_732 : f32 to vector<16xf32>
    %select_n3A_734 = arith.select %and3A_713, %broadcast_in_dim3A_731, %broadcast_in_dim3A_733 : vector<16xi1>, vector<16xf32>
    %swap3A_735 = arith.constant 1 : i32
    %swap3A_736 = arith.index_cast %swap3A_735 : i32 to index
    %swap3A_737 = arith.constant 96 : index
    %swap3A_738 = tpu.vector_load %arg9[%swap3A_736, %swap3A_737] {strides = array<i32>} : memref<8x128xf32, #tpu.memory_space<vmem>>, vector<1x16xf32>,
    %swap3A_739 = vector.shape_cast %swap3A_738 : vector<1x16xf32> to vector<16xf32>
    %swap3A_740 = vector.shape_cast %select_n3A_734 : vector<16xf32> to vector<1x16xf32>
    tpu.vector_store %arg9[%swap3A_736, %swap3A_737], %swap3A_740 {strides = array<i32>} : memref<8x128xf32, #tpu.memory_space<vmem>>, vector<1x16xf32>,
    %get3A_741 = arith.constant 240 : index
    %get3A_742 = tpu.vector_load %arg6[%get3A_741] {strides = array<i32>} : memref<1024xi32, #tpu.memory_space<vmem>>, vector<16xi32>,
    %get3A_743 = vector.shape_cast %get3A_742 : vector<16xi32> to vector<16xi32>
    %get3A_744 = arith.constant 240 : index
    %get3A_745 = tpu.vector_load %arg7[%get3A_744] {strides = array<i32>} : memref<1024xi32, #tpu.memory_space<vmem>>, vector<16xi32>,
    %get3A_746 = vector.shape_cast %get3A_745 : vector<16xi32> to vector<16xi32>
    %mul3A_747 = arith.constant 1024 : i32
    %mul3A_748 = vector.broadcast %mul3A_747 : i32 to vector<16xi32>
    %mul3A_749 = arith.muli %get3A_743, %mul3A_748 : vector<16xi32>
    %add3A_750 = arith.addi %mul3A_749, %get3A_746 : vector<16xi32>
    %sub3A_751 = vector.broadcast %mul3A_30 : i32 to vector<16xi32>
    %sub3A_752 = arith.subi %add3A_750, %sub3A_751 : vector<16xi32>
    %ge3A_753 = arith.constant 0 : i32
    %ge3A_754 = vector.broadcast %ge3A_753 : i32 to vector<16xi32>
    %ge3A_755 = arith.cmpi sge, %sub3A_752, %ge3A_754 : vector<16xi32>
    %lt3A_756 = arith.constant 524288 : i32
    %lt3A_757 = vector.broadcast %lt3A_756 : i32 to vector<16xi32>
    %lt3A_758 = arith.cmpi slt, %sub3A_752, %lt3A_757 : vector<16xi32>
    %and3A_759 = arith.andi %ge3A_755, %lt3A_758 : vector<16xi1>
    %ne3A_760 = arith.cmpi ne, %get3A_743, %get3A_746 : vector<16xi32>
    %and3A_761 = arith.andi %and3A_759, %ne3A_760 : vector<16xi1>
    %iota3A_762 = tpu.iota {dimensions = array<i32: 0>} : vector<16xi32>
    %add3A_763 = vector.broadcast %mul3A_0 : i32 to vector<16xi32>
    %add3A_764 = arith.addi %iota3A_762, %add3A_763 : vector<16xi32>
    %add3A_765 = arith.constant 128 : i32
    %add3A_766 = vector.broadcast %add3A_765 : i32 to vector<16xi32>
    %add3A_767 = arith.addi %add3A_764, %add3A_766 : vector<16xi32>
    %add3A_768 = arith.constant 112 : i32
    %add3A_769 = vector.broadcast %add3A_768 : i32 to vector<16xi32>
    %add3A_770 = arith.addi %add3A_767, %add3A_769 : vector<16xi32>
    %select_n3A_771 = arith.select %and3A_761, %sub3A_752, %add3A_770 : vector<16xi1>, vector<16xi32>
    %swap3A_772 = arith.constant 1 : i32
    %swap3A_773 = arith.index_cast %swap3A_772 : i32 to index
    %swap3A_774 = arith.constant 112 : index
    %swap3A_775 = tpu.vector_load %arg8[%swap3A_773, %swap3A_774] {strides = array<i32>} : memref<8x128xi32, #tpu.memory_space<vmem>>, vector<1x16xi32>,
    %swap3A_776 = vector.shape_cast %swap3A_775 : vector<1x16xi32> to vector<16xi32>
    %swap3A_777 = vector.shape_cast %select_n3A_771 : vector<16xi32> to vector<1x16xi32>
    tpu.vector_store %arg8[%swap3A_773, %swap3A_774], %swap3A_777 {strides = array<i32>} : memref<8x128xi32, #tpu.memory_space<vmem>>, vector<1x16xi32>,
    %broadcast_in_dim3A_778 = arith.constant 1.000000e+00 : f32
    %broadcast_in_dim3A_779 = vector.broadcast %broadcast_in_dim3A_778 : f32 to vector<16xf32>
    %broadcast_in_dim3A_780 = arith.constant 0.000000e+00 : f32
    %broadcast_in_dim3A_781 = vector.broadcast %broadcast_in_dim3A_780 : f32 to vector<16xf32>
    %select_n3A_782 = arith.select %and3A_761, %broadcast_in_dim3A_779, %broadcast_in_dim3A_781 : vector<16xi1>, vector<16xf32>
    %swap3A_783 = arith.constant 1 : i32
    %swap3A_784 = arith.index_cast %swap3A_783 : i32 to index
    %swap3A_785 = arith.constant 112 : index
    %swap3A_786 = tpu.vector_load %arg9[%swap3A_784, %swap3A_785] {strides = array<i32>} : memref<8x128xf32, #tpu.memory_space<vmem>>, vector<1x16xf32>,
    %swap3A_787 = vector.shape_cast %swap3A_786 : vector<1x16xf32> to vector<16xf32>
    %swap3A_788 = vector.shape_cast %select_n3A_782 : vector<16xf32> to vector<1x16xf32>
    tpu.vector_store %arg9[%swap3A_784, %swap3A_785], %swap3A_788 {strides = array<i32>} : memref<8x128xf32, #tpu.memory_space<vmem>>, vector<1x16xf32>,
    %get3A_789 = arith.constant 256 : index
    %get3A_790 = tpu.vector_load %arg6[%get3A_789] {strides = array<i32>} : memref<1024xi32, #tpu.memory_space<vmem>>, vector<16xi32>,
    %get3A_791 = vector.shape_cast %get3A_790 : vector<16xi32> to vector<16xi32>
    %get3A_792 = arith.constant 256 : index
    %get3A_793 = tpu.vector_load %arg7[%get3A_792] {strides = array<i32>} : memref<1024xi32, #tpu.memory_space<vmem>>, vector<16xi32>,
    %get3A_794 = vector.shape_cast %get3A_793 : vector<16xi32> to vector<16xi32>
    %mul3A_795 = arith.constant 1024 : i32
    %mul3A_796 = vector.broadcast %mul3A_795 : i32 to vector<16xi32>
    %mul3A_797 = arith.muli %get3A_791, %mul3A_796 : vector<16xi32>
    %add3A_798 = arith.addi %mul3A_797, %get3A_794 : vector<16xi32>
    %sub3A_799 = vector.broadcast %mul3A_30 : i32 to vector<16xi32>
    %sub3A_800 = arith.subi %add3A_798, %sub3A_799 : vector<16xi32>
    %ge3A_801 = arith.constant 0 : i32
    %ge3A_802 = vector.broadcast %ge3A_801 : i32 to vector<16xi32>
    %ge3A_803 = arith.cmpi sge, %sub3A_800, %ge3A_802 : vector<16xi32>
    %lt3A_804 = arith.constant 524288 : i32
    %lt3A_805 = vector.broadcast %lt3A_804 : i32 to vector<16xi32>
    %lt3A_806 = arith.cmpi slt, %sub3A_800, %lt3A_805 : vector<16xi32>
    %and3A_807 = arith.andi %ge3A_803, %lt3A_806 : vector<16xi1>
    %ne3A_808 = arith.cmpi ne, %get3A_791, %get3A_794 : vector<16xi32>
    %and3A_809 = arith.andi %and3A_807, %ne3A_808 : vector<16xi1>
    %iota3A_810 = tpu.iota {dimensions = array<i32: 0>} : vector<16xi32>
    %add3A_811 = vector.broadcast %mul3A_0 : i32 to vector<16xi32>
    %add3A_812 = arith.addi %iota3A_810, %add3A_811 : vector<16xi32>
    %add3A_813 = arith.constant 256 : i32
    %add3A_814 = vector.broadcast %add3A_813 : i32 to vector<16xi32>
    %add3A_815 = arith.addi %add3A_812, %add3A_814 : vector<16xi32>
    %add3A_816 = arith.constant 0 : i32
    %add3A_817 = vector.broadcast %add3A_816 : i32 to vector<16xi32>
    %add3A_818 = arith.addi %add3A_815, %add3A_817 : vector<16xi32>
    %select_n3A_819 = arith.select %and3A_809, %sub3A_800, %add3A_818 : vector<16xi1>, vector<16xi32>
    %swap3A_820 = arith.constant 2 : i32
    %swap3A_821 = arith.index_cast %swap3A_820 : i32 to index
    %swap3A_822 = arith.constant 0 : index
    %swap3A_823 = tpu.vector_load %arg8[%swap3A_821, %swap3A_822] {strides = array<i32>} : memref<8x128xi32, #tpu.memory_space<vmem>>, vector<1x16xi32>,
    %swap3A_824 = vector.shape_cast %swap3A_823 : vector<1x16xi32> to vector<16xi32>
    %swap3A_825 = vector.shape_cast %select_n3A_819 : vector<16xi32> to vector<1x16xi32>
    tpu.vector_store %arg8[%swap3A_821, %swap3A_822], %swap3A_825 {strides = array<i32>} : memref<8x128xi32, #tpu.memory_space<vmem>>, vector<1x16xi32>,
    %broadcast_in_dim3A_826 = arith.constant 1.000000e+00 : f32
    %broadcast_in_dim3A_827 = vector.broadcast %broadcast_in_dim3A_826 : f32 to vector<16xf32>
    %broadcast_in_dim3A_828 = arith.constant 0.000000e+00 : f32
    %broadcast_in_dim3A_829 = vector.broadcast %broadcast_in_dim3A_828 : f32 to vector<16xf32>
    %select_n3A_830 = arith.select %and3A_809, %broadcast_in_dim3A_827, %broadcast_in_dim3A_829 : vector<16xi1>, vector<16xf32>
    %swap3A_831 = arith.constant 2 : i32
    %swap3A_832 = arith.index_cast %swap3A_831 : i32 to index
    %swap3A_833 = arith.constant 0 : index
    %swap3A_834 = tpu.vector_load %arg9[%swap3A_832, %swap3A_833] {strides = array<i32>} : memref<8x128xf32, #tpu.memory_space<vmem>>, vector<1x16xf32>,
    %swap3A_835 = vector.shape_cast %swap3A_834 : vector<1x16xf32> to vector<16xf32>
    %swap3A_836 = vector.shape_cast %select_n3A_830 : vector<16xf32> to vector<1x16xf32>
    tpu.vector_store %arg9[%swap3A_832, %swap3A_833], %swap3A_836 {strides = array<i32>} : memref<8x128xf32, #tpu.memory_space<vmem>>, vector<1x16xf32>,
    %get3A_837 = arith.constant 272 : index
    %get3A_838 = tpu.vector_load %arg6[%get3A_837] {strides = array<i32>} : memref<1024xi32, #tpu.memory_space<vmem>>, vector<16xi32>,
    %get3A_839 = vector.shape_cast %get3A_838 : vector<16xi32> to vector<16xi32>
    %get3A_840 = arith.constant 272 : index
    %get3A_841 = tpu.vector_load %arg7[%get3A_840] {strides = array<i32>} : memref<1024xi32, #tpu.memory_space<vmem>>, vector<16xi32>,
    %get3A_842 = vector.shape_cast %get3A_841 : vector<16xi32> to vector<16xi32>
    %mul3A_843 = arith.constant 1024 : i32
    %mul3A_844 = vector.broadcast %mul3A_843 : i32 to vector<16xi32>
    %mul3A_845 = arith.muli %get3A_839, %mul3A_844 : vector<16xi32>
    %add3A_846 = arith.addi %mul3A_845, %get3A_842 : vector<16xi32>
    %sub3A_847 = vector.broadcast %mul3A_30 : i32 to vector<16xi32>
    %sub3A_848 = arith.subi %add3A_846, %sub3A_847 : vector<16xi32>
    %ge3A_849 = arith.constant 0 : i32
    %ge3A_850 = vector.broadcast %ge3A_849 : i32 to vector<16xi32>
    %ge3A_851 = arith.cmpi sge, %sub3A_848, %ge3A_850 : vector<16xi32>
    %lt3A_852 = arith.constant 524288 : i32
    %lt3A_853 = vector.broadcast %lt3A_852 : i32 to vector<16xi32>
    %lt3A_854 = arith.cmpi slt, %sub3A_848, %lt3A_853 : vector<16xi32>
    %and3A_855 = arith.andi %ge3A_851, %lt3A_854 : vector<16xi1>
    %ne3A_856 = arith.cmpi ne, %get3A_839, %get3A_842 : vector<16xi32>
    %and3A_857 = arith.andi %and3A_855, %ne3A_856 : vector<16xi1>
    %iota3A_858 = tpu.iota {dimensions = array<i32: 0>} : vector<16xi32>
    %add3A_859 = vector.broadcast %mul3A_0 : i32 to vector<16xi32>
    %add3A_860 = arith.addi %iota3A_858, %add3A_859 : vector<16xi32>
    %add3A_861 = arith.constant 256 : i32
    %add3A_862 = vector.broadcast %add3A_861 : i32 to vector<16xi32>
    %add3A_863 = arith.addi %add3A_860, %add3A_862 : vector<16xi32>
    %add3A_864 = arith.constant 16 : i32
    %add3A_865 = vector.broadcast %add3A_864 : i32 to vector<16xi32>
    %add3A_866 = arith.addi %add3A_863, %add3A_865 : vector<16xi32>
    %select_n3A_867 = arith.select %and3A_857, %sub3A_848, %add3A_866 : vector<16xi1>, vector<16xi32>
    %swap3A_868 = arith.constant 2 : i32
    %swap3A_869 = arith.index_cast %swap3A_868 : i32 to index
    %swap3A_870 = arith.constant 16 : index
    %swap3A_871 = tpu.vector_load %arg8[%swap3A_869, %swap3A_870] {strides = array<i32>} : memref<8x128xi32, #tpu.memory_space<vmem>>, vector<1x16xi32>,
    %swap3A_872 = vector.shape_cast %swap3A_871 : vector<1x16xi32> to vector<16xi32>
    %swap3A_873 = vector.shape_cast %select_n3A_867 : vector<16xi32> to vector<1x16xi32>
    tpu.vector_store %arg8[%swap3A_869, %swap3A_870], %swap3A_873 {strides = array<i32>} : memref<8x128xi32, #tpu.memory_space<vmem>>, vector<1x16xi32>,
    %broadcast_in_dim3A_874 = arith.constant 1.000000e+00 : f32
    %broadcast_in_dim3A_875 = vector.broadcast %broadcast_in_dim3A_874 : f32 to vector<16xf32>
    %broadcast_in_dim3A_876 = arith.constant 0.000000e+00 : f32
    %broadcast_in_dim3A_877 = vector.broadcast %broadcast_in_dim3A_876 : f32 to vector<16xf32>
    %select_n3A_878 = arith.select %and3A_857, %broadcast_in_dim3A_875, %broadcast_in_dim3A_877 : vector<16xi1>, vector<16xf32>
    %swap3A_879 = arith.constant 2 : i32
    %swap3A_880 = arith.index_cast %swap3A_879 : i32 to index
    %swap3A_881 = arith.constant 16 : index
    %swap3A_882 = tpu.vector_load %arg9[%swap3A_880, %swap3A_881] {strides = array<i32>} : memref<8x128xf32, #tpu.memory_space<vmem>>, vector<1x16xf32>,
    %swap3A_883 = vector.shape_cast %swap3A_882 : vector<1x16xf32> to vector<16xf32>
    %swap3A_884 = vector.shape_cast %select_n3A_878 : vector<16xf32> to vector<1x16xf32>
    tpu.vector_store %arg9[%swap3A_880, %swap3A_881], %swap3A_884 {strides = array<i32>} : memref<8x128xf32, #tpu.memory_space<vmem>>, vector<1x16xf32>,
    %get3A_885 = arith.constant 288 : index
    %get3A_886 = tpu.vector_load %arg6[%get3A_885] {strides = array<i32>} : memref<1024xi32, #tpu.memory_space<vmem>>, vector<16xi32>,
    %get3A_887 = vector.shape_cast %get3A_886 : vector<16xi32> to vector<16xi32>
    %get3A_888 = arith.constant 288 : index
    %get3A_889 = tpu.vector_load %arg7[%get3A_888] {strides = array<i32>} : memref<1024xi32, #tpu.memory_space<vmem>>, vector<16xi32>,
    %get3A_890 = vector.shape_cast %get3A_889 : vector<16xi32> to vector<16xi32>
    %mul3A_891 = arith.constant 1024 : i32
    %mul3A_892 = vector.broadcast %mul3A_891 : i32 to vector<16xi32>
    %mul3A_893 = arith.muli %get3A_887, %mul3A_892 : vector<16xi32>
    %add3A_894 = arith.addi %mul3A_893, %get3A_890 : vector<16xi32>
    %sub3A_895 = vector.broadcast %mul3A_30 : i32 to vector<16xi32>
    %sub3A_896 = arith.subi %add3A_894, %sub3A_895 : vector<16xi32>
    %ge3A_897 = arith.constant 0 : i32
    %ge3A_898 = vector.broadcast %ge3A_897 : i32 to vector<16xi32>
    %ge3A_899 = arith.cmpi sge, %sub3A_896, %ge3A_898 : vector<16xi32>
    %lt3A_900 = arith.constant 524288 : i32
    %lt3A_901 = vector.broadcast %lt3A_900 : i32 to vector<16xi32>
    %lt3A_902 = arith.cmpi slt, %sub3A_896, %lt3A_901 : vector<16xi32>
    %and3A_903 = arith.andi %ge3A_899, %lt3A_902 : vector<16xi1>
    %ne3A_904 = arith.cmpi ne, %get3A_887, %get3A_890 : vector<16xi32>
    %and3A_905 = arith.andi %and3A_903, %ne3A_904 : vector<16xi1>
    %iota3A_906 = tpu.iota {dimensions = array<i32: 0>} : vector<16xi32>
    %add3A_907 = vector.broadcast %mul3A_0 : i32 to vector<16xi32>
    %add3A_908 = arith.addi %iota3A_906, %add3A_907 : vector<16xi32>
    %add3A_909 = arith.constant 256 : i32
    %add3A_910 = vector.broadcast %add3A_909 : i32 to vector<16xi32>
    %add3A_911 = arith.addi %add3A_908, %add3A_910 : vector<16xi32>
    %add3A_912 = arith.constant 32 : i32
    %add3A_913 = vector.broadcast %add3A_912 : i32 to vector<16xi32>
    %add3A_914 = arith.addi %add3A_911, %add3A_913 : vector<16xi32>
    %select_n3A_915 = arith.select %and3A_905, %sub3A_896, %add3A_914 : vector<16xi1>, vector<16xi32>
    %swap3A_916 = arith.constant 2 : i32
    %swap3A_917 = arith.index_cast %swap3A_916 : i32 to index
    %swap3A_918 = arith.constant 32 : index
    %swap3A_919 = tpu.vector_load %arg8[%swap3A_917, %swap3A_918] {strides = array<i32>} : memref<8x128xi32, #tpu.memory_space<vmem>>, vector<1x16xi32>,
    %swap3A_920 = vector.shape_cast %swap3A_919 : vector<1x16xi32> to vector<16xi32>
    %swap3A_921 = vector.shape_cast %select_n3A_915 : vector<16xi32> to vector<1x16xi32>
    tpu.vector_store %arg8[%swap3A_917, %swap3A_918], %swap3A_921 {strides = array<i32>} : memref<8x128xi32, #tpu.memory_space<vmem>>, vector<1x16xi32>,
    %broadcast_in_dim3A_922 = arith.constant 1.000000e+00 : f32
    %broadcast_in_dim3A_923 = vector.broadcast %broadcast_in_dim3A_922 : f32 to vector<16xf32>
    %broadcast_in_dim3A_924 = arith.constant 0.000000e+00 : f32
    %broadcast_in_dim3A_925 = vector.broadcast %broadcast_in_dim3A_924 : f32 to vector<16xf32>
    %select_n3A_926 = arith.select %and3A_905, %broadcast_in_dim3A_923, %broadcast_in_dim3A_925 : vector<16xi1>, vector<16xf32>
    %swap3A_927 = arith.constant 2 : i32
    %swap3A_928 = arith.index_cast %swap3A_927 : i32 to index
    %swap3A_929 = arith.constant 32 : index
    %swap3A_930 = tpu.vector_load %arg9[%swap3A_928, %swap3A_929] {strides = array<i32>} : memref<8x128xf32, #tpu.memory_space<vmem>>, vector<1x16xf32>,
    %swap3A_931 = vector.shape_cast %swap3A_930 : vector<1x16xf32> to vector<16xf32>
    %swap3A_932 = vector.shape_cast %select_n3A_926 : vector<16xf32> to vector<1x16xf32>
    tpu.vector_store %arg9[%swap3A_928, %swap3A_929], %swap3A_932 {strides = array<i32>} : memref<8x128xf32, #tpu.memory_space<vmem>>, vector<1x16xf32>,
    %get3A_933 = arith.constant 304 : index
    %get3A_934 = tpu.vector_load %arg6[%get3A_933] {strides = array<i32>} : memref<1024xi32, #tpu.memory_space<vmem>>, vector<16xi32>,
    %get3A_935 = vector.shape_cast %get3A_934 : vector<16xi32> to vector<16xi32>
    %get3A_936 = arith.constant 304 : index
    %get3A_937 = tpu.vector_load %arg7[%get3A_936] {strides = array<i32>} : memref<1024xi32, #tpu.memory_space<vmem>>, vector<16xi32>,
    %get3A_938 = vector.shape_cast %get3A_937 : vector<16xi32> to vector<16xi32>
    %mul3A_939 = arith.constant 1024 : i32
    %mul3A_940 = vector.broadcast %mul3A_939 : i32 to vector<16xi32>
    %mul3A_941 = arith.muli %get3A_935, %mul3A_940 : vector<16xi32>
    %add3A_942 = arith.addi %mul3A_941, %get3A_938 : vector<16xi32>
    %sub3A_943 = vector.broadcast %mul3A_30 : i32 to vector<16xi32>
    %sub3A_944 = arith.subi %add3A_942, %sub3A_943 : vector<16xi32>
    %ge3A_945 = arith.constant 0 : i32
    %ge3A_946 = vector.broadcast %ge3A_945 : i32 to vector<16xi32>
    %ge3A_947 = arith.cmpi sge, %sub3A_944, %ge3A_946 : vector<16xi32>
    %lt3A_948 = arith.constant 524288 : i32
    %lt3A_949 = vector.broadcast %lt3A_948 : i32 to vector<16xi32>
    %lt3A_950 = arith.cmpi slt, %sub3A_944, %lt3A_949 : vector<16xi32>
    %and3A_951 = arith.andi %ge3A_947, %lt3A_950 : vector<16xi1>
    %ne3A_952 = arith.cmpi ne, %get3A_935, %get3A_938 : vector<16xi32>
    %and3A_953 = arith.andi %and3A_951, %ne3A_952 : vector<16xi1>
    %iota3A_954 = tpu.iota {dimensions = array<i32: 0>} : vector<16xi32>
    %add3A_955 = vector.broadcast %mul3A_0 : i32 to vector<16xi32>
    %add3A_956 = arith.addi %iota3A_954, %add3A_955 : vector<16xi32>
    %add3A_957 = arith.constant 256 : i32
    %add3A_958 = vector.broadcast %add3A_957 : i32 to vector<16xi32>
    %add3A_959 = arith.addi %add3A_956, %add3A_958 : vector<16xi32>
    %add3A_960 = arith.constant 48 : i32
    %add3A_961 = vector.broadcast %add3A_960 : i32 to vector<16xi32>
    %add3A_962 = arith.addi %add3A_959, %add3A_961 : vector<16xi32>
    %select_n3A_963 = arith.select %and3A_953, %sub3A_944, %add3A_962 : vector<16xi1>, vector<16xi32>
    %swap3A_964 = arith.constant 2 : i32
    %swap3A_965 = arith.index_cast %swap3A_964 : i32 to index
    %swap3A_966 = arith.constant 48 : index
    %swap3A_967 = tpu.vector_load %arg8[%swap3A_965, %swap3A_966] {strides = array<i32>} : memref<8x128xi32, #tpu.memory_space<vmem>>, vector<1x16xi32>,
    %swap3A_968 = vector.shape_cast %swap3A_967 : vector<1x16xi32> to vector<16xi32>
    %swap3A_969 = vector.shape_cast %select_n3A_963 : vector<16xi32> to vector<1x16xi32>
    tpu.vector_store %arg8[%swap3A_965, %swap3A_966], %swap3A_969 {strides = array<i32>} : memref<8x128xi32, #tpu.memory_space<vmem>>, vector<1x16xi32>,
    %broadcast_in_dim3A_970 = arith.constant 1.000000e+00 : f32
    %broadcast_in_dim3A_971 = vector.broadcast %broadcast_in_dim3A_970 : f32 to vector<16xf32>
    %broadcast_in_dim3A_972 = arith.constant 0.000000e+00 : f32
    %broadcast_in_dim3A_973 = vector.broadcast %broadcast_in_dim3A_972 : f32 to vector<16xf32>
    %select_n3A_974 = arith.select %and3A_953, %broadcast_in_dim3A_971, %broadcast_in_dim3A_973 : vector<16xi1>, vector<16xf32>
    %swap3A_975 = arith.constant 2 : i32
    %swap3A_976 = arith.index_cast %swap3A_975 : i32 to index
    %swap3A_977 = arith.constant 48 : index
    %swap3A_978 = tpu.vector_load %arg9[%swap3A_976, %swap3A_977] {strides = array<i32>} : memref<8x128xf32, #tpu.memory_space<vmem>>, vector<1x16xf32>,
    %swap3A_979 = vector.shape_cast %swap3A_978 : vector<1x16xf32> to vector<16xf32>
    %swap3A_980 = vector.shape_cast %select_n3A_974 : vector<16xf32> to vector<1x16xf32>
    tpu.vector_store %arg9[%swap3A_976, %swap3A_977], %swap3A_980 {strides = array<i32>} : memref<8x128xf32, #tpu.memory_space<vmem>>, vector<1x16xf32>,
    %get3A_981 = arith.constant 320 : index
    %get3A_982 = tpu.vector_load %arg6[%get3A_981] {strides = array<i32>} : memref<1024xi32, #tpu.memory_space<vmem>>, vector<16xi32>,
    %get3A_983 = vector.shape_cast %get3A_982 : vector<16xi32> to vector<16xi32>
    %get3A_984 = arith.constant 320 : index
    %get3A_985 = tpu.vector_load %arg7[%get3A_984] {strides = array<i32>} : memref<1024xi32, #tpu.memory_space<vmem>>, vector<16xi32>,
    %get3A_986 = vector.shape_cast %get3A_985 : vector<16xi32> to vector<16xi32>
    %mul3A_987 = arith.constant 1024 : i32
    %mul3A_988 = vector.broadcast %mul3A_987 : i32 to vector<16xi32>
    %mul3A_989 = arith.muli %get3A_983, %mul3A_988 : vector<16xi32>
    %add3A_990 = arith.addi %mul3A_989, %get3A_986 : vector<16xi32>
    %sub3A_991 = vector.broadcast %mul3A_30 : i32 to vector<16xi32>
    %sub3A_992 = arith.subi %add3A_990, %sub3A_991 : vector<16xi32>
    %ge3A_993 = arith.constant 0 : i32
    %ge3A_994 = vector.broadcast %ge3A_993 : i32 to vector<16xi32>
    %ge3A_995 = arith.cmpi sge, %sub3A_992, %ge3A_994 : vector<16xi32>
    %lt3A_996 = arith.constant 524288 : i32
    %lt3A_997 = vector.broadcast %lt3A_996 : i32 to vector<16xi32>
    %lt3A_998 = arith.cmpi slt, %sub3A_992, %lt3A_997 : vector<16xi32>
    %and3A_999 = arith.andi %ge3A_995, %lt3A_998 : vector<16xi1>
    %ne3A_1000 = arith.cmpi ne, %get3A_983, %get3A_986 : vector<16xi32>
    %and3A_1001 = arith.andi %and3A_999, %ne3A_1000 : vector<16xi1>
    %iota3A_1002 = tpu.iota {dimensions = array<i32: 0>} : vector<16xi32>
    %add3A_1003 = vector.broadcast %mul3A_0 : i32 to vector<16xi32>
    %add3A_1004 = arith.addi %iota3A_1002, %add3A_1003 : vector<16xi32>
    %add3A_1005 = arith.constant 256 : i32
    %add3A_1006 = vector.broadcast %add3A_1005 : i32 to vector<16xi32>
    %add3A_1007 = arith.addi %add3A_1004, %add3A_1006 : vector<16xi32>
    %add3A_1008 = arith.constant 64 : i32
    %add3A_1009 = vector.broadcast %add3A_1008 : i32 to vector<16xi32>
    %add3A_1010 = arith.addi %add3A_1007, %add3A_1009 : vector<16xi32>
    %select_n3A_1011 = arith.select %and3A_1001, %sub3A_992, %add3A_1010 : vector<16xi1>, vector<16xi32>
    %swap3A_1012 = arith.constant 2 : i32
    %swap3A_1013 = arith.index_cast %swap3A_1012 : i32 to index
    %swap3A_1014 = arith.constant 64 : index
    %swap3A_1015 = tpu.vector_load %arg8[%swap3A_1013, %swap3A_1014] {strides = array<i32>} : memref<8x128xi32, #tpu.memory_space<vmem>>, vector<1x16xi32>,
    %swap3A_1016 = vector.shape_cast %swap3A_1015 : vector<1x16xi32> to vector<16xi32>
    %swap3A_1017 = vector.shape_cast %select_n3A_1011 : vector<16xi32> to vector<1x16xi32>
    tpu.vector_store %arg8[%swap3A_1013, %swap3A_1014], %swap3A_1017 {strides = array<i32>} : memref<8x128xi32, #tpu.memory_space<vmem>>, vector<1x16xi32>,
    %broadcast_in_dim3A_1018 = arith.constant 1.000000e+00 : f32
    %broadcast_in_dim3A_1019 = vector.broadcast %broadcast_in_dim3A_1018 : f32 to vector<16xf32>
    %broadcast_in_dim3A_1020 = arith.constant 0.000000e+00 : f32
    %broadcast_in_dim3A_1021 = vector.broadcast %broadcast_in_dim3A_1020 : f32 to vector<16xf32>
    %select_n3A_1022 = arith.select %and3A_1001, %broadcast_in_dim3A_1019, %broadcast_in_dim3A_1021 : vector<16xi1>, vector<16xf32>
    %swap3A_1023 = arith.constant 2 : i32
    %swap3A_1024 = arith.index_cast %swap3A_1023 : i32 to index
    %swap3A_1025 = arith.constant 64 : index
    %swap3A_1026 = tpu.vector_load %arg9[%swap3A_1024, %swap3A_1025] {strides = array<i32>} : memref<8x128xf32, #tpu.memory_space<vmem>>, vector<1x16xf32>,
    %swap3A_1027 = vector.shape_cast %swap3A_1026 : vector<1x16xf32> to vector<16xf32>
    %swap3A_1028 = vector.shape_cast %select_n3A_1022 : vector<16xf32> to vector<1x16xf32>
    tpu.vector_store %arg9[%swap3A_1024, %swap3A_1025], %swap3A_1028 {strides = array<i32>} : memref<8x128xf32, #tpu.memory_space<vmem>>, vector<1x16xf32>,
    %get3A_1029 = arith.constant 336 : index
    %get3A_1030 = tpu.vector_load %arg6[%get3A_1029] {strides = array<i32>} : memref<1024xi32, #tpu.memory_space<vmem>>, vector<16xi32>,
    %get3A_1031 = vector.shape_cast %get3A_1030 : vector<16xi32> to vector<16xi32>
    %get3A_1032 = arith.constant 336 : index
    %get3A_1033 = tpu.vector_load %arg7[%get3A_1032] {strides = array<i32>} : memref<1024xi32, #tpu.memory_space<vmem>>, vector<16xi32>,
    %get3A_1034 = vector.shape_cast %get3A_1033 : vector<16xi32> to vector<16xi32>
    %mul3A_1035 = arith.constant 1024 : i32
    %mul3A_1036 = vector.broadcast %mul3A_1035 : i32 to vector<16xi32>
    %mul3A_1037 = arith.muli %get3A_1031, %mul3A_1036 : vector<16xi32>
    %add3A_1038 = arith.addi %mul3A_1037, %get3A_1034 : vector<16xi32>
    %sub3A_1039 = vector.broadcast %mul3A_30 : i32 to vector<16xi32>
    %sub3A_1040 = arith.subi %add3A_1038, %sub3A_1039 : vector<16xi32>
    %ge3A_1041 = arith.constant 0 : i32
    %ge3A_1042 = vector.broadcast %ge3A_1041 : i32 to vector<16xi32>
    %ge3A_1043 = arith.cmpi sge, %sub3A_1040, %ge3A_1042 : vector<16xi32>
    %lt3A_1044 = arith.constant 524288 : i32
    %lt3A_1045 = vector.broadcast %lt3A_1044 : i32 to vector<16xi32>
    %lt3A_1046 = arith.cmpi slt, %sub3A_1040, %lt3A_1045 : vector<16xi32>
    %and3A_1047 = arith.andi %ge3A_1043, %lt3A_1046 : vector<16xi1>
    %ne3A_1048 = arith.cmpi ne, %get3A_1031, %get3A_1034 : vector<16xi32>
    %and3A_1049 = arith.andi %and3A_1047, %ne3A_1048 : vector<16xi1>
    %iota3A_1050 = tpu.iota {dimensions = array<i32: 0>} : vector<16xi32>
    %add3A_1051 = vector.broadcast %mul3A_0 : i32 to vector<16xi32>
    %add3A_1052 = arith.addi %iota3A_1050, %add3A_1051 : vector<16xi32>
    %add3A_1053 = arith.constant 256 : i32
    %add3A_1054 = vector.broadcast %add3A_1053 : i32 to vector<16xi32>
    %add3A_1055 = arith.addi %add3A_1052, %add3A_1054 : vector<16xi32>
    %add3A_1056 = arith.constant 80 : i32
    %add3A_1057 = vector.broadcast %add3A_1056 : i32 to vector<16xi32>
    %add3A_1058 = arith.addi %add3A_1055, %add3A_1057 : vector<16xi32>
    %select_n3A_1059 = arith.select %and3A_1049, %sub3A_1040, %add3A_1058 : vector<16xi1>, vector<16xi32>
    %swap3A_1060 = arith.constant 2 : i32
    %swap3A_1061 = arith.index_cast %swap3A_1060 : i32 to index
    %swap3A_1062 = arith.constant 80 : index
    %swap3A_1063 = tpu.vector_load %arg8[%swap3A_1061, %swap3A_1062] {strides = array<i32>} : memref<8x128xi32, #tpu.memory_space<vmem>>, vector<1x16xi32>,
    %swap3A_1064 = vector.shape_cast %swap3A_1063 : vector<1x16xi32> to vector<16xi32>
    %swap3A_1065 = vector.shape_cast %select_n3A_1059 : vector<16xi32> to vector<1x16xi32>
    tpu.vector_store %arg8[%swap3A_1061, %swap3A_1062], %swap3A_1065 {strides = array<i32>} : memref<8x128xi32, #tpu.memory_space<vmem>>, vector<1x16xi32>,
    %broadcast_in_dim3A_1066 = arith.constant 1.000000e+00 : f32
    %broadcast_in_dim3A_1067 = vector.broadcast %broadcast_in_dim3A_1066 : f32 to vector<16xf32>
    %broadcast_in_dim3A_1068 = arith.constant 0.000000e+00 : f32
    %broadcast_in_dim3A_1069 = vector.broadcast %broadcast_in_dim3A_1068 : f32 to vector<16xf32>
    %select_n3A_1070 = arith.select %and3A_1049, %broadcast_in_dim3A_1067, %broadcast_in_dim3A_1069 : vector<16xi1>, vector<16xf32>
    %swap3A_1071 = arith.constant 2 : i32
    %swap3A_1072 = arith.index_cast %swap3A_1071 : i32 to index
    %swap3A_1073 = arith.constant 80 : index
    %swap3A_1074 = tpu.vector_load %arg9[%swap3A_1072, %swap3A_1073] {strides = array<i32>} : memref<8x128xf32, #tpu.memory_space<vmem>>, vector<1x16xf32>,
    %swap3A_1075 = vector.shape_cast %swap3A_1074 : vector<1x16xf32> to vector<16xf32>
    %swap3A_1076 = vector.shape_cast %select_n3A_1070 : vector<16xf32> to vector<1x16xf32>
    tpu.vector_store %arg9[%swap3A_1072, %swap3A_1073], %swap3A_1076 {strides = array<i32>} : memref<8x128xf32, #tpu.memory_space<vmem>>, vector<1x16xf32>,
    %get3A_1077 = arith.constant 352 : index
    %get3A_1078 = tpu.vector_load %arg6[%get3A_1077] {strides = array<i32>} : memref<1024xi32, #tpu.memory_space<vmem>>, vector<16xi32>,
    %get3A_1079 = vector.shape_cast %get3A_1078 : vector<16xi32> to vector<16xi32>
    %get3A_1080 = arith.constant 352 : index
    %get3A_1081 = tpu.vector_load %arg7[%get3A_1080] {strides = array<i32>} : memref<1024xi32, #tpu.memory_space<vmem>>, vector<16xi32>,
    %get3A_1082 = vector.shape_cast %get3A_1081 : vector<16xi32> to vector<16xi32>
    %mul3A_1083 = arith.constant 1024 : i32
    %mul3A_1084 = vector.broadcast %mul3A_1083 : i32 to vector<16xi32>
    %mul3A_1085 = arith.muli %get3A_1079, %mul3A_1084 : vector<16xi32>
    %add3A_1086 = arith.addi %mul3A_1085, %get3A_1082 : vector<16xi32>
    %sub3A_1087 = vector.broadcast %mul3A_30 : i32 to vector<16xi32>
    %sub3A_1088 = arith.subi %add3A_1086, %sub3A_1087 : vector<16xi32>
    %ge3A_1089 = arith.constant 0 : i32
    %ge3A_1090 = vector.broadcast %ge3A_1089 : i32 to vector<16xi32>
    %ge3A_1091 = arith.cmpi sge, %sub3A_1088, %ge3A_1090 : vector<16xi32>
    %lt3A_1092 = arith.constant 524288 : i32
    %lt3A_1093 = vector.broadcast %lt3A_1092 : i32 to vector<16xi32>
    %lt3A_1094 = arith.cmpi slt, %sub3A_1088, %lt3A_1093 : vector<16xi32>
    %and3A_1095 = arith.andi %ge3A_1091, %lt3A_1094 : vector<16xi1>
    %ne3A_1096 = arith.cmpi ne, %get3A_1079, %get3A_1082 : vector<16xi32>
    %and3A_1097 = arith.andi %and3A_1095, %ne3A_1096 : vector<16xi1>
    %iota3A_1098 = tpu.iota {dimensions = array<i32: 0>} : vector<16xi32>
    %add3A_1099 = vector.broadcast %mul3A_0 : i32 to vector<16xi32>
    %add3A_1100 = arith.addi %iota3A_1098, %add3A_1099 : vector<16xi32>
    %add3A_1101 = arith.constant 256 : i32
    %add3A_1102 = vector.broadcast %add3A_1101 : i32 to vector<16xi32>
    %add3A_1103 = arith.addi %add3A_1100, %add3A_1102 : vector<16xi32>
    %add3A_1104 = arith.constant 96 : i32
    %add3A_1105 = vector.broadcast %add3A_1104 : i32 to vector<16xi32>
    %add3A_1106 = arith.addi %add3A_1103, %add3A_1105 : vector<16xi32>
    %select_n3A_1107 = arith.select %and3A_1097, %sub3A_1088, %add3A_1106 : vector<16xi1>, vector<16xi32>
    %swap3A_1108 = arith.constant 2 : i32
    %swap3A_1109 = arith.index_cast %swap3A_1108 : i32 to index
    %swap3A_1110 = arith.constant 96 : index
    %swap3A_1111 = tpu.vector_load %arg8[%swap3A_1109, %swap3A_1110] {strides = array<i32>} : memref<8x128xi32, #tpu.memory_space<vmem>>, vector<1x16xi32>,
    %swap3A_1112 = vector.shape_cast %swap3A_1111 : vector<1x16xi32> to vector<16xi32>
    %swap3A_1113 = vector.shape_cast %select_n3A_1107 : vector<16xi32> to vector<1x16xi32>
    tpu.vector_store %arg8[%swap3A_1109, %swap3A_1110], %swap3A_1113 {strides = array<i32>} : memref<8x128xi32, #tpu.memory_space<vmem>>, vector<1x16xi32>,
    %broadcast_in_dim3A_1114 = arith.constant 1.000000e+00 : f32
    %broadcast_in_dim3A_1115 = vector.broadcast %broadcast_in_dim3A_1114 : f32 to vector<16xf32>
    %broadcast_in_dim3A_1116 = arith.constant 0.000000e+00 : f32
    %broadcast_in_dim3A_1117 = vector.broadcast %broadcast_in_dim3A_1116 : f32 to vector<16xf32>
    %select_n3A_1118 = arith.select %and3A_1097, %broadcast_in_dim3A_1115, %broadcast_in_dim3A_1117 : vector<16xi1>, vector<16xf32>
    %swap3A_1119 = arith.constant 2 : i32
    %swap3A_1120 = arith.index_cast %swap3A_1119 : i32 to index
    %swap3A_1121 = arith.constant 96 : index
    %swap3A_1122 = tpu.vector_load %arg9[%swap3A_1120, %swap3A_1121] {strides = array<i32>} : memref<8x128xf32, #tpu.memory_space<vmem>>, vector<1x16xf32>,
    %swap3A_1123 = vector.shape_cast %swap3A_1122 : vector<1x16xf32> to vector<16xf32>
    %swap3A_1124 = vector.shape_cast %select_n3A_1118 : vector<16xf32> to vector<1x16xf32>
    tpu.vector_store %arg9[%swap3A_1120, %swap3A_1121], %swap3A_1124 {strides = array<i32>} : memref<8x128xf32, #tpu.memory_space<vmem>>, vector<1x16xf32>,
    %get3A_1125 = arith.constant 368 : index
    %get3A_1126 = tpu.vector_load %arg6[%get3A_1125] {strides = array<i32>} : memref<1024xi32, #tpu.memory_space<vmem>>, vector<16xi32>,
    %get3A_1127 = vector.shape_cast %get3A_1126 : vector<16xi32> to vector<16xi32>
    %get3A_1128 = arith.constant 368 : index
    %get3A_1129 = tpu.vector_load %arg7[%get3A_1128] {strides = array<i32>} : memref<1024xi32, #tpu.memory_space<vmem>>, vector<16xi32>,
    %get3A_1130 = vector.shape_cast %get3A_1129 : vector<16xi32> to vector<16xi32>
    %mul3A_1131 = arith.constant 1024 : i32
    %mul3A_1132 = vector.broadcast %mul3A_1131 : i32 to vector<16xi32>
    %mul3A_1133 = arith.muli %get3A_1127, %mul3A_1132 : vector<16xi32>
    %add3A_1134 = arith.addi %mul3A_1133, %get3A_1130 : vector<16xi32>
    %sub3A_1135 = vector.broadcast %mul3A_30 : i32 to vector<16xi32>
    %sub3A_1136 = arith.subi %add3A_1134, %sub3A_1135 : vector<16xi32>
    %ge3A_1137 = arith.constant 0 : i32
    %ge3A_1138 = vector.broadcast %ge3A_1137 : i32 to vector<16xi32>
    %ge3A_1139 = arith.cmpi sge, %sub3A_1136, %ge3A_1138 : vector<16xi32>
    %lt3A_1140 = arith.constant 524288 : i32
    %lt3A_1141 = vector.broadcast %lt3A_1140 : i32 to vector<16xi32>
    %lt3A_1142 = arith.cmpi slt, %sub3A_1136, %lt3A_1141 : vector<16xi32>
    %and3A_1143 = arith.andi %ge3A_1139, %lt3A_1142 : vector<16xi1>
    %ne3A_1144 = arith.cmpi ne, %get3A_1127, %get3A_1130 : vector<16xi32>
    %and3A_1145 = arith.andi %and3A_1143, %ne3A_1144 : vector<16xi1>
    %iota3A_1146 = tpu.iota {dimensions = array<i32: 0>} : vector<16xi32>
    %add3A_1147 = vector.broadcast %mul3A_0 : i32 to vector<16xi32>
    %add3A_1148 = arith.addi %iota3A_1146, %add3A_1147 : vector<16xi32>
    %add3A_1149 = arith.constant 256 : i32
    %add3A_1150 = vector.broadcast %add3A_1149 : i32 to vector<16xi32>
    %add3A_1151 = arith.addi %add3A_1148, %add3A_1150 : vector<16xi32>
    %add3A_1152 = arith.constant 112 : i32
    %add3A_1153 = vector.broadcast %add3A_1152 : i32 to vector<16xi32>
    %add3A_1154 = arith.addi %add3A_1151, %add3A_1153 : vector<16xi32>
    %select_n3A_1155 = arith.select %and3A_1145, %sub3A_1136, %add3A_1154 : vector<16xi1>, vector<16xi32>
    %swap3A_1156 = arith.constant 2 : i32
    %swap3A_1157 = arith.index_cast %swap3A_1156 : i32 to index
    %swap3A_1158 = arith.constant 112 : index
    %swap3A_1159 = tpu.vector_load %arg8[%swap3A_1157, %swap3A_1158] {strides = array<i32>} : memref<8x128xi32, #tpu.memory_space<vmem>>, vector<1x16xi32>,
    %swap3A_1160 = vector.shape_cast %swap3A_1159 : vector<1x16xi32> to vector<16xi32>
    %swap3A_1161 = vector.shape_cast %select_n3A_1155 : vector<16xi32> to vector<1x16xi32>
    tpu.vector_store %arg8[%swap3A_1157, %swap3A_1158], %swap3A_1161 {strides = array<i32>} : memref<8x128xi32, #tpu.memory_space<vmem>>, vector<1x16xi32>,
    %broadcast_in_dim3A_1162 = arith.constant 1.000000e+00 : f32
    %broadcast_in_dim3A_1163 = vector.broadcast %broadcast_in_dim3A_1162 : f32 to vector<16xf32>
    %broadcast_in_dim3A_1164 = arith.constant 0.000000e+00 : f32
    %broadcast_in_dim3A_1165 = vector.broadcast %broadcast_in_dim3A_1164 : f32 to vector<16xf32>
    %select_n3A_1166 = arith.select %and3A_1145, %broadcast_in_dim3A_1163, %broadcast_in_dim3A_1165 : vector<16xi1>, vector<16xf32>
    %swap3A_1167 = arith.constant 2 : i32
    %swap3A_1168 = arith.index_cast %swap3A_1167 : i32 to index
    %swap3A_1169 = arith.constant 112 : index
    %swap3A_1170 = tpu.vector_load %arg9[%swap3A_1168, %swap3A_1169] {strides = array<i32>} : memref<8x128xf32, #tpu.memory_space<vmem>>, vector<1x16xf32>,
    %swap3A_1171 = vector.shape_cast %swap3A_1170 : vector<1x16xf32> to vector<16xf32>
    %swap3A_1172 = vector.shape_cast %select_n3A_1166 : vector<16xf32> to vector<1x16xf32>
    tpu.vector_store %arg9[%swap3A_1168, %swap3A_1169], %swap3A_1172 {strides = array<i32>} : memref<8x128xf32, #tpu.memory_space<vmem>>, vector<1x16xf32>,
    %get3A_1173 = arith.constant 384 : index
    %get3A_1174 = tpu.vector_load %arg6[%get3A_1173] {strides = array<i32>} : memref<1024xi32, #tpu.memory_space<vmem>>, vector<16xi32>,
    %get3A_1175 = vector.shape_cast %get3A_1174 : vector<16xi32> to vector<16xi32>
    %get3A_1176 = arith.constant 384 : index
    %get3A_1177 = tpu.vector_load %arg7[%get3A_1176] {strides = array<i32>} : memref<1024xi32, #tpu.memory_space<vmem>>, vector<16xi32>,
    %get3A_1178 = vector.shape_cast %get3A_1177 : vector<16xi32> to vector<16xi32>
    %mul3A_1179 = arith.constant 1024 : i32
    %mul3A_1180 = vector.broadcast %mul3A_1179 : i32 to vector<16xi32>
    %mul3A_1181 = arith.muli %get3A_1175, %mul3A_1180 : vector<16xi32>
    %add3A_1182 = arith.addi %mul3A_1181, %get3A_1178 : vector<16xi32>
    %sub3A_1183 = vector.broadcast %mul3A_30 : i32 to vector<16xi32>
    %sub3A_1184 = arith.subi %add3A_1182, %sub3A_1183 : vector<16xi32>
    %ge3A_1185 = arith.constant 0 : i32
    %ge3A_1186 = vector.broadcast %ge3A_1185 : i32 to vector<16xi32>
    %ge3A_1187 = arith.cmpi sge, %sub3A_1184, %ge3A_1186 : vector<16xi32>
    %lt3A_1188 = arith.constant 524288 : i32
    %lt3A_1189 = vector.broadcast %lt3A_1188 : i32 to vector<16xi32>
    %lt3A_1190 = arith.cmpi slt, %sub3A_1184, %lt3A_1189 : vector<16xi32>
    %and3A_1191 = arith.andi %ge3A_1187, %lt3A_1190 : vector<16xi1>
    %ne3A_1192 = arith.cmpi ne, %get3A_1175, %get3A_1178 : vector<16xi32>
    %and3A_1193 = arith.andi %and3A_1191, %ne3A_1192 : vector<16xi1>
    %iota3A_1194 = tpu.iota {dimensions = array<i32: 0>} : vector<16xi32>
    %add3A_1195 = vector.broadcast %mul3A_0 : i32 to vector<16xi32>
    %add3A_1196 = arith.addi %iota3A_1194, %add3A_1195 : vector<16xi32>
    %add3A_1197 = arith.constant 384 : i32
    %add3A_1198 = vector.broadcast %add3A_1197 : i32 to vector<16xi32>
    %add3A_1199 = arith.addi %add3A_1196, %add3A_1198 : vector<16xi32>
    %add3A_1200 = arith.constant 0 : i32
    %add3A_1201 = vector.broadcast %add3A_1200 : i32 to vector<16xi32>
    %add3A_1202 = arith.addi %add3A_1199, %add3A_1201 : vector<16xi32>
    %select_n3A_1203 = arith.select %and3A_1193, %sub3A_1184, %add3A_1202 : vector<16xi1>, vector<16xi32>
    %swap3A_1204 = arith.constant 3 : i32
    %swap3A_1205 = arith.index_cast %swap3A_1204 : i32 to index
    %swap3A_1206 = arith.constant 0 : index
    %swap3A_1207 = tpu.vector_load %arg8[%swap3A_1205, %swap3A_1206] {strides = array<i32>} : memref<8x128xi32, #tpu.memory_space<vmem>>, vector<1x16xi32>,
    %swap3A_1208 = vector.shape_cast %swap3A_1207 : vector<1x16xi32> to vector<16xi32>
    %swap3A_1209 = vector.shape_cast %select_n3A_1203 : vector<16xi32> to vector<1x16xi32>
    tpu.vector_store %arg8[%swap3A_1205, %swap3A_1206], %swap3A_1209 {strides = array<i32>} : memref<8x128xi32, #tpu.memory_space<vmem>>, vector<1x16xi32>,
    %broadcast_in_dim3A_1210 = arith.constant 1.000000e+00 : f32
    %broadcast_in_dim3A_1211 = vector.broadcast %broadcast_in_dim3A_1210 : f32 to vector<16xf32>
    %broadcast_in_dim3A_1212 = arith.constant 0.000000e+00 : f32
    %broadcast_in_dim3A_1213 = vector.broadcast %broadcast_in_dim3A_1212 : f32 to vector<16xf32>
    %select_n3A_1214 = arith.select %and3A_1193, %broadcast_in_dim3A_1211, %broadcast_in_dim3A_1213 : vector<16xi1>, vector<16xf32>
    %swap3A_1215 = arith.constant 3 : i32
    %swap3A_1216 = arith.index_cast %swap3A_1215 : i32 to index
    %swap3A_1217 = arith.constant 0 : index
    %swap3A_1218 = tpu.vector_load %arg9[%swap3A_1216, %swap3A_1217] {strides = array<i32>} : memref<8x128xf32, #tpu.memory_space<vmem>>, vector<1x16xf32>,
    %swap3A_1219 = vector.shape_cast %swap3A_1218 : vector<1x16xf32> to vector<16xf32>
    %swap3A_1220 = vector.shape_cast %select_n3A_1214 : vector<16xf32> to vector<1x16xf32>
    tpu.vector_store %arg9[%swap3A_1216, %swap3A_1217], %swap3A_1220 {strides = array<i32>} : memref<8x128xf32, #tpu.memory_space<vmem>>, vector<1x16xf32>,
    %get3A_1221 = arith.constant 400 : index
    %get3A_1222 = tpu.vector_load %arg6[%get3A_1221] {strides = array<i32>} : memref<1024xi32, #tpu.memory_space<vmem>>, vector<16xi32>,
    %get3A_1223 = vector.shape_cast %get3A_1222 : vector<16xi32> to vector<16xi32>
    %get3A_1224 = arith.constant 400 : index
    %get3A_1225 = tpu.vector_load %arg7[%get3A_1224] {strides = array<i32>} : memref<1024xi32, #tpu.memory_space<vmem>>, vector<16xi32>,
    %get3A_1226 = vector.shape_cast %get3A_1225 : vector<16xi32> to vector<16xi32>
    %mul3A_1227 = arith.constant 1024 : i32
    %mul3A_1228 = vector.broadcast %mul3A_1227 : i32 to vector<16xi32>
    %mul3A_1229 = arith.muli %get3A_1223, %mul3A_1228 : vector<16xi32>
    %add3A_1230 = arith.addi %mul3A_1229, %get3A_1226 : vector<16xi32>
    %sub3A_1231 = vector.broadcast %mul3A_30 : i32 to vector<16xi32>
    %sub3A_1232 = arith.subi %add3A_1230, %sub3A_1231 : vector<16xi32>
    %ge3A_1233 = arith.constant 0 : i32
    %ge3A_1234 = vector.broadcast %ge3A_1233 : i32 to vector<16xi32>
    %ge3A_1235 = arith.cmpi sge, %sub3A_1232, %ge3A_1234 : vector<16xi32>
    %lt3A_1236 = arith.constant 524288 : i32
    %lt3A_1237 = vector.broadcast %lt3A_1236 : i32 to vector<16xi32>
    %lt3A_1238 = arith.cmpi slt, %sub3A_1232, %lt3A_1237 : vector<16xi32>
    %and3A_1239 = arith.andi %ge3A_1235, %lt3A_1238 : vector<16xi1>
    %ne3A_1240 = arith.cmpi ne, %get3A_1223, %get3A_1226 : vector<16xi32>
    %and3A_1241 = arith.andi %and3A_1239, %ne3A_1240 : vector<16xi1>
    %iota3A_1242 = tpu.iota {dimensions = array<i32: 0>} : vector<16xi32>
    %add3A_1243 = vector.broadcast %mul3A_0 : i32 to vector<16xi32>
    %add3A_1244 = arith.addi %iota3A_1242, %add3A_1243 : vector<16xi32>
    %add3A_1245 = arith.constant 384 : i32
    %add3A_1246 = vector.broadcast %add3A_1245 : i32 to vector<16xi32>
    %add3A_1247 = arith.addi %add3A_1244, %add3A_1246 : vector<16xi32>
    %add3A_1248 = arith.constant 16 : i32
    %add3A_1249 = vector.broadcast %add3A_1248 : i32 to vector<16xi32>
    %add3A_1250 = arith.addi %add3A_1247, %add3A_1249 : vector<16xi32>
    %select_n3A_1251 = arith.select %and3A_1241, %sub3A_1232, %add3A_1250 : vector<16xi1>, vector<16xi32>
    %swap3A_1252 = arith.constant 3 : i32
    %swap3A_1253 = arith.index_cast %swap3A_1252 : i32 to index
    %swap3A_1254 = arith.constant 16 : index
    %swap3A_1255 = tpu.vector_load %arg8[%swap3A_1253, %swap3A_1254] {strides = array<i32>} : memref<8x128xi32, #tpu.memory_space<vmem>>, vector<1x16xi32>,
    %swap3A_1256 = vector.shape_cast %swap3A_1255 : vector<1x16xi32> to vector<16xi32>
    %swap3A_1257 = vector.shape_cast %select_n3A_1251 : vector<16xi32> to vector<1x16xi32>
    tpu.vector_store %arg8[%swap3A_1253, %swap3A_1254], %swap3A_1257 {strides = array<i32>} : memref<8x128xi32, #tpu.memory_space<vmem>>, vector<1x16xi32>,
    %broadcast_in_dim3A_1258 = arith.constant 1.000000e+00 : f32
    %broadcast_in_dim3A_1259 = vector.broadcast %broadcast_in_dim3A_1258 : f32 to vector<16xf32>
    %broadcast_in_dim3A_1260 = arith.constant 0.000000e+00 : f32
    %broadcast_in_dim3A_1261 = vector.broadcast %broadcast_in_dim3A_1260 : f32 to vector<16xf32>
    %select_n3A_1262 = arith.select %and3A_1241, %broadcast_in_dim3A_1259, %broadcast_in_dim3A_1261 : vector<16xi1>, vector<16xf32>
    %swap3A_1263 = arith.constant 3 : i32
    %swap3A_1264 = arith.index_cast %swap3A_1263 : i32 to index
    %swap3A_1265 = arith.constant 16 : index
    %swap3A_1266 = tpu.vector_load %arg9[%swap3A_1264, %swap3A_1265] {strides = array<i32>} : memref<8x128xf32, #tpu.memory_space<vmem>>, vector<1x16xf32>,
    %swap3A_1267 = vector.shape_cast %swap3A_1266 : vector<1x16xf32> to vector<16xf32>
    %swap3A_1268 = vector.shape_cast %select_n3A_1262 : vector<16xf32> to vector<1x16xf32>
    tpu.vector_store %arg9[%swap3A_1264, %swap3A_1265], %swap3A_1268 {strides = array<i32>} : memref<8x128xf32, #tpu.memory_space<vmem>>, vector<1x16xf32>,
    %get3A_1269 = arith.constant 416 : index
    %get3A_1270 = tpu.vector_load %arg6[%get3A_1269] {strides = array<i32>} : memref<1024xi32, #tpu.memory_space<vmem>>, vector<16xi32>,
    %get3A_1271 = vector.shape_cast %get3A_1270 : vector<16xi32> to vector<16xi32>
    %get3A_1272 = arith.constant 416 : index
    %get3A_1273 = tpu.vector_load %arg7[%get3A_1272] {strides = array<i32>} : memref<1024xi32, #tpu.memory_space<vmem>>, vector<16xi32>,
    %get3A_1274 = vector.shape_cast %get3A_1273 : vector<16xi32> to vector<16xi32>
    %mul3A_1275 = arith.constant 1024 : i32
    %mul3A_1276 = vector.broadcast %mul3A_1275 : i32 to vector<16xi32>
    %mul3A_1277 = arith.muli %get3A_1271, %mul3A_1276 : vector<16xi32>
    %add3A_1278 = arith.addi %mul3A_1277, %get3A_1274 : vector<16xi32>
    %sub3A_1279 = vector.broadcast %mul3A_30 : i32 to vector<16xi32>
    %sub3A_1280 = arith.subi %add3A_1278, %sub3A_1279 : vector<16xi32>
    %ge3A_1281 = arith.constant 0 : i32
    %ge3A_1282 = vector.broadcast %ge3A_1281 : i32 to vector<16xi32>
    %ge3A_1283 = arith.cmpi sge, %sub3A_1280, %ge3A_1282 : vector<16xi32>
    %lt3A_1284 = arith.constant 524288 : i32
    %lt3A_1285 = vector.broadcast %lt3A_1284 : i32 to vector<16xi32>
    %lt3A_1286 = arith.cmpi slt, %sub3A_1280, %lt3A_1285 : vector<16xi32>
    %and3A_1287 = arith.andi %ge3A_1283, %lt3A_1286 : vector<16xi1>
    %ne3A_1288 = arith.cmpi ne, %get3A_1271, %get3A_1274 : vector<16xi32>
    %and3A_1289 = arith.andi %and3A_1287, %ne3A_1288 : vector<16xi1>
    %iota3A_1290 = tpu.iota {dimensions = array<i32: 0>} : vector<16xi32>
    %add3A_1291 = vector.broadcast %mul3A_0 : i32 to vector<16xi32>
    %add3A_1292 = arith.addi %iota3A_1290, %add3A_1291 : vector<16xi32>
    %add3A_1293 = arith.constant 384 : i32
    %add3A_1294 = vector.broadcast %add3A_1293 : i32 to vector<16xi32>
    %add3A_1295 = arith.addi %add3A_1292, %add3A_1294 : vector<16xi32>
    %add3A_1296 = arith.constant 32 : i32
    %add3A_1297 = vector.broadcast %add3A_1296 : i32 to vector<16xi32>
    %add3A_1298 = arith.addi %add3A_1295, %add3A_1297 : vector<16xi32>
    %select_n3A_1299 = arith.select %and3A_1289, %sub3A_1280, %add3A_1298 : vector<16xi1>, vector<16xi32>
    %swap3A_1300 = arith.constant 3 : i32
    %swap3A_1301 = arith.index_cast %swap3A_1300 : i32 to index
    %swap3A_1302 = arith.constant 32 : index
    %swap3A_1303 = tpu.vector_load %arg8[%swap3A_1301, %swap3A_1302] {strides = array<i32>} : memref<8x128xi32, #tpu.memory_space<vmem>>, vector<1x16xi32>,
    %swap3A_1304 = vector.shape_cast %swap3A_1303 : vector<1x16xi32> to vector<16xi32>
    %swap3A_1305 = vector.shape_cast %select_n3A_1299 : vector<16xi32> to vector<1x16xi32>
    tpu.vector_store %arg8[%swap3A_1301, %swap3A_1302], %swap3A_1305 {strides = array<i32>} : memref<8x128xi32, #tpu.memory_space<vmem>>, vector<1x16xi32>,
    %broadcast_in_dim3A_1306 = arith.constant 1.000000e+00 : f32
    %broadcast_in_dim3A_1307 = vector.broadcast %broadcast_in_dim3A_1306 : f32 to vector<16xf32>
    %broadcast_in_dim3A_1308 = arith.constant 0.000000e+00 : f32
    %broadcast_in_dim3A_1309 = vector.broadcast %broadcast_in_dim3A_1308 : f32 to vector<16xf32>
    %select_n3A_1310 = arith.select %and3A_1289, %broadcast_in_dim3A_1307, %broadcast_in_dim3A_1309 : vector<16xi1>, vector<16xf32>
    %swap3A_1311 = arith.constant 3 : i32
    %swap3A_1312 = arith.index_cast %swap3A_1311 : i32 to index
    %swap3A_1313 = arith.constant 32 : index
    %swap3A_1314 = tpu.vector_load %arg9[%swap3A_1312, %swap3A_1313] {strides = array<i32>} : memref<8x128xf32, #tpu.memory_space<vmem>>, vector<1x16xf32>,
    %swap3A_1315 = vector.shape_cast %swap3A_1314 : vector<1x16xf32> to vector<16xf32>
    %swap3A_1316 = vector.shape_cast %select_n3A_1310 : vector<16xf32> to vector<1x16xf32>
    tpu.vector_store %arg9[%swap3A_1312, %swap3A_1313], %swap3A_1316 {strides = array<i32>} : memref<8x128xf32, #tpu.memory_space<vmem>>, vector<1x16xf32>,
    %get3A_1317 = arith.constant 432 : index
    %get3A_1318 = tpu.vector_load %arg6[%get3A_1317] {strides = array<i32>} : memref<1024xi32, #tpu.memory_space<vmem>>, vector<16xi32>,
    %get3A_1319 = vector.shape_cast %get3A_1318 : vector<16xi32> to vector<16xi32>
    %get3A_1320 = arith.constant 432 : index
    %get3A_1321 = tpu.vector_load %arg7[%get3A_1320] {strides = array<i32>} : memref<1024xi32, #tpu.memory_space<vmem>>, vector<16xi32>,
    %get3A_1322 = vector.shape_cast %get3A_1321 : vector<16xi32> to vector<16xi32>
    %mul3A_1323 = arith.constant 1024 : i32
    %mul3A_1324 = vector.broadcast %mul3A_1323 : i32 to vector<16xi32>
    %mul3A_1325 = arith.muli %get3A_1319, %mul3A_1324 : vector<16xi32>
    %add3A_1326 = arith.addi %mul3A_1325, %get3A_1322 : vector<16xi32>
    %sub3A_1327 = vector.broadcast %mul3A_30 : i32 to vector<16xi32>
    %sub3A_1328 = arith.subi %add3A_1326, %sub3A_1327 : vector<16xi32>
    %ge3A_1329 = arith.constant 0 : i32
    %ge3A_1330 = vector.broadcast %ge3A_1329 : i32 to vector<16xi32>
    %ge3A_1331 = arith.cmpi sge, %sub3A_1328, %ge3A_1330 : vector<16xi32>
    %lt3A_1332 = arith.constant 524288 : i32
    %lt3A_1333 = vector.broadcast %lt3A_1332 : i32 to vector<16xi32>
    %lt3A_1334 = arith.cmpi slt, %sub3A_1328, %lt3A_1333 : vector<16xi32>
    %and3A_1335 = arith.andi %ge3A_1331, %lt3A_1334 : vector<16xi1>
    %ne3A_1336 = arith.cmpi ne, %get3A_1319, %get3A_1322 : vector<16xi32>
    %and3A_1337 = arith.andi %and3A_1335, %ne3A_1336 : vector<16xi1>
    %iota3A_1338 = tpu.iota {dimensions = array<i32: 0>} : vector<16xi32>
    %add3A_1339 = vector.broadcast %mul3A_0 : i32 to vector<16xi32>
    %add3A_1340 = arith.addi %iota3A_1338, %add3A_1339 : vector<16xi32>
    %add3A_1341 = arith.constant 384 : i32
    %add3A_1342 = vector.broadcast %add3A_1341 : i32 to vector<16xi32>
    %add3A_1343 = arith.addi %add3A_1340, %add3A_1342 : vector<16xi32>
    %add3A_1344 = arith.constant 48 : i32
    %add3A_1345 = vector.broadcast %add3A_1344 : i32 to vector<16xi32>
    %add3A_1346 = arith.addi %add3A_1343, %add3A_1345 : vector<16xi32>
    %select_n3A_1347 = arith.select %and3A_1337, %sub3A_1328, %add3A_1346 : vector<16xi1>, vector<16xi32>
    %swap3A_1348 = arith.constant 3 : i32
    %swap3A_1349 = arith.index_cast %swap3A_1348 : i32 to index
    %swap3A_1350 = arith.constant 48 : index
    %swap3A_1351 = tpu.vector_load %arg8[%swap3A_1349, %swap3A_1350] {strides = array<i32>} : memref<8x128xi32, #tpu.memory_space<vmem>>, vector<1x16xi32>,
    %swap3A_1352 = vector.shape_cast %swap3A_1351 : vector<1x16xi32> to vector<16xi32>
    %swap3A_1353 = vector.shape_cast %select_n3A_1347 : vector<16xi32> to vector<1x16xi32>
    tpu.vector_store %arg8[%swap3A_1349, %swap3A_1350], %swap3A_1353 {strides = array<i32>} : memref<8x128xi32, #tpu.memory_space<vmem>>, vector<1x16xi32>,
    %broadcast_in_dim3A_1354 = arith.constant 1.000000e+00 : f32
    %broadcast_in_dim3A_1355 = vector.broadcast %broadcast_in_dim3A_1354 : f32 to vector<16xf32>
    %broadcast_in_dim3A_1356 = arith.constant 0.000000e+00 : f32
    %broadcast_in_dim3A_1357 = vector.broadcast %broadcast_in_dim3A_1356 : f32 to vector<16xf32>
    %select_n3A_1358 = arith.select %and3A_1337, %broadcast_in_dim3A_1355, %broadcast_in_dim3A_1357 : vector<16xi1>, vector<16xf32>
    %swap3A_1359 = arith.constant 3 : i32
    %swap3A_1360 = arith.index_cast %swap3A_1359 : i32 to index
    %swap3A_1361 = arith.constant 48 : index
    %swap3A_1362 = tpu.vector_load %arg9[%swap3A_1360, %swap3A_1361] {strides = array<i32>} : memref<8x128xf32, #tpu.memory_space<vmem>>, vector<1x16xf32>,
    %swap3A_1363 = vector.shape_cast %swap3A_1362 : vector<1x16xf32> to vector<16xf32>
    %swap3A_1364 = vector.shape_cast %select_n3A_1358 : vector<16xf32> to vector<1x16xf32>
    tpu.vector_store %arg9[%swap3A_1360, %swap3A_1361], %swap3A_1364 {strides = array<i32>} : memref<8x128xf32, #tpu.memory_space<vmem>>, vector<1x16xf32>,
    %get3A_1365 = arith.constant 448 : index
    %get3A_1366 = tpu.vector_load %arg6[%get3A_1365] {strides = array<i32>} : memref<1024xi32, #tpu.memory_space<vmem>>, vector<16xi32>,
    %get3A_1367 = vector.shape_cast %get3A_1366 : vector<16xi32> to vector<16xi32>
    %get3A_1368 = arith.constant 448 : index
    %get3A_1369 = tpu.vector_load %arg7[%get3A_1368] {strides = array<i32>} : memref<1024xi32, #tpu.memory_space<vmem>>, vector<16xi32>,
    %get3A_1370 = vector.shape_cast %get3A_1369 : vector<16xi32> to vector<16xi32>
    %mul3A_1371 = arith.constant 1024 : i32
    %mul3A_1372 = vector.broadcast %mul3A_1371 : i32 to vector<16xi32>
    %mul3A_1373 = arith.muli %get3A_1367, %mul3A_1372 : vector<16xi32>
    %add3A_1374 = arith.addi %mul3A_1373, %get3A_1370 : vector<16xi32>
    %sub3A_1375 = vector.broadcast %mul3A_30 : i32 to vector<16xi32>
    %sub3A_1376 = arith.subi %add3A_1374, %sub3A_1375 : vector<16xi32>
    %ge3A_1377 = arith.constant 0 : i32
    %ge3A_1378 = vector.broadcast %ge3A_1377 : i32 to vector<16xi32>
    %ge3A_1379 = arith.cmpi sge, %sub3A_1376, %ge3A_1378 : vector<16xi32>
    %lt3A_1380 = arith.constant 524288 : i32
    %lt3A_1381 = vector.broadcast %lt3A_1380 : i32 to vector<16xi32>
    %lt3A_1382 = arith.cmpi slt, %sub3A_1376, %lt3A_1381 : vector<16xi32>
    %and3A_1383 = arith.andi %ge3A_1379, %lt3A_1382 : vector<16xi1>
    %ne3A_1384 = arith.cmpi ne, %get3A_1367, %get3A_1370 : vector<16xi32>
    %and3A_1385 = arith.andi %and3A_1383, %ne3A_1384 : vector<16xi1>
    %iota3A_1386 = tpu.iota {dimensions = array<i32: 0>} : vector<16xi32>
    %add3A_1387 = vector.broadcast %mul3A_0 : i32 to vector<16xi32>
    %add3A_1388 = arith.addi %iota3A_1386, %add3A_1387 : vector<16xi32>
    %add3A_1389 = arith.constant 384 : i32
    %add3A_1390 = vector.broadcast %add3A_1389 : i32 to vector<16xi32>
    %add3A_1391 = arith.addi %add3A_1388, %add3A_1390 : vector<16xi32>
    %add3A_1392 = arith.constant 64 : i32
    %add3A_1393 = vector.broadcast %add3A_1392 : i32 to vector<16xi32>
    %add3A_1394 = arith.addi %add3A_1391, %add3A_1393 : vector<16xi32>
    %select_n3A_1395 = arith.select %and3A_1385, %sub3A_1376, %add3A_1394 : vector<16xi1>, vector<16xi32>
    %swap3A_1396 = arith.constant 3 : i32
    %swap3A_1397 = arith.index_cast %swap3A_1396 : i32 to index
    %swap3A_1398 = arith.constant 64 : index
    %swap3A_1399 = tpu.vector_load %arg8[%swap3A_1397, %swap3A_1398] {strides = array<i32>} : memref<8x128xi32, #tpu.memory_space<vmem>>, vector<1x16xi32>,
    %swap3A_1400 = vector.shape_cast %swap3A_1399 : vector<1x16xi32> to vector<16xi32>
    %swap3A_1401 = vector.shape_cast %select_n3A_1395 : vector<16xi32> to vector<1x16xi32>
    tpu.vector_store %arg8[%swap3A_1397, %swap3A_1398], %swap3A_1401 {strides = array<i32>} : memref<8x128xi32, #tpu.memory_space<vmem>>, vector<1x16xi32>,
    %broadcast_in_dim3A_1402 = arith.constant 1.000000e+00 : f32
    %broadcast_in_dim3A_1403 = vector.broadcast %broadcast_in_dim3A_1402 : f32 to vector<16xf32>
    %broadcast_in_dim3A_1404 = arith.constant 0.000000e+00 : f32
    %broadcast_in_dim3A_1405 = vector.broadcast %broadcast_in_dim3A_1404 : f32 to vector<16xf32>
    %select_n3A_1406 = arith.select %and3A_1385, %broadcast_in_dim3A_1403, %broadcast_in_dim3A_1405 : vector<16xi1>, vector<16xf32>
    %swap3A_1407 = arith.constant 3 : i32
    %swap3A_1408 = arith.index_cast %swap3A_1407 : i32 to index
    %swap3A_1409 = arith.constant 64 : index
    %swap3A_1410 = tpu.vector_load %arg9[%swap3A_1408, %swap3A_1409] {strides = array<i32>} : memref<8x128xf32, #tpu.memory_space<vmem>>, vector<1x16xf32>,
    %swap3A_1411 = vector.shape_cast %swap3A_1410 : vector<1x16xf32> to vector<16xf32>
    %swap3A_1412 = vector.shape_cast %select_n3A_1406 : vector<16xf32> to vector<1x16xf32>
    tpu.vector_store %arg9[%swap3A_1408, %swap3A_1409], %swap3A_1412 {strides = array<i32>} : memref<8x128xf32, #tpu.memory_space<vmem>>, vector<1x16xf32>,
    %get3A_1413 = arith.constant 464 : index
    %get3A_1414 = tpu.vector_load %arg6[%get3A_1413] {strides = array<i32>} : memref<1024xi32, #tpu.memory_space<vmem>>, vector<16xi32>,
    %get3A_1415 = vector.shape_cast %get3A_1414 : vector<16xi32> to vector<16xi32>
    %get3A_1416 = arith.constant 464 : index
    %get3A_1417 = tpu.vector_load %arg7[%get3A_1416] {strides = array<i32>} : memref<1024xi32, #tpu.memory_space<vmem>>, vector<16xi32>,
    %get3A_1418 = vector.shape_cast %get3A_1417 : vector<16xi32> to vector<16xi32>
    %mul3A_1419 = arith.constant 1024 : i32
    %mul3A_1420 = vector.broadcast %mul3A_1419 : i32 to vector<16xi32>
    %mul3A_1421 = arith.muli %get3A_1415, %mul3A_1420 : vector<16xi32>
    %add3A_1422 = arith.addi %mul3A_1421, %get3A_1418 : vector<16xi32>
    %sub3A_1423 = vector.broadcast %mul3A_30 : i32 to vector<16xi32>
    %sub3A_1424 = arith.subi %add3A_1422, %sub3A_1423 : vector<16xi32>
    %ge3A_1425 = arith.constant 0 : i32
    %ge3A_1426 = vector.broadcast %ge3A_1425 : i32 to vector<16xi32>
    %ge3A_1427 = arith.cmpi sge, %sub3A_1424, %ge3A_1426 : vector<16xi32>
    %lt3A_1428 = arith.constant 524288 : i32
    %lt3A_1429 = vector.broadcast %lt3A_1428 : i32 to vector<16xi32>
    %lt3A_1430 = arith.cmpi slt, %sub3A_1424, %lt3A_1429 : vector<16xi32>
    %and3A_1431 = arith.andi %ge3A_1427, %lt3A_1430 : vector<16xi1>
    %ne3A_1432 = arith.cmpi ne, %get3A_1415, %get3A_1418 : vector<16xi32>
    %and3A_1433 = arith.andi %and3A_1431, %ne3A_1432 : vector<16xi1>
    %iota3A_1434 = tpu.iota {dimensions = array<i32: 0>} : vector<16xi32>
    %add3A_1435 = vector.broadcast %mul3A_0 : i32 to vector<16xi32>
    %add3A_1436 = arith.addi %iota3A_1434, %add3A_1435 : vector<16xi32>
    %add3A_1437 = arith.constant 384 : i32
    %add3A_1438 = vector.broadcast %add3A_1437 : i32 to vector<16xi32>
    %add3A_1439 = arith.addi %add3A_1436, %add3A_1438 : vector<16xi32>
    %add3A_1440 = arith.constant 80 : i32
    %add3A_1441 = vector.broadcast %add3A_1440 : i32 to vector<16xi32>
    %add3A_1442 = arith.addi %add3A_1439, %add3A_1441 : vector<16xi32>
    %select_n3A_1443 = arith.select %and3A_1433, %sub3A_1424, %add3A_1442 : vector<16xi1>, vector<16xi32>
    %swap3A_1444 = arith.constant 3 : i32
    %swap3A_1445 = arith.index_cast %swap3A_1444 : i32 to index
    %swap3A_1446 = arith.constant 80 : index
    %swap3A_1447 = tpu.vector_load %arg8[%swap3A_1445, %swap3A_1446] {strides = array<i32>} : memref<8x128xi32, #tpu.memory_space<vmem>>, vector<1x16xi32>,
    %swap3A_1448 = vector.shape_cast %swap3A_1447 : vector<1x16xi32> to vector<16xi32>
    %swap3A_1449 = vector.shape_cast %select_n3A_1443 : vector<16xi32> to vector<1x16xi32>
    tpu.vector_store %arg8[%swap3A_1445, %swap3A_1446], %swap3A_1449 {strides = array<i32>} : memref<8x128xi32, #tpu.memory_space<vmem>>, vector<1x16xi32>,
    %broadcast_in_dim3A_1450 = arith.constant 1.000000e+00 : f32
    %broadcast_in_dim3A_1451 = vector.broadcast %broadcast_in_dim3A_1450 : f32 to vector<16xf32>
    %broadcast_in_dim3A_1452 = arith.constant 0.000000e+00 : f32
    %broadcast_in_dim3A_1453 = vector.broadcast %broadcast_in_dim3A_1452 : f32 to vector<16xf32>
    %select_n3A_1454 = arith.select %and3A_1433, %broadcast_in_dim3A_1451, %broadcast_in_dim3A_1453 : vector<16xi1>, vector<16xf32>
    %swap3A_1455 = arith.constant 3 : i32
    %swap3A_1456 = arith.index_cast %swap3A_1455 : i32 to index
    %swap3A_1457 = arith.constant 80 : index
    %swap3A_1458 = tpu.vector_load %arg9[%swap3A_1456, %swap3A_1457] {strides = array<i32>} : memref<8x128xf32, #tpu.memory_space<vmem>>, vector<1x16xf32>,
    %swap3A_1459 = vector.shape_cast %swap3A_1458 : vector<1x16xf32> to vector<16xf32>
    %swap3A_1460 = vector.shape_cast %select_n3A_1454 : vector<16xf32> to vector<1x16xf32>
    tpu.vector_store %arg9[%swap3A_1456, %swap3A_1457], %swap3A_1460 {strides = array<i32>} : memref<8x128xf32, #tpu.memory_space<vmem>>, vector<1x16xf32>,
    %get3A_1461 = arith.constant 480 : index
    %get3A_1462 = tpu.vector_load %arg6[%get3A_1461] {strides = array<i32>} : memref<1024xi32, #tpu.memory_space<vmem>>, vector<16xi32>,
    %get3A_1463 = vector.shape_cast %get3A_1462 : vector<16xi32> to vector<16xi32>
    %get3A_1464 = arith.constant 480 : index
    %get3A_1465 = tpu.vector_load %arg7[%get3A_1464] {strides = array<i32>} : memref<1024xi32, #tpu.memory_space<vmem>>, vector<16xi32>,
    %get3A_1466 = vector.shape_cast %get3A_1465 : vector<16xi32> to vector<16xi32>
    %mul3A_1467 = arith.constant 1024 : i32
    %mul3A_1468 = vector.broadcast %mul3A_1467 : i32 to vector<16xi32>
    %mul3A_1469 = arith.muli %get3A_1463, %mul3A_1468 : vector<16xi32>
    %add3A_1470 = arith.addi %mul3A_1469, %get3A_1466 : vector<16xi32>
    %sub3A_1471 = vector.broadcast %mul3A_30 : i32 to vector<16xi32>
    %sub3A_1472 = arith.subi %add3A_1470, %sub3A_1471 : vector<16xi32>
    %ge3A_1473 = arith.constant 0 : i32
    %ge3A_1474 = vector.broadcast %ge3A_1473 : i32 to vector<16xi32>
    %ge3A_1475 = arith.cmpi sge, %sub3A_1472, %ge3A_1474 : vector<16xi32>
    %lt3A_1476 = arith.constant 524288 : i32
    %lt3A_1477 = vector.broadcast %lt3A_1476 : i32 to vector<16xi32>
    %lt3A_1478 = arith.cmpi slt, %sub3A_1472, %lt3A_1477 : vector<16xi32>
    %and3A_1479 = arith.andi %ge3A_1475, %lt3A_1478 : vector<16xi1>
    %ne3A_1480 = arith.cmpi ne, %get3A_1463, %get3A_1466 : vector<16xi32>
    %and3A_1481 = arith.andi %and3A_1479, %ne3A_1480 : vector<16xi1>
    %iota3A_1482 = tpu.iota {dimensions = array<i32: 0>} : vector<16xi32>
    %add3A_1483 = vector.broadcast %mul3A_0 : i32 to vector<16xi32>
    %add3A_1484 = arith.addi %iota3A_1482, %add3A_1483 : vector<16xi32>
    %add3A_1485 = arith.constant 384 : i32
    %add3A_1486 = vector.broadcast %add3A_1485 : i32 to vector<16xi32>
    %add3A_1487 = arith.addi %add3A_1484, %add3A_1486 : vector<16xi32>
    %add3A_1488 = arith.constant 96 : i32
    %add3A_1489 = vector.broadcast %add3A_1488 : i32 to vector<16xi32>
    %add3A_1490 = arith.addi %add3A_1487, %add3A_1489 : vector<16xi32>
    %select_n3A_1491 = arith.select %and3A_1481, %sub3A_1472, %add3A_1490 : vector<16xi1>, vector<16xi32>
    %swap3A_1492 = arith.constant 3 : i32
    %swap3A_1493 = arith.index_cast %swap3A_1492 : i32 to index
    %swap3A_1494 = arith.constant 96 : index
    %swap3A_1495 = tpu.vector_load %arg8[%swap3A_1493, %swap3A_1494] {strides = array<i32>} : memref<8x128xi32, #tpu.memory_space<vmem>>, vector<1x16xi32>,
    %swap3A_1496 = vector.shape_cast %swap3A_1495 : vector<1x16xi32> to vector<16xi32>
    %swap3A_1497 = vector.shape_cast %select_n3A_1491 : vector<16xi32> to vector<1x16xi32>
    tpu.vector_store %arg8[%swap3A_1493, %swap3A_1494], %swap3A_1497 {strides = array<i32>} : memref<8x128xi32, #tpu.memory_space<vmem>>, vector<1x16xi32>,
    %broadcast_in_dim3A_1498 = arith.constant 1.000000e+00 : f32
    %broadcast_in_dim3A_1499 = vector.broadcast %broadcast_in_dim3A_1498 : f32 to vector<16xf32>
    %broadcast_in_dim3A_1500 = arith.constant 0.000000e+00 : f32
    %broadcast_in_dim3A_1501 = vector.broadcast %broadcast_in_dim3A_1500 : f32 to vector<16xf32>
    %select_n3A_1502 = arith.select %and3A_1481, %broadcast_in_dim3A_1499, %broadcast_in_dim3A_1501 : vector<16xi1>, vector<16xf32>
    %swap3A_1503 = arith.constant 3 : i32
    %swap3A_1504 = arith.index_cast %swap3A_1503 : i32 to index
    %swap3A_1505 = arith.constant 96 : index
    %swap3A_1506 = tpu.vector_load %arg9[%swap3A_1504, %swap3A_1505] {strides = array<i32>} : memref<8x128xf32, #tpu.memory_space<vmem>>, vector<1x16xf32>,
    %swap3A_1507 = vector.shape_cast %swap3A_1506 : vector<1x16xf32> to vector<16xf32>
    %swap3A_1508 = vector.shape_cast %select_n3A_1502 : vector<16xf32> to vector<1x16xf32>
    tpu.vector_store %arg9[%swap3A_1504, %swap3A_1505], %swap3A_1508 {strides = array<i32>} : memref<8x128xf32, #tpu.memory_space<vmem>>, vector<1x16xf32>,
    %get3A_1509 = arith.constant 496 : index
    %get3A_1510 = tpu.vector_load %arg6[%get3A_1509] {strides = array<i32>} : memref<1024xi32, #tpu.memory_space<vmem>>, vector<16xi32>,
    %get3A_1511 = vector.shape_cast %get3A_1510 : vector<16xi32> to vector<16xi32>
    %get3A_1512 = arith.constant 496 : index
    %get3A_1513 = tpu.vector_load %arg7[%get3A_1512] {strides = array<i32>} : memref<1024xi32, #tpu.memory_space<vmem>>, vector<16xi32>,
    %get3A_1514 = vector.shape_cast %get3A_1513 : vector<16xi32> to vector<16xi32>
    %mul3A_1515 = arith.constant 1024 : i32
    %mul3A_1516 = vector.broadcast %mul3A_1515 : i32 to vector<16xi32>
    %mul3A_1517 = arith.muli %get3A_1511, %mul3A_1516 : vector<16xi32>
    %add3A_1518 = arith.addi %mul3A_1517, %get3A_1514 : vector<16xi32>
    %sub3A_1519 = vector.broadcast %mul3A_30 : i32 to vector<16xi32>
    %sub3A_1520 = arith.subi %add3A_1518, %sub3A_1519 : vector<16xi32>
    %ge3A_1521 = arith.constant 0 : i32
    %ge3A_1522 = vector.broadcast %ge3A_1521 : i32 to vector<16xi32>
    %ge3A_1523 = arith.cmpi sge, %sub3A_1520, %ge3A_1522 : vector<16xi32>
    %lt3A_1524 = arith.constant 524288 : i32
    %lt3A_1525 = vector.broadcast %lt3A_1524 : i32 to vector<16xi32>
    %lt3A_1526 = arith.cmpi slt, %sub3A_1520, %lt3A_1525 : vector<16xi32>
    %and3A_1527 = arith.andi %ge3A_1523, %lt3A_1526 : vector<16xi1>
    %ne3A_1528 = arith.cmpi ne, %get3A_1511, %get3A_1514 : vector<16xi32>
    %and3A_1529 = arith.andi %and3A_1527, %ne3A_1528 : vector<16xi1>
    %iota3A_1530 = tpu.iota {dimensions = array<i32: 0>} : vector<16xi32>
    %add3A_1531 = vector.broadcast %mul3A_0 : i32 to vector<16xi32>
    %add3A_1532 = arith.addi %iota3A_1530, %add3A_1531 : vector<16xi32>
    %add3A_1533 = arith.constant 384 : i32
    %add3A_1534 = vector.broadcast %add3A_1533 : i32 to vector<16xi32>
    %add3A_1535 = arith.addi %add3A_1532, %add3A_1534 : vector<16xi32>
    %add3A_1536 = arith.constant 112 : i32
    %add3A_1537 = vector.broadcast %add3A_1536 : i32 to vector<16xi32>
    %add3A_1538 = arith.addi %add3A_1535, %add3A_1537 : vector<16xi32>
    %select_n3A_1539 = arith.select %and3A_1529, %sub3A_1520, %add3A_1538 : vector<16xi1>, vector<16xi32>
    %swap3A_1540 = arith.constant 3 : i32
    %swap3A_1541 = arith.index_cast %swap3A_1540 : i32 to index
    %swap3A_1542 = arith.constant 112 : index
    %swap3A_1543 = tpu.vector_load %arg8[%swap3A_1541, %swap3A_1542] {strides = array<i32>} : memref<8x128xi32, #tpu.memory_space<vmem>>, vector<1x16xi32>,
    %swap3A_1544 = vector.shape_cast %swap3A_1543 : vector<1x16xi32> to vector<16xi32>
    %swap3A_1545 = vector.shape_cast %select_n3A_1539 : vector<16xi32> to vector<1x16xi32>
    tpu.vector_store %arg8[%swap3A_1541, %swap3A_1542], %swap3A_1545 {strides = array<i32>} : memref<8x128xi32, #tpu.memory_space<vmem>>, vector<1x16xi32>,
    %broadcast_in_dim3A_1546 = arith.constant 1.000000e+00 : f32
    %broadcast_in_dim3A_1547 = vector.broadcast %broadcast_in_dim3A_1546 : f32 to vector<16xf32>
    %broadcast_in_dim3A_1548 = arith.constant 0.000000e+00 : f32
    %broadcast_in_dim3A_1549 = vector.broadcast %broadcast_in_dim3A_1548 : f32 to vector<16xf32>
    %select_n3A_1550 = arith.select %and3A_1529, %broadcast_in_dim3A_1547, %broadcast_in_dim3A_1549 : vector<16xi1>, vector<16xf32>
    %swap3A_1551 = arith.constant 3 : i32
    %swap3A_1552 = arith.index_cast %swap3A_1551 : i32 to index
    %swap3A_1553 = arith.constant 112 : index
    %swap3A_1554 = tpu.vector_load %arg9[%swap3A_1552, %swap3A_1553] {strides = array<i32>} : memref<8x128xf32, #tpu.memory_space<vmem>>, vector<1x16xf32>,
    %swap3A_1555 = vector.shape_cast %swap3A_1554 : vector<1x16xf32> to vector<16xf32>
    %swap3A_1556 = vector.shape_cast %select_n3A_1550 : vector<16xf32> to vector<1x16xf32>
    tpu.vector_store %arg9[%swap3A_1552, %swap3A_1553], %swap3A_1556 {strides = array<i32>} : memref<8x128xf32, #tpu.memory_space<vmem>>, vector<1x16xf32>,
    %get3A_1557 = arith.constant 512 : index
    %get3A_1558 = tpu.vector_load %arg6[%get3A_1557] {strides = array<i32>} : memref<1024xi32, #tpu.memory_space<vmem>>, vector<16xi32>,
    %get3A_1559 = vector.shape_cast %get3A_1558 : vector<16xi32> to vector<16xi32>
    %get3A_1560 = arith.constant 512 : index
    %get3A_1561 = tpu.vector_load %arg7[%get3A_1560] {strides = array<i32>} : memref<1024xi32, #tpu.memory_space<vmem>>, vector<16xi32>,
    %get3A_1562 = vector.shape_cast %get3A_1561 : vector<16xi32> to vector<16xi32>
    %mul3A_1563 = arith.constant 1024 : i32
    %mul3A_1564 = vector.broadcast %mul3A_1563 : i32 to vector<16xi32>
    %mul3A_1565 = arith.muli %get3A_1559, %mul3A_1564 : vector<16xi32>
    %add3A_1566 = arith.addi %mul3A_1565, %get3A_1562 : vector<16xi32>
    %sub3A_1567 = vector.broadcast %mul3A_30 : i32 to vector<16xi32>
    %sub3A_1568 = arith.subi %add3A_1566, %sub3A_1567 : vector<16xi32>
    %ge3A_1569 = arith.constant 0 : i32
    %ge3A_1570 = vector.broadcast %ge3A_1569 : i32 to vector<16xi32>
    %ge3A_1571 = arith.cmpi sge, %sub3A_1568, %ge3A_1570 : vector<16xi32>
    %lt3A_1572 = arith.constant 524288 : i32
    %lt3A_1573 = vector.broadcast %lt3A_1572 : i32 to vector<16xi32>
    %lt3A_1574 = arith.cmpi slt, %sub3A_1568, %lt3A_1573 : vector<16xi32>
    %and3A_1575 = arith.andi %ge3A_1571, %lt3A_1574 : vector<16xi1>
    %ne3A_1576 = arith.cmpi ne, %get3A_1559, %get3A_1562 : vector<16xi32>
    %and3A_1577 = arith.andi %and3A_1575, %ne3A_1576 : vector<16xi1>
    %iota3A_1578 = tpu.iota {dimensions = array<i32: 0>} : vector<16xi32>
    %add3A_1579 = vector.broadcast %mul3A_0 : i32 to vector<16xi32>
    %add3A_1580 = arith.addi %iota3A_1578, %add3A_1579 : vector<16xi32>
    %add3A_1581 = arith.constant 512 : i32
    %add3A_1582 = vector.broadcast %add3A_1581 : i32 to vector<16xi32>
    %add3A_1583 = arith.addi %add3A_1580, %add3A_1582 : vector<16xi32>
    %add3A_1584 = arith.constant 0 : i32
    %add3A_1585 = vector.broadcast %add3A_1584 : i32 to vector<16xi32>
    %add3A_1586 = arith.addi %add3A_1583, %add3A_1585 : vector<16xi32>
    %select_n3A_1587 = arith.select %and3A_1577, %sub3A_1568, %add3A_1586 : vector<16xi1>, vector<16xi32>
    %swap3A_1588 = arith.constant 4 : i32
    %swap3A_1589 = arith.index_cast %swap3A_1588 : i32 to index
    %swap3A_1590 = arith.constant 0 : index
    %swap3A_1591 = tpu.vector_load %arg8[%swap3A_1589, %swap3A_1590] {strides = array<i32>} : memref<8x128xi32, #tpu.memory_space<vmem>>, vector<1x16xi32>,
    %swap3A_1592 = vector.shape_cast %swap3A_1591 : vector<1x16xi32> to vector<16xi32>
    %swap3A_1593 = vector.shape_cast %select_n3A_1587 : vector<16xi32> to vector<1x16xi32>
    tpu.vector_store %arg8[%swap3A_1589, %swap3A_1590], %swap3A_1593 {strides = array<i32>} : memref<8x128xi32, #tpu.memory_space<vmem>>, vector<1x16xi32>,
    %broadcast_in_dim3A_1594 = arith.constant 1.000000e+00 : f32
    %broadcast_in_dim3A_1595 = vector.broadcast %broadcast_in_dim3A_1594 : f32 to vector<16xf32>
    %broadcast_in_dim3A_1596 = arith.constant 0.000000e+00 : f32
    %broadcast_in_dim3A_1597 = vector.broadcast %broadcast_in_dim3A_1596 : f32 to vector<16xf32>
    %select_n3A_1598 = arith.select %and3A_1577, %broadcast_in_dim3A_1595, %broadcast_in_dim3A_1597 : vector<16xi1>, vector<16xf32>
    %swap3A_1599 = arith.constant 4 : i32
    %swap3A_1600 = arith.index_cast %swap3A_1599 : i32 to index
    %swap3A_1601 = arith.constant 0 : index
    %swap3A_1602 = tpu.vector_load %arg9[%swap3A_1600, %swap3A_1601] {strides = array<i32>} : memref<8x128xf32, #tpu.memory_space<vmem>>, vector<1x16xf32>,
    %swap3A_1603 = vector.shape_cast %swap3A_1602 : vector<1x16xf32> to vector<16xf32>
    %swap3A_1604 = vector.shape_cast %select_n3A_1598 : vector<16xf32> to vector<1x16xf32>
    tpu.vector_store %arg9[%swap3A_1600, %swap3A_1601], %swap3A_1604 {strides = array<i32>} : memref<8x128xf32, #tpu.memory_space<vmem>>, vector<1x16xf32>,
    %get3A_1605 = arith.constant 528 : index
    %get3A_1606 = tpu.vector_load %arg6[%get3A_1605] {strides = array<i32>} : memref<1024xi32, #tpu.memory_space<vmem>>, vector<16xi32>,
    %get3A_1607 = vector.shape_cast %get3A_1606 : vector<16xi32> to vector<16xi32>
    %get3A_1608 = arith.constant 528 : index
    %get3A_1609 = tpu.vector_load %arg7[%get3A_1608] {strides = array<i32>} : memref<1024xi32, #tpu.memory_space<vmem>>, vector<16xi32>,
    %get3A_1610 = vector.shape_cast %get3A_1609 : vector<16xi32> to vector<16xi32>
    %mul3A_1611 = arith.constant 1024 : i32
    %mul3A_1612 = vector.broadcast %mul3A_1611 : i32 to vector<16xi32>
    %mul3A_1613 = arith.muli %get3A_1607, %mul3A_1612 : vector<16xi32>
    %add3A_1614 = arith.addi %mul3A_1613, %get3A_1610 : vector<16xi32>
    %sub3A_1615 = vector.broadcast %mul3A_30 : i32 to vector<16xi32>
    %sub3A_1616 = arith.subi %add3A_1614, %sub3A_1615 : vector<16xi32>
    %ge3A_1617 = arith.constant 0 : i32
    %ge3A_1618 = vector.broadcast %ge3A_1617 : i32 to vector<16xi32>
    %ge3A_1619 = arith.cmpi sge, %sub3A_1616, %ge3A_1618 : vector<16xi32>
    %lt3A_1620 = arith.constant 524288 : i32
    %lt3A_1621 = vector.broadcast %lt3A_1620 : i32 to vector<16xi32>
    %lt3A_1622 = arith.cmpi slt, %sub3A_1616, %lt3A_1621 : vector<16xi32>
    %and3A_1623 = arith.andi %ge3A_1619, %lt3A_1622 : vector<16xi1>
    %ne3A_1624 = arith.cmpi ne, %get3A_1607, %get3A_1610 : vector<16xi32>
    %and3A_1625 = arith.andi %and3A_1623, %ne3A_1624 : vector<16xi1>
    %iota3A_1626 = tpu.iota {dimensions = array<i32: 0>} : vector<16xi32>
    %add3A_1627 = vector.broadcast %mul3A_0 : i32 to vector<16xi32>
    %add3A_1628 = arith.addi %iota3A_1626, %add3A_1627 : vector<16xi32>
    %add3A_1629 = arith.constant 512 : i32
    %add3A_1630 = vector.broadcast %add3A_1629 : i32 to vector<16xi32>
    %add3A_1631 = arith.addi %add3A_1628, %add3A_1630 : vector<16xi32>
    %add3A_1632 = arith.constant 16 : i32
    %add3A_1633 = vector.broadcast %add3A_1632 : i32 to vector<16xi32>
    %add3A_1634 = arith.addi %add3A_1631, %add3A_1633 : vector<16xi32>
    %select_n3A_1635 = arith.select %and3A_1625, %sub3A_1616, %add3A_1634 : vector<16xi1>, vector<16xi32>
    %swap3A_1636 = arith.constant 4 : i32
    %swap3A_1637 = arith.index_cast %swap3A_1636 : i32 to index
    %swap3A_1638 = arith.constant 16 : index
    %swap3A_1639 = tpu.vector_load %arg8[%swap3A_1637, %swap3A_1638] {strides = array<i32>} : memref<8x128xi32, #tpu.memory_space<vmem>>, vector<1x16xi32>,
    %swap3A_1640 = vector.shape_cast %swap3A_1639 : vector<1x16xi32> to vector<16xi32>
    %swap3A_1641 = vector.shape_cast %select_n3A_1635 : vector<16xi32> to vector<1x16xi32>
    tpu.vector_store %arg8[%swap3A_1637, %swap3A_1638], %swap3A_1641 {strides = array<i32>} : memref<8x128xi32, #tpu.memory_space<vmem>>, vector<1x16xi32>,
    %broadcast_in_dim3A_1642 = arith.constant 1.000000e+00 : f32
    %broadcast_in_dim3A_1643 = vector.broadcast %broadcast_in_dim3A_1642 : f32 to vector<16xf32>
    %broadcast_in_dim3A_1644 = arith.constant 0.000000e+00 : f32
    %broadcast_in_dim3A_1645 = vector.broadcast %broadcast_in_dim3A_1644 : f32 to vector<16xf32>
    %select_n3A_1646 = arith.select %and3A_1625, %broadcast_in_dim3A_1643, %broadcast_in_dim3A_1645 : vector<16xi1>, vector<16xf32>
    %swap3A_1647 = arith.constant 4 : i32
    %swap3A_1648 = arith.index_cast %swap3A_1647 : i32 to index
    %swap3A_1649 = arith.constant 16 : index
    %swap3A_1650 = tpu.vector_load %arg9[%swap3A_1648, %swap3A_1649] {strides = array<i32>} : memref<8x128xf32, #tpu.memory_space<vmem>>, vector<1x16xf32>,
    %swap3A_1651 = vector.shape_cast %swap3A_1650 : vector<1x16xf32> to vector<16xf32>
    %swap3A_1652 = vector.shape_cast %select_n3A_1646 : vector<16xf32> to vector<1x16xf32>
    tpu.vector_store %arg9[%swap3A_1648, %swap3A_1649], %swap3A_1652 {strides = array<i32>} : memref<8x128xf32, #tpu.memory_space<vmem>>, vector<1x16xf32>,
    %get3A_1653 = arith.constant 544 : index
    %get3A_1654 = tpu.vector_load %arg6[%get3A_1653] {strides = array<i32>} : memref<1024xi32, #tpu.memory_space<vmem>>, vector<16xi32>,
    %get3A_1655 = vector.shape_cast %get3A_1654 : vector<16xi32> to vector<16xi32>
    %get3A_1656 = arith.constant 544 : index
    %get3A_1657 = tpu.vector_load %arg7[%get3A_1656] {strides = array<i32>} : memref<1024xi32, #tpu.memory_space<vmem>>, vector<16xi32>,
    %get3A_1658 = vector.shape_cast %get3A_1657 : vector<16xi32> to vector<16xi32>
    %mul3A_1659 = arith.constant 1024 : i32
    %mul3A_1660 = vector.broadcast %mul3A_1659 : i32 to vector<16xi32>
    %mul3A_1661 = arith.muli %get3A_1655, %mul3A_1660 : vector<16xi32>
    %add3A_1662 = arith.addi %mul3A_1661, %get3A_1658 : vector<16xi32>
    %sub3A_1663 = vector.broadcast %mul3A_30 : i32 to vector<16xi32>
    %sub3A_1664 = arith.subi %add3A_1662, %sub3A_1663 : vector<16xi32>
    %ge3A_1665 = arith.constant 0 : i32
    %ge3A_1666 = vector.broadcast %ge3A_1665 : i32 to vector<16xi32>
    %ge3A_1667 = arith.cmpi sge, %sub3A_1664, %ge3A_1666 : vector<16xi32>
    %lt3A_1668 = arith.constant 524288 : i32
    %lt3A_1669 = vector.broadcast %lt3A_1668 : i32 to vector<16xi32>
    %lt3A_1670 = arith.cmpi slt, %sub3A_1664, %lt3A_1669 : vector<16xi32>
    %and3A_1671 = arith.andi %ge3A_1667, %lt3A_1670 : vector<16xi1>
    %ne3A_1672 = arith.cmpi ne, %get3A_1655, %get3A_1658 : vector<16xi32>
    %and3A_1673 = arith.andi %and3A_1671, %ne3A_1672 : vector<16xi1>
    %iota3A_1674 = tpu.iota {dimensions = array<i32: 0>} : vector<16xi32>
    %add3A_1675 = vector.broadcast %mul3A_0 : i32 to vector<16xi32>
    %add3A_1676 = arith.addi %iota3A_1674, %add3A_1675 : vector<16xi32>
    %add3A_1677 = arith.constant 512 : i32
    %add3A_1678 = vector.broadcast %add3A_1677 : i32 to vector<16xi32>
    %add3A_1679 = arith.addi %add3A_1676, %add3A_1678 : vector<16xi32>
    %add3A_1680 = arith.constant 32 : i32
    %add3A_1681 = vector.broadcast %add3A_1680 : i32 to vector<16xi32>
    %add3A_1682 = arith.addi %add3A_1679, %add3A_1681 : vector<16xi32>
    %select_n3A_1683 = arith.select %and3A_1673, %sub3A_1664, %add3A_1682 : vector<16xi1>, vector<16xi32>
    %swap3A_1684 = arith.constant 4 : i32
    %swap3A_1685 = arith.index_cast %swap3A_1684 : i32 to index
    %swap3A_1686 = arith.constant 32 : index
    %swap3A_1687 = tpu.vector_load %arg8[%swap3A_1685, %swap3A_1686] {strides = array<i32>} : memref<8x128xi32, #tpu.memory_space<vmem>>, vector<1x16xi32>,
    %swap3A_1688 = vector.shape_cast %swap3A_1687 : vector<1x16xi32> to vector<16xi32>
    %swap3A_1689 = vector.shape_cast %select_n3A_1683 : vector<16xi32> to vector<1x16xi32>
    tpu.vector_store %arg8[%swap3A_1685, %swap3A_1686], %swap3A_1689 {strides = array<i32>} : memref<8x128xi32, #tpu.memory_space<vmem>>, vector<1x16xi32>,
    %broadcast_in_dim3A_1690 = arith.constant 1.000000e+00 : f32
    %broadcast_in_dim3A_1691 = vector.broadcast %broadcast_in_dim3A_1690 : f32 to vector<16xf32>
    %broadcast_in_dim3A_1692 = arith.constant 0.000000e+00 : f32
    %broadcast_in_dim3A_1693 = vector.broadcast %broadcast_in_dim3A_1692 : f32 to vector<16xf32>
    %select_n3A_1694 = arith.select %and3A_1673, %broadcast_in_dim3A_1691, %broadcast_in_dim3A_1693 : vector<16xi1>, vector<16xf32>
    %swap3A_1695 = arith.constant 4 : i32
    %swap3A_1696 = arith.index_cast %swap3A_1695 : i32 to index
    %swap3A_1697 = arith.constant 32 : index
    %swap3A_1698 = tpu.vector_load %arg9[%swap3A_1696, %swap3A_1697] {strides = array<i32>} : memref<8x128xf32, #tpu.memory_space<vmem>>, vector<1x16xf32>,
    %swap3A_1699 = vector.shape_cast %swap3A_1698 : vector<1x16xf32> to vector<16xf32>
    %swap3A_1700 = vector.shape_cast %select_n3A_1694 : vector<16xf32> to vector<1x16xf32>
    tpu.vector_store %arg9[%swap3A_1696, %swap3A_1697], %swap3A_1700 {strides = array<i32>} : memref<8x128xf32, #tpu.memory_space<vmem>>, vector<1x16xf32>,
    %get3A_1701 = arith.constant 560 : index
    %get3A_1702 = tpu.vector_load %arg6[%get3A_1701] {strides = array<i32>} : memref<1024xi32, #tpu.memory_space<vmem>>, vector<16xi32>,
    %get3A_1703 = vector.shape_cast %get3A_1702 : vector<16xi32> to vector<16xi32>
    %get3A_1704 = arith.constant 560 : index
    %get3A_1705 = tpu.vector_load %arg7[%get3A_1704] {strides = array<i32>} : memref<1024xi32, #tpu.memory_space<vmem>>, vector<16xi32>,
    %get3A_1706 = vector.shape_cast %get3A_1705 : vector<16xi32> to vector<16xi32>
    %mul3A_1707 = arith.constant 1024 : i32
    %mul3A_1708 = vector.broadcast %mul3A_1707 : i32 to vector<16xi32>
    %mul3A_1709 = arith.muli %get3A_1703, %mul3A_1708 : vector<16xi32>
    %add3A_1710 = arith.addi %mul3A_1709, %get3A_1706 : vector<16xi32>
    %sub3A_1711 = vector.broadcast %mul3A_30 : i32 to vector<16xi32>
    %sub3A_1712 = arith.subi %add3A_1710, %sub3A_1711 : vector<16xi32>
    %ge3A_1713 = arith.constant 0 : i32
    %ge3A_1714 = vector.broadcast %ge3A_1713 : i32 to vector<16xi32>
    %ge3A_1715 = arith.cmpi sge, %sub3A_1712, %ge3A_1714 : vector<16xi32>
    %lt3A_1716 = arith.constant 524288 : i32
    %lt3A_1717 = vector.broadcast %lt3A_1716 : i32 to vector<16xi32>
    %lt3A_1718 = arith.cmpi slt, %sub3A_1712, %lt3A_1717 : vector<16xi32>
    %and3A_1719 = arith.andi %ge3A_1715, %lt3A_1718 : vector<16xi1>
    %ne3A_1720 = arith.cmpi ne, %get3A_1703, %get3A_1706 : vector<16xi32>
    %and3A_1721 = arith.andi %and3A_1719, %ne3A_1720 : vector<16xi1>
    %iota3A_1722 = tpu.iota {dimensions = array<i32: 0>} : vector<16xi32>
    %add3A_1723 = vector.broadcast %mul3A_0 : i32 to vector<16xi32>
    %add3A_1724 = arith.addi %iota3A_1722, %add3A_1723 : vector<16xi32>
    %add3A_1725 = arith.constant 512 : i32
    %add3A_1726 = vector.broadcast %add3A_1725 : i32 to vector<16xi32>
    %add3A_1727 = arith.addi %add3A_1724, %add3A_1726 : vector<16xi32>
    %add3A_1728 = arith.constant 48 : i32
    %add3A_1729 = vector.broadcast %add3A_1728 : i32 to vector<16xi32>
    %add3A_1730 = arith.addi %add3A_1727, %add3A_1729 : vector<16xi32>
    %select_n3A_1731 = arith.select %and3A_1721, %sub3A_1712, %add3A_1730 : vector<16xi1>, vector<16xi32>
    %swap3A_1732 = arith.constant 4 : i32
    %swap3A_1733 = arith.index_cast %swap3A_1732 : i32 to index
    %swap3A_1734 = arith.constant 48 : index
    %swap3A_1735 = tpu.vector_load %arg8[%swap3A_1733, %swap3A_1734] {strides = array<i32>} : memref<8x128xi32, #tpu.memory_space<vmem>>, vector<1x16xi32>,
    %swap3A_1736 = vector.shape_cast %swap3A_1735 : vector<1x16xi32> to vector<16xi32>
    %swap3A_1737 = vector.shape_cast %select_n3A_1731 : vector<16xi32> to vector<1x16xi32>
    tpu.vector_store %arg8[%swap3A_1733, %swap3A_1734], %swap3A_1737 {strides = array<i32>} : memref<8x128xi32, #tpu.memory_space<vmem>>, vector<1x16xi32>,
    %broadcast_in_dim3A_1738 = arith.constant 1.000000e+00 : f32
    %broadcast_in_dim3A_1739 = vector.broadcast %broadcast_in_dim3A_1738 : f32 to vector<16xf32>
    %broadcast_in_dim3A_1740 = arith.constant 0.000000e+00 : f32
    %broadcast_in_dim3A_1741 = vector.broadcast %broadcast_in_dim3A_1740 : f32 to vector<16xf32>
    %select_n3A_1742 = arith.select %and3A_1721, %broadcast_in_dim3A_1739, %broadcast_in_dim3A_1741 : vector<16xi1>, vector<16xf32>
    %swap3A_1743 = arith.constant 4 : i32
    %swap3A_1744 = arith.index_cast %swap3A_1743 : i32 to index
    %swap3A_1745 = arith.constant 48 : index
    %swap3A_1746 = tpu.vector_load %arg9[%swap3A_1744, %swap3A_1745] {strides = array<i32>} : memref<8x128xf32, #tpu.memory_space<vmem>>, vector<1x16xf32>,
    %swap3A_1747 = vector.shape_cast %swap3A_1746 : vector<1x16xf32> to vector<16xf32>
    %swap3A_1748 = vector.shape_cast %select_n3A_1742 : vector<16xf32> to vector<1x16xf32>
    tpu.vector_store %arg9[%swap3A_1744, %swap3A_1745], %swap3A_1748 {strides = array<i32>} : memref<8x128xf32, #tpu.memory_space<vmem>>, vector<1x16xf32>,
    %get3A_1749 = arith.constant 576 : index
    %get3A_1750 = tpu.vector_load %arg6[%get3A_1749] {strides = array<i32>} : memref<1024xi32, #tpu.memory_space<vmem>>, vector<16xi32>,
    %get3A_1751 = vector.shape_cast %get3A_1750 : vector<16xi32> to vector<16xi32>
    %get3A_1752 = arith.constant 576 : index
    %get3A_1753 = tpu.vector_load %arg7[%get3A_1752] {strides = array<i32>} : memref<1024xi32, #tpu.memory_space<vmem>>, vector<16xi32>,
    %get3A_1754 = vector.shape_cast %get3A_1753 : vector<16xi32> to vector<16xi32>
    %mul3A_1755 = arith.constant 1024 : i32
    %mul3A_1756 = vector.broadcast %mul3A_1755 : i32 to vector<16xi32>
    %mul3A_1757 = arith.muli %get3A_1751, %mul3A_1756 : vector<16xi32>
    %add3A_1758 = arith.addi %mul3A_1757, %get3A_1754 : vector<16xi32>
    %sub3A_1759 = vector.broadcast %mul3A_30 : i32 to vector<16xi32>
    %sub3A_1760 = arith.subi %add3A_1758, %sub3A_1759 : vector<16xi32>
    %ge3A_1761 = arith.constant 0 : i32
    %ge3A_1762 = vector.broadcast %ge3A_1761 : i32 to vector<16xi32>
    %ge3A_1763 = arith.cmpi sge, %sub3A_1760, %ge3A_1762 : vector<16xi32>
    %lt3A_1764 = arith.constant 524288 : i32
    %lt3A_1765 = vector.broadcast %lt3A_1764 : i32 to vector<16xi32>
    %lt3A_1766 = arith.cmpi slt, %sub3A_1760, %lt3A_1765 : vector<16xi32>
    %and3A_1767 = arith.andi %ge3A_1763, %lt3A_1766 : vector<16xi1>
    %ne3A_1768 = arith.cmpi ne, %get3A_1751, %get3A_1754 : vector<16xi32>
    %and3A_1769 = arith.andi %and3A_1767, %ne3A_1768 : vector<16xi1>
    %iota3A_1770 = tpu.iota {dimensions = array<i32: 0>} : vector<16xi32>
    %add3A_1771 = vector.broadcast %mul3A_0 : i32 to vector<16xi32>
    %add3A_1772 = arith.addi %iota3A_1770, %add3A_1771 : vector<16xi32>
    %add3A_1773 = arith.constant 512 : i32
    %add3A_1774 = vector.broadcast %add3A_1773 : i32 to vector<16xi32>
    %add3A_1775 = arith.addi %add3A_1772, %add3A_1774 : vector<16xi32>
    %add3A_1776 = arith.constant 64 : i32
    %add3A_1777 = vector.broadcast %add3A_1776 : i32 to vector<16xi32>
    %add3A_1778 = arith.addi %add3A_1775, %add3A_1777 : vector<16xi32>
    %select_n3A_1779 = arith.select %and3A_1769, %sub3A_1760, %add3A_1778 : vector<16xi1>, vector<16xi32>
    %swap3A_1780 = arith.constant 4 : i32
    %swap3A_1781 = arith.index_cast %swap3A_1780 : i32 to index
    %swap3A_1782 = arith.constant 64 : index
    %swap3A_1783 = tpu.vector_load %arg8[%swap3A_1781, %swap3A_1782] {strides = array<i32>} : memref<8x128xi32, #tpu.memory_space<vmem>>, vector<1x16xi32>,
    %swap3A_1784 = vector.shape_cast %swap3A_1783 : vector<1x16xi32> to vector<16xi32>
    %swap3A_1785 = vector.shape_cast %select_n3A_1779 : vector<16xi32> to vector<1x16xi32>
    tpu.vector_store %arg8[%swap3A_1781, %swap3A_1782], %swap3A_1785 {strides = array<i32>} : memref<8x128xi32, #tpu.memory_space<vmem>>, vector<1x16xi32>,
    %broadcast_in_dim3A_1786 = arith.constant 1.000000e+00 : f32
    %broadcast_in_dim3A_1787 = vector.broadcast %broadcast_in_dim3A_1786 : f32 to vector<16xf32>
    %broadcast_in_dim3A_1788 = arith.constant 0.000000e+00 : f32
    %broadcast_in_dim3A_1789 = vector.broadcast %broadcast_in_dim3A_1788 : f32 to vector<16xf32>
    %select_n3A_1790 = arith.select %and3A_1769, %broadcast_in_dim3A_1787, %broadcast_in_dim3A_1789 : vector<16xi1>, vector<16xf32>
    %swap3A_1791 = arith.constant 4 : i32
    %swap3A_1792 = arith.index_cast %swap3A_1791 : i32 to index
    %swap3A_1793 = arith.constant 64 : index
    %swap3A_1794 = tpu.vector_load %arg9[%swap3A_1792, %swap3A_1793] {strides = array<i32>} : memref<8x128xf32, #tpu.memory_space<vmem>>, vector<1x16xf32>,
    %swap3A_1795 = vector.shape_cast %swap3A_1794 : vector<1x16xf32> to vector<16xf32>
    %swap3A_1796 = vector.shape_cast %select_n3A_1790 : vector<16xf32> to vector<1x16xf32>
    tpu.vector_store %arg9[%swap3A_1792, %swap3A_1793], %swap3A_1796 {strides = array<i32>} : memref<8x128xf32, #tpu.memory_space<vmem>>, vector<1x16xf32>,
    %get3A_1797 = arith.constant 592 : index
    %get3A_1798 = tpu.vector_load %arg6[%get3A_1797] {strides = array<i32>} : memref<1024xi32, #tpu.memory_space<vmem>>, vector<16xi32>,
    %get3A_1799 = vector.shape_cast %get3A_1798 : vector<16xi32> to vector<16xi32>
    %get3A_1800 = arith.constant 592 : index
    %get3A_1801 = tpu.vector_load %arg7[%get3A_1800] {strides = array<i32>} : memref<1024xi32, #tpu.memory_space<vmem>>, vector<16xi32>,
    %get3A_1802 = vector.shape_cast %get3A_1801 : vector<16xi32> to vector<16xi32>
    %mul3A_1803 = arith.constant 1024 : i32
    %mul3A_1804 = vector.broadcast %mul3A_1803 : i32 to vector<16xi32>
    %mul3A_1805 = arith.muli %get3A_1799, %mul3A_1804 : vector<16xi32>
    %add3A_1806 = arith.addi %mul3A_1805, %get3A_1802 : vector<16xi32>
    %sub3A_1807 = vector.broadcast %mul3A_30 : i32 to vector<16xi32>
    %sub3A_1808 = arith.subi %add3A_1806, %sub3A_1807 : vector<16xi32>
    %ge3A_1809 = arith.constant 0 : i32
    %ge3A_1810 = vector.broadcast %ge3A_1809 : i32 to vector<16xi32>
    %ge3A_1811 = arith.cmpi sge, %sub3A_1808, %ge3A_1810 : vector<16xi32>
    %lt3A_1812 = arith.constant 524288 : i32
    %lt3A_1813 = vector.broadcast %lt3A_1812 : i32 to vector<16xi32>
    %lt3A_1814 = arith.cmpi slt, %sub3A_1808, %lt3A_1813 : vector<16xi32>
    %and3A_1815 = arith.andi %ge3A_1811, %lt3A_1814 : vector<16xi1>
    %ne3A_1816 = arith.cmpi ne, %get3A_1799, %get3A_1802 : vector<16xi32>
    %and3A_1817 = arith.andi %and3A_1815, %ne3A_1816 : vector<16xi1>
    %iota3A_1818 = tpu.iota {dimensions = array<i32: 0>} : vector<16xi32>
    %add3A_1819 = vector.broadcast %mul3A_0 : i32 to vector<16xi32>
    %add3A_1820 = arith.addi %iota3A_1818, %add3A_1819 : vector<16xi32>
    %add3A_1821 = arith.constant 512 : i32
    %add3A_1822 = vector.broadcast %add3A_1821 : i32 to vector<16xi32>
    %add3A_1823 = arith.addi %add3A_1820, %add3A_1822 : vector<16xi32>
    %add3A_1824 = arith.constant 80 : i32
    %add3A_1825 = vector.broadcast %add3A_1824 : i32 to vector<16xi32>
    %add3A_1826 = arith.addi %add3A_1823, %add3A_1825 : vector<16xi32>
    %select_n3A_1827 = arith.select %and3A_1817, %sub3A_1808, %add3A_1826 : vector<16xi1>, vector<16xi32>
    %swap3A_1828 = arith.constant 4 : i32
    %swap3A_1829 = arith.index_cast %swap3A_1828 : i32 to index
    %swap3A_1830 = arith.constant 80 : index
    %swap3A_1831 = tpu.vector_load %arg8[%swap3A_1829, %swap3A_1830] {strides = array<i32>} : memref<8x128xi32, #tpu.memory_space<vmem>>, vector<1x16xi32>,
    %swap3A_1832 = vector.shape_cast %swap3A_1831 : vector<1x16xi32> to vector<16xi32>
    %swap3A_1833 = vector.shape_cast %select_n3A_1827 : vector<16xi32> to vector<1x16xi32>
    tpu.vector_store %arg8[%swap3A_1829, %swap3A_1830], %swap3A_1833 {strides = array<i32>} : memref<8x128xi32, #tpu.memory_space<vmem>>, vector<1x16xi32>,
    %broadcast_in_dim3A_1834 = arith.constant 1.000000e+00 : f32
    %broadcast_in_dim3A_1835 = vector.broadcast %broadcast_in_dim3A_1834 : f32 to vector<16xf32>
    %broadcast_in_dim3A_1836 = arith.constant 0.000000e+00 : f32
    %broadcast_in_dim3A_1837 = vector.broadcast %broadcast_in_dim3A_1836 : f32 to vector<16xf32>
    %select_n3A_1838 = arith.select %and3A_1817, %broadcast_in_dim3A_1835, %broadcast_in_dim3A_1837 : vector<16xi1>, vector<16xf32>
    %swap3A_1839 = arith.constant 4 : i32
    %swap3A_1840 = arith.index_cast %swap3A_1839 : i32 to index
    %swap3A_1841 = arith.constant 80 : index
    %swap3A_1842 = tpu.vector_load %arg9[%swap3A_1840, %swap3A_1841] {strides = array<i32>} : memref<8x128xf32, #tpu.memory_space<vmem>>, vector<1x16xf32>,
    %swap3A_1843 = vector.shape_cast %swap3A_1842 : vector<1x16xf32> to vector<16xf32>
    %swap3A_1844 = vector.shape_cast %select_n3A_1838 : vector<16xf32> to vector<1x16xf32>
    tpu.vector_store %arg9[%swap3A_1840, %swap3A_1841], %swap3A_1844 {strides = array<i32>} : memref<8x128xf32, #tpu.memory_space<vmem>>, vector<1x16xf32>,
    %get3A_1845 = arith.constant 608 : index
    %get3A_1846 = tpu.vector_load %arg6[%get3A_1845] {strides = array<i32>} : memref<1024xi32, #tpu.memory_space<vmem>>, vector<16xi32>,
    %get3A_1847 = vector.shape_cast %get3A_1846 : vector<16xi32> to vector<16xi32>
    %get3A_1848 = arith.constant 608 : index
    %get3A_1849 = tpu.vector_load %arg7[%get3A_1848] {strides = array<i32>} : memref<1024xi32, #tpu.memory_space<vmem>>, vector<16xi32>,
    %get3A_1850 = vector.shape_cast %get3A_1849 : vector<16xi32> to vector<16xi32>
    %mul3A_1851 = arith.constant 1024 : i32
    %mul3A_1852 = vector.broadcast %mul3A_1851 : i32 to vector<16xi32>
    %mul3A_1853 = arith.muli %get3A_1847, %mul3A_1852 : vector<16xi32>
    %add3A_1854 = arith.addi %mul3A_1853, %get3A_1850 : vector<16xi32>
    %sub3A_1855 = vector.broadcast %mul3A_30 : i32 to vector<16xi32>
    %sub3A_1856 = arith.subi %add3A_1854, %sub3A_1855 : vector<16xi32>
    %ge3A_1857 = arith.constant 0 : i32
    %ge3A_1858 = vector.broadcast %ge3A_1857 : i32 to vector<16xi32>
    %ge3A_1859 = arith.cmpi sge, %sub3A_1856, %ge3A_1858 : vector<16xi32>
    %lt3A_1860 = arith.constant 524288 : i32
    %lt3A_1861 = vector.broadcast %lt3A_1860 : i32 to vector<16xi32>
    %lt3A_1862 = arith.cmpi slt, %sub3A_1856, %lt3A_1861 : vector<16xi32>
    %and3A_1863 = arith.andi %ge3A_1859, %lt3A_1862 : vector<16xi1>
    %ne3A_1864 = arith.cmpi ne, %get3A_1847, %get3A_1850 : vector<16xi32>
    %and3A_1865 = arith.andi %and3A_1863, %ne3A_1864 : vector<16xi1>
    %iota3A_1866 = tpu.iota {dimensions = array<i32: 0>} : vector<16xi32>
    %add3A_1867 = vector.broadcast %mul3A_0 : i32 to vector<16xi32>
    %add3A_1868 = arith.addi %iota3A_1866, %add3A_1867 : vector<16xi32>
    %add3A_1869 = arith.constant 512 : i32
    %add3A_1870 = vector.broadcast %add3A_1869 : i32 to vector<16xi32>
    %add3A_1871 = arith.addi %add3A_1868, %add3A_1870 : vector<16xi32>
    %add3A_1872 = arith.constant 96 : i32
    %add3A_1873 = vector.broadcast %add3A_1872 : i32 to vector<16xi32>
    %add3A_1874 = arith.addi %add3A_1871, %add3A_1873 : vector<16xi32>
    %select_n3A_1875 = arith.select %and3A_1865, %sub3A_1856, %add3A_1874 : vector<16xi1>, vector<16xi32>
    %swap3A_1876 = arith.constant 4 : i32
    %swap3A_1877 = arith.index_cast %swap3A_1876 : i32 to index
    %swap3A_1878 = arith.constant 96 : index
    %swap3A_1879 = tpu.vector_load %arg8[%swap3A_1877, %swap3A_1878] {strides = array<i32>} : memref<8x128xi32, #tpu.memory_space<vmem>>, vector<1x16xi32>,
    %swap3A_1880 = vector.shape_cast %swap3A_1879 : vector<1x16xi32> to vector<16xi32>
    %swap3A_1881 = vector.shape_cast %select_n3A_1875 : vector<16xi32> to vector<1x16xi32>
    tpu.vector_store %arg8[%swap3A_1877, %swap3A_1878], %swap3A_1881 {strides = array<i32>} : memref<8x128xi32, #tpu.memory_space<vmem>>, vector<1x16xi32>,
    %broadcast_in_dim3A_1882 = arith.constant 1.000000e+00 : f32
    %broadcast_in_dim3A_1883 = vector.broadcast %broadcast_in_dim3A_1882 : f32 to vector<16xf32>
    %broadcast_in_dim3A_1884 = arith.constant 0.000000e+00 : f32
    %broadcast_in_dim3A_1885 = vector.broadcast %broadcast_in_dim3A_1884 : f32 to vector<16xf32>
    %select_n3A_1886 = arith.select %and3A_1865, %broadcast_in_dim3A_1883, %broadcast_in_dim3A_1885 : vector<16xi1>, vector<16xf32>
    %swap3A_1887 = arith.constant 4 : i32
    %swap3A_1888 = arith.index_cast %swap3A_1887 : i32 to index
    %swap3A_1889 = arith.constant 96 : index
    %swap3A_1890 = tpu.vector_load %arg9[%swap3A_1888, %swap3A_1889] {strides = array<i32>} : memref<8x128xf32, #tpu.memory_space<vmem>>, vector<1x16xf32>,
    %swap3A_1891 = vector.shape_cast %swap3A_1890 : vector<1x16xf32> to vector<16xf32>
    %swap3A_1892 = vector.shape_cast %select_n3A_1886 : vector<16xf32> to vector<1x16xf32>
    tpu.vector_store %arg9[%swap3A_1888, %swap3A_1889], %swap3A_1892 {strides = array<i32>} : memref<8x128xf32, #tpu.memory_space<vmem>>, vector<1x16xf32>,
    %get3A_1893 = arith.constant 624 : index
    %get3A_1894 = tpu.vector_load %arg6[%get3A_1893] {strides = array<i32>} : memref<1024xi32, #tpu.memory_space<vmem>>, vector<16xi32>,
    %get3A_1895 = vector.shape_cast %get3A_1894 : vector<16xi32> to vector<16xi32>
    %get3A_1896 = arith.constant 624 : index
    %get3A_1897 = tpu.vector_load %arg7[%get3A_1896] {strides = array<i32>} : memref<1024xi32, #tpu.memory_space<vmem>>, vector<16xi32>,
    %get3A_1898 = vector.shape_cast %get3A_1897 : vector<16xi32> to vector<16xi32>
    %mul3A_1899 = arith.constant 1024 : i32
    %mul3A_1900 = vector.broadcast %mul3A_1899 : i32 to vector<16xi32>
    %mul3A_1901 = arith.muli %get3A_1895, %mul3A_1900 : vector<16xi32>
    %add3A_1902 = arith.addi %mul3A_1901, %get3A_1898 : vector<16xi32>
    %sub3A_1903 = vector.broadcast %mul3A_30 : i32 to vector<16xi32>
    %sub3A_1904 = arith.subi %add3A_1902, %sub3A_1903 : vector<16xi32>
    %ge3A_1905 = arith.constant 0 : i32
    %ge3A_1906 = vector.broadcast %ge3A_1905 : i32 to vector<16xi32>
    %ge3A_1907 = arith.cmpi sge, %sub3A_1904, %ge3A_1906 : vector<16xi32>
    %lt3A_1908 = arith.constant 524288 : i32
    %lt3A_1909 = vector.broadcast %lt3A_1908 : i32 to vector<16xi32>
    %lt3A_1910 = arith.cmpi slt, %sub3A_1904, %lt3A_1909 : vector<16xi32>
    %and3A_1911 = arith.andi %ge3A_1907, %lt3A_1910 : vector<16xi1>
    %ne3A_1912 = arith.cmpi ne, %get3A_1895, %get3A_1898 : vector<16xi32>
    %and3A_1913 = arith.andi %and3A_1911, %ne3A_1912 : vector<16xi1>
    %iota3A_1914 = tpu.iota {dimensions = array<i32: 0>} : vector<16xi32>
    %add3A_1915 = vector.broadcast %mul3A_0 : i32 to vector<16xi32>
    %add3A_1916 = arith.addi %iota3A_1914, %add3A_1915 : vector<16xi32>
    %add3A_1917 = arith.constant 512 : i32
    %add3A_1918 = vector.broadcast %add3A_1917 : i32 to vector<16xi32>
    %add3A_1919 = arith.addi %add3A_1916, %add3A_1918 : vector<16xi32>
    %add3A_1920 = arith.constant 112 : i32
    %add3A_1921 = vector.broadcast %add3A_1920 : i32 to vector<16xi32>
    %add3A_1922 = arith.addi %add3A_1919, %add3A_1921 : vector<16xi32>
    %select_n3A_1923 = arith.select %and3A_1913, %sub3A_1904, %add3A_1922 : vector<16xi1>, vector<16xi32>
    %swap3A_1924 = arith.constant 4 : i32
    %swap3A_1925 = arith.index_cast %swap3A_1924 : i32 to index
    %swap3A_1926 = arith.constant 112 : index
    %swap3A_1927 = tpu.vector_load %arg8[%swap3A_1925, %swap3A_1926] {strides = array<i32>} : memref<8x128xi32, #tpu.memory_space<vmem>>, vector<1x16xi32>,
    %swap3A_1928 = vector.shape_cast %swap3A_1927 : vector<1x16xi32> to vector<16xi32>
    %swap3A_1929 = vector.shape_cast %select_n3A_1923 : vector<16xi32> to vector<1x16xi32>
    tpu.vector_store %arg8[%swap3A_1925, %swap3A_1926], %swap3A_1929 {strides = array<i32>} : memref<8x128xi32, #tpu.memory_space<vmem>>, vector<1x16xi32>,
    %broadcast_in_dim3A_1930 = arith.constant 1.000000e+00 : f32
    %broadcast_in_dim3A_1931 = vector.broadcast %broadcast_in_dim3A_1930 : f32 to vector<16xf32>
    %broadcast_in_dim3A_1932 = arith.constant 0.000000e+00 : f32
    %broadcast_in_dim3A_1933 = vector.broadcast %broadcast_in_dim3A_1932 : f32 to vector<16xf32>
    %select_n3A_1934 = arith.select %and3A_1913, %broadcast_in_dim3A_1931, %broadcast_in_dim3A_1933 : vector<16xi1>, vector<16xf32>
    %swap3A_1935 = arith.constant 4 : i32
    %swap3A_1936 = arith.index_cast %swap3A_1935 : i32 to index
    %swap3A_1937 = arith.constant 112 : index
    %swap3A_1938 = tpu.vector_load %arg9[%swap3A_1936, %swap3A_1937] {strides = array<i32>} : memref<8x128xf32, #tpu.memory_space<vmem>>, vector<1x16xf32>,
    %swap3A_1939 = vector.shape_cast %swap3A_1938 : vector<1x16xf32> to vector<16xf32>
    %swap3A_1940 = vector.shape_cast %select_n3A_1934 : vector<16xf32> to vector<1x16xf32>
    tpu.vector_store %arg9[%swap3A_1936, %swap3A_1937], %swap3A_1940 {strides = array<i32>} : memref<8x128xf32, #tpu.memory_space<vmem>>, vector<1x16xf32>,
    %get3A_1941 = arith.constant 640 : index
    %get3A_1942 = tpu.vector_load %arg6[%get3A_1941] {strides = array<i32>} : memref<1024xi32, #tpu.memory_space<vmem>>, vector<16xi32>,
    %get3A_1943 = vector.shape_cast %get3A_1942 : vector<16xi32> to vector<16xi32>
    %get3A_1944 = arith.constant 640 : index
    %get3A_1945 = tpu.vector_load %arg7[%get3A_1944] {strides = array<i32>} : memref<1024xi32, #tpu.memory_space<vmem>>, vector<16xi32>,
    %get3A_1946 = vector.shape_cast %get3A_1945 : vector<16xi32> to vector<16xi32>
    %mul3A_1947 = arith.constant 1024 : i32
    %mul3A_1948 = vector.broadcast %mul3A_1947 : i32 to vector<16xi32>
    %mul3A_1949 = arith.muli %get3A_1943, %mul3A_1948 : vector<16xi32>
    %add3A_1950 = arith.addi %mul3A_1949, %get3A_1946 : vector<16xi32>
    %sub3A_1951 = vector.broadcast %mul3A_30 : i32 to vector<16xi32>
    %sub3A_1952 = arith.subi %add3A_1950, %sub3A_1951 : vector<16xi32>
    %ge3A_1953 = arith.constant 0 : i32
    %ge3A_1954 = vector.broadcast %ge3A_1953 : i32 to vector<16xi32>
    %ge3A_1955 = arith.cmpi sge, %sub3A_1952, %ge3A_1954 : vector<16xi32>
    %lt3A_1956 = arith.constant 524288 : i32
    %lt3A_1957 = vector.broadcast %lt3A_1956 : i32 to vector<16xi32>
    %lt3A_1958 = arith.cmpi slt, %sub3A_1952, %lt3A_1957 : vector<16xi32>
    %and3A_1959 = arith.andi %ge3A_1955, %lt3A_1958 : vector<16xi1>
    %ne3A_1960 = arith.cmpi ne, %get3A_1943, %get3A_1946 : vector<16xi32>
    %and3A_1961 = arith.andi %and3A_1959, %ne3A_1960 : vector<16xi1>
    %iota3A_1962 = tpu.iota {dimensions = array<i32: 0>} : vector<16xi32>
    %add3A_1963 = vector.broadcast %mul3A_0 : i32 to vector<16xi32>
    %add3A_1964 = arith.addi %iota3A_1962, %add3A_1963 : vector<16xi32>
    %add3A_1965 = arith.constant 640 : i32
    %add3A_1966 = vector.broadcast %add3A_1965 : i32 to vector<16xi32>
    %add3A_1967 = arith.addi %add3A_1964, %add3A_1966 : vector<16xi32>
    %add3A_1968 = arith.constant 0 : i32
    %add3A_1969 = vector.broadcast %add3A_1968 : i32 to vector<16xi32>
    %add3A_1970 = arith.addi %add3A_1967, %add3A_1969 : vector<16xi32>
    %select_n3A_1971 = arith.select %and3A_1961, %sub3A_1952, %add3A_1970 : vector<16xi1>, vector<16xi32>
    %swap3A_1972 = arith.constant 5 : i32
    %swap3A_1973 = arith.index_cast %swap3A_1972 : i32 to index
    %swap3A_1974 = arith.constant 0 : index
    %swap3A_1975 = tpu.vector_load %arg8[%swap3A_1973, %swap3A_1974] {strides = array<i32>} : memref<8x128xi32, #tpu.memory_space<vmem>>, vector<1x16xi32>,
    %swap3A_1976 = vector.shape_cast %swap3A_1975 : vector<1x16xi32> to vector<16xi32>
    %swap3A_1977 = vector.shape_cast %select_n3A_1971 : vector<16xi32> to vector<1x16xi32>
    tpu.vector_store %arg8[%swap3A_1973, %swap3A_1974], %swap3A_1977 {strides = array<i32>} : memref<8x128xi32, #tpu.memory_space<vmem>>, vector<1x16xi32>,
    %broadcast_in_dim3A_1978 = arith.constant 1.000000e+00 : f32
    %broadcast_in_dim3A_1979 = vector.broadcast %broadcast_in_dim3A_1978 : f32 to vector<16xf32>
    %broadcast_in_dim3A_1980 = arith.constant 0.000000e+00 : f32
    %broadcast_in_dim3A_1981 = vector.broadcast %broadcast_in_dim3A_1980 : f32 to vector<16xf32>
    %select_n3A_1982 = arith.select %and3A_1961, %broadcast_in_dim3A_1979, %broadcast_in_dim3A_1981 : vector<16xi1>, vector<16xf32>
    %swap3A_1983 = arith.constant 5 : i32
    %swap3A_1984 = arith.index_cast %swap3A_1983 : i32 to index
    %swap3A_1985 = arith.constant 0 : index
    %swap3A_1986 = tpu.vector_load %arg9[%swap3A_1984, %swap3A_1985] {strides = array<i32>} : memref<8x128xf32, #tpu.memory_space<vmem>>, vector<1x16xf32>,
    %swap3A_1987 = vector.shape_cast %swap3A_1986 : vector<1x16xf32> to vector<16xf32>
    %swap3A_1988 = vector.shape_cast %select_n3A_1982 : vector<16xf32> to vector<1x16xf32>
    tpu.vector_store %arg9[%swap3A_1984, %swap3A_1985], %swap3A_1988 {strides = array<i32>} : memref<8x128xf32, #tpu.memory_space<vmem>>, vector<1x16xf32>,
    %get3A_1989 = arith.constant 656 : index
    %get3A_1990 = tpu.vector_load %arg6[%get3A_1989] {strides = array<i32>} : memref<1024xi32, #tpu.memory_space<vmem>>, vector<16xi32>,
    %get3A_1991 = vector.shape_cast %get3A_1990 : vector<16xi32> to vector<16xi32>
    %get3A_1992 = arith.constant 656 : index
    %get3A_1993 = tpu.vector_load %arg7[%get3A_1992] {strides = array<i32>} : memref<1024xi32, #tpu.memory_space<vmem>>, vector<16xi32>,
    %get3A_1994 = vector.shape_cast %get3A_1993 : vector<16xi32> to vector<16xi32>
    %mul3A_1995 = arith.constant 1024 : i32
    %mul3A_1996 = vector.broadcast %mul3A_1995 : i32 to vector<16xi32>
    %mul3A_1997 = arith.muli %get3A_1991, %mul3A_1996 : vector<16xi32>
    %add3A_1998 = arith.addi %mul3A_1997, %get3A_1994 : vector<16xi32>
    %sub3A_1999 = vector.broadcast %mul3A_30 : i32 to vector<16xi32>
    %sub3A_2000 = arith.subi %add3A_1998, %sub3A_1999 : vector<16xi32>
    %ge3A_2001 = arith.constant 0 : i32
    %ge3A_2002 = vector.broadcast %ge3A_2001 : i32 to vector<16xi32>
    %ge3A_2003 = arith.cmpi sge, %sub3A_2000, %ge3A_2002 : vector<16xi32>
    %lt3A_2004 = arith.constant 524288 : i32
    %lt3A_2005 = vector.broadcast %lt3A_2004 : i32 to vector<16xi32>
    %lt3A_2006 = arith.cmpi slt, %sub3A_2000, %lt3A_2005 : vector<16xi32>
    %and3A_2007 = arith.andi %ge3A_2003, %lt3A_2006 : vector<16xi1>
    %ne3A_2008 = arith.cmpi ne, %get3A_1991, %get3A_1994 : vector<16xi32>
    %and3A_2009 = arith.andi %and3A_2007, %ne3A_2008 : vector<16xi1>
    %iota3A_2010 = tpu.iota {dimensions = array<i32: 0>} : vector<16xi32>
    %add3A_2011 = vector.broadcast %mul3A_0 : i32 to vector<16xi32>
    %add3A_2012 = arith.addi %iota3A_2010, %add3A_2011 : vector<16xi32>
    %add3A_2013 = arith.constant 640 : i32
    %add3A_2014 = vector.broadcast %add3A_2013 : i32 to vector<16xi32>
    %add3A_2015 = arith.addi %add3A_2012, %add3A_2014 : vector<16xi32>
    %add3A_2016 = arith.constant 16 : i32
    %add3A_2017 = vector.broadcast %add3A_2016 : i32 to vector<16xi32>
    %add3A_2018 = arith.addi %add3A_2015, %add3A_2017 : vector<16xi32>
    %select_n3A_2019 = arith.select %and3A_2009, %sub3A_2000, %add3A_2018 : vector<16xi1>, vector<16xi32>
    %swap3A_2020 = arith.constant 5 : i32
    %swap3A_2021 = arith.index_cast %swap3A_2020 : i32 to index
    %swap3A_2022 = arith.constant 16 : index
    %swap3A_2023 = tpu.vector_load %arg8[%swap3A_2021, %swap3A_2022] {strides = array<i32>} : memref<8x128xi32, #tpu.memory_space<vmem>>, vector<1x16xi32>,
    %swap3A_2024 = vector.shape_cast %swap3A_2023 : vector<1x16xi32> to vector<16xi32>
    %swap3A_2025 = vector.shape_cast %select_n3A_2019 : vector<16xi32> to vector<1x16xi32>
    tpu.vector_store %arg8[%swap3A_2021, %swap3A_2022], %swap3A_2025 {strides = array<i32>} : memref<8x128xi32, #tpu.memory_space<vmem>>, vector<1x16xi32>,
    %broadcast_in_dim3A_2026 = arith.constant 1.000000e+00 : f32
    %broadcast_in_dim3A_2027 = vector.broadcast %broadcast_in_dim3A_2026 : f32 to vector<16xf32>
    %broadcast_in_dim3A_2028 = arith.constant 0.000000e+00 : f32
    %broadcast_in_dim3A_2029 = vector.broadcast %broadcast_in_dim3A_2028 : f32 to vector<16xf32>
    %select_n3A_2030 = arith.select %and3A_2009, %broadcast_in_dim3A_2027, %broadcast_in_dim3A_2029 : vector<16xi1>, vector<16xf32>
    %swap3A_2031 = arith.constant 5 : i32
    %swap3A_2032 = arith.index_cast %swap3A_2031 : i32 to index
    %swap3A_2033 = arith.constant 16 : index
    %swap3A_2034 = tpu.vector_load %arg9[%swap3A_2032, %swap3A_2033] {strides = array<i32>} : memref<8x128xf32, #tpu.memory_space<vmem>>, vector<1x16xf32>,
    %swap3A_2035 = vector.shape_cast %swap3A_2034 : vector<1x16xf32> to vector<16xf32>
    %swap3A_2036 = vector.shape_cast %select_n3A_2030 : vector<16xf32> to vector<1x16xf32>
    tpu.vector_store %arg9[%swap3A_2032, %swap3A_2033], %swap3A_2036 {strides = array<i32>} : memref<8x128xf32, #tpu.memory_space<vmem>>, vector<1x16xf32>,
    %get3A_2037 = arith.constant 672 : index
    %get3A_2038 = tpu.vector_load %arg6[%get3A_2037] {strides = array<i32>} : memref<1024xi32, #tpu.memory_space<vmem>>, vector<16xi32>,
    %get3A_2039 = vector.shape_cast %get3A_2038 : vector<16xi32> to vector<16xi32>
    %get3A_2040 = arith.constant 672 : index
    %get3A_2041 = tpu.vector_load %arg7[%get3A_2040] {strides = array<i32>} : memref<1024xi32, #tpu.memory_space<vmem>>, vector<16xi32>,
    %get3A_2042 = vector.shape_cast %get3A_2041 : vector<16xi32> to vector<16xi32>
    %mul3A_2043 = arith.constant 1024 : i32
    %mul3A_2044 = vector.broadcast %mul3A_2043 : i32 to vector<16xi32>
    %mul3A_2045 = arith.muli %get3A_2039, %mul3A_2044 : vector<16xi32>
    %add3A_2046 = arith.addi %mul3A_2045, %get3A_2042 : vector<16xi32>
    %sub3A_2047 = vector.broadcast %mul3A_30 : i32 to vector<16xi32>
    %sub3A_2048 = arith.subi %add3A_2046, %sub3A_2047 : vector<16xi32>
    %ge3A_2049 = arith.constant 0 : i32
    %ge3A_2050 = vector.broadcast %ge3A_2049 : i32 to vector<16xi32>
    %ge3A_2051 = arith.cmpi sge, %sub3A_2048, %ge3A_2050 : vector<16xi32>
    %lt3A_2052 = arith.constant 524288 : i32
    %lt3A_2053 = vector.broadcast %lt3A_2052 : i32 to vector<16xi32>
    %lt3A_2054 = arith.cmpi slt, %sub3A_2048, %lt3A_2053 : vector<16xi32>
    %and3A_2055 = arith.andi %ge3A_2051, %lt3A_2054 : vector<16xi1>
    %ne3A_2056 = arith.cmpi ne, %get3A_2039, %get3A_2042 : vector<16xi32>
    %and3A_2057 = arith.andi %and3A_2055, %ne3A_2056 : vector<16xi1>
    %iota3A_2058 = tpu.iota {dimensions = array<i32: 0>} : vector<16xi32>
    %add3A_2059 = vector.broadcast %mul3A_0 : i32 to vector<16xi32>
    %add3A_2060 = arith.addi %iota3A_2058, %add3A_2059 : vector<16xi32>
    %add3A_2061 = arith.constant 640 : i32
    %add3A_2062 = vector.broadcast %add3A_2061 : i32 to vector<16xi32>
    %add3A_2063 = arith.addi %add3A_2060, %add3A_2062 : vector<16xi32>
    %add3A_2064 = arith.constant 32 : i32
    %add3A_2065 = vector.broadcast %add3A_2064 : i32 to vector<16xi32>
    %add3A_2066 = arith.addi %add3A_2063, %add3A_2065 : vector<16xi32>
    %select_n3A_2067 = arith.select %and3A_2057, %sub3A_2048, %add3A_2066 : vector<16xi1>, vector<16xi32>
    %swap3A_2068 = arith.constant 5 : i32
    %swap3A_2069 = arith.index_cast %swap3A_2068 : i32 to index
    %swap3A_2070 = arith.constant 32 : index
    %swap3A_2071 = tpu.vector_load %arg8[%swap3A_2069, %swap3A_2070] {strides = array<i32>} : memref<8x128xi32, #tpu.memory_space<vmem>>, vector<1x16xi32>,
    %swap3A_2072 = vector.shape_cast %swap3A_2071 : vector<1x16xi32> to vector<16xi32>
    %swap3A_2073 = vector.shape_cast %select_n3A_2067 : vector<16xi32> to vector<1x16xi32>
    tpu.vector_store %arg8[%swap3A_2069, %swap3A_2070], %swap3A_2073 {strides = array<i32>} : memref<8x128xi32, #tpu.memory_space<vmem>>, vector<1x16xi32>,
    %broadcast_in_dim3A_2074 = arith.constant 1.000000e+00 : f32
    %broadcast_in_dim3A_2075 = vector.broadcast %broadcast_in_dim3A_2074 : f32 to vector<16xf32>
    %broadcast_in_dim3A_2076 = arith.constant 0.000000e+00 : f32
    %broadcast_in_dim3A_2077 = vector.broadcast %broadcast_in_dim3A_2076 : f32 to vector<16xf32>
    %select_n3A_2078 = arith.select %and3A_2057, %broadcast_in_dim3A_2075, %broadcast_in_dim3A_2077 : vector<16xi1>, vector<16xf32>
    %swap3A_2079 = arith.constant 5 : i32
    %swap3A_2080 = arith.index_cast %swap3A_2079 : i32 to index
    %swap3A_2081 = arith.constant 32 : index
    %swap3A_2082 = tpu.vector_load %arg9[%swap3A_2080, %swap3A_2081] {strides = array<i32>} : memref<8x128xf32, #tpu.memory_space<vmem>>, vector<1x16xf32>,
    %swap3A_2083 = vector.shape_cast %swap3A_2082 : vector<1x16xf32> to vector<16xf32>
    %swap3A_2084 = vector.shape_cast %select_n3A_2078 : vector<16xf32> to vector<1x16xf32>
    tpu.vector_store %arg9[%swap3A_2080, %swap3A_2081], %swap3A_2084 {strides = array<i32>} : memref<8x128xf32, #tpu.memory_space<vmem>>, vector<1x16xf32>,
    %get3A_2085 = arith.constant 688 : index
    %get3A_2086 = tpu.vector_load %arg6[%get3A_2085] {strides = array<i32>} : memref<1024xi32, #tpu.memory_space<vmem>>, vector<16xi32>,
    %get3A_2087 = vector.shape_cast %get3A_2086 : vector<16xi32> to vector<16xi32>
    %get3A_2088 = arith.constant 688 : index
    %get3A_2089 = tpu.vector_load %arg7[%get3A_2088] {strides = array<i32>} : memref<1024xi32, #tpu.memory_space<vmem>>, vector<16xi32>,
    %get3A_2090 = vector.shape_cast %get3A_2089 : vector<16xi32> to vector<16xi32>
    %mul3A_2091 = arith.constant 1024 : i32
    %mul3A_2092 = vector.broadcast %mul3A_2091 : i32 to vector<16xi32>
    %mul3A_2093 = arith.muli %get3A_2087, %mul3A_2092 : vector<16xi32>
    %add3A_2094 = arith.addi %mul3A_2093, %get3A_2090 : vector<16xi32>
    %sub3A_2095 = vector.broadcast %mul3A_30 : i32 to vector<16xi32>
    %sub3A_2096 = arith.subi %add3A_2094, %sub3A_2095 : vector<16xi32>
    %ge3A_2097 = arith.constant 0 : i32
    %ge3A_2098 = vector.broadcast %ge3A_2097 : i32 to vector<16xi32>
    %ge3A_2099 = arith.cmpi sge, %sub3A_2096, %ge3A_2098 : vector<16xi32>
    %lt3A_2100 = arith.constant 524288 : i32
    %lt3A_2101 = vector.broadcast %lt3A_2100 : i32 to vector<16xi32>
    %lt3A_2102 = arith.cmpi slt, %sub3A_2096, %lt3A_2101 : vector<16xi32>
    %and3A_2103 = arith.andi %ge3A_2099, %lt3A_2102 : vector<16xi1>
    %ne3A_2104 = arith.cmpi ne, %get3A_2087, %get3A_2090 : vector<16xi32>
    %and3A_2105 = arith.andi %and3A_2103, %ne3A_2104 : vector<16xi1>
    %iota3A_2106 = tpu.iota {dimensions = array<i32: 0>} : vector<16xi32>
    %add3A_2107 = vector.broadcast %mul3A_0 : i32 to vector<16xi32>
    %add3A_2108 = arith.addi %iota3A_2106, %add3A_2107 : vector<16xi32>
    %add3A_2109 = arith.constant 640 : i32
    %add3A_2110 = vector.broadcast %add3A_2109 : i32 to vector<16xi32>
    %add3A_2111 = arith.addi %add3A_2108, %add3A_2110 : vector<16xi32>
    %add3A_2112 = arith.constant 48 : i32
    %add3A_2113 = vector.broadcast %add3A_2112 : i32 to vector<16xi32>
    %add3A_2114 = arith.addi %add3A_2111, %add3A_2113 : vector<16xi32>
    %select_n3A_2115 = arith.select %and3A_2105, %sub3A_2096, %add3A_2114 : vector<16xi1>, vector<16xi32>
    %swap3A_2116 = arith.constant 5 : i32
    %swap3A_2117 = arith.index_cast %swap3A_2116 : i32 to index
    %swap3A_2118 = arith.constant 48 : index
    %swap3A_2119 = tpu.vector_load %arg8[%swap3A_2117, %swap3A_2118] {strides = array<i32>} : memref<8x128xi32, #tpu.memory_space<vmem>>, vector<1x16xi32>,
    %swap3A_2120 = vector.shape_cast %swap3A_2119 : vector<1x16xi32> to vector<16xi32>
    %swap3A_2121 = vector.shape_cast %select_n3A_2115 : vector<16xi32> to vector<1x16xi32>
    tpu.vector_store %arg8[%swap3A_2117, %swap3A_2118], %swap3A_2121 {strides = array<i32>} : memref<8x128xi32, #tpu.memory_space<vmem>>, vector<1x16xi32>,
    %broadcast_in_dim3A_2122 = arith.constant 1.000000e+00 : f32
    %broadcast_in_dim3A_2123 = vector.broadcast %broadcast_in_dim3A_2122 : f32 to vector<16xf32>
    %broadcast_in_dim3A_2124 = arith.constant 0.000000e+00 : f32
    %broadcast_in_dim3A_2125 = vector.broadcast %broadcast_in_dim3A_2124 : f32 to vector<16xf32>
    %select_n3A_2126 = arith.select %and3A_2105, %broadcast_in_dim3A_2123, %broadcast_in_dim3A_2125 : vector<16xi1>, vector<16xf32>
    %swap3A_2127 = arith.constant 5 : i32
    %swap3A_2128 = arith.index_cast %swap3A_2127 : i32 to index
    %swap3A_2129 = arith.constant 48 : index
    %swap3A_2130 = tpu.vector_load %arg9[%swap3A_2128, %swap3A_2129] {strides = array<i32>} : memref<8x128xf32, #tpu.memory_space<vmem>>, vector<1x16xf32>,
    %swap3A_2131 = vector.shape_cast %swap3A_2130 : vector<1x16xf32> to vector<16xf32>
    %swap3A_2132 = vector.shape_cast %select_n3A_2126 : vector<16xf32> to vector<1x16xf32>
    tpu.vector_store %arg9[%swap3A_2128, %swap3A_2129], %swap3A_2132 {strides = array<i32>} : memref<8x128xf32, #tpu.memory_space<vmem>>, vector<1x16xf32>,
    %get3A_2133 = arith.constant 704 : index
    %get3A_2134 = tpu.vector_load %arg6[%get3A_2133] {strides = array<i32>} : memref<1024xi32, #tpu.memory_space<vmem>>, vector<16xi32>,
    %get3A_2135 = vector.shape_cast %get3A_2134 : vector<16xi32> to vector<16xi32>
    %get3A_2136 = arith.constant 704 : index
    %get3A_2137 = tpu.vector_load %arg7[%get3A_2136] {strides = array<i32>} : memref<1024xi32, #tpu.memory_space<vmem>>, vector<16xi32>,
    %get3A_2138 = vector.shape_cast %get3A_2137 : vector<16xi32> to vector<16xi32>
    %mul3A_2139 = arith.constant 1024 : i32
    %mul3A_2140 = vector.broadcast %mul3A_2139 : i32 to vector<16xi32>
    %mul3A_2141 = arith.muli %get3A_2135, %mul3A_2140 : vector<16xi32>
    %add3A_2142 = arith.addi %mul3A_2141, %get3A_2138 : vector<16xi32>
    %sub3A_2143 = vector.broadcast %mul3A_30 : i32 to vector<16xi32>
    %sub3A_2144 = arith.subi %add3A_2142, %sub3A_2143 : vector<16xi32>
    %ge3A_2145 = arith.constant 0 : i32
    %ge3A_2146 = vector.broadcast %ge3A_2145 : i32 to vector<16xi32>
    %ge3A_2147 = arith.cmpi sge, %sub3A_2144, %ge3A_2146 : vector<16xi32>
    %lt3A_2148 = arith.constant 524288 : i32
    %lt3A_2149 = vector.broadcast %lt3A_2148 : i32 to vector<16xi32>
    %lt3A_2150 = arith.cmpi slt, %sub3A_2144, %lt3A_2149 : vector<16xi32>
    %and3A_2151 = arith.andi %ge3A_2147, %lt3A_2150 : vector<16xi1>
    %ne3A_2152 = arith.cmpi ne, %get3A_2135, %get3A_2138 : vector<16xi32>
    %and3A_2153 = arith.andi %and3A_2151, %ne3A_2152 : vector<16xi1>
    %iota3A_2154 = tpu.iota {dimensions = array<i32: 0>} : vector<16xi32>
    %add3A_2155 = vector.broadcast %mul3A_0 : i32 to vector<16xi32>
    %add3A_2156 = arith.addi %iota3A_2154, %add3A_2155 : vector<16xi32>
    %add3A_2157 = arith.constant 640 : i32
    %add3A_2158 = vector.broadcast %add3A_2157 : i32 to vector<16xi32>
    %add3A_2159 = arith.addi %add3A_2156, %add3A_2158 : vector<16xi32>
    %add3A_2160 = arith.constant 64 : i32
    %add3A_2161 = vector.broadcast %add3A_2160 : i32 to vector<16xi32>
    %add3A_2162 = arith.addi %add3A_2159, %add3A_2161 : vector<16xi32>
    %select_n3A_2163 = arith.select %and3A_2153, %sub3A_2144, %add3A_2162 : vector<16xi1>, vector<16xi32>
    %swap3A_2164 = arith.constant 5 : i32
    %swap3A_2165 = arith.index_cast %swap3A_2164 : i32 to index
    %swap3A_2166 = arith.constant 64 : index
    %swap3A_2167 = tpu.vector_load %arg8[%swap3A_2165, %swap3A_2166] {strides = array<i32>} : memref<8x128xi32, #tpu.memory_space<vmem>>, vector<1x16xi32>,
    %swap3A_2168 = vector.shape_cast %swap3A_2167 : vector<1x16xi32> to vector<16xi32>
    %swap3A_2169 = vector.shape_cast %select_n3A_2163 : vector<16xi32> to vector<1x16xi32>
    tpu.vector_store %arg8[%swap3A_2165, %swap3A_2166], %swap3A_2169 {strides = array<i32>} : memref<8x128xi32, #tpu.memory_space<vmem>>, vector<1x16xi32>,
    %broadcast_in_dim3A_2170 = arith.constant 1.000000e+00 : f32
    %broadcast_in_dim3A_2171 = vector.broadcast %broadcast_in_dim3A_2170 : f32 to vector<16xf32>
    %broadcast_in_dim3A_2172 = arith.constant 0.000000e+00 : f32
    %broadcast_in_dim3A_2173 = vector.broadcast %broadcast_in_dim3A_2172 : f32 to vector<16xf32>
    %select_n3A_2174 = arith.select %and3A_2153, %broadcast_in_dim3A_2171, %broadcast_in_dim3A_2173 : vector<16xi1>, vector<16xf32>
    %swap3A_2175 = arith.constant 5 : i32
    %swap3A_2176 = arith.index_cast %swap3A_2175 : i32 to index
    %swap3A_2177 = arith.constant 64 : index
    %swap3A_2178 = tpu.vector_load %arg9[%swap3A_2176, %swap3A_2177] {strides = array<i32>} : memref<8x128xf32, #tpu.memory_space<vmem>>, vector<1x16xf32>,
    %swap3A_2179 = vector.shape_cast %swap3A_2178 : vector<1x16xf32> to vector<16xf32>
    %swap3A_2180 = vector.shape_cast %select_n3A_2174 : vector<16xf32> to vector<1x16xf32>
    tpu.vector_store %arg9[%swap3A_2176, %swap3A_2177], %swap3A_2180 {strides = array<i32>} : memref<8x128xf32, #tpu.memory_space<vmem>>, vector<1x16xf32>,
    %get3A_2181 = arith.constant 720 : index
    %get3A_2182 = tpu.vector_load %arg6[%get3A_2181] {strides = array<i32>} : memref<1024xi32, #tpu.memory_space<vmem>>, vector<16xi32>,
    %get3A_2183 = vector.shape_cast %get3A_2182 : vector<16xi32> to vector<16xi32>
    %get3A_2184 = arith.constant 720 : index
    %get3A_2185 = tpu.vector_load %arg7[%get3A_2184] {strides = array<i32>} : memref<1024xi32, #tpu.memory_space<vmem>>, vector<16xi32>,
    %get3A_2186 = vector.shape_cast %get3A_2185 : vector<16xi32> to vector<16xi32>
    %mul3A_2187 = arith.constant 1024 : i32
    %mul3A_2188 = vector.broadcast %mul3A_2187 : i32 to vector<16xi32>
    %mul3A_2189 = arith.muli %get3A_2183, %mul3A_2188 : vector<16xi32>
    %add3A_2190 = arith.addi %mul3A_2189, %get3A_2186 : vector<16xi32>
    %sub3A_2191 = vector.broadcast %mul3A_30 : i32 to vector<16xi32>
    %sub3A_2192 = arith.subi %add3A_2190, %sub3A_2191 : vector<16xi32>
    %ge3A_2193 = arith.constant 0 : i32
    %ge3A_2194 = vector.broadcast %ge3A_2193 : i32 to vector<16xi32>
    %ge3A_2195 = arith.cmpi sge, %sub3A_2192, %ge3A_2194 : vector<16xi32>
    %lt3A_2196 = arith.constant 524288 : i32
    %lt3A_2197 = vector.broadcast %lt3A_2196 : i32 to vector<16xi32>
    %lt3A_2198 = arith.cmpi slt, %sub3A_2192, %lt3A_2197 : vector<16xi32>
    %and3A_2199 = arith.andi %ge3A_2195, %lt3A_2198 : vector<16xi1>
    %ne3A_2200 = arith.cmpi ne, %get3A_2183, %get3A_2186 : vector<16xi32>
    %and3A_2201 = arith.andi %and3A_2199, %ne3A_2200 : vector<16xi1>
    %iota3A_2202 = tpu.iota {dimensions = array<i32: 0>} : vector<16xi32>
    %add3A_2203 = vector.broadcast %mul3A_0 : i32 to vector<16xi32>
    %add3A_2204 = arith.addi %iota3A_2202, %add3A_2203 : vector<16xi32>
    %add3A_2205 = arith.constant 640 : i32
    %add3A_2206 = vector.broadcast %add3A_2205 : i32 to vector<16xi32>
    %add3A_2207 = arith.addi %add3A_2204, %add3A_2206 : vector<16xi32>
    %add3A_2208 = arith.constant 80 : i32
    %add3A_2209 = vector.broadcast %add3A_2208 : i32 to vector<16xi32>
    %add3A_2210 = arith.addi %add3A_2207, %add3A_2209 : vector<16xi32>
    %select_n3A_2211 = arith.select %and3A_2201, %sub3A_2192, %add3A_2210 : vector<16xi1>, vector<16xi32>
    %swap3A_2212 = arith.constant 5 : i32
    %swap3A_2213 = arith.index_cast %swap3A_2212 : i32 to index
    %swap3A_2214 = arith.constant 80 : index
    %swap3A_2215 = tpu.vector_load %arg8[%swap3A_2213, %swap3A_2214] {strides = array<i32>} : memref<8x128xi32, #tpu.memory_space<vmem>>, vector<1x16xi32>,
    %swap3A_2216 = vector.shape_cast %swap3A_2215 : vector<1x16xi32> to vector<16xi32>
    %swap3A_2217 = vector.shape_cast %select_n3A_2211 : vector<16xi32> to vector<1x16xi32>
    tpu.vector_store %arg8[%swap3A_2213, %swap3A_2214], %swap3A_2217 {strides = array<i32>} : memref<8x128xi32, #tpu.memory_space<vmem>>, vector<1x16xi32>,
    %broadcast_in_dim3A_2218 = arith.constant 1.000000e+00 : f32
    %broadcast_in_dim3A_2219 = vector.broadcast %broadcast_in_dim3A_2218 : f32 to vector<16xf32>
    %broadcast_in_dim3A_2220 = arith.constant 0.000000e+00 : f32
    %broadcast_in_dim3A_2221 = vector.broadcast %broadcast_in_dim3A_2220 : f32 to vector<16xf32>
    %select_n3A_2222 = arith.select %and3A_2201, %broadcast_in_dim3A_2219, %broadcast_in_dim3A_2221 : vector<16xi1>, vector<16xf32>
    %swap3A_2223 = arith.constant 5 : i32
    %swap3A_2224 = arith.index_cast %swap3A_2223 : i32 to index
    %swap3A_2225 = arith.constant 80 : index
    %swap3A_2226 = tpu.vector_load %arg9[%swap3A_2224, %swap3A_2225] {strides = array<i32>} : memref<8x128xf32, #tpu.memory_space<vmem>>, vector<1x16xf32>,
    %swap3A_2227 = vector.shape_cast %swap3A_2226 : vector<1x16xf32> to vector<16xf32>
    %swap3A_2228 = vector.shape_cast %select_n3A_2222 : vector<16xf32> to vector<1x16xf32>
    tpu.vector_store %arg9[%swap3A_2224, %swap3A_2225], %swap3A_2228 {strides = array<i32>} : memref<8x128xf32, #tpu.memory_space<vmem>>, vector<1x16xf32>,
    %get3A_2229 = arith.constant 736 : index
    %get3A_2230 = tpu.vector_load %arg6[%get3A_2229] {strides = array<i32>} : memref<1024xi32, #tpu.memory_space<vmem>>, vector<16xi32>,
    %get3A_2231 = vector.shape_cast %get3A_2230 : vector<16xi32> to vector<16xi32>
    %get3A_2232 = arith.constant 736 : index
    %get3A_2233 = tpu.vector_load %arg7[%get3A_2232] {strides = array<i32>} : memref<1024xi32, #tpu.memory_space<vmem>>, vector<16xi32>,
    %get3A_2234 = vector.shape_cast %get3A_2233 : vector<16xi32> to vector<16xi32>
    %mul3A_2235 = arith.constant 1024 : i32
    %mul3A_2236 = vector.broadcast %mul3A_2235 : i32 to vector<16xi32>
    %mul3A_2237 = arith.muli %get3A_2231, %mul3A_2236 : vector<16xi32>
    %add3A_2238 = arith.addi %mul3A_2237, %get3A_2234 : vector<16xi32>
    %sub3A_2239 = vector.broadcast %mul3A_30 : i32 to vector<16xi32>
    %sub3A_2240 = arith.subi %add3A_2238, %sub3A_2239 : vector<16xi32>
    %ge3A_2241 = arith.constant 0 : i32
    %ge3A_2242 = vector.broadcast %ge3A_2241 : i32 to vector<16xi32>
    %ge3A_2243 = arith.cmpi sge, %sub3A_2240, %ge3A_2242 : vector<16xi32>
    %lt3A_2244 = arith.constant 524288 : i32
    %lt3A_2245 = vector.broadcast %lt3A_2244 : i32 to vector<16xi32>
    %lt3A_2246 = arith.cmpi slt, %sub3A_2240, %lt3A_2245 : vector<16xi32>
    %and3A_2247 = arith.andi %ge3A_2243, %lt3A_2246 : vector<16xi1>
    %ne3A_2248 = arith.cmpi ne, %get3A_2231, %get3A_2234 : vector<16xi32>
    %and3A_2249 = arith.andi %and3A_2247, %ne3A_2248 : vector<16xi1>
    %iota3A_2250 = tpu.iota {dimensions = array<i32: 0>} : vector<16xi32>
    %add3A_2251 = vector.broadcast %mul3A_0 : i32 to vector<16xi32>
    %add3A_2252 = arith.addi %iota3A_2250, %add3A_2251 : vector<16xi32>
    %add3A_2253 = arith.constant 640 : i32
    %add3A_2254 = vector.broadcast %add3A_2253 : i32 to vector<16xi32>
    %add3A_2255 = arith.addi %add3A_2252, %add3A_2254 : vector<16xi32>
    %add3A_2256 = arith.constant 96 : i32
    %add3A_2257 = vector.broadcast %add3A_2256 : i32 to vector<16xi32>
    %add3A_2258 = arith.addi %add3A_2255, %add3A_2257 : vector<16xi32>
    %select_n3A_2259 = arith.select %and3A_2249, %sub3A_2240, %add3A_2258 : vector<16xi1>, vector<16xi32>
    %swap3A_2260 = arith.constant 5 : i32
    %swap3A_2261 = arith.index_cast %swap3A_2260 : i32 to index
    %swap3A_2262 = arith.constant 96 : index
    %swap3A_2263 = tpu.vector_load %arg8[%swap3A_2261, %swap3A_2262] {strides = array<i32>} : memref<8x128xi32, #tpu.memory_space<vmem>>, vector<1x16xi32>,
    %swap3A_2264 = vector.shape_cast %swap3A_2263 : vector<1x16xi32> to vector<16xi32>
    %swap3A_2265 = vector.shape_cast %select_n3A_2259 : vector<16xi32> to vector<1x16xi32>
    tpu.vector_store %arg8[%swap3A_2261, %swap3A_2262], %swap3A_2265 {strides = array<i32>} : memref<8x128xi32, #tpu.memory_space<vmem>>, vector<1x16xi32>,
    %broadcast_in_dim3A_2266 = arith.constant 1.000000e+00 : f32
    %broadcast_in_dim3A_2267 = vector.broadcast %broadcast_in_dim3A_2266 : f32 to vector<16xf32>
    %broadcast_in_dim3A_2268 = arith.constant 0.000000e+00 : f32
    %broadcast_in_dim3A_2269 = vector.broadcast %broadcast_in_dim3A_2268 : f32 to vector<16xf32>
    %select_n3A_2270 = arith.select %and3A_2249, %broadcast_in_dim3A_2267, %broadcast_in_dim3A_2269 : vector<16xi1>, vector<16xf32>
    %swap3A_2271 = arith.constant 5 : i32
    %swap3A_2272 = arith.index_cast %swap3A_2271 : i32 to index
    %swap3A_2273 = arith.constant 96 : index
    %swap3A_2274 = tpu.vector_load %arg9[%swap3A_2272, %swap3A_2273] {strides = array<i32>} : memref<8x128xf32, #tpu.memory_space<vmem>>, vector<1x16xf32>,
    %swap3A_2275 = vector.shape_cast %swap3A_2274 : vector<1x16xf32> to vector<16xf32>
    %swap3A_2276 = vector.shape_cast %select_n3A_2270 : vector<16xf32> to vector<1x16xf32>
    tpu.vector_store %arg9[%swap3A_2272, %swap3A_2273], %swap3A_2276 {strides = array<i32>} : memref<8x128xf32, #tpu.memory_space<vmem>>, vector<1x16xf32>,
    %get3A_2277 = arith.constant 752 : index
    %get3A_2278 = tpu.vector_load %arg6[%get3A_2277] {strides = array<i32>} : memref<1024xi32, #tpu.memory_space<vmem>>, vector<16xi32>,
    %get3A_2279 = vector.shape_cast %get3A_2278 : vector<16xi32> to vector<16xi32>
    %get3A_2280 = arith.constant 752 : index
    %get3A_2281 = tpu.vector_load %arg7[%get3A_2280] {strides = array<i32>} : memref<1024xi32, #tpu.memory_space<vmem>>, vector<16xi32>,
    %get3A_2282 = vector.shape_cast %get3A_2281 : vector<16xi32> to vector<16xi32>
    %mul3A_2283 = arith.constant 1024 : i32
    %mul3A_2284 = vector.broadcast %mul3A_2283 : i32 to vector<16xi32>
    %mul3A_2285 = arith.muli %get3A_2279, %mul3A_2284 : vector<16xi32>
    %add3A_2286 = arith.addi %mul3A_2285, %get3A_2282 : vector<16xi32>
    %sub3A_2287 = vector.broadcast %mul3A_30 : i32 to vector<16xi32>
    %sub3A_2288 = arith.subi %add3A_2286, %sub3A_2287 : vector<16xi32>
    %ge3A_2289 = arith.constant 0 : i32
    %ge3A_2290 = vector.broadcast %ge3A_2289 : i32 to vector<16xi32>
    %ge3A_2291 = arith.cmpi sge, %sub3A_2288, %ge3A_2290 : vector<16xi32>
    %lt3A_2292 = arith.constant 524288 : i32
    %lt3A_2293 = vector.broadcast %lt3A_2292 : i32 to vector<16xi32>
    %lt3A_2294 = arith.cmpi slt, %sub3A_2288, %lt3A_2293 : vector<16xi32>
    %and3A_2295 = arith.andi %ge3A_2291, %lt3A_2294 : vector<16xi1>
    %ne3A_2296 = arith.cmpi ne, %get3A_2279, %get3A_2282 : vector<16xi32>
    %and3A_2297 = arith.andi %and3A_2295, %ne3A_2296 : vector<16xi1>
    %iota3A_2298 = tpu.iota {dimensions = array<i32: 0>} : vector<16xi32>
    %add3A_2299 = vector.broadcast %mul3A_0 : i32 to vector<16xi32>
    %add3A_2300 = arith.addi %iota3A_2298, %add3A_2299 : vector<16xi32>
    %add3A_2301 = arith.constant 640 : i32
    %add3A_2302 = vector.broadcast %add3A_2301 : i32 to vector<16xi32>
    %add3A_2303 = arith.addi %add3A_2300, %add3A_2302 : vector<16xi32>
    %add3A_2304 = arith.constant 112 : i32
    %add3A_2305 = vector.broadcast %add3A_2304 : i32 to vector<16xi32>
    %add3A_2306 = arith.addi %add3A_2303, %add3A_2305 : vector<16xi32>
    %select_n3A_2307 = arith.select %and3A_2297, %sub3A_2288, %add3A_2306 : vector<16xi1>, vector<16xi32>
    %swap3A_2308 = arith.constant 5 : i32
    %swap3A_2309 = arith.index_cast %swap3A_2308 : i32 to index
    %swap3A_2310 = arith.constant 112 : index
    %swap3A_2311 = tpu.vector_load %arg8[%swap3A_2309, %swap3A_2310] {strides = array<i32>} : memref<8x128xi32, #tpu.memory_space<vmem>>, vector<1x16xi32>,
    %swap3A_2312 = vector.shape_cast %swap3A_2311 : vector<1x16xi32> to vector<16xi32>
    %swap3A_2313 = vector.shape_cast %select_n3A_2307 : vector<16xi32> to vector<1x16xi32>
    tpu.vector_store %arg8[%swap3A_2309, %swap3A_2310], %swap3A_2313 {strides = array<i32>} : memref<8x128xi32, #tpu.memory_space<vmem>>, vector<1x16xi32>,
    %broadcast_in_dim3A_2314 = arith.constant 1.000000e+00 : f32
    %broadcast_in_dim3A_2315 = vector.broadcast %broadcast_in_dim3A_2314 : f32 to vector<16xf32>
    %broadcast_in_dim3A_2316 = arith.constant 0.000000e+00 : f32
    %broadcast_in_dim3A_2317 = vector.broadcast %broadcast_in_dim3A_2316 : f32 to vector<16xf32>
    %select_n3A_2318 = arith.select %and3A_2297, %broadcast_in_dim3A_2315, %broadcast_in_dim3A_2317 : vector<16xi1>, vector<16xf32>
    %swap3A_2319 = arith.constant 5 : i32
    %swap3A_2320 = arith.index_cast %swap3A_2319 : i32 to index
    %swap3A_2321 = arith.constant 112 : index
    %swap3A_2322 = tpu.vector_load %arg9[%swap3A_2320, %swap3A_2321] {strides = array<i32>} : memref<8x128xf32, #tpu.memory_space<vmem>>, vector<1x16xf32>,
    %swap3A_2323 = vector.shape_cast %swap3A_2322 : vector<1x16xf32> to vector<16xf32>
    %swap3A_2324 = vector.shape_cast %select_n3A_2318 : vector<16xf32> to vector<1x16xf32>
    tpu.vector_store %arg9[%swap3A_2320, %swap3A_2321], %swap3A_2324 {strides = array<i32>} : memref<8x128xf32, #tpu.memory_space<vmem>>, vector<1x16xf32>,
    %get3A_2325 = arith.constant 768 : index
    %get3A_2326 = tpu.vector_load %arg6[%get3A_2325] {strides = array<i32>} : memref<1024xi32, #tpu.memory_space<vmem>>, vector<16xi32>,
    %get3A_2327 = vector.shape_cast %get3A_2326 : vector<16xi32> to vector<16xi32>
    %get3A_2328 = arith.constant 768 : index
    %get3A_2329 = tpu.vector_load %arg7[%get3A_2328] {strides = array<i32>} : memref<1024xi32, #tpu.memory_space<vmem>>, vector<16xi32>,
    %get3A_2330 = vector.shape_cast %get3A_2329 : vector<16xi32> to vector<16xi32>
    %mul3A_2331 = arith.constant 1024 : i32
    %mul3A_2332 = vector.broadcast %mul3A_2331 : i32 to vector<16xi32>
    %mul3A_2333 = arith.muli %get3A_2327, %mul3A_2332 : vector<16xi32>
    %add3A_2334 = arith.addi %mul3A_2333, %get3A_2330 : vector<16xi32>
    %sub3A_2335 = vector.broadcast %mul3A_30 : i32 to vector<16xi32>
    %sub3A_2336 = arith.subi %add3A_2334, %sub3A_2335 : vector<16xi32>
    %ge3A_2337 = arith.constant 0 : i32
    %ge3A_2338 = vector.broadcast %ge3A_2337 : i32 to vector<16xi32>
    %ge3A_2339 = arith.cmpi sge, %sub3A_2336, %ge3A_2338 : vector<16xi32>
    %lt3A_2340 = arith.constant 524288 : i32
    %lt3A_2341 = vector.broadcast %lt3A_2340 : i32 to vector<16xi32>
    %lt3A_2342 = arith.cmpi slt, %sub3A_2336, %lt3A_2341 : vector<16xi32>
    %and3A_2343 = arith.andi %ge3A_2339, %lt3A_2342 : vector<16xi1>
    %ne3A_2344 = arith.cmpi ne, %get3A_2327, %get3A_2330 : vector<16xi32>
    %and3A_2345 = arith.andi %and3A_2343, %ne3A_2344 : vector<16xi1>
    %iota3A_2346 = tpu.iota {dimensions = array<i32: 0>} : vector<16xi32>
    %add3A_2347 = vector.broadcast %mul3A_0 : i32 to vector<16xi32>
    %add3A_2348 = arith.addi %iota3A_2346, %add3A_2347 : vector<16xi32>
    %add3A_2349 = arith.constant 768 : i32
    %add3A_2350 = vector.broadcast %add3A_2349 : i32 to vector<16xi32>
    %add3A_2351 = arith.addi %add3A_2348, %add3A_2350 : vector<16xi32>
    %add3A_2352 = arith.constant 0 : i32
    %add3A_2353 = vector.broadcast %add3A_2352 : i32 to vector<16xi32>
    %add3A_2354 = arith.addi %add3A_2351, %add3A_2353 : vector<16xi32>
    %select_n3A_2355 = arith.select %and3A_2345, %sub3A_2336, %add3A_2354 : vector<16xi1>, vector<16xi32>
    %swap3A_2356 = arith.constant 6 : i32
    %swap3A_2357 = arith.index_cast %swap3A_2356 : i32 to index
    %swap3A_2358 = arith.constant 0 : index
    %swap3A_2359 = tpu.vector_load %arg8[%swap3A_2357, %swap3A_2358] {strides = array<i32>} : memref<8x128xi32, #tpu.memory_space<vmem>>, vector<1x16xi32>,
    %swap3A_2360 = vector.shape_cast %swap3A_2359 : vector<1x16xi32> to vector<16xi32>
    %swap3A_2361 = vector.shape_cast %select_n3A_2355 : vector<16xi32> to vector<1x16xi32>
    tpu.vector_store %arg8[%swap3A_2357, %swap3A_2358], %swap3A_2361 {strides = array<i32>} : memref<8x128xi32, #tpu.memory_space<vmem>>, vector<1x16xi32>,
    %broadcast_in_dim3A_2362 = arith.constant 1.000000e+00 : f32
    %broadcast_in_dim3A_2363 = vector.broadcast %broadcast_in_dim3A_2362 : f32 to vector<16xf32>
    %broadcast_in_dim3A_2364 = arith.constant 0.000000e+00 : f32
    %broadcast_in_dim3A_2365 = vector.broadcast %broadcast_in_dim3A_2364 : f32 to vector<16xf32>
    %select_n3A_2366 = arith.select %and3A_2345, %broadcast_in_dim3A_2363, %broadcast_in_dim3A_2365 : vector<16xi1>, vector<16xf32>
    %swap3A_2367 = arith.constant 6 : i32
    %swap3A_2368 = arith.index_cast %swap3A_2367 : i32 to index
    %swap3A_2369 = arith.constant 0 : index
    %swap3A_2370 = tpu.vector_load %arg9[%swap3A_2368, %swap3A_2369] {strides = array<i32>} : memref<8x128xf32, #tpu.memory_space<vmem>>, vector<1x16xf32>,
    %swap3A_2371 = vector.shape_cast %swap3A_2370 : vector<1x16xf32> to vector<16xf32>
    %swap3A_2372 = vector.shape_cast %select_n3A_2366 : vector<16xf32> to vector<1x16xf32>
    tpu.vector_store %arg9[%swap3A_2368, %swap3A_2369], %swap3A_2372 {strides = array<i32>} : memref<8x128xf32, #tpu.memory_space<vmem>>, vector<1x16xf32>,
    %get3A_2373 = arith.constant 784 : index
    %get3A_2374 = tpu.vector_load %arg6[%get3A_2373] {strides = array<i32>} : memref<1024xi32, #tpu.memory_space<vmem>>, vector<16xi32>,
    %get3A_2375 = vector.shape_cast %get3A_2374 : vector<16xi32> to vector<16xi32>
    %get3A_2376 = arith.constant 784 : index
    %get3A_2377 = tpu.vector_load %arg7[%get3A_2376] {strides = array<i32>} : memref<1024xi32, #tpu.memory_space<vmem>>, vector<16xi32>,
    %get3A_2378 = vector.shape_cast %get3A_2377 : vector<16xi32> to vector<16xi32>
    %mul3A_2379 = arith.constant 1024 : i32
    %mul3A_2380 = vector.broadcast %mul3A_2379 : i32 to vector<16xi32>
    %mul3A_2381 = arith.muli %get3A_2375, %mul3A_2380 : vector<16xi32>
    %add3A_2382 = arith.addi %mul3A_2381, %get3A_2378 : vector<16xi32>
    %sub3A_2383 = vector.broadcast %mul3A_30 : i32 to vector<16xi32>
    %sub3A_2384 = arith.subi %add3A_2382, %sub3A_2383 : vector<16xi32>
    %ge3A_2385 = arith.constant 0 : i32
    %ge3A_2386 = vector.broadcast %ge3A_2385 : i32 to vector<16xi32>
    %ge3A_2387 = arith.cmpi sge, %sub3A_2384, %ge3A_2386 : vector<16xi32>
    %lt3A_2388 = arith.constant 524288 : i32
    %lt3A_2389 = vector.broadcast %lt3A_2388 : i32 to vector<16xi32>
    %lt3A_2390 = arith.cmpi slt, %sub3A_2384, %lt3A_2389 : vector<16xi32>
    %and3A_2391 = arith.andi %ge3A_2387, %lt3A_2390 : vector<16xi1>
    %ne3A_2392 = arith.cmpi ne, %get3A_2375, %get3A_2378 : vector<16xi32>
    %and3A_2393 = arith.andi %and3A_2391, %ne3A_2392 : vector<16xi1>
    %iota3A_2394 = tpu.iota {dimensions = array<i32: 0>} : vector<16xi32>
    %add3A_2395 = vector.broadcast %mul3A_0 : i32 to vector<16xi32>
    %add3A_2396 = arith.addi %iota3A_2394, %add3A_2395 : vector<16xi32>
    %add3A_2397 = arith.constant 768 : i32
    %add3A_2398 = vector.broadcast %add3A_2397 : i32 to vector<16xi32>
    %add3A_2399 = arith.addi %add3A_2396, %add3A_2398 : vector<16xi32>
    %add3A_2400 = arith.constant 16 : i32
    %add3A_2401 = vector.broadcast %add3A_2400 : i32 to vector<16xi32>
    %add3A_2402 = arith.addi %add3A_2399, %add3A_2401 : vector<16xi32>
    %select_n3A_2403 = arith.select %and3A_2393, %sub3A_2384, %add3A_2402 : vector<16xi1>, vector<16xi32>
    %swap3A_2404 = arith.constant 6 : i32
    %swap3A_2405 = arith.index_cast %swap3A_2404 : i32 to index
    %swap3A_2406 = arith.constant 16 : index
    %swap3A_2407 = tpu.vector_load %arg8[%swap3A_2405, %swap3A_2406] {strides = array<i32>} : memref<8x128xi32, #tpu.memory_space<vmem>>, vector<1x16xi32>,
    %swap3A_2408 = vector.shape_cast %swap3A_2407 : vector<1x16xi32> to vector<16xi32>
    %swap3A_2409 = vector.shape_cast %select_n3A_2403 : vector<16xi32> to vector<1x16xi32>
    tpu.vector_store %arg8[%swap3A_2405, %swap3A_2406], %swap3A_2409 {strides = array<i32>} : memref<8x128xi32, #tpu.memory_space<vmem>>, vector<1x16xi32>,
    %broadcast_in_dim3A_2410 = arith.constant 1.000000e+00 : f32
    %broadcast_in_dim3A_2411 = vector.broadcast %broadcast_in_dim3A_2410 : f32 to vector<16xf32>
    %broadcast_in_dim3A_2412 = arith.constant 0.000000e+00 : f32
    %broadcast_in_dim3A_2413 = vector.broadcast %broadcast_in_dim3A_2412 : f32 to vector<16xf32>
    %select_n3A_2414 = arith.select %and3A_2393, %broadcast_in_dim3A_2411, %broadcast_in_dim3A_2413 : vector<16xi1>, vector<16xf32>
    %swap3A_2415 = arith.constant 6 : i32
    %swap3A_2416 = arith.index_cast %swap3A_2415 : i32 to index
    %swap3A_2417 = arith.constant 16 : index
    %swap3A_2418 = tpu.vector_load %arg9[%swap3A_2416, %swap3A_2417] {strides = array<i32>} : memref<8x128xf32, #tpu.memory_space<vmem>>, vector<1x16xf32>,
    %swap3A_2419 = vector.shape_cast %swap3A_2418 : vector<1x16xf32> to vector<16xf32>
    %swap3A_2420 = vector.shape_cast %select_n3A_2414 : vector<16xf32> to vector<1x16xf32>
    tpu.vector_store %arg9[%swap3A_2416, %swap3A_2417], %swap3A_2420 {strides = array<i32>} : memref<8x128xf32, #tpu.memory_space<vmem>>, vector<1x16xf32>,
    %get3A_2421 = arith.constant 800 : index
    %get3A_2422 = tpu.vector_load %arg6[%get3A_2421] {strides = array<i32>} : memref<1024xi32, #tpu.memory_space<vmem>>, vector<16xi32>,
    %get3A_2423 = vector.shape_cast %get3A_2422 : vector<16xi32> to vector<16xi32>
    %get3A_2424 = arith.constant 800 : index
    %get3A_2425 = tpu.vector_load %arg7[%get3A_2424] {strides = array<i32>} : memref<1024xi32, #tpu.memory_space<vmem>>, vector<16xi32>,
    %get3A_2426 = vector.shape_cast %get3A_2425 : vector<16xi32> to vector<16xi32>
    %mul3A_2427 = arith.constant 1024 : i32
    %mul3A_2428 = vector.broadcast %mul3A_2427 : i32 to vector<16xi32>
    %mul3A_2429 = arith.muli %get3A_2423, %mul3A_2428 : vector<16xi32>
    %add3A_2430 = arith.addi %mul3A_2429, %get3A_2426 : vector<16xi32>
    %sub3A_2431 = vector.broadcast %mul3A_30 : i32 to vector<16xi32>
    %sub3A_2432 = arith.subi %add3A_2430, %sub3A_2431 : vector<16xi32>
    %ge3A_2433 = arith.constant 0 : i32
    %ge3A_2434 = vector.broadcast %ge3A_2433 : i32 to vector<16xi32>
    %ge3A_2435 = arith.cmpi sge, %sub3A_2432, %ge3A_2434 : vector<16xi32>
    %lt3A_2436 = arith.constant 524288 : i32
    %lt3A_2437 = vector.broadcast %lt3A_2436 : i32 to vector<16xi32>
    %lt3A_2438 = arith.cmpi slt, %sub3A_2432, %lt3A_2437 : vector<16xi32>
    %and3A_2439 = arith.andi %ge3A_2435, %lt3A_2438 : vector<16xi1>
    %ne3A_2440 = arith.cmpi ne, %get3A_2423, %get3A_2426 : vector<16xi32>
    %and3A_2441 = arith.andi %and3A_2439, %ne3A_2440 : vector<16xi1>
    %iota3A_2442 = tpu.iota {dimensions = array<i32: 0>} : vector<16xi32>
    %add3A_2443 = vector.broadcast %mul3A_0 : i32 to vector<16xi32>
    %add3A_2444 = arith.addi %iota3A_2442, %add3A_2443 : vector<16xi32>
    %add3A_2445 = arith.constant 768 : i32
    %add3A_2446 = vector.broadcast %add3A_2445 : i32 to vector<16xi32>
    %add3A_2447 = arith.addi %add3A_2444, %add3A_2446 : vector<16xi32>
    %add3A_2448 = arith.constant 32 : i32
    %add3A_2449 = vector.broadcast %add3A_2448 : i32 to vector<16xi32>
    %add3A_2450 = arith.addi %add3A_2447, %add3A_2449 : vector<16xi32>
    %select_n3A_2451 = arith.select %and3A_2441, %sub3A_2432, %add3A_2450 : vector<16xi1>, vector<16xi32>
    %swap3A_2452 = arith.constant 6 : i32
    %swap3A_2453 = arith.index_cast %swap3A_2452 : i32 to index
    %swap3A_2454 = arith.constant 32 : index
    %swap3A_2455 = tpu.vector_load %arg8[%swap3A_2453, %swap3A_2454] {strides = array<i32>} : memref<8x128xi32, #tpu.memory_space<vmem>>, vector<1x16xi32>,
    %swap3A_2456 = vector.shape_cast %swap3A_2455 : vector<1x16xi32> to vector<16xi32>
    %swap3A_2457 = vector.shape_cast %select_n3A_2451 : vector<16xi32> to vector<1x16xi32>
    tpu.vector_store %arg8[%swap3A_2453, %swap3A_2454], %swap3A_2457 {strides = array<i32>} : memref<8x128xi32, #tpu.memory_space<vmem>>, vector<1x16xi32>,
    %broadcast_in_dim3A_2458 = arith.constant 1.000000e+00 : f32
    %broadcast_in_dim3A_2459 = vector.broadcast %broadcast_in_dim3A_2458 : f32 to vector<16xf32>
    %broadcast_in_dim3A_2460 = arith.constant 0.000000e+00 : f32
    %broadcast_in_dim3A_2461 = vector.broadcast %broadcast_in_dim3A_2460 : f32 to vector<16xf32>
    %select_n3A_2462 = arith.select %and3A_2441, %broadcast_in_dim3A_2459, %broadcast_in_dim3A_2461 : vector<16xi1>, vector<16xf32>
    %swap3A_2463 = arith.constant 6 : i32
    %swap3A_2464 = arith.index_cast %swap3A_2463 : i32 to index
    %swap3A_2465 = arith.constant 32 : index
    %swap3A_2466 = tpu.vector_load %arg9[%swap3A_2464, %swap3A_2465] {strides = array<i32>} : memref<8x128xf32, #tpu.memory_space<vmem>>, vector<1x16xf32>,
    %swap3A_2467 = vector.shape_cast %swap3A_2466 : vector<1x16xf32> to vector<16xf32>
    %swap3A_2468 = vector.shape_cast %select_n3A_2462 : vector<16xf32> to vector<1x16xf32>
    tpu.vector_store %arg9[%swap3A_2464, %swap3A_2465], %swap3A_2468 {strides = array<i32>} : memref<8x128xf32, #tpu.memory_space<vmem>>, vector<1x16xf32>,
    %get3A_2469 = arith.constant 816 : index
    %get3A_2470 = tpu.vector_load %arg6[%get3A_2469] {strides = array<i32>} : memref<1024xi32, #tpu.memory_space<vmem>>, vector<16xi32>,
    %get3A_2471 = vector.shape_cast %get3A_2470 : vector<16xi32> to vector<16xi32>
    %get3A_2472 = arith.constant 816 : index
    %get3A_2473 = tpu.vector_load %arg7[%get3A_2472] {strides = array<i32>} : memref<1024xi32, #tpu.memory_space<vmem>>, vector<16xi32>,
    %get3A_2474 = vector.shape_cast %get3A_2473 : vector<16xi32> to vector<16xi32>
    %mul3A_2475 = arith.constant 1024 : i32
    %mul3A_2476 = vector.broadcast %mul3A_2475 : i32 to vector<16xi32>
    %mul3A_2477 = arith.muli %get3A_2471, %mul3A_2476 : vector<16xi32>
    %add3A_2478 = arith.addi %mul3A_2477, %get3A_2474 : vector<16xi32>
    %sub3A_2479 = vector.broadcast %mul3A_30 : i32 to vector<16xi32>
    %sub3A_2480 = arith.subi %add3A_2478, %sub3A_2479 : vector<16xi32>
    %ge3A_2481 = arith.constant 0 : i32
    %ge3A_2482 = vector.broadcast %ge3A_2481 : i32 to vector<16xi32>
    %ge3A_2483 = arith.cmpi sge, %sub3A_2480, %ge3A_2482 : vector<16xi32>
    %lt3A_2484 = arith.constant 524288 : i32
    %lt3A_2485 = vector.broadcast %lt3A_2484 : i32 to vector<16xi32>
    %lt3A_2486 = arith.cmpi slt, %sub3A_2480, %lt3A_2485 : vector<16xi32>
    %and3A_2487 = arith.andi %ge3A_2483, %lt3A_2486 : vector<16xi1>
    %ne3A_2488 = arith.cmpi ne, %get3A_2471, %get3A_2474 : vector<16xi32>
    %and3A_2489 = arith.andi %and3A_2487, %ne3A_2488 : vector<16xi1>
    %iota3A_2490 = tpu.iota {dimensions = array<i32: 0>} : vector<16xi32>
    %add3A_2491 = vector.broadcast %mul3A_0 : i32 to vector<16xi32>
    %add3A_2492 = arith.addi %iota3A_2490, %add3A_2491 : vector<16xi32>
    %add3A_2493 = arith.constant 768 : i32
    %add3A_2494 = vector.broadcast %add3A_2493 : i32 to vector<16xi32>
    %add3A_2495 = arith.addi %add3A_2492, %add3A_2494 : vector<16xi32>
    %add3A_2496 = arith.constant 48 : i32
    %add3A_2497 = vector.broadcast %add3A_2496 : i32 to vector<16xi32>
    %add3A_2498 = arith.addi %add3A_2495, %add3A_2497 : vector<16xi32>
    %select_n3A_2499 = arith.select %and3A_2489, %sub3A_2480, %add3A_2498 : vector<16xi1>, vector<16xi32>
    %swap3A_2500 = arith.constant 6 : i32
    %swap3A_2501 = arith.index_cast %swap3A_2500 : i32 to index
    %swap3A_2502 = arith.constant 48 : index
    %swap3A_2503 = tpu.vector_load %arg8[%swap3A_2501, %swap3A_2502] {strides = array<i32>} : memref<8x128xi32, #tpu.memory_space<vmem>>, vector<1x16xi32>,
    %swap3A_2504 = vector.shape_cast %swap3A_2503 : vector<1x16xi32> to vector<16xi32>
    %swap3A_2505 = vector.shape_cast %select_n3A_2499 : vector<16xi32> to vector<1x16xi32>
    tpu.vector_store %arg8[%swap3A_2501, %swap3A_2502], %swap3A_2505 {strides = array<i32>} : memref<8x128xi32, #tpu.memory_space<vmem>>, vector<1x16xi32>,
    %broadcast_in_dim3A_2506 = arith.constant 1.000000e+00 : f32
    %broadcast_in_dim3A_2507 = vector.broadcast %broadcast_in_dim3A_2506 : f32 to vector<16xf32>
    %broadcast_in_dim3A_2508 = arith.constant 0.000000e+00 : f32
    %broadcast_in_dim3A_2509 = vector.broadcast %broadcast_in_dim3A_2508 : f32 to vector<16xf32>
    %select_n3A_2510 = arith.select %and3A_2489, %broadcast_in_dim3A_2507, %broadcast_in_dim3A_2509 : vector<16xi1>, vector<16xf32>
    %swap3A_2511 = arith.constant 6 : i32
    %swap3A_2512 = arith.index_cast %swap3A_2511 : i32 to index
    %swap3A_2513 = arith.constant 48 : index
    %swap3A_2514 = tpu.vector_load %arg9[%swap3A_2512, %swap3A_2513] {strides = array<i32>} : memref<8x128xf32, #tpu.memory_space<vmem>>, vector<1x16xf32>,
    %swap3A_2515 = vector.shape_cast %swap3A_2514 : vector<1x16xf32> to vector<16xf32>
    %swap3A_2516 = vector.shape_cast %select_n3A_2510 : vector<16xf32> to vector<1x16xf32>
    tpu.vector_store %arg9[%swap3A_2512, %swap3A_2513], %swap3A_2516 {strides = array<i32>} : memref<8x128xf32, #tpu.memory_space<vmem>>, vector<1x16xf32>,
    %get3A_2517 = arith.constant 832 : index
    %get3A_2518 = tpu.vector_load %arg6[%get3A_2517] {strides = array<i32>} : memref<1024xi32, #tpu.memory_space<vmem>>, vector<16xi32>,
    %get3A_2519 = vector.shape_cast %get3A_2518 : vector<16xi32> to vector<16xi32>
    %get3A_2520 = arith.constant 832 : index
    %get3A_2521 = tpu.vector_load %arg7[%get3A_2520] {strides = array<i32>} : memref<1024xi32, #tpu.memory_space<vmem>>, vector<16xi32>,
    %get3A_2522 = vector.shape_cast %get3A_2521 : vector<16xi32> to vector<16xi32>
    %mul3A_2523 = arith.constant 1024 : i32
    %mul3A_2524 = vector.broadcast %mul3A_2523 : i32 to vector<16xi32>
    %mul3A_2525 = arith.muli %get3A_2519, %mul3A_2524 : vector<16xi32>
    %add3A_2526 = arith.addi %mul3A_2525, %get3A_2522 : vector<16xi32>
    %sub3A_2527 = vector.broadcast %mul3A_30 : i32 to vector<16xi32>
    %sub3A_2528 = arith.subi %add3A_2526, %sub3A_2527 : vector<16xi32>
    %ge3A_2529 = arith.constant 0 : i32
    %ge3A_2530 = vector.broadcast %ge3A_2529 : i32 to vector<16xi32>
    %ge3A_2531 = arith.cmpi sge, %sub3A_2528, %ge3A_2530 : vector<16xi32>
    %lt3A_2532 = arith.constant 524288 : i32
    %lt3A_2533 = vector.broadcast %lt3A_2532 : i32 to vector<16xi32>
    %lt3A_2534 = arith.cmpi slt, %sub3A_2528, %lt3A_2533 : vector<16xi32>
    %and3A_2535 = arith.andi %ge3A_2531, %lt3A_2534 : vector<16xi1>
    %ne3A_2536 = arith.cmpi ne, %get3A_2519, %get3A_2522 : vector<16xi32>
    %and3A_2537 = arith.andi %and3A_2535, %ne3A_2536 : vector<16xi1>
    %iota3A_2538 = tpu.iota {dimensions = array<i32: 0>} : vector<16xi32>
    %add3A_2539 = vector.broadcast %mul3A_0 : i32 to vector<16xi32>
    %add3A_2540 = arith.addi %iota3A_2538, %add3A_2539 : vector<16xi32>
    %add3A_2541 = arith.constant 768 : i32
    %add3A_2542 = vector.broadcast %add3A_2541 : i32 to vector<16xi32>
    %add3A_2543 = arith.addi %add3A_2540, %add3A_2542 : vector<16xi32>
    %add3A_2544 = arith.constant 64 : i32
    %add3A_2545 = vector.broadcast %add3A_2544 : i32 to vector<16xi32>
    %add3A_2546 = arith.addi %add3A_2543, %add3A_2545 : vector<16xi32>
    %select_n3A_2547 = arith.select %and3A_2537, %sub3A_2528, %add3A_2546 : vector<16xi1>, vector<16xi32>
    %swap3A_2548 = arith.constant 6 : i32
    %swap3A_2549 = arith.index_cast %swap3A_2548 : i32 to index
    %swap3A_2550 = arith.constant 64 : index
    %swap3A_2551 = tpu.vector_load %arg8[%swap3A_2549, %swap3A_2550] {strides = array<i32>} : memref<8x128xi32, #tpu.memory_space<vmem>>, vector<1x16xi32>,
    %swap3A_2552 = vector.shape_cast %swap3A_2551 : vector<1x16xi32> to vector<16xi32>
    %swap3A_2553 = vector.shape_cast %select_n3A_2547 : vector<16xi32> to vector<1x16xi32>
    tpu.vector_store %arg8[%swap3A_2549, %swap3A_2550], %swap3A_2553 {strides = array<i32>} : memref<8x128xi32, #tpu.memory_space<vmem>>, vector<1x16xi32>,
    %broadcast_in_dim3A_2554 = arith.constant 1.000000e+00 : f32
    %broadcast_in_dim3A_2555 = vector.broadcast %broadcast_in_dim3A_2554 : f32 to vector<16xf32>
    %broadcast_in_dim3A_2556 = arith.constant 0.000000e+00 : f32
    %broadcast_in_dim3A_2557 = vector.broadcast %broadcast_in_dim3A_2556 : f32 to vector<16xf32>
    %select_n3A_2558 = arith.select %and3A_2537, %broadcast_in_dim3A_2555, %broadcast_in_dim3A_2557 : vector<16xi1>, vector<16xf32>
    %swap3A_2559 = arith.constant 6 : i32
    %swap3A_2560 = arith.index_cast %swap3A_2559 : i32 to index
    %swap3A_2561 = arith.constant 64 : index
    %swap3A_2562 = tpu.vector_load %arg9[%swap3A_2560, %swap3A_2561] {strides = array<i32>} : memref<8x128xf32, #tpu.memory_space<vmem>>, vector<1x16xf32>,
    %swap3A_2563 = vector.shape_cast %swap3A_2562 : vector<1x16xf32> to vector<16xf32>
    %swap3A_2564 = vector.shape_cast %select_n3A_2558 : vector<16xf32> to vector<1x16xf32>
    tpu.vector_store %arg9[%swap3A_2560, %swap3A_2561], %swap3A_2564 {strides = array<i32>} : memref<8x128xf32, #tpu.memory_space<vmem>>, vector<1x16xf32>,
    %get3A_2565 = arith.constant 848 : index
    %get3A_2566 = tpu.vector_load %arg6[%get3A_2565] {strides = array<i32>} : memref<1024xi32, #tpu.memory_space<vmem>>, vector<16xi32>,
    %get3A_2567 = vector.shape_cast %get3A_2566 : vector<16xi32> to vector<16xi32>
    %get3A_2568 = arith.constant 848 : index
    %get3A_2569 = tpu.vector_load %arg7[%get3A_2568] {strides = array<i32>} : memref<1024xi32, #tpu.memory_space<vmem>>, vector<16xi32>,
    %get3A_2570 = vector.shape_cast %get3A_2569 : vector<16xi32> to vector<16xi32>
    %mul3A_2571 = arith.constant 1024 : i32
    %mul3A_2572 = vector.broadcast %mul3A_2571 : i32 to vector<16xi32>
    %mul3A_2573 = arith.muli %get3A_2567, %mul3A_2572 : vector<16xi32>
    %add3A_2574 = arith.addi %mul3A_2573, %get3A_2570 : vector<16xi32>
    %sub3A_2575 = vector.broadcast %mul3A_30 : i32 to vector<16xi32>
    %sub3A_2576 = arith.subi %add3A_2574, %sub3A_2575 : vector<16xi32>
    %ge3A_2577 = arith.constant 0 : i32
    %ge3A_2578 = vector.broadcast %ge3A_2577 : i32 to vector<16xi32>
    %ge3A_2579 = arith.cmpi sge, %sub3A_2576, %ge3A_2578 : vector<16xi32>
    %lt3A_2580 = arith.constant 524288 : i32
    %lt3A_2581 = vector.broadcast %lt3A_2580 : i32 to vector<16xi32>
    %lt3A_2582 = arith.cmpi slt, %sub3A_2576, %lt3A_2581 : vector<16xi32>
    %and3A_2583 = arith.andi %ge3A_2579, %lt3A_2582 : vector<16xi1>
    %ne3A_2584 = arith.cmpi ne, %get3A_2567, %get3A_2570 : vector<16xi32>
    %and3A_2585 = arith.andi %and3A_2583, %ne3A_2584 : vector<16xi1>
    %iota3A_2586 = tpu.iota {dimensions = array<i32: 0>} : vector<16xi32>
    %add3A_2587 = vector.broadcast %mul3A_0 : i32 to vector<16xi32>
    %add3A_2588 = arith.addi %iota3A_2586, %add3A_2587 : vector<16xi32>
    %add3A_2589 = arith.constant 768 : i32
    %add3A_2590 = vector.broadcast %add3A_2589 : i32 to vector<16xi32>
    %add3A_2591 = arith.addi %add3A_2588, %add3A_2590 : vector<16xi32>
    %add3A_2592 = arith.constant 80 : i32
    %add3A_2593 = vector.broadcast %add3A_2592 : i32 to vector<16xi32>
    %add3A_2594 = arith.addi %add3A_2591, %add3A_2593 : vector<16xi32>
    %select_n3A_2595 = arith.select %and3A_2585, %sub3A_2576, %add3A_2594 : vector<16xi1>, vector<16xi32>
    %swap3A_2596 = arith.constant 6 : i32
    %swap3A_2597 = arith.index_cast %swap3A_2596 : i32 to index
    %swap3A_2598 = arith.constant 80 : index
    %swap3A_2599 = tpu.vector_load %arg8[%swap3A_2597, %swap3A_2598] {strides = array<i32>} : memref<8x128xi32, #tpu.memory_space<vmem>>, vector<1x16xi32>,
    %swap3A_2600 = vector.shape_cast %swap3A_2599 : vector<1x16xi32> to vector<16xi32>
    %swap3A_2601 = vector.shape_cast %select_n3A_2595 : vector<16xi32> to vector<1x16xi32>
    tpu.vector_store %arg8[%swap3A_2597, %swap3A_2598], %swap3A_2601 {strides = array<i32>} : memref<8x128xi32, #tpu.memory_space<vmem>>, vector<1x16xi32>,
    %broadcast_in_dim3A_2602 = arith.constant 1.000000e+00 : f32
    %broadcast_in_dim3A_2603 = vector.broadcast %broadcast_in_dim3A_2602 : f32 to vector<16xf32>
    %broadcast_in_dim3A_2604 = arith.constant 0.000000e+00 : f32
    %broadcast_in_dim3A_2605 = vector.broadcast %broadcast_in_dim3A_2604 : f32 to vector<16xf32>
    %select_n3A_2606 = arith.select %and3A_2585, %broadcast_in_dim3A_2603, %broadcast_in_dim3A_2605 : vector<16xi1>, vector<16xf32>
    %swap3A_2607 = arith.constant 6 : i32
    %swap3A_2608 = arith.index_cast %swap3A_2607 : i32 to index
    %swap3A_2609 = arith.constant 80 : index
    %swap3A_2610 = tpu.vector_load %arg9[%swap3A_2608, %swap3A_2609] {strides = array<i32>} : memref<8x128xf32, #tpu.memory_space<vmem>>, vector<1x16xf32>,
    %swap3A_2611 = vector.shape_cast %swap3A_2610 : vector<1x16xf32> to vector<16xf32>
    %swap3A_2612 = vector.shape_cast %select_n3A_2606 : vector<16xf32> to vector<1x16xf32>
    tpu.vector_store %arg9[%swap3A_2608, %swap3A_2609], %swap3A_2612 {strides = array<i32>} : memref<8x128xf32, #tpu.memory_space<vmem>>, vector<1x16xf32>,
    %get3A_2613 = arith.constant 864 : index
    %get3A_2614 = tpu.vector_load %arg6[%get3A_2613] {strides = array<i32>} : memref<1024xi32, #tpu.memory_space<vmem>>, vector<16xi32>,
    %get3A_2615 = vector.shape_cast %get3A_2614 : vector<16xi32> to vector<16xi32>
    %get3A_2616 = arith.constant 864 : index
    %get3A_2617 = tpu.vector_load %arg7[%get3A_2616] {strides = array<i32>} : memref<1024xi32, #tpu.memory_space<vmem>>, vector<16xi32>,
    %get3A_2618 = vector.shape_cast %get3A_2617 : vector<16xi32> to vector<16xi32>
    %mul3A_2619 = arith.constant 1024 : i32
    %mul3A_2620 = vector.broadcast %mul3A_2619 : i32 to vector<16xi32>
    %mul3A_2621 = arith.muli %get3A_2615, %mul3A_2620 : vector<16xi32>
    %add3A_2622 = arith.addi %mul3A_2621, %get3A_2618 : vector<16xi32>
    %sub3A_2623 = vector.broadcast %mul3A_30 : i32 to vector<16xi32>
    %sub3A_2624 = arith.subi %add3A_2622, %sub3A_2623 : vector<16xi32>
    %ge3A_2625 = arith.constant 0 : i32
    %ge3A_2626 = vector.broadcast %ge3A_2625 : i32 to vector<16xi32>
    %ge3A_2627 = arith.cmpi sge, %sub3A_2624, %ge3A_2626 : vector<16xi32>
    %lt3A_2628 = arith.constant 524288 : i32
    %lt3A_2629 = vector.broadcast %lt3A_2628 : i32 to vector<16xi32>
    %lt3A_2630 = arith.cmpi slt, %sub3A_2624, %lt3A_2629 : vector<16xi32>
    %and3A_2631 = arith.andi %ge3A_2627, %lt3A_2630 : vector<16xi1>
    %ne3A_2632 = arith.cmpi ne, %get3A_2615, %get3A_2618 : vector<16xi32>
    %and3A_2633 = arith.andi %and3A_2631, %ne3A_2632 : vector<16xi1>
    %iota3A_2634 = tpu.iota {dimensions = array<i32: 0>} : vector<16xi32>
    %add3A_2635 = vector.broadcast %mul3A_0 : i32 to vector<16xi32>
    %add3A_2636 = arith.addi %iota3A_2634, %add3A_2635 : vector<16xi32>
    %add3A_2637 = arith.constant 768 : i32
    %add3A_2638 = vector.broadcast %add3A_2637 : i32 to vector<16xi32>
    %add3A_2639 = arith.addi %add3A_2636, %add3A_2638 : vector<16xi32>
    %add3A_2640 = arith.constant 96 : i32
    %add3A_2641 = vector.broadcast %add3A_2640 : i32 to vector<16xi32>
    %add3A_2642 = arith.addi %add3A_2639, %add3A_2641 : vector<16xi32>
    %select_n3A_2643 = arith.select %and3A_2633, %sub3A_2624, %add3A_2642 : vector<16xi1>, vector<16xi32>
    %swap3A_2644 = arith.constant 6 : i32
    %swap3A_2645 = arith.index_cast %swap3A_2644 : i32 to index
    %swap3A_2646 = arith.constant 96 : index
    %swap3A_2647 = tpu.vector_load %arg8[%swap3A_2645, %swap3A_2646] {strides = array<i32>} : memref<8x128xi32, #tpu.memory_space<vmem>>, vector<1x16xi32>,
    %swap3A_2648 = vector.shape_cast %swap3A_2647 : vector<1x16xi32> to vector<16xi32>
    %swap3A_2649 = vector.shape_cast %select_n3A_2643 : vector<16xi32> to vector<1x16xi32>
    tpu.vector_store %arg8[%swap3A_2645, %swap3A_2646], %swap3A_2649 {strides = array<i32>} : memref<8x128xi32, #tpu.memory_space<vmem>>, vector<1x16xi32>,
    %broadcast_in_dim3A_2650 = arith.constant 1.000000e+00 : f32
    %broadcast_in_dim3A_2651 = vector.broadcast %broadcast_in_dim3A_2650 : f32 to vector<16xf32>
    %broadcast_in_dim3A_2652 = arith.constant 0.000000e+00 : f32
    %broadcast_in_dim3A_2653 = vector.broadcast %broadcast_in_dim3A_2652 : f32 to vector<16xf32>
    %select_n3A_2654 = arith.select %and3A_2633, %broadcast_in_dim3A_2651, %broadcast_in_dim3A_2653 : vector<16xi1>, vector<16xf32>
    %swap3A_2655 = arith.constant 6 : i32
    %swap3A_2656 = arith.index_cast %swap3A_2655 : i32 to index
    %swap3A_2657 = arith.constant 96 : index
    %swap3A_2658 = tpu.vector_load %arg9[%swap3A_2656, %swap3A_2657] {strides = array<i32>} : memref<8x128xf32, #tpu.memory_space<vmem>>, vector<1x16xf32>,
    %swap3A_2659 = vector.shape_cast %swap3A_2658 : vector<1x16xf32> to vector<16xf32>
    %swap3A_2660 = vector.shape_cast %select_n3A_2654 : vector<16xf32> to vector<1x16xf32>
    tpu.vector_store %arg9[%swap3A_2656, %swap3A_2657], %swap3A_2660 {strides = array<i32>} : memref<8x128xf32, #tpu.memory_space<vmem>>, vector<1x16xf32>,
    %get3A_2661 = arith.constant 880 : index
    %get3A_2662 = tpu.vector_load %arg6[%get3A_2661] {strides = array<i32>} : memref<1024xi32, #tpu.memory_space<vmem>>, vector<16xi32>,
    %get3A_2663 = vector.shape_cast %get3A_2662 : vector<16xi32> to vector<16xi32>
    %get3A_2664 = arith.constant 880 : index
    %get3A_2665 = tpu.vector_load %arg7[%get3A_2664] {strides = array<i32>} : memref<1024xi32, #tpu.memory_space<vmem>>, vector<16xi32>,
    %get3A_2666 = vector.shape_cast %get3A_2665 : vector<16xi32> to vector<16xi32>
    %mul3A_2667 = arith.constant 1024 : i32
    %mul3A_2668 = vector.broadcast %mul3A_2667 : i32 to vector<16xi32>
    %mul3A_2669 = arith.muli %get3A_2663, %mul3A_2668 : vector<16xi32>
    %add3A_2670 = arith.addi %mul3A_2669, %get3A_2666 : vector<16xi32>
    %sub3A_2671 = vector.broadcast %mul3A_30 : i32 to vector<16xi32>
    %sub3A_2672 = arith.subi %add3A_2670, %sub3A_2671 : vector<16xi32>
    %ge3A_2673 = arith.constant 0 : i32
    %ge3A_2674 = vector.broadcast %ge3A_2673 : i32 to vector<16xi32>
    %ge3A_2675 = arith.cmpi sge, %sub3A_2672, %ge3A_2674 : vector<16xi32>
    %lt3A_2676 = arith.constant 524288 : i32
    %lt3A_2677 = vector.broadcast %lt3A_2676 : i32 to vector<16xi32>
    %lt3A_2678 = arith.cmpi slt, %sub3A_2672, %lt3A_2677 : vector<16xi32>
    %and3A_2679 = arith.andi %ge3A_2675, %lt3A_2678 : vector<16xi1>
    %ne3A_2680 = arith.cmpi ne, %get3A_2663, %get3A_2666 : vector<16xi32>
    %and3A_2681 = arith.andi %and3A_2679, %ne3A_2680 : vector<16xi1>
    %iota3A_2682 = tpu.iota {dimensions = array<i32: 0>} : vector<16xi32>
    %add3A_2683 = vector.broadcast %mul3A_0 : i32 to vector<16xi32>
    %add3A_2684 = arith.addi %iota3A_2682, %add3A_2683 : vector<16xi32>
    %add3A_2685 = arith.constant 768 : i32
    %add3A_2686 = vector.broadcast %add3A_2685 : i32 to vector<16xi32>
    %add3A_2687 = arith.addi %add3A_2684, %add3A_2686 : vector<16xi32>
    %add3A_2688 = arith.constant 112 : i32
    %add3A_2689 = vector.broadcast %add3A_2688 : i32 to vector<16xi32>
    %add3A_2690 = arith.addi %add3A_2687, %add3A_2689 : vector<16xi32>
    %select_n3A_2691 = arith.select %and3A_2681, %sub3A_2672, %add3A_2690 : vector<16xi1>, vector<16xi32>
    %swap3A_2692 = arith.constant 6 : i32
    %swap3A_2693 = arith.index_cast %swap3A_2692 : i32 to index
    %swap3A_2694 = arith.constant 112 : index
    %swap3A_2695 = tpu.vector_load %arg8[%swap3A_2693, %swap3A_2694] {strides = array<i32>} : memref<8x128xi32, #tpu.memory_space<vmem>>, vector<1x16xi32>,
    %swap3A_2696 = vector.shape_cast %swap3A_2695 : vector<1x16xi32> to vector<16xi32>
    %swap3A_2697 = vector.shape_cast %select_n3A_2691 : vector<16xi32> to vector<1x16xi32>
    tpu.vector_store %arg8[%swap3A_2693, %swap3A_2694], %swap3A_2697 {strides = array<i32>} : memref<8x128xi32, #tpu.memory_space<vmem>>, vector<1x16xi32>,
    %broadcast_in_dim3A_2698 = arith.constant 1.000000e+00 : f32
    %broadcast_in_dim3A_2699 = vector.broadcast %broadcast_in_dim3A_2698 : f32 to vector<16xf32>
    %broadcast_in_dim3A_2700 = arith.constant 0.000000e+00 : f32
    %broadcast_in_dim3A_2701 = vector.broadcast %broadcast_in_dim3A_2700 : f32 to vector<16xf32>
    %select_n3A_2702 = arith.select %and3A_2681, %broadcast_in_dim3A_2699, %broadcast_in_dim3A_2701 : vector<16xi1>, vector<16xf32>
    %swap3A_2703 = arith.constant 6 : i32
    %swap3A_2704 = arith.index_cast %swap3A_2703 : i32 to index
    %swap3A_2705 = arith.constant 112 : index
    %swap3A_2706 = tpu.vector_load %arg9[%swap3A_2704, %swap3A_2705] {strides = array<i32>} : memref<8x128xf32, #tpu.memory_space<vmem>>, vector<1x16xf32>,
    %swap3A_2707 = vector.shape_cast %swap3A_2706 : vector<1x16xf32> to vector<16xf32>
    %swap3A_2708 = vector.shape_cast %select_n3A_2702 : vector<16xf32> to vector<1x16xf32>
    tpu.vector_store %arg9[%swap3A_2704, %swap3A_2705], %swap3A_2708 {strides = array<i32>} : memref<8x128xf32, #tpu.memory_space<vmem>>, vector<1x16xf32>,
    %get3A_2709 = arith.constant 896 : index
    %get3A_2710 = tpu.vector_load %arg6[%get3A_2709] {strides = array<i32>} : memref<1024xi32, #tpu.memory_space<vmem>>, vector<16xi32>,
    %get3A_2711 = vector.shape_cast %get3A_2710 : vector<16xi32> to vector<16xi32>
    %get3A_2712 = arith.constant 896 : index
    %get3A_2713 = tpu.vector_load %arg7[%get3A_2712] {strides = array<i32>} : memref<1024xi32, #tpu.memory_space<vmem>>, vector<16xi32>,
    %get3A_2714 = vector.shape_cast %get3A_2713 : vector<16xi32> to vector<16xi32>
    %mul3A_2715 = arith.constant 1024 : i32
    %mul3A_2716 = vector.broadcast %mul3A_2715 : i32 to vector<16xi32>
    %mul3A_2717 = arith.muli %get3A_2711, %mul3A_2716 : vector<16xi32>
    %add3A_2718 = arith.addi %mul3A_2717, %get3A_2714 : vector<16xi32>
    %sub3A_2719 = vector.broadcast %mul3A_30 : i32 to vector<16xi32>
    %sub3A_2720 = arith.subi %add3A_2718, %sub3A_2719 : vector<16xi32>
    %ge3A_2721 = arith.constant 0 : i32
    %ge3A_2722 = vector.broadcast %ge3A_2721 : i32 to vector<16xi32>
    %ge3A_2723 = arith.cmpi sge, %sub3A_2720, %ge3A_2722 : vector<16xi32>
    %lt3A_2724 = arith.constant 524288 : i32
    %lt3A_2725 = vector.broadcast %lt3A_2724 : i32 to vector<16xi32>
    %lt3A_2726 = arith.cmpi slt, %sub3A_2720, %lt3A_2725 : vector<16xi32>
    %and3A_2727 = arith.andi %ge3A_2723, %lt3A_2726 : vector<16xi1>
    %ne3A_2728 = arith.cmpi ne, %get3A_2711, %get3A_2714 : vector<16xi32>
    %and3A_2729 = arith.andi %and3A_2727, %ne3A_2728 : vector<16xi1>
    %iota3A_2730 = tpu.iota {dimensions = array<i32: 0>} : vector<16xi32>
    %add3A_2731 = vector.broadcast %mul3A_0 : i32 to vector<16xi32>
    %add3A_2732 = arith.addi %iota3A_2730, %add3A_2731 : vector<16xi32>
    %add3A_2733 = arith.constant 896 : i32
    %add3A_2734 = vector.broadcast %add3A_2733 : i32 to vector<16xi32>
    %add3A_2735 = arith.addi %add3A_2732, %add3A_2734 : vector<16xi32>
    %add3A_2736 = arith.constant 0 : i32
    %add3A_2737 = vector.broadcast %add3A_2736 : i32 to vector<16xi32>
    %add3A_2738 = arith.addi %add3A_2735, %add3A_2737 : vector<16xi32>
    %select_n3A_2739 = arith.select %and3A_2729, %sub3A_2720, %add3A_2738 : vector<16xi1>, vector<16xi32>
    %swap3A_2740 = arith.constant 7 : i32
    %swap3A_2741 = arith.index_cast %swap3A_2740 : i32 to index
    %swap3A_2742 = arith.constant 0 : index
    %swap3A_2743 = tpu.vector_load %arg8[%swap3A_2741, %swap3A_2742] {strides = array<i32>} : memref<8x128xi32, #tpu.memory_space<vmem>>, vector<1x16xi32>,
    %swap3A_2744 = vector.shape_cast %swap3A_2743 : vector<1x16xi32> to vector<16xi32>
    %swap3A_2745 = vector.shape_cast %select_n3A_2739 : vector<16xi32> to vector<1x16xi32>
    tpu.vector_store %arg8[%swap3A_2741, %swap3A_2742], %swap3A_2745 {strides = array<i32>} : memref<8x128xi32, #tpu.memory_space<vmem>>, vector<1x16xi32>,
    %broadcast_in_dim3A_2746 = arith.constant 1.000000e+00 : f32
    %broadcast_in_dim3A_2747 = vector.broadcast %broadcast_in_dim3A_2746 : f32 to vector<16xf32>
    %broadcast_in_dim3A_2748 = arith.constant 0.000000e+00 : f32
    %broadcast_in_dim3A_2749 = vector.broadcast %broadcast_in_dim3A_2748 : f32 to vector<16xf32>
    %select_n3A_2750 = arith.select %and3A_2729, %broadcast_in_dim3A_2747, %broadcast_in_dim3A_2749 : vector<16xi1>, vector<16xf32>
    %swap3A_2751 = arith.constant 7 : i32
    %swap3A_2752 = arith.index_cast %swap3A_2751 : i32 to index
    %swap3A_2753 = arith.constant 0 : index
    %swap3A_2754 = tpu.vector_load %arg9[%swap3A_2752, %swap3A_2753] {strides = array<i32>} : memref<8x128xf32, #tpu.memory_space<vmem>>, vector<1x16xf32>,
    %swap3A_2755 = vector.shape_cast %swap3A_2754 : vector<1x16xf32> to vector<16xf32>
    %swap3A_2756 = vector.shape_cast %select_n3A_2750 : vector<16xf32> to vector<1x16xf32>
    tpu.vector_store %arg9[%swap3A_2752, %swap3A_2753], %swap3A_2756 {strides = array<i32>} : memref<8x128xf32, #tpu.memory_space<vmem>>, vector<1x16xf32>,
    %get3A_2757 = arith.constant 912 : index
    %get3A_2758 = tpu.vector_load %arg6[%get3A_2757] {strides = array<i32>} : memref<1024xi32, #tpu.memory_space<vmem>>, vector<16xi32>,
    %get3A_2759 = vector.shape_cast %get3A_2758 : vector<16xi32> to vector<16xi32>
    %get3A_2760 = arith.constant 912 : index
    %get3A_2761 = tpu.vector_load %arg7[%get3A_2760] {strides = array<i32>} : memref<1024xi32, #tpu.memory_space<vmem>>, vector<16xi32>,
    %get3A_2762 = vector.shape_cast %get3A_2761 : vector<16xi32> to vector<16xi32>
    %mul3A_2763 = arith.constant 1024 : i32
    %mul3A_2764 = vector.broadcast %mul3A_2763 : i32 to vector<16xi32>
    %mul3A_2765 = arith.muli %get3A_2759, %mul3A_2764 : vector<16xi32>
    %add3A_2766 = arith.addi %mul3A_2765, %get3A_2762 : vector<16xi32>
    %sub3A_2767 = vector.broadcast %mul3A_30 : i32 to vector<16xi32>
    %sub3A_2768 = arith.subi %add3A_2766, %sub3A_2767 : vector<16xi32>
    %ge3A_2769 = arith.constant 0 : i32
    %ge3A_2770 = vector.broadcast %ge3A_2769 : i32 to vector<16xi32>
    %ge3A_2771 = arith.cmpi sge, %sub3A_2768, %ge3A_2770 : vector<16xi32>
    %lt3A_2772 = arith.constant 524288 : i32
    %lt3A_2773 = vector.broadcast %lt3A_2772 : i32 to vector<16xi32>
    %lt3A_2774 = arith.cmpi slt, %sub3A_2768, %lt3A_2773 : vector<16xi32>
    %and3A_2775 = arith.andi %ge3A_2771, %lt3A_2774 : vector<16xi1>
    %ne3A_2776 = arith.cmpi ne, %get3A_2759, %get3A_2762 : vector<16xi32>
    %and3A_2777 = arith.andi %and3A_2775, %ne3A_2776 : vector<16xi1>
    %iota3A_2778 = tpu.iota {dimensions = array<i32: 0>} : vector<16xi32>
    %add3A_2779 = vector.broadcast %mul3A_0 : i32 to vector<16xi32>
    %add3A_2780 = arith.addi %iota3A_2778, %add3A_2779 : vector<16xi32>
    %add3A_2781 = arith.constant 896 : i32
    %add3A_2782 = vector.broadcast %add3A_2781 : i32 to vector<16xi32>
    %add3A_2783 = arith.addi %add3A_2780, %add3A_2782 : vector<16xi32>
    %add3A_2784 = arith.constant 16 : i32
    %add3A_2785 = vector.broadcast %add3A_2784 : i32 to vector<16xi32>
    %add3A_2786 = arith.addi %add3A_2783, %add3A_2785 : vector<16xi32>
    %select_n3A_2787 = arith.select %and3A_2777, %sub3A_2768, %add3A_2786 : vector<16xi1>, vector<16xi32>
    %swap3A_2788 = arith.constant 7 : i32
    %swap3A_2789 = arith.index_cast %swap3A_2788 : i32 to index
    %swap3A_2790 = arith.constant 16 : index
    %swap3A_2791 = tpu.vector_load %arg8[%swap3A_2789, %swap3A_2790] {strides = array<i32>} : memref<8x128xi32, #tpu.memory_space<vmem>>, vector<1x16xi32>,
    %swap3A_2792 = vector.shape_cast %swap3A_2791 : vector<1x16xi32> to vector<16xi32>
    %swap3A_2793 = vector.shape_cast %select_n3A_2787 : vector<16xi32> to vector<1x16xi32>
    tpu.vector_store %arg8[%swap3A_2789, %swap3A_2790], %swap3A_2793 {strides = array<i32>} : memref<8x128xi32, #tpu.memory_space<vmem>>, vector<1x16xi32>,
    %broadcast_in_dim3A_2794 = arith.constant 1.000000e+00 : f32
    %broadcast_in_dim3A_2795 = vector.broadcast %broadcast_in_dim3A_2794 : f32 to vector<16xf32>
    %broadcast_in_dim3A_2796 = arith.constant 0.000000e+00 : f32
    %broadcast_in_dim3A_2797 = vector.broadcast %broadcast_in_dim3A_2796 : f32 to vector<16xf32>
    %select_n3A_2798 = arith.select %and3A_2777, %broadcast_in_dim3A_2795, %broadcast_in_dim3A_2797 : vector<16xi1>, vector<16xf32>
    %swap3A_2799 = arith.constant 7 : i32
    %swap3A_2800 = arith.index_cast %swap3A_2799 : i32 to index
    %swap3A_2801 = arith.constant 16 : index
    %swap3A_2802 = tpu.vector_load %arg9[%swap3A_2800, %swap3A_2801] {strides = array<i32>} : memref<8x128xf32, #tpu.memory_space<vmem>>, vector<1x16xf32>,
    %swap3A_2803 = vector.shape_cast %swap3A_2802 : vector<1x16xf32> to vector<16xf32>
    %swap3A_2804 = vector.shape_cast %select_n3A_2798 : vector<16xf32> to vector<1x16xf32>
    tpu.vector_store %arg9[%swap3A_2800, %swap3A_2801], %swap3A_2804 {strides = array<i32>} : memref<8x128xf32, #tpu.memory_space<vmem>>, vector<1x16xf32>,
    %get3A_2805 = arith.constant 928 : index
    %get3A_2806 = tpu.vector_load %arg6[%get3A_2805] {strides = array<i32>} : memref<1024xi32, #tpu.memory_space<vmem>>, vector<16xi32>,
    %get3A_2807 = vector.shape_cast %get3A_2806 : vector<16xi32> to vector<16xi32>
    %get3A_2808 = arith.constant 928 : index
    %get3A_2809 = tpu.vector_load %arg7[%get3A_2808] {strides = array<i32>} : memref<1024xi32, #tpu.memory_space<vmem>>, vector<16xi32>,
    %get3A_2810 = vector.shape_cast %get3A_2809 : vector<16xi32> to vector<16xi32>
    %mul3A_2811 = arith.constant 1024 : i32
    %mul3A_2812 = vector.broadcast %mul3A_2811 : i32 to vector<16xi32>
    %mul3A_2813 = arith.muli %get3A_2807, %mul3A_2812 : vector<16xi32>
    %add3A_2814 = arith.addi %mul3A_2813, %get3A_2810 : vector<16xi32>
    %sub3A_2815 = vector.broadcast %mul3A_30 : i32 to vector<16xi32>
    %sub3A_2816 = arith.subi %add3A_2814, %sub3A_2815 : vector<16xi32>
    %ge3A_2817 = arith.constant 0 : i32
    %ge3A_2818 = vector.broadcast %ge3A_2817 : i32 to vector<16xi32>
    %ge3A_2819 = arith.cmpi sge, %sub3A_2816, %ge3A_2818 : vector<16xi32>
    %lt3A_2820 = arith.constant 524288 : i32
    %lt3A_2821 = vector.broadcast %lt3A_2820 : i32 to vector<16xi32>
    %lt3A_2822 = arith.cmpi slt, %sub3A_2816, %lt3A_2821 : vector<16xi32>
    %and3A_2823 = arith.andi %ge3A_2819, %lt3A_2822 : vector<16xi1>
    %ne3A_2824 = arith.cmpi ne, %get3A_2807, %get3A_2810 : vector<16xi32>
    %and3A_2825 = arith.andi %and3A_2823, %ne3A_2824 : vector<16xi1>
    %iota3A_2826 = tpu.iota {dimensions = array<i32: 0>} : vector<16xi32>
    %add3A_2827 = vector.broadcast %mul3A_0 : i32 to vector<16xi32>
    %add3A_2828 = arith.addi %iota3A_2826, %add3A_2827 : vector<16xi32>
    %add3A_2829 = arith.constant 896 : i32
    %add3A_2830 = vector.broadcast %add3A_2829 : i32 to vector<16xi32>
    %add3A_2831 = arith.addi %add3A_2828, %add3A_2830 : vector<16xi32>
    %add3A_2832 = arith.constant 32 : i32
    %add3A_2833 = vector.broadcast %add3A_2832 : i32 to vector<16xi32>
    %add3A_2834 = arith.addi %add3A_2831, %add3A_2833 : vector<16xi32>
    %select_n3A_2835 = arith.select %and3A_2825, %sub3A_2816, %add3A_2834 : vector<16xi1>, vector<16xi32>
    %swap3A_2836 = arith.constant 7 : i32
    %swap3A_2837 = arith.index_cast %swap3A_2836 : i32 to index
    %swap3A_2838 = arith.constant 32 : index
    %swap3A_2839 = tpu.vector_load %arg8[%swap3A_2837, %swap3A_2838] {strides = array<i32>} : memref<8x128xi32, #tpu.memory_space<vmem>>, vector<1x16xi32>,
    %swap3A_2840 = vector.shape_cast %swap3A_2839 : vector<1x16xi32> to vector<16xi32>
    %swap3A_2841 = vector.shape_cast %select_n3A_2835 : vector<16xi32> to vector<1x16xi32>
    tpu.vector_store %arg8[%swap3A_2837, %swap3A_2838], %swap3A_2841 {strides = array<i32>} : memref<8x128xi32, #tpu.memory_space<vmem>>, vector<1x16xi32>,
    %broadcast_in_dim3A_2842 = arith.constant 1.000000e+00 : f32
    %broadcast_in_dim3A_2843 = vector.broadcast %broadcast_in_dim3A_2842 : f32 to vector<16xf32>
    %broadcast_in_dim3A_2844 = arith.constant 0.000000e+00 : f32
    %broadcast_in_dim3A_2845 = vector.broadcast %broadcast_in_dim3A_2844 : f32 to vector<16xf32>
    %select_n3A_2846 = arith.select %and3A_2825, %broadcast_in_dim3A_2843, %broadcast_in_dim3A_2845 : vector<16xi1>, vector<16xf32>
    %swap3A_2847 = arith.constant 7 : i32
    %swap3A_2848 = arith.index_cast %swap3A_2847 : i32 to index
    %swap3A_2849 = arith.constant 32 : index
    %swap3A_2850 = tpu.vector_load %arg9[%swap3A_2848, %swap3A_2849] {strides = array<i32>} : memref<8x128xf32, #tpu.memory_space<vmem>>, vector<1x16xf32>,
    %swap3A_2851 = vector.shape_cast %swap3A_2850 : vector<1x16xf32> to vector<16xf32>
    %swap3A_2852 = vector.shape_cast %select_n3A_2846 : vector<16xf32> to vector<1x16xf32>
    tpu.vector_store %arg9[%swap3A_2848, %swap3A_2849], %swap3A_2852 {strides = array<i32>} : memref<8x128xf32, #tpu.memory_space<vmem>>, vector<1x16xf32>,
    %get3A_2853 = arith.constant 944 : index
    %get3A_2854 = tpu.vector_load %arg6[%get3A_2853] {strides = array<i32>} : memref<1024xi32, #tpu.memory_space<vmem>>, vector<16xi32>,
    %get3A_2855 = vector.shape_cast %get3A_2854 : vector<16xi32> to vector<16xi32>
    %get3A_2856 = arith.constant 944 : index
    %get3A_2857 = tpu.vector_load %arg7[%get3A_2856] {strides = array<i32>} : memref<1024xi32, #tpu.memory_space<vmem>>, vector<16xi32>,
    %get3A_2858 = vector.shape_cast %get3A_2857 : vector<16xi32> to vector<16xi32>
    %mul3A_2859 = arith.constant 1024 : i32
    %mul3A_2860 = vector.broadcast %mul3A_2859 : i32 to vector<16xi32>
    %mul3A_2861 = arith.muli %get3A_2855, %mul3A_2860 : vector<16xi32>
    %add3A_2862 = arith.addi %mul3A_2861, %get3A_2858 : vector<16xi32>
    %sub3A_2863 = vector.broadcast %mul3A_30 : i32 to vector<16xi32>
    %sub3A_2864 = arith.subi %add3A_2862, %sub3A_2863 : vector<16xi32>
    %ge3A_2865 = arith.constant 0 : i32
    %ge3A_2866 = vector.broadcast %ge3A_2865 : i32 to vector<16xi32>
    %ge3A_2867 = arith.cmpi sge, %sub3A_2864, %ge3A_2866 : vector<16xi32>
    %lt3A_2868 = arith.constant 524288 : i32
    %lt3A_2869 = vector.broadcast %lt3A_2868 : i32 to vector<16xi32>
    %lt3A_2870 = arith.cmpi slt, %sub3A_2864, %lt3A_2869 : vector<16xi32>
    %and3A_2871 = arith.andi %ge3A_2867, %lt3A_2870 : vector<16xi1>
    %ne3A_2872 = arith.cmpi ne, %get3A_2855, %get3A_2858 : vector<16xi32>
    %and3A_2873 = arith.andi %and3A_2871, %ne3A_2872 : vector<16xi1>
    %iota3A_2874 = tpu.iota {dimensions = array<i32: 0>} : vector<16xi32>
    %add3A_2875 = vector.broadcast %mul3A_0 : i32 to vector<16xi32>
    %add3A_2876 = arith.addi %iota3A_2874, %add3A_2875 : vector<16xi32>
    %add3A_2877 = arith.constant 896 : i32
    %add3A_2878 = vector.broadcast %add3A_2877 : i32 to vector<16xi32>
    %add3A_2879 = arith.addi %add3A_2876, %add3A_2878 : vector<16xi32>
    %add3A_2880 = arith.constant 48 : i32
    %add3A_2881 = vector.broadcast %add3A_2880 : i32 to vector<16xi32>
    %add3A_2882 = arith.addi %add3A_2879, %add3A_2881 : vector<16xi32>
    %select_n3A_2883 = arith.select %and3A_2873, %sub3A_2864, %add3A_2882 : vector<16xi1>, vector<16xi32>
    %swap3A_2884 = arith.constant 7 : i32
    %swap3A_2885 = arith.index_cast %swap3A_2884 : i32 to index
    %swap3A_2886 = arith.constant 48 : index
    %swap3A_2887 = tpu.vector_load %arg8[%swap3A_2885, %swap3A_2886] {strides = array<i32>} : memref<8x128xi32, #tpu.memory_space<vmem>>, vector<1x16xi32>,
    %swap3A_2888 = vector.shape_cast %swap3A_2887 : vector<1x16xi32> to vector<16xi32>
    %swap3A_2889 = vector.shape_cast %select_n3A_2883 : vector<16xi32> to vector<1x16xi32>
    tpu.vector_store %arg8[%swap3A_2885, %swap3A_2886], %swap3A_2889 {strides = array<i32>} : memref<8x128xi32, #tpu.memory_space<vmem>>, vector<1x16xi32>,
    %broadcast_in_dim3A_2890 = arith.constant 1.000000e+00 : f32
    %broadcast_in_dim3A_2891 = vector.broadcast %broadcast_in_dim3A_2890 : f32 to vector<16xf32>
    %broadcast_in_dim3A_2892 = arith.constant 0.000000e+00 : f32
    %broadcast_in_dim3A_2893 = vector.broadcast %broadcast_in_dim3A_2892 : f32 to vector<16xf32>
    %select_n3A_2894 = arith.select %and3A_2873, %broadcast_in_dim3A_2891, %broadcast_in_dim3A_2893 : vector<16xi1>, vector<16xf32>
    %swap3A_2895 = arith.constant 7 : i32
    %swap3A_2896 = arith.index_cast %swap3A_2895 : i32 to index
    %swap3A_2897 = arith.constant 48 : index
    %swap3A_2898 = tpu.vector_load %arg9[%swap3A_2896, %swap3A_2897] {strides = array<i32>} : memref<8x128xf32, #tpu.memory_space<vmem>>, vector<1x16xf32>,
    %swap3A_2899 = vector.shape_cast %swap3A_2898 : vector<1x16xf32> to vector<16xf32>
    %swap3A_2900 = vector.shape_cast %select_n3A_2894 : vector<16xf32> to vector<1x16xf32>
    tpu.vector_store %arg9[%swap3A_2896, %swap3A_2897], %swap3A_2900 {strides = array<i32>} : memref<8x128xf32, #tpu.memory_space<vmem>>, vector<1x16xf32>,
    %get3A_2901 = arith.constant 960 : index
    %get3A_2902 = tpu.vector_load %arg6[%get3A_2901] {strides = array<i32>} : memref<1024xi32, #tpu.memory_space<vmem>>, vector<16xi32>,
    %get3A_2903 = vector.shape_cast %get3A_2902 : vector<16xi32> to vector<16xi32>
    %get3A_2904 = arith.constant 960 : index
    %get3A_2905 = tpu.vector_load %arg7[%get3A_2904] {strides = array<i32>} : memref<1024xi32, #tpu.memory_space<vmem>>, vector<16xi32>,
    %get3A_2906 = vector.shape_cast %get3A_2905 : vector<16xi32> to vector<16xi32>
    %mul3A_2907 = arith.constant 1024 : i32
    %mul3A_2908 = vector.broadcast %mul3A_2907 : i32 to vector<16xi32>
    %mul3A_2909 = arith.muli %get3A_2903, %mul3A_2908 : vector<16xi32>
    %add3A_2910 = arith.addi %mul3A_2909, %get3A_2906 : vector<16xi32>
    %sub3A_2911 = vector.broadcast %mul3A_30 : i32 to vector<16xi32>
    %sub3A_2912 = arith.subi %add3A_2910, %sub3A_2911 : vector<16xi32>
    %ge3A_2913 = arith.constant 0 : i32
    %ge3A_2914 = vector.broadcast %ge3A_2913 : i32 to vector<16xi32>
    %ge3A_2915 = arith.cmpi sge, %sub3A_2912, %ge3A_2914 : vector<16xi32>
    %lt3A_2916 = arith.constant 524288 : i32
    %lt3A_2917 = vector.broadcast %lt3A_2916 : i32 to vector<16xi32>
    %lt3A_2918 = arith.cmpi slt, %sub3A_2912, %lt3A_2917 : vector<16xi32>
    %and3A_2919 = arith.andi %ge3A_2915, %lt3A_2918 : vector<16xi1>
    %ne3A_2920 = arith.cmpi ne, %get3A_2903, %get3A_2906 : vector<16xi32>
    %and3A_2921 = arith.andi %and3A_2919, %ne3A_2920 : vector<16xi1>
    %iota3A_2922 = tpu.iota {dimensions = array<i32: 0>} : vector<16xi32>
    %add3A_2923 = vector.broadcast %mul3A_0 : i32 to vector<16xi32>
    %add3A_2924 = arith.addi %iota3A_2922, %add3A_2923 : vector<16xi32>
    %add3A_2925 = arith.constant 896 : i32
    %add3A_2926 = vector.broadcast %add3A_2925 : i32 to vector<16xi32>
    %add3A_2927 = arith.addi %add3A_2924, %add3A_2926 : vector<16xi32>
    %add3A_2928 = arith.constant 64 : i32
    %add3A_2929 = vector.broadcast %add3A_2928 : i32 to vector<16xi32>
    %add3A_2930 = arith.addi %add3A_2927, %add3A_2929 : vector<16xi32>
    %select_n3A_2931 = arith.select %and3A_2921, %sub3A_2912, %add3A_2930 : vector<16xi1>, vector<16xi32>
    %swap3A_2932 = arith.constant 7 : i32
    %swap3A_2933 = arith.index_cast %swap3A_2932 : i32 to index
    %swap3A_2934 = arith.constant 64 : index
    %swap3A_2935 = tpu.vector_load %arg8[%swap3A_2933, %swap3A_2934] {strides = array<i32>} : memref<8x128xi32, #tpu.memory_space<vmem>>, vector<1x16xi32>,
    %swap3A_2936 = vector.shape_cast %swap3A_2935 : vector<1x16xi32> to vector<16xi32>
    %swap3A_2937 = vector.shape_cast %select_n3A_2931 : vector<16xi32> to vector<1x16xi32>
    tpu.vector_store %arg8[%swap3A_2933, %swap3A_2934], %swap3A_2937 {strides = array<i32>} : memref<8x128xi32, #tpu.memory_space<vmem>>, vector<1x16xi32>,
    %broadcast_in_dim3A_2938 = arith.constant 1.000000e+00 : f32
    %broadcast_in_dim3A_2939 = vector.broadcast %broadcast_in_dim3A_2938 : f32 to vector<16xf32>
    %broadcast_in_dim3A_2940 = arith.constant 0.000000e+00 : f32
    %broadcast_in_dim3A_2941 = vector.broadcast %broadcast_in_dim3A_2940 : f32 to vector<16xf32>
    %select_n3A_2942 = arith.select %and3A_2921, %broadcast_in_dim3A_2939, %broadcast_in_dim3A_2941 : vector<16xi1>, vector<16xf32>
    %swap3A_2943 = arith.constant 7 : i32
    %swap3A_2944 = arith.index_cast %swap3A_2943 : i32 to index
    %swap3A_2945 = arith.constant 64 : index
    %swap3A_2946 = tpu.vector_load %arg9[%swap3A_2944, %swap3A_2945] {strides = array<i32>} : memref<8x128xf32, #tpu.memory_space<vmem>>, vector<1x16xf32>,
    %swap3A_2947 = vector.shape_cast %swap3A_2946 : vector<1x16xf32> to vector<16xf32>
    %swap3A_2948 = vector.shape_cast %select_n3A_2942 : vector<16xf32> to vector<1x16xf32>
    tpu.vector_store %arg9[%swap3A_2944, %swap3A_2945], %swap3A_2948 {strides = array<i32>} : memref<8x128xf32, #tpu.memory_space<vmem>>, vector<1x16xf32>,
    %get3A_2949 = arith.constant 976 : index
    %get3A_2950 = tpu.vector_load %arg6[%get3A_2949] {strides = array<i32>} : memref<1024xi32, #tpu.memory_space<vmem>>, vector<16xi32>,
    %get3A_2951 = vector.shape_cast %get3A_2950 : vector<16xi32> to vector<16xi32>
    %get3A_2952 = arith.constant 976 : index
    %get3A_2953 = tpu.vector_load %arg7[%get3A_2952] {strides = array<i32>} : memref<1024xi32, #tpu.memory_space<vmem>>, vector<16xi32>,
    %get3A_2954 = vector.shape_cast %get3A_2953 : vector<16xi32> to vector<16xi32>
    %mul3A_2955 = arith.constant 1024 : i32
    %mul3A_2956 = vector.broadcast %mul3A_2955 : i32 to vector<16xi32>
    %mul3A_2957 = arith.muli %get3A_2951, %mul3A_2956 : vector<16xi32>
    %add3A_2958 = arith.addi %mul3A_2957, %get3A_2954 : vector<16xi32>
    %sub3A_2959 = vector.broadcast %mul3A_30 : i32 to vector<16xi32>
    %sub3A_2960 = arith.subi %add3A_2958, %sub3A_2959 : vector<16xi32>
    %ge3A_2961 = arith.constant 0 : i32
    %ge3A_2962 = vector.broadcast %ge3A_2961 : i32 to vector<16xi32>
    %ge3A_2963 = arith.cmpi sge, %sub3A_2960, %ge3A_2962 : vector<16xi32>
    %lt3A_2964 = arith.constant 524288 : i32
    %lt3A_2965 = vector.broadcast %lt3A_2964 : i32 to vector<16xi32>
    %lt3A_2966 = arith.cmpi slt, %sub3A_2960, %lt3A_2965 : vector<16xi32>
    %and3A_2967 = arith.andi %ge3A_2963, %lt3A_2966 : vector<16xi1>
    %ne3A_2968 = arith.cmpi ne, %get3A_2951, %get3A_2954 : vector<16xi32>
    %and3A_2969 = arith.andi %and3A_2967, %ne3A_2968 : vector<16xi1>
    %iota3A_2970 = tpu.iota {dimensions = array<i32: 0>} : vector<16xi32>
    %add3A_2971 = vector.broadcast %mul3A_0 : i32 to vector<16xi32>
    %add3A_2972 = arith.addi %iota3A_2970, %add3A_2971 : vector<16xi32>
    %add3A_2973 = arith.constant 896 : i32
    %add3A_2974 = vector.broadcast %add3A_2973 : i32 to vector<16xi32>
    %add3A_2975 = arith.addi %add3A_2972, %add3A_2974 : vector<16xi32>
    %add3A_2976 = arith.constant 80 : i32
    %add3A_2977 = vector.broadcast %add3A_2976 : i32 to vector<16xi32>
    %add3A_2978 = arith.addi %add3A_2975, %add3A_2977 : vector<16xi32>
    %select_n3A_2979 = arith.select %and3A_2969, %sub3A_2960, %add3A_2978 : vector<16xi1>, vector<16xi32>
    %swap3A_2980 = arith.constant 7 : i32
    %swap3A_2981 = arith.index_cast %swap3A_2980 : i32 to index
    %swap3A_2982 = arith.constant 80 : index
    %swap3A_2983 = tpu.vector_load %arg8[%swap3A_2981, %swap3A_2982] {strides = array<i32>} : memref<8x128xi32, #tpu.memory_space<vmem>>, vector<1x16xi32>,
    %swap3A_2984 = vector.shape_cast %swap3A_2983 : vector<1x16xi32> to vector<16xi32>
    %swap3A_2985 = vector.shape_cast %select_n3A_2979 : vector<16xi32> to vector<1x16xi32>
    tpu.vector_store %arg8[%swap3A_2981, %swap3A_2982], %swap3A_2985 {strides = array<i32>} : memref<8x128xi32, #tpu.memory_space<vmem>>, vector<1x16xi32>,
    %broadcast_in_dim3A_2986 = arith.constant 1.000000e+00 : f32
    %broadcast_in_dim3A_2987 = vector.broadcast %broadcast_in_dim3A_2986 : f32 to vector<16xf32>
    %broadcast_in_dim3A_2988 = arith.constant 0.000000e+00 : f32
    %broadcast_in_dim3A_2989 = vector.broadcast %broadcast_in_dim3A_2988 : f32 to vector<16xf32>
    %select_n3A_2990 = arith.select %and3A_2969, %broadcast_in_dim3A_2987, %broadcast_in_dim3A_2989 : vector<16xi1>, vector<16xf32>
    %swap3A_2991 = arith.constant 7 : i32
    %swap3A_2992 = arith.index_cast %swap3A_2991 : i32 to index
    %swap3A_2993 = arith.constant 80 : index
    %swap3A_2994 = tpu.vector_load %arg9[%swap3A_2992, %swap3A_2993] {strides = array<i32>} : memref<8x128xf32, #tpu.memory_space<vmem>>, vector<1x16xf32>,
    %swap3A_2995 = vector.shape_cast %swap3A_2994 : vector<1x16xf32> to vector<16xf32>
    %swap3A_2996 = vector.shape_cast %select_n3A_2990 : vector<16xf32> to vector<1x16xf32>
    tpu.vector_store %arg9[%swap3A_2992, %swap3A_2993], %swap3A_2996 {strides = array<i32>} : memref<8x128xf32, #tpu.memory_space<vmem>>, vector<1x16xf32>,
    %get3A_2997 = arith.constant 992 : index
    %get3A_2998 = tpu.vector_load %arg6[%get3A_2997] {strides = array<i32>} : memref<1024xi32, #tpu.memory_space<vmem>>, vector<16xi32>,
    %get3A_2999 = vector.shape_cast %get3A_2998 : vector<16xi32> to vector<16xi32>
    %get3A_3000 = arith.constant 992 : index
    %get3A_3001 = tpu.vector_load %arg7[%get3A_3000] {strides = array<i32>} : memref<1024xi32, #tpu.memory_space<vmem>>, vector<16xi32>,
    %get3A_3002 = vector.shape_cast %get3A_3001 : vector<16xi32> to vector<16xi32>
    %mul3A_3003 = arith.constant 1024 : i32
    %mul3A_3004 = vector.broadcast %mul3A_3003 : i32 to vector<16xi32>
    %mul3A_3005 = arith.muli %get3A_2999, %mul3A_3004 : vector<16xi32>
    %add3A_3006 = arith.addi %mul3A_3005, %get3A_3002 : vector<16xi32>
    %sub3A_3007 = vector.broadcast %mul3A_30 : i32 to vector<16xi32>
    %sub3A_3008 = arith.subi %add3A_3006, %sub3A_3007 : vector<16xi32>
    %ge3A_3009 = arith.constant 0 : i32
    %ge3A_3010 = vector.broadcast %ge3A_3009 : i32 to vector<16xi32>
    %ge3A_3011 = arith.cmpi sge, %sub3A_3008, %ge3A_3010 : vector<16xi32>
    %lt3A_3012 = arith.constant 524288 : i32
    %lt3A_3013 = vector.broadcast %lt3A_3012 : i32 to vector<16xi32>
    %lt3A_3014 = arith.cmpi slt, %sub3A_3008, %lt3A_3013 : vector<16xi32>
    %and3A_3015 = arith.andi %ge3A_3011, %lt3A_3014 : vector<16xi1>
    %ne3A_3016 = arith.cmpi ne, %get3A_2999, %get3A_3002 : vector<16xi32>
    %and3A_3017 = arith.andi %and3A_3015, %ne3A_3016 : vector<16xi1>
    %iota3A_3018 = tpu.iota {dimensions = array<i32: 0>} : vector<16xi32>
    %add3A_3019 = vector.broadcast %mul3A_0 : i32 to vector<16xi32>
    %add3A_3020 = arith.addi %iota3A_3018, %add3A_3019 : vector<16xi32>
    %add3A_3021 = arith.constant 896 : i32
    %add3A_3022 = vector.broadcast %add3A_3021 : i32 to vector<16xi32>
    %add3A_3023 = arith.addi %add3A_3020, %add3A_3022 : vector<16xi32>
    %add3A_3024 = arith.constant 96 : i32
    %add3A_3025 = vector.broadcast %add3A_3024 : i32 to vector<16xi32>
    %add3A_3026 = arith.addi %add3A_3023, %add3A_3025 : vector<16xi32>
    %select_n3A_3027 = arith.select %and3A_3017, %sub3A_3008, %add3A_3026 : vector<16xi1>, vector<16xi32>
    %swap3A_3028 = arith.constant 7 : i32
    %swap3A_3029 = arith.index_cast %swap3A_3028 : i32 to index
    %swap3A_3030 = arith.constant 96 : index
    %swap3A_3031 = tpu.vector_load %arg8[%swap3A_3029, %swap3A_3030] {strides = array<i32>} : memref<8x128xi32, #tpu.memory_space<vmem>>, vector<1x16xi32>,
    %swap3A_3032 = vector.shape_cast %swap3A_3031 : vector<1x16xi32> to vector<16xi32>
    %swap3A_3033 = vector.shape_cast %select_n3A_3027 : vector<16xi32> to vector<1x16xi32>
    tpu.vector_store %arg8[%swap3A_3029, %swap3A_3030], %swap3A_3033 {strides = array<i32>} : memref<8x128xi32, #tpu.memory_space<vmem>>, vector<1x16xi32>,
    %broadcast_in_dim3A_3034 = arith.constant 1.000000e+00 : f32
    %broadcast_in_dim3A_3035 = vector.broadcast %broadcast_in_dim3A_3034 : f32 to vector<16xf32>
    %broadcast_in_dim3A_3036 = arith.constant 0.000000e+00 : f32
    %broadcast_in_dim3A_3037 = vector.broadcast %broadcast_in_dim3A_3036 : f32 to vector<16xf32>
    %select_n3A_3038 = arith.select %and3A_3017, %broadcast_in_dim3A_3035, %broadcast_in_dim3A_3037 : vector<16xi1>, vector<16xf32>
    %swap3A_3039 = arith.constant 7 : i32
    %swap3A_3040 = arith.index_cast %swap3A_3039 : i32 to index
    %swap3A_3041 = arith.constant 96 : index
    %swap3A_3042 = tpu.vector_load %arg9[%swap3A_3040, %swap3A_3041] {strides = array<i32>} : memref<8x128xf32, #tpu.memory_space<vmem>>, vector<1x16xf32>,
    %swap3A_3043 = vector.shape_cast %swap3A_3042 : vector<1x16xf32> to vector<16xf32>
    %swap3A_3044 = vector.shape_cast %select_n3A_3038 : vector<16xf32> to vector<1x16xf32>
    tpu.vector_store %arg9[%swap3A_3040, %swap3A_3041], %swap3A_3044 {strides = array<i32>} : memref<8x128xf32, #tpu.memory_space<vmem>>, vector<1x16xf32>,
    %get3A_3045 = arith.constant 1008 : index
    %get3A_3046 = tpu.vector_load %arg6[%get3A_3045] {strides = array<i32>} : memref<1024xi32, #tpu.memory_space<vmem>>, vector<16xi32>,
    %get3A_3047 = vector.shape_cast %get3A_3046 : vector<16xi32> to vector<16xi32>
    %get3A_3048 = arith.constant 1008 : index
    %get3A_3049 = tpu.vector_load %arg7[%get3A_3048] {strides = array<i32>} : memref<1024xi32, #tpu.memory_space<vmem>>, vector<16xi32>,
    %get3A_3050 = vector.shape_cast %get3A_3049 : vector<16xi32> to vector<16xi32>
    %mul3A_3051 = arith.constant 1024 : i32
    %mul3A_3052 = vector.broadcast %mul3A_3051 : i32 to vector<16xi32>
    %mul3A_3053 = arith.muli %get3A_3047, %mul3A_3052 : vector<16xi32>
    %add3A_3054 = arith.addi %mul3A_3053, %get3A_3050 : vector<16xi32>
    %sub3A_3055 = vector.broadcast %mul3A_30 : i32 to vector<16xi32>
    %sub3A_3056 = arith.subi %add3A_3054, %sub3A_3055 : vector<16xi32>
    %ge3A_3057 = arith.constant 0 : i32
    %ge3A_3058 = vector.broadcast %ge3A_3057 : i32 to vector<16xi32>
    %ge3A_3059 = arith.cmpi sge, %sub3A_3056, %ge3A_3058 : vector<16xi32>
    %lt3A_3060 = arith.constant 524288 : i32
    %lt3A_3061 = vector.broadcast %lt3A_3060 : i32 to vector<16xi32>
    %lt3A_3062 = arith.cmpi slt, %sub3A_3056, %lt3A_3061 : vector<16xi32>
    %and3A_3063 = arith.andi %ge3A_3059, %lt3A_3062 : vector<16xi1>
    %ne3A_3064 = arith.cmpi ne, %get3A_3047, %get3A_3050 : vector<16xi32>
    %and3A_3065 = arith.andi %and3A_3063, %ne3A_3064 : vector<16xi1>
    %iota3A_3066 = tpu.iota {dimensions = array<i32: 0>} : vector<16xi32>
    %add3A_3067 = vector.broadcast %mul3A_0 : i32 to vector<16xi32>
    %add3A_3068 = arith.addi %iota3A_3066, %add3A_3067 : vector<16xi32>
    %add3A_3069 = arith.constant 896 : i32
    %add3A_3070 = vector.broadcast %add3A_3069 : i32 to vector<16xi32>
    %add3A_3071 = arith.addi %add3A_3068, %add3A_3070 : vector<16xi32>
    %add3A_3072 = arith.constant 112 : i32
    %add3A_3073 = vector.broadcast %add3A_3072 : i32 to vector<16xi32>
    %add3A_3074 = arith.addi %add3A_3071, %add3A_3073 : vector<16xi32>
    %select_n3A_3075 = arith.select %and3A_3065, %sub3A_3056, %add3A_3074 : vector<16xi1>, vector<16xi32>
    %swap3A_3076 = arith.constant 7 : i32
    %swap3A_3077 = arith.index_cast %swap3A_3076 : i32 to index
    %swap3A_3078 = arith.constant 112 : index
    %swap3A_3079 = tpu.vector_load %arg8[%swap3A_3077, %swap3A_3078] {strides = array<i32>} : memref<8x128xi32, #tpu.memory_space<vmem>>, vector<1x16xi32>,
    %swap3A_3080 = vector.shape_cast %swap3A_3079 : vector<1x16xi32> to vector<16xi32>
    %swap3A_3081 = vector.shape_cast %select_n3A_3075 : vector<16xi32> to vector<1x16xi32>
    tpu.vector_store %arg8[%swap3A_3077, %swap3A_3078], %swap3A_3081 {strides = array<i32>} : memref<8x128xi32, #tpu.memory_space<vmem>>, vector<1x16xi32>,
    %broadcast_in_dim3A_3082 = arith.constant 1.000000e+00 : f32
    %broadcast_in_dim3A_3083 = vector.broadcast %broadcast_in_dim3A_3082 : f32 to vector<16xf32>
    %broadcast_in_dim3A_3084 = arith.constant 0.000000e+00 : f32
    %broadcast_in_dim3A_3085 = vector.broadcast %broadcast_in_dim3A_3084 : f32 to vector<16xf32>
    %select_n3A_3086 = arith.select %and3A_3065, %broadcast_in_dim3A_3083, %broadcast_in_dim3A_3085 : vector<16xi1>, vector<16xf32>
    %swap3A_3087 = arith.constant 7 : i32
    %swap3A_3088 = arith.index_cast %swap3A_3087 : i32 to index
    %swap3A_3089 = arith.constant 112 : index
    %swap3A_3090 = tpu.vector_load %arg9[%swap3A_3088, %swap3A_3089] {strides = array<i32>} : memref<8x128xf32, #tpu.memory_space<vmem>>, vector<1x16xf32>,
    %swap3A_3091 = vector.shape_cast %swap3A_3090 : vector<1x16xf32> to vector<16xf32>
    %swap3A_3092 = vector.shape_cast %select_n3A_3086 : vector<16xf32> to vector<1x16xf32>
    tpu.vector_store %arg9[%swap3A_3088, %swap3A_3089], %swap3A_3092 {strides = array<i32>} : memref<8x128xf32, #tpu.memory_space<vmem>>, vector<1x16xf32>,
    %barrier3A = arith.constant 0 : index
    tpu.barrier barrier_id(%barrier3A)
    %run_scoped3A = arith.constant 0 : i32
    %run_scoped3A_3093 = arith.constant 0 : i32
    "tpu.region"() ({
      %run_scoped3A_3239 = tpu.sem_alloc : memref<!tpu.dma_semaphore, #tpu.memory_space<semaphore_mem>>
      %dma_start3A = arith.constant 0 : i32
      %dma_start3A_3240 = tpu.memref_slice %arg9[%run_scoped3A, %dma_start3A] : memref<8x128xf32, #tpu.memory_space<vmem>> -> memref<1x128xf32, #tpu.memory_space<vmem>>
      %dma_start3A_3241 = tpu.memref_squeeze %dma_start3A_3240 : memref<1x128xf32, #tpu.memory_space<vmem>> -> memref<128xf32, #tpu.memory_space<vmem>>
      %dma_start3A_3242 = arith.constant 0 : i32
      %dma_start3A_3243 = tpu.memref_slice %arg8[%run_scoped3A_3093, %dma_start3A_3242] : memref<8x128xi32, #tpu.memory_space<vmem>> -> memref<1x128xi32, #tpu.memory_space<vmem>>
      %dma_start3A_3244 = tpu.memref_squeeze %dma_start3A_3243 : memref<1x128xi32, #tpu.memory_space<vmem>> -> memref<128xi32, #tpu.memory_space<vmem>>
      %dma_start3A_3245 = arith.constant 0 : i32
      %dma_start3A_3246 = tpu.memref_slice %arg18[%dma_start3A_3245] : memref<524288xf32, #tpu.memory_space<vmem_shared>> -> memref<524288xf32, #tpu.memory_space<vmem_shared>>
      tpu.enqueue_indirect_dma source(%dma_start3A_3241 : memref<128xf32, #tpu.memory_space<vmem>>) target(%dma_start3A_3246 : memref<524288xf32, #tpu.memory_space<vmem_shared>>) offsets(%dma_start3A_3244 : memref<128xi32, #tpu.memory_space<vmem>>) semaphore(%run_scoped3A_3239 : memref<!tpu.dma_semaphore, #tpu.memory_space<semaphore_mem>>) {add = true}
      %dma_wait3A = arith.constant 0 : i32
      %dma_wait3A_3247 = tpu.memref_slice %arg9[%run_scoped3A, %dma_wait3A] : memref<8x128xf32, #tpu.memory_space<vmem>> -> memref<1x128xf32, #tpu.memory_space<vmem>>
      %dma_wait3A_3248 = tpu.memref_squeeze %dma_wait3A_3247 : memref<1x128xf32, #tpu.memory_space<vmem>> -> memref<128xf32, #tpu.memory_space<vmem>>
      %dma_wait3A_3249 = arith.constant 0 : i32
      %dma_wait3A_3250 = tpu.memref_slice %arg8[%run_scoped3A_3093, %dma_wait3A_3249] : memref<8x128xi32, #tpu.memory_space<vmem>> -> memref<1x128xi32, #tpu.memory_space<vmem>>
      %dma_wait3A_3251 = tpu.memref_squeeze %dma_wait3A_3250 : memref<1x128xi32, #tpu.memory_space<vmem>> -> memref<128xi32, #tpu.memory_space<vmem>>
      %dma_wait3A_3252 = arith.constant 0 : i32
      %dma_wait3A_3253 = tpu.memref_slice %arg18[%dma_wait3A_3252] : memref<524288xf32, #tpu.memory_space<vmem_shared>> -> memref<524288xf32, #tpu.memory_space<vmem_shared>>
      tpu.wait_indirect_dma semaphore(%run_scoped3A_3239 : memref<!tpu.dma_semaphore, #tpu.memory_space<semaphore_mem>>) src(%dma_wait3A_3248 : memref<128xf32, #tpu.memory_space<vmem>>) dst(%dma_wait3A_3253 : memref<524288xf32, #tpu.memory_space<vmem_shared>>)
      tpu.yield
    }) : () -> ()
    %run_scoped3A_3094 = arith.constant 1 : i32
    %run_scoped3A_3095 = arith.constant 1 : i32
    "tpu.region"() ({
      %run_scoped3A_3239 = tpu.sem_alloc : memref<!tpu.dma_semaphore, #tpu.memory_space<semaphore_mem>>
      %dma_start3A = arith.constant 0 : i32
      %dma_start3A_3240 = tpu.memref_slice %arg9[%run_scoped3A_3094, %dma_start3A] : memref<8x128xf32, #tpu.memory_space<vmem>> -> memref<1x128xf32, #tpu.memory_space<vmem>>
      %dma_start3A_3241 = tpu.memref_squeeze %dma_start3A_3240 : memref<1x128xf32, #tpu.memory_space<vmem>> -> memref<128xf32, #tpu.memory_space<vmem>>
      %dma_start3A_3242 = arith.constant 0 : i32
      %dma_start3A_3243 = tpu.memref_slice %arg8[%run_scoped3A_3095, %dma_start3A_3242] : memref<8x128xi32, #tpu.memory_space<vmem>> -> memref<1x128xi32, #tpu.memory_space<vmem>>
      %dma_start3A_3244 = tpu.memref_squeeze %dma_start3A_3243 : memref<1x128xi32, #tpu.memory_space<vmem>> -> memref<128xi32, #tpu.memory_space<vmem>>
      %dma_start3A_3245 = arith.constant 0 : i32
      %dma_start3A_3246 = tpu.memref_slice %arg18[%dma_start3A_3245] : memref<524288xf32, #tpu.memory_space<vmem_shared>> -> memref<524288xf32, #tpu.memory_space<vmem_shared>>
      tpu.enqueue_indirect_dma source(%dma_start3A_3241 : memref<128xf32, #tpu.memory_space<vmem>>) target(%dma_start3A_3246 : memref<524288xf32, #tpu.memory_space<vmem_shared>>) offsets(%dma_start3A_3244 : memref<128xi32, #tpu.memory_space<vmem>>) semaphore(%run_scoped3A_3239 : memref<!tpu.dma_semaphore, #tpu.memory_space<semaphore_mem>>) {add = true}
      %dma_wait3A = arith.constant 0 : i32
      %dma_wait3A_3247 = tpu.memref_slice %arg9[%run_scoped3A_3094, %dma_wait3A] : memref<8x128xf32, #tpu.memory_space<vmem>> -> memref<1x128xf32, #tpu.memory_space<vmem>>
      %dma_wait3A_3248 = tpu.memref_squeeze %dma_wait3A_3247 : memref<1x128xf32, #tpu.memory_space<vmem>> -> memref<128xf32, #tpu.memory_space<vmem>>
      %dma_wait3A_3249 = arith.constant 0 : i32
      %dma_wait3A_3250 = tpu.memref_slice %arg8[%run_scoped3A_3095, %dma_wait3A_3249] : memref<8x128xi32, #tpu.memory_space<vmem>> -> memref<1x128xi32, #tpu.memory_space<vmem>>
      %dma_wait3A_3251 = tpu.memref_squeeze %dma_wait3A_3250 : memref<1x128xi32, #tpu.memory_space<vmem>> -> memref<128xi32, #tpu.memory_space<vmem>>
      %dma_wait3A_3252 = arith.constant 0 : i32
      %dma_wait3A_3253 = tpu.memref_slice %arg18[%dma_wait3A_3252] : memref<524288xf32, #tpu.memory_space<vmem_shared>> -> memref<524288xf32, #tpu.memory_space<vmem_shared>>
      tpu.wait_indirect_dma semaphore(%run_scoped3A_3239 : memref<!tpu.dma_semaphore, #tpu.memory_space<semaphore_mem>>) src(%dma_wait3A_3248 : memref<128xf32, #tpu.memory_space<vmem>>) dst(%dma_wait3A_3253 : memref<524288xf32, #tpu.memory_space<vmem_shared>>)
      tpu.yield
    }) : () -> ()
    %run_scoped3A_3096 = arith.constant 2 : i32
    %run_scoped3A_3097 = arith.constant 2 : i32
    "tpu.region"() ({
      %run_scoped3A_3239 = tpu.sem_alloc : memref<!tpu.dma_semaphore, #tpu.memory_space<semaphore_mem>>
      %dma_start3A = arith.constant 0 : i32
      %dma_start3A_3240 = tpu.memref_slice %arg9[%run_scoped3A_3096, %dma_start3A] : memref<8x128xf32, #tpu.memory_space<vmem>> -> memref<1x128xf32, #tpu.memory_space<vmem>>
      %dma_start3A_3241 = tpu.memref_squeeze %dma_start3A_3240 : memref<1x128xf32, #tpu.memory_space<vmem>> -> memref<128xf32, #tpu.memory_space<vmem>>
      %dma_start3A_3242 = arith.constant 0 : i32
      %dma_start3A_3243 = tpu.memref_slice %arg8[%run_scoped3A_3097, %dma_start3A_3242] : memref<8x128xi32, #tpu.memory_space<vmem>> -> memref<1x128xi32, #tpu.memory_space<vmem>>
      %dma_start3A_3244 = tpu.memref_squeeze %dma_start3A_3243 : memref<1x128xi32, #tpu.memory_space<vmem>> -> memref<128xi32, #tpu.memory_space<vmem>>
      %dma_start3A_3245 = arith.constant 0 : i32
      %dma_start3A_3246 = tpu.memref_slice %arg18[%dma_start3A_3245] : memref<524288xf32, #tpu.memory_space<vmem_shared>> -> memref<524288xf32, #tpu.memory_space<vmem_shared>>
      tpu.enqueue_indirect_dma source(%dma_start3A_3241 : memref<128xf32, #tpu.memory_space<vmem>>) target(%dma_start3A_3246 : memref<524288xf32, #tpu.memory_space<vmem_shared>>) offsets(%dma_start3A_3244 : memref<128xi32, #tpu.memory_space<vmem>>) semaphore(%run_scoped3A_3239 : memref<!tpu.dma_semaphore, #tpu.memory_space<semaphore_mem>>) {add = true}
      %dma_wait3A = arith.constant 0 : i32
      %dma_wait3A_3247 = tpu.memref_slice %arg9[%run_scoped3A_3096, %dma_wait3A] : memref<8x128xf32, #tpu.memory_space<vmem>> -> memref<1x128xf32, #tpu.memory_space<vmem>>
      %dma_wait3A_3248 = tpu.memref_squeeze %dma_wait3A_3247 : memref<1x128xf32, #tpu.memory_space<vmem>> -> memref<128xf32, #tpu.memory_space<vmem>>
      %dma_wait3A_3249 = arith.constant 0 : i32
      %dma_wait3A_3250 = tpu.memref_slice %arg8[%run_scoped3A_3097, %dma_wait3A_3249] : memref<8x128xi32, #tpu.memory_space<vmem>> -> memref<1x128xi32, #tpu.memory_space<vmem>>
      %dma_wait3A_3251 = tpu.memref_squeeze %dma_wait3A_3250 : memref<1x128xi32, #tpu.memory_space<vmem>> -> memref<128xi32, #tpu.memory_space<vmem>>
      %dma_wait3A_3252 = arith.constant 0 : i32
      %dma_wait3A_3253 = tpu.memref_slice %arg18[%dma_wait3A_3252] : memref<524288xf32, #tpu.memory_space<vmem_shared>> -> memref<524288xf32, #tpu.memory_space<vmem_shared>>
      tpu.wait_indirect_dma semaphore(%run_scoped3A_3239 : memref<!tpu.dma_semaphore, #tpu.memory_space<semaphore_mem>>) src(%dma_wait3A_3248 : memref<128xf32, #tpu.memory_space<vmem>>) dst(%dma_wait3A_3253 : memref<524288xf32, #tpu.memory_space<vmem_shared>>)
      tpu.yield
    }) : () -> ()
    %run_scoped3A_3098 = arith.constant 3 : i32
    %run_scoped3A_3099 = arith.constant 3 : i32
    "tpu.region"() ({
      %run_scoped3A_3239 = tpu.sem_alloc : memref<!tpu.dma_semaphore, #tpu.memory_space<semaphore_mem>>
      %dma_start3A = arith.constant 0 : i32
      %dma_start3A_3240 = tpu.memref_slice %arg9[%run_scoped3A_3098, %dma_start3A] : memref<8x128xf32, #tpu.memory_space<vmem>> -> memref<1x128xf32, #tpu.memory_space<vmem>>
      %dma_start3A_3241 = tpu.memref_squeeze %dma_start3A_3240 : memref<1x128xf32, #tpu.memory_space<vmem>> -> memref<128xf32, #tpu.memory_space<vmem>>
      %dma_start3A_3242 = arith.constant 0 : i32
      %dma_start3A_3243 = tpu.memref_slice %arg8[%run_scoped3A_3099, %dma_start3A_3242] : memref<8x128xi32, #tpu.memory_space<vmem>> -> memref<1x128xi32, #tpu.memory_space<vmem>>
      %dma_start3A_3244 = tpu.memref_squeeze %dma_start3A_3243 : memref<1x128xi32, #tpu.memory_space<vmem>> -> memref<128xi32, #tpu.memory_space<vmem>>
      %dma_start3A_3245 = arith.constant 0 : i32
      %dma_start3A_3246 = tpu.memref_slice %arg18[%dma_start3A_3245] : memref<524288xf32, #tpu.memory_space<vmem_shared>> -> memref<524288xf32, #tpu.memory_space<vmem_shared>>
      tpu.enqueue_indirect_dma source(%dma_start3A_3241 : memref<128xf32, #tpu.memory_space<vmem>>) target(%dma_start3A_3246 : memref<524288xf32, #tpu.memory_space<vmem_shared>>) offsets(%dma_start3A_3244 : memref<128xi32, #tpu.memory_space<vmem>>) semaphore(%run_scoped3A_3239 : memref<!tpu.dma_semaphore, #tpu.memory_space<semaphore_mem>>) {add = true}
      %dma_wait3A = arith.constant 0 : i32
      %dma_wait3A_3247 = tpu.memref_slice %arg9[%run_scoped3A_3098, %dma_wait3A] : memref<8x128xf32, #tpu.memory_space<vmem>> -> memref<1x128xf32, #tpu.memory_space<vmem>>
      %dma_wait3A_3248 = tpu.memref_squeeze %dma_wait3A_3247 : memref<1x128xf32, #tpu.memory_space<vmem>> -> memref<128xf32, #tpu.memory_space<vmem>>
      %dma_wait3A_3249 = arith.constant 0 : i32
      %dma_wait3A_3250 = tpu.memref_slice %arg8[%run_scoped3A_3099, %dma_wait3A_3249] : memref<8x128xi32, #tpu.memory_space<vmem>> -> memref<1x128xi32, #tpu.memory_space<vmem>>
      %dma_wait3A_3251 = tpu.memref_squeeze %dma_wait3A_3250 : memref<1x128xi32, #tpu.memory_space<vmem>> -> memref<128xi32, #tpu.memory_space<vmem>>
      %dma_wait3A_3252 = arith.constant 0 : i32
      %dma_wait3A_3253 = tpu.memref_slice %arg18[%dma_wait3A_3252] : memref<524288xf32, #tpu.memory_space<vmem_shared>> -> memref<524288xf32, #tpu.memory_space<vmem_shared>>
      tpu.wait_indirect_dma semaphore(%run_scoped3A_3239 : memref<!tpu.dma_semaphore, #tpu.memory_space<semaphore_mem>>) src(%dma_wait3A_3248 : memref<128xf32, #tpu.memory_space<vmem>>) dst(%dma_wait3A_3253 : memref<524288xf32, #tpu.memory_space<vmem_shared>>)
      tpu.yield
    }) : () -> ()
    %run_scoped3A_3100 = arith.constant 4 : i32
    %run_scoped3A_3101 = arith.constant 4 : i32
    "tpu.region"() ({
      %run_scoped3A_3239 = tpu.sem_alloc : memref<!tpu.dma_semaphore, #tpu.memory_space<semaphore_mem>>
      %dma_start3A = arith.constant 0 : i32
      %dma_start3A_3240 = tpu.memref_slice %arg9[%run_scoped3A_3100, %dma_start3A] : memref<8x128xf32, #tpu.memory_space<vmem>> -> memref<1x128xf32, #tpu.memory_space<vmem>>
      %dma_start3A_3241 = tpu.memref_squeeze %dma_start3A_3240 : memref<1x128xf32, #tpu.memory_space<vmem>> -> memref<128xf32, #tpu.memory_space<vmem>>
      %dma_start3A_3242 = arith.constant 0 : i32
      %dma_start3A_3243 = tpu.memref_slice %arg8[%run_scoped3A_3101, %dma_start3A_3242] : memref<8x128xi32, #tpu.memory_space<vmem>> -> memref<1x128xi32, #tpu.memory_space<vmem>>
      %dma_start3A_3244 = tpu.memref_squeeze %dma_start3A_3243 : memref<1x128xi32, #tpu.memory_space<vmem>> -> memref<128xi32, #tpu.memory_space<vmem>>
      %dma_start3A_3245 = arith.constant 0 : i32
      %dma_start3A_3246 = tpu.memref_slice %arg18[%dma_start3A_3245] : memref<524288xf32, #tpu.memory_space<vmem_shared>> -> memref<524288xf32, #tpu.memory_space<vmem_shared>>
      tpu.enqueue_indirect_dma source(%dma_start3A_3241 : memref<128xf32, #tpu.memory_space<vmem>>) target(%dma_start3A_3246 : memref<524288xf32, #tpu.memory_space<vmem_shared>>) offsets(%dma_start3A_3244 : memref<128xi32, #tpu.memory_space<vmem>>) semaphore(%run_scoped3A_3239 : memref<!tpu.dma_semaphore, #tpu.memory_space<semaphore_mem>>) {add = true}
      %dma_wait3A = arith.constant 0 : i32
      %dma_wait3A_3247 = tpu.memref_slice %arg9[%run_scoped3A_3100, %dma_wait3A] : memref<8x128xf32, #tpu.memory_space<vmem>> -> memref<1x128xf32, #tpu.memory_space<vmem>>
      %dma_wait3A_3248 = tpu.memref_squeeze %dma_wait3A_3247 : memref<1x128xf32, #tpu.memory_space<vmem>> -> memref<128xf32, #tpu.memory_space<vmem>>
      %dma_wait3A_3249 = arith.constant 0 : i32
      %dma_wait3A_3250 = tpu.memref_slice %arg8[%run_scoped3A_3101, %dma_wait3A_3249] : memref<8x128xi32, #tpu.memory_space<vmem>> -> memref<1x128xi32, #tpu.memory_space<vmem>>
      %dma_wait3A_3251 = tpu.memref_squeeze %dma_wait3A_3250 : memref<1x128xi32, #tpu.memory_space<vmem>> -> memref<128xi32, #tpu.memory_space<vmem>>
      %dma_wait3A_3252 = arith.constant 0 : i32
      %dma_wait3A_3253 = tpu.memref_slice %arg18[%dma_wait3A_3252] : memref<524288xf32, #tpu.memory_space<vmem_shared>> -> memref<524288xf32, #tpu.memory_space<vmem_shared>>
      tpu.wait_indirect_dma semaphore(%run_scoped3A_3239 : memref<!tpu.dma_semaphore, #tpu.memory_space<semaphore_mem>>) src(%dma_wait3A_3248 : memref<128xf32, #tpu.memory_space<vmem>>) dst(%dma_wait3A_3253 : memref<524288xf32, #tpu.memory_space<vmem_shared>>)
      tpu.yield
    }) : () -> ()
    %run_scoped3A_3102 = arith.constant 5 : i32
    %run_scoped3A_3103 = arith.constant 5 : i32
    "tpu.region"() ({
      %run_scoped3A_3239 = tpu.sem_alloc : memref<!tpu.dma_semaphore, #tpu.memory_space<semaphore_mem>>
      %dma_start3A = arith.constant 0 : i32
      %dma_start3A_3240 = tpu.memref_slice %arg9[%run_scoped3A_3102, %dma_start3A] : memref<8x128xf32, #tpu.memory_space<vmem>> -> memref<1x128xf32, #tpu.memory_space<vmem>>
      %dma_start3A_3241 = tpu.memref_squeeze %dma_start3A_3240 : memref<1x128xf32, #tpu.memory_space<vmem>> -> memref<128xf32, #tpu.memory_space<vmem>>
      %dma_start3A_3242 = arith.constant 0 : i32
      %dma_start3A_3243 = tpu.memref_slice %arg8[%run_scoped3A_3103, %dma_start3A_3242] : memref<8x128xi32, #tpu.memory_space<vmem>> -> memref<1x128xi32, #tpu.memory_space<vmem>>
      %dma_start3A_3244 = tpu.memref_squeeze %dma_start3A_3243 : memref<1x128xi32, #tpu.memory_space<vmem>> -> memref<128xi32, #tpu.memory_space<vmem>>
      %dma_start3A_3245 = arith.constant 0 : i32
      %dma_start3A_3246 = tpu.memref_slice %arg18[%dma_start3A_3245] : memref<524288xf32, #tpu.memory_space<vmem_shared>> -> memref<524288xf32, #tpu.memory_space<vmem_shared>>
      tpu.enqueue_indirect_dma source(%dma_start3A_3241 : memref<128xf32, #tpu.memory_space<vmem>>) target(%dma_start3A_3246 : memref<524288xf32, #tpu.memory_space<vmem_shared>>) offsets(%dma_start3A_3244 : memref<128xi32, #tpu.memory_space<vmem>>) semaphore(%run_scoped3A_3239 : memref<!tpu.dma_semaphore, #tpu.memory_space<semaphore_mem>>) {add = true}
      %dma_wait3A = arith.constant 0 : i32
      %dma_wait3A_3247 = tpu.memref_slice %arg9[%run_scoped3A_3102, %dma_wait3A] : memref<8x128xf32, #tpu.memory_space<vmem>> -> memref<1x128xf32, #tpu.memory_space<vmem>>
      %dma_wait3A_3248 = tpu.memref_squeeze %dma_wait3A_3247 : memref<1x128xf32, #tpu.memory_space<vmem>> -> memref<128xf32, #tpu.memory_space<vmem>>
      %dma_wait3A_3249 = arith.constant 0 : i32
      %dma_wait3A_3250 = tpu.memref_slice %arg8[%run_scoped3A_3103, %dma_wait3A_3249] : memref<8x128xi32, #tpu.memory_space<vmem>> -> memref<1x128xi32, #tpu.memory_space<vmem>>
      %dma_wait3A_3251 = tpu.memref_squeeze %dma_wait3A_3250 : memref<1x128xi32, #tpu.memory_space<vmem>> -> memref<128xi32, #tpu.memory_space<vmem>>
      %dma_wait3A_3252 = arith.constant 0 : i32
      %dma_wait3A_3253 = tpu.memref_slice %arg18[%dma_wait3A_3252] : memref<524288xf32, #tpu.memory_space<vmem_shared>> -> memref<524288xf32, #tpu.memory_space<vmem_shared>>
      tpu.wait_indirect_dma semaphore(%run_scoped3A_3239 : memref<!tpu.dma_semaphore, #tpu.memory_space<semaphore_mem>>) src(%dma_wait3A_3248 : memref<128xf32, #tpu.memory_space<vmem>>) dst(%dma_wait3A_3253 : memref<524288xf32, #tpu.memory_space<vmem_shared>>)
      tpu.yield
    }) : () -> ()
    %run_scoped3A_3104 = arith.constant 6 : i32
    %run_scoped3A_3105 = arith.constant 6 : i32
    "tpu.region"() ({
      %run_scoped3A_3239 = tpu.sem_alloc : memref<!tpu.dma_semaphore, #tpu.memory_space<semaphore_mem>>
      %dma_start3A = arith.constant 0 : i32
      %dma_start3A_3240 = tpu.memref_slice %arg9[%run_scoped3A_3104, %dma_start3A] : memref<8x128xf32, #tpu.memory_space<vmem>> -> memref<1x128xf32, #tpu.memory_space<vmem>>
      %dma_start3A_3241 = tpu.memref_squeeze %dma_start3A_3240 : memref<1x128xf32, #tpu.memory_space<vmem>> -> memref<128xf32, #tpu.memory_space<vmem>>
      %dma_start3A_3242 = arith.constant 0 : i32
      %dma_start3A_3243 = tpu.memref_slice %arg8[%run_scoped3A_3105, %dma_start3A_3242] : memref<8x128xi32, #tpu.memory_space<vmem>> -> memref<1x128xi32, #tpu.memory_space<vmem>>
      %dma_start3A_3244 = tpu.memref_squeeze %dma_start3A_3243 : memref<1x128xi32, #tpu.memory_space<vmem>> -> memref<128xi32, #tpu.memory_space<vmem>>
      %dma_start3A_3245 = arith.constant 0 : i32
      %dma_start3A_3246 = tpu.memref_slice %arg18[%dma_start3A_3245] : memref<524288xf32, #tpu.memory_space<vmem_shared>> -> memref<524288xf32, #tpu.memory_space<vmem_shared>>
      tpu.enqueue_indirect_dma source(%dma_start3A_3241 : memref<128xf32, #tpu.memory_space<vmem>>) target(%dma_start3A_3246 : memref<524288xf32, #tpu.memory_space<vmem_shared>>) offsets(%dma_start3A_3244 : memref<128xi32, #tpu.memory_space<vmem>>) semaphore(%run_scoped3A_3239 : memref<!tpu.dma_semaphore, #tpu.memory_space<semaphore_mem>>) {add = true}
      %dma_wait3A = arith.constant 0 : i32
      %dma_wait3A_3247 = tpu.memref_slice %arg9[%run_scoped3A_3104, %dma_wait3A] : memref<8x128xf32, #tpu.memory_space<vmem>> -> memref<1x128xf32, #tpu.memory_space<vmem>>
      %dma_wait3A_3248 = tpu.memref_squeeze %dma_wait3A_3247 : memref<1x128xf32, #tpu.memory_space<vmem>> -> memref<128xf32, #tpu.memory_space<vmem>>
      %dma_wait3A_3249 = arith.constant 0 : i32
      %dma_wait3A_3250 = tpu.memref_slice %arg8[%run_scoped3A_3105, %dma_wait3A_3249] : memref<8x128xi32, #tpu.memory_space<vmem>> -> memref<1x128xi32, #tpu.memory_space<vmem>>
      %dma_wait3A_3251 = tpu.memref_squeeze %dma_wait3A_3250 : memref<1x128xi32, #tpu.memory_space<vmem>> -> memref<128xi32, #tpu.memory_space<vmem>>
      %dma_wait3A_3252 = arith.constant 0 : i32
      %dma_wait3A_3253 = tpu.memref_slice %arg18[%dma_wait3A_3252] : memref<524288xf32, #tpu.memory_space<vmem_shared>> -> memref<524288xf32, #tpu.memory_space<vmem_shared>>
      tpu.wait_indirect_dma semaphore(%run_scoped3A_3239 : memref<!tpu.dma_semaphore, #tpu.memory_space<semaphore_mem>>) src(%dma_wait3A_3248 : memref<128xf32, #tpu.memory_space<vmem>>) dst(%dma_wait3A_3253 : memref<524288xf32, #tpu.memory_space<vmem_shared>>)
      tpu.yield
    }) : () -> ()
    %run_scoped3A_3106 = arith.constant 7 : i32
    %run_scoped3A_3107 = arith.constant 7 : i32
    "tpu.region"() ({
      %run_scoped3A_3239 = tpu.sem_alloc : memref<!tpu.dma_semaphore, #tpu.memory_space<semaphore_mem>>
      %dma_start3A = arith.constant 0 : i32
      %dma_start3A_3240 = tpu.memref_slice %arg9[%run_scoped3A_3106, %dma_start3A] : memref<8x128xf32, #tpu.memory_space<vmem>> -> memref<1x128xf32, #tpu.memory_space<vmem>>
      %dma_start3A_3241 = tpu.memref_squeeze %dma_start3A_3240 : memref<1x128xf32, #tpu.memory_space<vmem>> -> memref<128xf32, #tpu.memory_space<vmem>>
      %dma_start3A_3242 = arith.constant 0 : i32
      %dma_start3A_3243 = tpu.memref_slice %arg8[%run_scoped3A_3107, %dma_start3A_3242] : memref<8x128xi32, #tpu.memory_space<vmem>> -> memref<1x128xi32, #tpu.memory_space<vmem>>
      %dma_start3A_3244 = tpu.memref_squeeze %dma_start3A_3243 : memref<1x128xi32, #tpu.memory_space<vmem>> -> memref<128xi32, #tpu.memory_space<vmem>>
      %dma_start3A_3245 = arith.constant 0 : i32
      %dma_start3A_3246 = tpu.memref_slice %arg18[%dma_start3A_3245] : memref<524288xf32, #tpu.memory_space<vmem_shared>> -> memref<524288xf32, #tpu.memory_space<vmem_shared>>
      tpu.enqueue_indirect_dma source(%dma_start3A_3241 : memref<128xf32, #tpu.memory_space<vmem>>) target(%dma_start3A_3246 : memref<524288xf32, #tpu.memory_space<vmem_shared>>) offsets(%dma_start3A_3244 : memref<128xi32, #tpu.memory_space<vmem>>) semaphore(%run_scoped3A_3239 : memref<!tpu.dma_semaphore, #tpu.memory_space<semaphore_mem>>) {add = true}
      %dma_wait3A = arith.constant 0 : i32
      %dma_wait3A_3247 = tpu.memref_slice %arg9[%run_scoped3A_3106, %dma_wait3A] : memref<8x128xf32, #tpu.memory_space<vmem>> -> memref<1x128xf32, #tpu.memory_space<vmem>>
      %dma_wait3A_3248 = tpu.memref_squeeze %dma_wait3A_3247 : memref<1x128xf32, #tpu.memory_space<vmem>> -> memref<128xf32, #tpu.memory_space<vmem>>
      %dma_wait3A_3249 = arith.constant 0 : i32
      %dma_wait3A_3250 = tpu.memref_slice %arg8[%run_scoped3A_3107, %dma_wait3A_3249] : memref<8x128xi32, #tpu.memory_space<vmem>> -> memref<1x128xi32, #tpu.memory_space<vmem>>
      %dma_wait3A_3251 = tpu.memref_squeeze %dma_wait3A_3250 : memref<1x128xi32, #tpu.memory_space<vmem>> -> memref<128xi32, #tpu.memory_space<vmem>>
      %dma_wait3A_3252 = arith.constant 0 : i32
      %dma_wait3A_3253 = tpu.memref_slice %arg18[%dma_wait3A_3252] : memref<524288xf32, #tpu.memory_space<vmem_shared>> -> memref<524288xf32, #tpu.memory_space<vmem_shared>>
      tpu.wait_indirect_dma semaphore(%run_scoped3A_3239 : memref<!tpu.dma_semaphore, #tpu.memory_space<semaphore_mem>>) src(%dma_wait3A_3248 : memref<128xf32, #tpu.memory_space<vmem>>) dst(%dma_wait3A_3253 : memref<524288xf32, #tpu.memory_space<vmem_shared>>)
      tpu.yield
    }) : () -> ()
    %barrier3A_3108 = arith.constant 0 : index
    tpu.barrier barrier_id(%barrier3A_3108)
    %mul3A_3109 = arith.constant 32768 : i32
    %mul3A_3110 = arith.muli %arg1, %mul3A_3109 : i32
    "tpu.region"() ({
      %run_scoped3A_3239 = tpu.sem_alloc : memref<!tpu.dma_semaphore, #tpu.memory_space<semaphore_mem>>
      %dma_start3A = tpu.memref_slice %arg18[%mul3A_3110] : memref<524288xf32, #tpu.memory_space<vmem_shared>> -> memref<32768xf32, #tpu.memory_space<vmem_shared>>
      %dma_start3A_3240 = tpu.memref_slice %arg18[%mul3A_3110] : memref<524288xf32, #tpu.memory_space<vmem_shared>> -> memref<32768xf32, #tpu.memory_space<vmem_shared>>
      tpu.enqueue_dma source(%dma_start3A_3240 : memref<32768xf32, #tpu.memory_space<vmem_shared>>) target(%arg11 : memref<32768xf32, #tpu.memory_space<vmem>>) target_semaphore(%run_scoped3A_3239 : memref<!tpu.dma_semaphore, #tpu.memory_space<semaphore_mem>>)
      %dma_wait3A = tpu.memref_slice %arg18[%mul3A_3110] : memref<524288xf32, #tpu.memory_space<vmem_shared>> -> memref<32768xf32, #tpu.memory_space<vmem_shared>>
      %dma_wait3A_3241 = tpu.memref_slice %arg18[%mul3A_3110] : memref<524288xf32, #tpu.memory_space<vmem_shared>> -> memref<32768xf32, #tpu.memory_space<vmem_shared>>
      tpu.wait_dma2 semaphore(%run_scoped3A_3239 : memref<!tpu.dma_semaphore, #tpu.memory_space<semaphore_mem>>) src(%dma_wait3A_3241 : memref<32768xf32, #tpu.memory_space<vmem_shared>>) dst(%arg11 : memref<32768xf32, #tpu.memory_space<vmem>>)
      tpu.yield
    }) : () -> ()
    %scan3A_3111 = arith.constant 0 : i32
    %scan3A_3112 = arith.constant 0 : i32
    %scan3A_3113 = arith.constant 64 : i32
    %scan3A_3114 = arith.addi %scan3A_3112, %scan3A_3113 : i32
    %scan3A_3115 = arith.constant 1 : i32
    %scan3A_3116 = scf.for %scan3A_3239 = %scan3A_3112 to %scan3A_3114 step %scan3A_3115 iter_args(%scan3A_3240 = %scan3A_3111) -> (i32)  : i32 {
      %broadcast_in_dim3A_3241 = arith.constant -1.000000e+00 : f32
      %broadcast_in_dim3A_3242 = vector.broadcast %broadcast_in_dim3A_3241 : f32 to vector<16xf32>
      %broadcast_in_dim3A_3243 = arith.constant 0 : i32
      %broadcast_in_dim3A_3244 = vector.broadcast %broadcast_in_dim3A_3243 : i32 to vector<16xi32>
      %scan3A_3245 = arith.constant 0 : i32
      %scan3A_3246 = arith.constant 8 : i32
      %scan3A_3247 = arith.addi %scan3A_3245, %scan3A_3246 : i32
      %scan3A_3248 = arith.constant 1 : i32
      %scan3A_3249:2 = scf.for %scan3A_3264 = %scan3A_3245 to %scan3A_3247 step %scan3A_3248 iter_args(%scan3A_3265 = %broadcast_in_dim3A_3242, %scan3A_3266 = %broadcast_in_dim3A_3244) -> (vector<16xf32>, vector<16xi32>)  : i32 {
        %mul3A_3267 = arith.constant 4 : i32
        %mul3A_3268 = arith.muli %scan3A_3264, %mul3A_3267 : i32
        %add3A_3269 = arith.constant 0 : i32
        %add3A_3270 = arith.addi %mul3A_3268, %add3A_3269 : i32
        %mul3A_3271 = arith.constant 1024 : i32
        %mul3A_3272 = arith.muli %add3A_3270, %mul3A_3271 : i32
        %mul3A_3273 = arith.constant 16 : i32
        %mul3A_3274 = arith.muli %scan3A_3239, %mul3A_3273 : i32
        %add3A_3275 = arith.addi %mul3A_3272, %mul3A_3274 : i32
        %get3A_3276 = arith.index_cast %add3A_3275 : i32 to index
        %get3A_3277 = tpu.vector_load %arg11[%get3A_3276] {strides = array<i32>} : memref<32768xf32, #tpu.memory_space<vmem>>, vector<16xf32>,
        %get3A_3278 = vector.shape_cast %get3A_3277 : vector<16xf32> to vector<16xf32>
        %gt3A = arith.cmpf ogt, %get3A_3278, %scan3A_3265 : vector<16xf32>
        %broadcast_in_dim3A_3279 = arith.constant 0 : i32
        %broadcast_in_dim3A_3280 = vector.broadcast %broadcast_in_dim3A_3279 : i32 to vector<16xi32>
        %mul3A_3281 = arith.constant 4 : i32
        %mul3A_3282 = arith.muli %scan3A_3264, %mul3A_3281 : i32
        %add3A_3283 = arith.addi %add3A, %mul3A_3282 : i32
        %add3A_3284 = arith.constant 0 : i32
        %add3A_3285 = arith.addi %add3A_3283, %add3A_3284 : i32
        %add3A_3286 = vector.broadcast %add3A_3285 : i32 to vector<16xi32>
        %add3A_3287 = arith.addi %broadcast_in_dim3A_3280, %add3A_3286 : vector<16xi32>
        %select_n3A_3288 = arith.select %gt3A, %get3A_3278, %scan3A_3265 : vector<16xi1>, vector<16xf32>
        %select_n3A_3289 = arith.select %gt3A, %add3A_3287, %scan3A_3266 : vector<16xi1>, vector<16xi32>
        %mul3A_3290 = arith.constant 4 : i32
        %mul3A_3291 = arith.muli %scan3A_3264, %mul3A_3290 : i32
        %add3A_3292 = arith.constant 1 : i32
        %add3A_3293 = arith.addi %mul3A_3291, %add3A_3292 : i32
        %mul3A_3294 = arith.constant 1024 : i32
        %mul3A_3295 = arith.muli %add3A_3293, %mul3A_3294 : i32
        %mul3A_3296 = arith.constant 16 : i32
        %mul3A_3297 = arith.muli %scan3A_3239, %mul3A_3296 : i32
        %add3A_3298 = arith.addi %mul3A_3295, %mul3A_3297 : i32
        %get3A_3299 = arith.index_cast %add3A_3298 : i32 to index
        %get3A_3300 = tpu.vector_load %arg11[%get3A_3299] {strides = array<i32>} : memref<32768xf32, #tpu.memory_space<vmem>>, vector<16xf32>,
        %get3A_3301 = vector.shape_cast %get3A_3300 : vector<16xf32> to vector<16xf32>
        %gt3A_3302 = arith.cmpf ogt, %get3A_3301, %select_n3A_3288 : vector<16xf32>
        %broadcast_in_dim3A_3303 = arith.constant 0 : i32
        %broadcast_in_dim3A_3304 = vector.broadcast %broadcast_in_dim3A_3303 : i32 to vector<16xi32>
        %mul3A_3305 = arith.constant 4 : i32
        %mul3A_3306 = arith.muli %scan3A_3264, %mul3A_3305 : i32
        %add3A_3307 = arith.addi %add3A, %mul3A_3306 : i32
        %add3A_3308 = arith.constant 1 : i32
        %add3A_3309 = arith.addi %add3A_3307, %add3A_3308 : i32
        %add3A_3310 = vector.broadcast %add3A_3309 : i32 to vector<16xi32>
        %add3A_3311 = arith.addi %broadcast_in_dim3A_3304, %add3A_3310 : vector<16xi32>
        %select_n3A_3312 = arith.select %gt3A_3302, %get3A_3301, %select_n3A_3288 : vector<16xi1>, vector<16xf32>
        %select_n3A_3313 = arith.select %gt3A_3302, %add3A_3311, %select_n3A_3289 : vector<16xi1>, vector<16xi32>
        %mul3A_3314 = arith.constant 4 : i32
        %mul3A_3315 = arith.muli %scan3A_3264, %mul3A_3314 : i32
        %add3A_3316 = arith.constant 2 : i32
        %add3A_3317 = arith.addi %mul3A_3315, %add3A_3316 : i32
        %mul3A_3318 = arith.constant 1024 : i32
        %mul3A_3319 = arith.muli %add3A_3317, %mul3A_3318 : i32
        %mul3A_3320 = arith.constant 16 : i32
        %mul3A_3321 = arith.muli %scan3A_3239, %mul3A_3320 : i32
        %add3A_3322 = arith.addi %mul3A_3319, %mul3A_3321 : i32
        %get3A_3323 = arith.index_cast %add3A_3322 : i32 to index
        %get3A_3324 = tpu.vector_load %arg11[%get3A_3323] {strides = array<i32>} : memref<32768xf32, #tpu.memory_space<vmem>>, vector<16xf32>,
        %get3A_3325 = vector.shape_cast %get3A_3324 : vector<16xf32> to vector<16xf32>
        %gt3A_3326 = arith.cmpf ogt, %get3A_3325, %select_n3A_3312 : vector<16xf32>
        %broadcast_in_dim3A_3327 = arith.constant 0 : i32
        %broadcast_in_dim3A_3328 = vector.broadcast %broadcast_in_dim3A_3327 : i32 to vector<16xi32>
        %mul3A_3329 = arith.constant 4 : i32
        %mul3A_3330 = arith.muli %scan3A_3264, %mul3A_3329 : i32
        %add3A_3331 = arith.addi %add3A, %mul3A_3330 : i32
        %add3A_3332 = arith.constant 2 : i32
        %add3A_3333 = arith.addi %add3A_3331, %add3A_3332 : i32
        %add3A_3334 = vector.broadcast %add3A_3333 : i32 to vector<16xi32>
        %add3A_3335 = arith.addi %broadcast_in_dim3A_3328, %add3A_3334 : vector<16xi32>
        %select_n3A_3336 = arith.select %gt3A_3326, %get3A_3325, %select_n3A_3312 : vector<16xi1>, vector<16xf32>
        %select_n3A_3337 = arith.select %gt3A_3326, %add3A_3335, %select_n3A_3313 : vector<16xi1>, vector<16xi32>
        %mul3A_3338 = arith.constant 4 : i32
        %mul3A_3339 = arith.muli %scan3A_3264, %mul3A_3338 : i32
        %add3A_3340 = arith.constant 3 : i32
        %add3A_3341 = arith.addi %mul3A_3339, %add3A_3340 : i32
        %mul3A_3342 = arith.constant 1024 : i32
        %mul3A_3343 = arith.muli %add3A_3341, %mul3A_3342 : i32
        %mul3A_3344 = arith.constant 16 : i32
        %mul3A_3345 = arith.muli %scan3A_3239, %mul3A_3344 : i32
        %add3A_3346 = arith.addi %mul3A_3343, %mul3A_3345 : i32
        %get3A_3347 = arith.index_cast %add3A_3346 : i32 to index
        %get3A_3348 = tpu.vector_load %arg11[%get3A_3347] {strides = array<i32>} : memref<32768xf32, #tpu.memory_space<vmem>>, vector<16xf32>,
        %get3A_3349 = vector.shape_cast %get3A_3348 : vector<16xf32> to vector<16xf32>
        %gt3A_3350 = arith.cmpf ogt, %get3A_3349, %select_n3A_3336 : vector<16xf32>
        %broadcast_in_dim3A_3351 = arith.constant 0 : i32
        %broadcast_in_dim3A_3352 = vector.broadcast %broadcast_in_dim3A_3351 : i32 to vector<16xi32>
        %mul3A_3353 = arith.constant 4 : i32
        %mul3A_3354 = arith.muli %scan3A_3264, %mul3A_3353 : i32
        %add3A_3355 = arith.addi %add3A, %mul3A_3354 : i32
        %add3A_3356 = arith.constant 3 : i32
        %add3A_3357 = arith.addi %add3A_3355, %add3A_3356 : i32
        %add3A_3358 = vector.broadcast %add3A_3357 : i32 to vector<16xi32>
        %add3A_3359 = arith.addi %broadcast_in_dim3A_3352, %add3A_3358 : vector<16xi32>
        %select_n3A_3360 = arith.select %gt3A_3350, %get3A_3349, %select_n3A_3336 : vector<16xi1>, vector<16xf32>
        %select_n3A_3361 = arith.select %gt3A_3350, %add3A_3359, %select_n3A_3337 : vector<16xi1>, vector<16xi32>
        scf.yield %select_n3A_3360, %select_n3A_3361 : vector<16xf32>, vector<16xi32>
      }
      %scan3A_3250 = arith.constant 8 : i32
      %mul3A_3251 = arith.constant 16 : i32
      %mul3A_3252 = arith.muli %scan3A_3239, %mul3A_3251 : i32
      %swap3A_3253 = arith.index_cast %mul3A_3252 : i32 to index
      %swap3A_3254 = tpu.vector_load %arg12[%swap3A_3253] {strides = array<i32>} : memref<1024xf32, #tpu.memory_space<vmem>>, vector<16xf32>,
      %swap3A_3255 = vector.shape_cast %swap3A_3254 : vector<16xf32> to vector<16xf32>
      %swap3A_3256 = vector.shape_cast %scan3A_3249#0 : vector<16xf32> to vector<16xf32>
      tpu.vector_store %arg12[%swap3A_3253], %swap3A_3256 {strides = array<i32>} : memref<1024xf32, #tpu.memory_space<vmem>>, vector<16xf32>,
      %mul3A_3257 = arith.constant 16 : i32
      %mul3A_3258 = arith.muli %scan3A_3239, %mul3A_3257 : i32
      %swap3A_3259 = arith.index_cast %mul3A_3258 : i32 to index
      %swap3A_3260 = tpu.vector_load %arg13[%swap3A_3259] {strides = array<i32>} : memref<1024xi32, #tpu.memory_space<vmem>>, vector<16xi32>,
      %swap3A_3261 = vector.shape_cast %swap3A_3260 : vector<16xi32> to vector<16xi32>
      %swap3A_3262 = vector.shape_cast %scan3A_3249#1 : vector<16xi32> to vector<16xi32>
      tpu.vector_store %arg13[%swap3A_3259], %swap3A_3262 {strides = array<i32>} : memref<1024xi32, #tpu.memory_space<vmem>>, vector<16xi32>,
      %scan3A_3263 = arith.constant 0 : i32
      scf.yield %scan3A_3263 : i32
    }
    %scan3A_3117 = arith.constant 64 : i32
    %mul3A_3118 = arith.constant 1024 : i32
    %mul3A_3119 = arith.muli %arg1, %mul3A_3118 : i32
    "tpu.region"() ({
      %run_scoped3A_3239 = tpu.sem_alloc : memref<!tpu.dma_semaphore, #tpu.memory_space<semaphore_mem>>
      %dma_start3A = tpu.memref_slice %arg19[%mul3A_3119] : memref<16384xf32, #tpu.memory_space<vmem_shared>> -> memref<1024xf32, #tpu.memory_space<vmem_shared>>
      %dma_start3A_3240 = tpu.memref_slice %arg19[%mul3A_3119] : memref<16384xf32, #tpu.memory_space<vmem_shared>> -> memref<1024xf32, #tpu.memory_space<vmem_shared>>
      tpu.enqueue_dma source(%arg12 : memref<1024xf32, #tpu.memory_space<vmem>>) target(%dma_start3A_3240 : memref<1024xf32, #tpu.memory_space<vmem_shared>>) target_semaphore(%run_scoped3A_3239 : memref<!tpu.dma_semaphore, #tpu.memory_space<semaphore_mem>>)
      %dma_wait3A = tpu.memref_slice %arg19[%mul3A_3119] : memref<16384xf32, #tpu.memory_space<vmem_shared>> -> memref<1024xf32, #tpu.memory_space<vmem_shared>>
      %dma_wait3A_3241 = tpu.memref_slice %arg19[%mul3A_3119] : memref<16384xf32, #tpu.memory_space<vmem_shared>> -> memref<1024xf32, #tpu.memory_space<vmem_shared>>
      tpu.wait_dma2 semaphore(%run_scoped3A_3239 : memref<!tpu.dma_semaphore, #tpu.memory_space<semaphore_mem>>) src(%arg12 : memref<1024xf32, #tpu.memory_space<vmem>>) dst(%dma_wait3A_3241 : memref<1024xf32, #tpu.memory_space<vmem_shared>>)
      tpu.yield
    }) : () -> ()
    %mul3A_3120 = arith.constant 1024 : i32
    %mul3A_3121 = arith.muli %arg1, %mul3A_3120 : i32
    "tpu.region"() ({
      %run_scoped3A_3239 = tpu.sem_alloc : memref<!tpu.dma_semaphore, #tpu.memory_space<semaphore_mem>>
      %dma_start3A = tpu.memref_slice %arg20[%mul3A_3121] : memref<16384xi32, #tpu.memory_space<vmem_shared>> -> memref<1024xi32, #tpu.memory_space<vmem_shared>>
      %dma_start3A_3240 = tpu.memref_slice %arg20[%mul3A_3121] : memref<16384xi32, #tpu.memory_space<vmem_shared>> -> memref<1024xi32, #tpu.memory_space<vmem_shared>>
      tpu.enqueue_dma source(%arg13 : memref<1024xi32, #tpu.memory_space<vmem>>) target(%dma_start3A_3240 : memref<1024xi32, #tpu.memory_space<vmem_shared>>) target_semaphore(%run_scoped3A_3239 : memref<!tpu.dma_semaphore, #tpu.memory_space<semaphore_mem>>)
      %dma_wait3A = tpu.memref_slice %arg20[%mul3A_3121] : memref<16384xi32, #tpu.memory_space<vmem_shared>> -> memref<1024xi32, #tpu.memory_space<vmem_shared>>
      %dma_wait3A_3241 = tpu.memref_slice %arg20[%mul3A_3121] : memref<16384xi32, #tpu.memory_space<vmem_shared>> -> memref<1024xi32, #tpu.memory_space<vmem_shared>>
      tpu.wait_dma2 semaphore(%run_scoped3A_3239 : memref<!tpu.dma_semaphore, #tpu.memory_space<semaphore_mem>>) src(%arg13 : memref<1024xi32, #tpu.memory_space<vmem>>) dst(%dma_wait3A_3241 : memref<1024xi32, #tpu.memory_space<vmem_shared>>)
      tpu.yield
    }) : () -> ()
    %barrier3A_3122 = arith.constant 0 : index
    tpu.barrier barrier_id(%barrier3A_3122)
    "tpu.region"() ({
      %run_scoped3A_3239 = tpu.sem_alloc : memref<!tpu.dma_semaphore, #tpu.memory_space<semaphore_mem>>
      tpu.enqueue_dma source(%arg19 : memref<16384xf32, #tpu.memory_space<vmem_shared>>) target(%arg14 : memref<16384xf32, #tpu.memory_space<vmem>>) target_semaphore(%run_scoped3A_3239 : memref<!tpu.dma_semaphore, #tpu.memory_space<semaphore_mem>>)
      tpu.wait_dma2 semaphore(%run_scoped3A_3239 : memref<!tpu.dma_semaphore, #tpu.memory_space<semaphore_mem>>) src(%arg19 : memref<16384xf32, #tpu.memory_space<vmem_shared>>) dst(%arg14 : memref<16384xf32, #tpu.memory_space<vmem>>)
      tpu.yield
    }) : () -> ()
    "tpu.region"() ({
      %run_scoped3A_3239 = tpu.sem_alloc : memref<!tpu.dma_semaphore, #tpu.memory_space<semaphore_mem>>
      tpu.enqueue_dma source(%arg20 : memref<16384xi32, #tpu.memory_space<vmem_shared>>) target(%arg15 : memref<16384xi32, #tpu.memory_space<vmem>>) target_semaphore(%run_scoped3A_3239 : memref<!tpu.dma_semaphore, #tpu.memory_space<semaphore_mem>>)
      tpu.wait_dma2 semaphore(%run_scoped3A_3239 : memref<!tpu.dma_semaphore, #tpu.memory_space<semaphore_mem>>) src(%arg20 : memref<16384xi32, #tpu.memory_space<vmem_shared>>) dst(%arg15 : memref<16384xi32, #tpu.memory_space<vmem>>)
      tpu.yield
    }) : () -> ()
    %mul3A_3123 = arith.constant 64 : i32
    %mul3A_3124 = arith.muli %arg1, %mul3A_3123 : i32
    %add3A_3125 = arith.constant 0 : i32
    %add3A_3126 = arith.addi %mul3A_3124, %add3A_3125 : i32
    %get3A_3127 = arith.index_cast %add3A_3126 : i32 to index
    %get3A_3128 = tpu.vector_load %arg14[%get3A_3127] {strides = array<i32>} : memref<16384xf32, #tpu.memory_space<vmem>>, vector<16xf32>,
    %get3A_3129 = vector.shape_cast %get3A_3128 : vector<16xf32> to vector<16xf32>
    %mul3A_3130 = arith.constant 64 : i32
    %mul3A_3131 = arith.muli %arg1, %mul3A_3130 : i32
    %add3A_3132 = arith.constant 0 : i32
    %add3A_3133 = arith.addi %mul3A_3131, %add3A_3132 : i32
    %get3A_3134 = arith.index_cast %add3A_3133 : i32 to index
    %get3A_3135 = tpu.vector_load %arg15[%get3A_3134] {strides = array<i32>} : memref<16384xi32, #tpu.memory_space<vmem>>, vector<16xi32>,
    %get3A_3136 = vector.shape_cast %get3A_3135 : vector<16xi32> to vector<16xi32>
    %scan3A_3137 = arith.constant 1 : i32
    %scan3A_3138 = arith.constant 15 : i32
    %scan3A_3139 = arith.addi %scan3A_3137, %scan3A_3138 : i32
    %scan3A_3140 = arith.constant 1 : i32
    %scan3A_3141:2 = scf.for %scan3A_3239 = %scan3A_3137 to %scan3A_3139 step %scan3A_3140 iter_args(%scan3A_3240 = %get3A_3129, %scan3A_3241 = %get3A_3136) -> (vector<16xf32>, vector<16xi32>)  : i32 {
      %mul3A_3242 = arith.constant 1024 : i32
      %mul3A_3243 = arith.muli %scan3A_3239, %mul3A_3242 : i32
      %mul3A_3244 = arith.constant 64 : i32
      %mul3A_3245 = arith.muli %arg1, %mul3A_3244 : i32
      %add3A_3246 = arith.addi %mul3A_3243, %mul3A_3245 : i32
      %add3A_3247 = arith.constant 0 : i32
      %add3A_3248 = arith.addi %add3A_3246, %add3A_3247 : i32
      %get3A_3249 = arith.index_cast %add3A_3248 : i32 to index
      %get3A_3250 = tpu.vector_load %arg14[%get3A_3249] {strides = array<i32>} : memref<16384xf32, #tpu.memory_space<vmem>>, vector<16xf32>,
      %get3A_3251 = vector.shape_cast %get3A_3250 : vector<16xf32> to vector<16xf32>
      %mul3A_3252 = arith.constant 1024 : i32
      %mul3A_3253 = arith.muli %scan3A_3239, %mul3A_3252 : i32
      %mul3A_3254 = arith.constant 64 : i32
      %mul3A_3255 = arith.muli %arg1, %mul3A_3254 : i32
      %add3A_3256 = arith.addi %mul3A_3253, %mul3A_3255 : i32
      %add3A_3257 = arith.constant 0 : i32
      %add3A_3258 = arith.addi %add3A_3256, %add3A_3257 : i32
      %get3A_3259 = arith.index_cast %add3A_3258 : i32 to index
      %get3A_3260 = tpu.vector_load %arg15[%get3A_3259] {strides = array<i32>} : memref<16384xi32, #tpu.memory_space<vmem>>, vector<16xi32>,
      %get3A_3261 = vector.shape_cast %get3A_3260 : vector<16xi32> to vector<16xi32>
      %gt3A = arith.cmpf ogt, %get3A_3251, %scan3A_3240 : vector<16xf32>
      %select_n3A_3262 = arith.select %gt3A, %get3A_3251, %scan3A_3240 : vector<16xi1>, vector<16xf32>
      %select_n3A_3263 = arith.select %gt3A, %get3A_3261, %scan3A_3241 : vector<16xi1>, vector<16xi32>
      scf.yield %select_n3A_3262, %select_n3A_3263 : vector<16xf32>, vector<16xi32>
    }
    %scan3A_3142 = arith.constant 15 : i32
    %swap3A_3143 = arith.constant 0 : index
    %swap3A_3144 = tpu.vector_load %arg16[%swap3A_3143] {strides = array<i32>} : memref<64xf32, #tpu.memory_space<vmem>>, vector<16xf32>,
    %swap3A_3145 = vector.shape_cast %swap3A_3144 : vector<16xf32> to vector<16xf32>
    %swap3A_3146 = vector.shape_cast %scan3A_3141#0 : vector<16xf32> to vector<16xf32>
    tpu.vector_store %arg16[%swap3A_3143], %swap3A_3146 {strides = array<i32>} : memref<64xf32, #tpu.memory_space<vmem>>, vector<16xf32>,
    %swap3A_3147 = arith.constant 0 : index
    %swap3A_3148 = tpu.vector_load %arg17[%swap3A_3147] {strides = array<i32>} : memref<64xi32, #tpu.memory_space<vmem>>, vector<16xi32>,
    %swap3A_3149 = vector.shape_cast %swap3A_3148 : vector<16xi32> to vector<16xi32>
    %swap3A_3150 = vector.shape_cast %scan3A_3141#1 : vector<16xi32> to vector<16xi32>
    tpu.vector_store %arg17[%swap3A_3147], %swap3A_3150 {strides = array<i32>} : memref<64xi32, #tpu.memory_space<vmem>>, vector<16xi32>,
    %mul3A_3151 = arith.constant 64 : i32
    %mul3A_3152 = arith.muli %arg1, %mul3A_3151 : i32
    %add3A_3153 = arith.constant 16 : i32
    %add3A_3154 = arith.addi %mul3A_3152, %add3A_3153 : i32
    %get3A_3155 = arith.index_cast %add3A_3154 : i32 to index
    %get3A_3156 = tpu.vector_load %arg14[%get3A_3155] {strides = array<i32>} : memref<16384xf32, #tpu.memory_space<vmem>>, vector<16xf32>,
    %get3A_3157 = vector.shape_cast %get3A_3156 : vector<16xf32> to vector<16xf32>
    %mul3A_3158 = arith.constant 64 : i32
    %mul3A_3159 = arith.muli %arg1, %mul3A_3158 : i32
    %add3A_3160 = arith.constant 16 : i32
    %add3A_3161 = arith.addi %mul3A_3159, %add3A_3160 : i32
    %get3A_3162 = arith.index_cast %add3A_3161 : i32 to index
    %get3A_3163 = tpu.vector_load %arg15[%get3A_3162] {strides = array<i32>} : memref<16384xi32, #tpu.memory_space<vmem>>, vector<16xi32>,
    %get3A_3164 = vector.shape_cast %get3A_3163 : vector<16xi32> to vector<16xi32>
    %scan3A_3165 = arith.constant 1 : i32
    %scan3A_3166 = arith.constant 15 : i32
    %scan3A_3167 = arith.addi %scan3A_3165, %scan3A_3166 : i32
    %scan3A_3168 = arith.constant 1 : i32
    %scan3A_3169:2 = scf.for %scan3A_3239 = %scan3A_3165 to %scan3A_3167 step %scan3A_3168 iter_args(%scan3A_3240 = %get3A_3157, %scan3A_3241 = %get3A_3164) -> (vector<16xf32>, vector<16xi32>)  : i32 {
      %mul3A_3242 = arith.constant 1024 : i32
      %mul3A_3243 = arith.muli %scan3A_3239, %mul3A_3242 : i32
      %mul3A_3244 = arith.constant 64 : i32
      %mul3A_3245 = arith.muli %arg1, %mul3A_3244 : i32
      %add3A_3246 = arith.addi %mul3A_3243, %mul3A_3245 : i32
      %add3A_3247 = arith.constant 16 : i32
      %add3A_3248 = arith.addi %add3A_3246, %add3A_3247 : i32
      %get3A_3249 = arith.index_cast %add3A_3248 : i32 to index
      %get3A_3250 = tpu.vector_load %arg14[%get3A_3249] {strides = array<i32>} : memref<16384xf32, #tpu.memory_space<vmem>>, vector<16xf32>,
      %get3A_3251 = vector.shape_cast %get3A_3250 : vector<16xf32> to vector<16xf32>
      %mul3A_3252 = arith.constant 1024 : i32
      %mul3A_3253 = arith.muli %scan3A_3239, %mul3A_3252 : i32
      %mul3A_3254 = arith.constant 64 : i32
      %mul3A_3255 = arith.muli %arg1, %mul3A_3254 : i32
      %add3A_3256 = arith.addi %mul3A_3253, %mul3A_3255 : i32
      %add3A_3257 = arith.constant 16 : i32
      %add3A_3258 = arith.addi %add3A_3256, %add3A_3257 : i32
      %get3A_3259 = arith.index_cast %add3A_3258 : i32 to index
      %get3A_3260 = tpu.vector_load %arg15[%get3A_3259] {strides = array<i32>} : memref<16384xi32, #tpu.memory_space<vmem>>, vector<16xi32>,
      %get3A_3261 = vector.shape_cast %get3A_3260 : vector<16xi32> to vector<16xi32>
      %gt3A = arith.cmpf ogt, %get3A_3251, %scan3A_3240 : vector<16xf32>
      %select_n3A_3262 = arith.select %gt3A, %get3A_3251, %scan3A_3240 : vector<16xi1>, vector<16xf32>
      %select_n3A_3263 = arith.select %gt3A, %get3A_3261, %scan3A_3241 : vector<16xi1>, vector<16xi32>
      scf.yield %select_n3A_3262, %select_n3A_3263 : vector<16xf32>, vector<16xi32>
    }
    %scan3A_3170 = arith.constant 15 : i32
    %swap3A_3171 = arith.constant 16 : index
    %swap3A_3172 = tpu.vector_load %arg16[%swap3A_3171] {strides = array<i32>} : memref<64xf32, #tpu.memory_space<vmem>>, vector<16xf32>,
    %swap3A_3173 = vector.shape_cast %swap3A_3172 : vector<16xf32> to vector<16xf32>
    %swap3A_3174 = vector.shape_cast %scan3A_3169#0 : vector<16xf32> to vector<16xf32>
    tpu.vector_store %arg16[%swap3A_3171], %swap3A_3174 {strides = array<i32>} : memref<64xf32, #tpu.memory_space<vmem>>, vector<16xf32>,
    %swap3A_3175 = arith.constant 16 : index
    %swap3A_3176 = tpu.vector_load %arg17[%swap3A_3175] {strides = array<i32>} : memref<64xi32, #tpu.memory_space<vmem>>, vector<16xi32>,
    %swap3A_3177 = vector.shape_cast %swap3A_3176 : vector<16xi32> to vector<16xi32>
    %swap3A_3178 = vector.shape_cast %scan3A_3169#1 : vector<16xi32> to vector<16xi32>
    tpu.vector_store %arg17[%swap3A_3175], %swap3A_3178 {strides = array<i32>} : memref<64xi32, #tpu.memory_space<vmem>>, vector<16xi32>,
    %mul3A_3179 = arith.constant 64 : i32
    %mul3A_3180 = arith.muli %arg1, %mul3A_3179 : i32
    %add3A_3181 = arith.constant 32 : i32
    %add3A_3182 = arith.addi %mul3A_3180, %add3A_3181 : i32
    %get3A_3183 = arith.index_cast %add3A_3182 : i32 to index
    %get3A_3184 = tpu.vector_load %arg14[%get3A_3183] {strides = array<i32>} : memref<16384xf32, #tpu.memory_space<vmem>>, vector<16xf32>,
    %get3A_3185 = vector.shape_cast %get3A_3184 : vector<16xf32> to vector<16xf32>
    %mul3A_3186 = arith.constant 64 : i32
    %mul3A_3187 = arith.muli %arg1, %mul3A_3186 : i32
    %add3A_3188 = arith.constant 32 : i32
    %add3A_3189 = arith.addi %mul3A_3187, %add3A_3188 : i32
    %get3A_3190 = arith.index_cast %add3A_3189 : i32 to index
    %get3A_3191 = tpu.vector_load %arg15[%get3A_3190] {strides = array<i32>} : memref<16384xi32, #tpu.memory_space<vmem>>, vector<16xi32>,
    %get3A_3192 = vector.shape_cast %get3A_3191 : vector<16xi32> to vector<16xi32>
    %scan3A_3193 = arith.constant 1 : i32
    %scan3A_3194 = arith.constant 15 : i32
    %scan3A_3195 = arith.addi %scan3A_3193, %scan3A_3194 : i32
    %scan3A_3196 = arith.constant 1 : i32
    %scan3A_3197:2 = scf.for %scan3A_3239 = %scan3A_3193 to %scan3A_3195 step %scan3A_3196 iter_args(%scan3A_3240 = %get3A_3185, %scan3A_3241 = %get3A_3192) -> (vector<16xf32>, vector<16xi32>)  : i32 {
      %mul3A_3242 = arith.constant 1024 : i32
      %mul3A_3243 = arith.muli %scan3A_3239, %mul3A_3242 : i32
      %mul3A_3244 = arith.constant 64 : i32
      %mul3A_3245 = arith.muli %arg1, %mul3A_3244 : i32
      %add3A_3246 = arith.addi %mul3A_3243, %mul3A_3245 : i32
      %add3A_3247 = arith.constant 32 : i32
      %add3A_3248 = arith.addi %add3A_3246, %add3A_3247 : i32
      %get3A_3249 = arith.index_cast %add3A_3248 : i32 to index
      %get3A_3250 = tpu.vector_load %arg14[%get3A_3249] {strides = array<i32>} : memref<16384xf32, #tpu.memory_space<vmem>>, vector<16xf32>,
      %get3A_3251 = vector.shape_cast %get3A_3250 : vector<16xf32> to vector<16xf32>
      %mul3A_3252 = arith.constant 1024 : i32
      %mul3A_3253 = arith.muli %scan3A_3239, %mul3A_3252 : i32
      %mul3A_3254 = arith.constant 64 : i32
      %mul3A_3255 = arith.muli %arg1, %mul3A_3254 : i32
      %add3A_3256 = arith.addi %mul3A_3253, %mul3A_3255 : i32
      %add3A_3257 = arith.constant 32 : i32
      %add3A_3258 = arith.addi %add3A_3256, %add3A_3257 : i32
      %get3A_3259 = arith.index_cast %add3A_3258 : i32 to index
      %get3A_3260 = tpu.vector_load %arg15[%get3A_3259] {strides = array<i32>} : memref<16384xi32, #tpu.memory_space<vmem>>, vector<16xi32>,
      %get3A_3261 = vector.shape_cast %get3A_3260 : vector<16xi32> to vector<16xi32>
      %gt3A = arith.cmpf ogt, %get3A_3251, %scan3A_3240 : vector<16xf32>
      %select_n3A_3262 = arith.select %gt3A, %get3A_3251, %scan3A_3240 : vector<16xi1>, vector<16xf32>
      %select_n3A_3263 = arith.select %gt3A, %get3A_3261, %scan3A_3241 : vector<16xi1>, vector<16xi32>
      scf.yield %select_n3A_3262, %select_n3A_3263 : vector<16xf32>, vector<16xi32>
    }
    %scan3A_3198 = arith.constant 15 : i32
    %swap3A_3199 = arith.constant 32 : index
    %swap3A_3200 = tpu.vector_load %arg16[%swap3A_3199] {strides = array<i32>} : memref<64xf32, #tpu.memory_space<vmem>>, vector<16xf32>,
    %swap3A_3201 = vector.shape_cast %swap3A_3200 : vector<16xf32> to vector<16xf32>
    %swap3A_3202 = vector.shape_cast %scan3A_3197#0 : vector<16xf32> to vector<16xf32>
    tpu.vector_store %arg16[%swap3A_3199], %swap3A_3202 {strides = array<i32>} : memref<64xf32, #tpu.memory_space<vmem>>, vector<16xf32>,
    %swap3A_3203 = arith.constant 32 : index
    %swap3A_3204 = tpu.vector_load %arg17[%swap3A_3203] {strides = array<i32>} : memref<64xi32, #tpu.memory_space<vmem>>, vector<16xi32>,
    %swap3A_3205 = vector.shape_cast %swap3A_3204 : vector<16xi32> to vector<16xi32>
    %swap3A_3206 = vector.shape_cast %scan3A_3197#1 : vector<16xi32> to vector<16xi32>
    tpu.vector_store %arg17[%swap3A_3203], %swap3A_3206 {strides = array<i32>} : memref<64xi32, #tpu.memory_space<vmem>>, vector<16xi32>,
    %mul3A_3207 = arith.constant 64 : i32
    %mul3A_3208 = arith.muli %arg1, %mul3A_3207 : i32
    %add3A_3209 = arith.constant 48 : i32
    %add3A_3210 = arith.addi %mul3A_3208, %add3A_3209 : i32
    %get3A_3211 = arith.index_cast %add3A_3210 : i32 to index
    %get3A_3212 = tpu.vector_load %arg14[%get3A_3211] {strides = array<i32>} : memref<16384xf32, #tpu.memory_space<vmem>>, vector<16xf32>,
    %get3A_3213 = vector.shape_cast %get3A_3212 : vector<16xf32> to vector<16xf32>
    %mul3A_3214 = arith.constant 64 : i32
    %mul3A_3215 = arith.muli %arg1, %mul3A_3214 : i32
    %add3A_3216 = arith.constant 48 : i32
    %add3A_3217 = arith.addi %mul3A_3215, %add3A_3216 : i32
    %get3A_3218 = arith.index_cast %add3A_3217 : i32 to index
    %get3A_3219 = tpu.vector_load %arg15[%get3A_3218] {strides = array<i32>} : memref<16384xi32, #tpu.memory_space<vmem>>, vector<16xi32>,
    %get3A_3220 = vector.shape_cast %get3A_3219 : vector<16xi32> to vector<16xi32>
    %scan3A_3221 = arith.constant 1 : i32
    %scan3A_3222 = arith.constant 15 : i32
    %scan3A_3223 = arith.addi %scan3A_3221, %scan3A_3222 : i32
    %scan3A_3224 = arith.constant 1 : i32
    %scan3A_3225:2 = scf.for %scan3A_3239 = %scan3A_3221 to %scan3A_3223 step %scan3A_3224 iter_args(%scan3A_3240 = %get3A_3213, %scan3A_3241 = %get3A_3220) -> (vector<16xf32>, vector<16xi32>)  : i32 {
      %mul3A_3242 = arith.constant 1024 : i32
      %mul3A_3243 = arith.muli %scan3A_3239, %mul3A_3242 : i32
      %mul3A_3244 = arith.constant 64 : i32
      %mul3A_3245 = arith.muli %arg1, %mul3A_3244 : i32
      %add3A_3246 = arith.addi %mul3A_3243, %mul3A_3245 : i32
      %add3A_3247 = arith.constant 48 : i32
      %add3A_3248 = arith.addi %add3A_3246, %add3A_3247 : i32
      %get3A_3249 = arith.index_cast %add3A_3248 : i32 to index
      %get3A_3250 = tpu.vector_load %arg14[%get3A_3249] {strides = array<i32>} : memref<16384xf32, #tpu.memory_space<vmem>>, vector<16xf32>,
      %get3A_3251 = vector.shape_cast %get3A_3250 : vector<16xf32> to vector<16xf32>
      %mul3A_3252 = arith.constant 1024 : i32
      %mul3A_3253 = arith.muli %scan3A_3239, %mul3A_3252 : i32
      %mul3A_3254 = arith.constant 64 : i32
      %mul3A_3255 = arith.muli %arg1, %mul3A_3254 : i32
      %add3A_3256 = arith.addi %mul3A_3253, %mul3A_3255 : i32
      %add3A_3257 = arith.constant 48 : i32
      %add3A_3258 = arith.addi %add3A_3256, %add3A_3257 : i32
      %get3A_3259 = arith.index_cast %add3A_3258 : i32 to index
      %get3A_3260 = tpu.vector_load %arg15[%get3A_3259] {strides = array<i32>} : memref<16384xi32, #tpu.memory_space<vmem>>, vector<16xi32>,
      %get3A_3261 = vector.shape_cast %get3A_3260 : vector<16xi32> to vector<16xi32>
      %gt3A = arith.cmpf ogt, %get3A_3251, %scan3A_3240 : vector<16xf32>
      %select_n3A_3262 = arith.select %gt3A, %get3A_3251, %scan3A_3240 : vector<16xi1>, vector<16xf32>
      %select_n3A_3263 = arith.select %gt3A, %get3A_3261, %scan3A_3241 : vector<16xi1>, vector<16xi32>
      scf.yield %select_n3A_3262, %select_n3A_3263 : vector<16xf32>, vector<16xi32>
    }
    %scan3A_3226 = arith.constant 15 : i32
    %swap3A_3227 = arith.constant 48 : index
    %swap3A_3228 = tpu.vector_load %arg16[%swap3A_3227] {strides = array<i32>} : memref<64xf32, #tpu.memory_space<vmem>>, vector<16xf32>,
    %swap3A_3229 = vector.shape_cast %swap3A_3228 : vector<16xf32> to vector<16xf32>
    %swap3A_3230 = vector.shape_cast %scan3A_3225#0 : vector<16xf32> to vector<16xf32>
    tpu.vector_store %arg16[%swap3A_3227], %swap3A_3230 {strides = array<i32>} : memref<64xf32, #tpu.memory_space<vmem>>, vector<16xf32>,
    %swap3A_3231 = arith.constant 48 : index
    %swap3A_3232 = tpu.vector_load %arg17[%swap3A_3231] {strides = array<i32>} : memref<64xi32, #tpu.memory_space<vmem>>, vector<16xi32>,
    %swap3A_3233 = vector.shape_cast %swap3A_3232 : vector<16xi32> to vector<16xi32>
    %swap3A_3234 = vector.shape_cast %scan3A_3225#1 : vector<16xi32> to vector<16xi32>
    tpu.vector_store %arg17[%swap3A_3231], %swap3A_3234 {strides = array<i32>} : memref<64xi32, #tpu.memory_space<vmem>>, vector<16xi32>,
    %mul3A_3235 = arith.constant 64 : i32
    %mul3A_3236 = arith.muli %arg1, %mul3A_3235 : i32
    "tpu.region"() ({
      %run_scoped3A_3239 = tpu.sem_alloc : memref<!tpu.dma_semaphore, #tpu.memory_space<semaphore_mem>>
      %dma_start3A = tpu.memref_slice %arg4[%arg0, %mul3A_3236] : memref<2x1024xf32, #tpu.memory_space<hbm>> -> memref<1x64xf32, #tpu.memory_space<hbm>>
      %dma_start3A_3240 = tpu.memref_squeeze %dma_start3A : memref<1x64xf32, #tpu.memory_space<hbm>> -> memref<64xf32, #tpu.memory_space<hbm>>
      %dma_start3A_3241 = tpu.memref_slice %arg4[%arg0, %mul3A_3236] : memref<2x1024xf32, #tpu.memory_space<hbm>> -> memref<1x64xf32, #tpu.memory_space<hbm>>
      %dma_start3A_3242 = tpu.memref_squeeze %dma_start3A_3241 : memref<1x64xf32, #tpu.memory_space<hbm>> -> memref<64xf32, #tpu.memory_space<hbm>>
      tpu.enqueue_dma source(%arg16 : memref<64xf32, #tpu.memory_space<vmem>>) target(%dma_start3A_3242 : memref<64xf32, #tpu.memory_space<hbm>>) target_semaphore(%run_scoped3A_3239 : memref<!tpu.dma_semaphore, #tpu.memory_space<semaphore_mem>>)
      %dma_wait3A = tpu.memref_slice %arg4[%arg0, %mul3A_3236] : memref<2x1024xf32, #tpu.memory_space<hbm>> -> memref<1x64xf32, #tpu.memory_space<hbm>>
      %dma_wait3A_3243 = tpu.memref_squeeze %dma_wait3A : memref<1x64xf32, #tpu.memory_space<hbm>> -> memref<64xf32, #tpu.memory_space<hbm>>
      %dma_wait3A_3244 = tpu.memref_slice %arg4[%arg0, %mul3A_3236] : memref<2x1024xf32, #tpu.memory_space<hbm>> -> memref<1x64xf32, #tpu.memory_space<hbm>>
      %dma_wait3A_3245 = tpu.memref_squeeze %dma_wait3A_3244 : memref<1x64xf32, #tpu.memory_space<hbm>> -> memref<64xf32, #tpu.memory_space<hbm>>
      tpu.wait_dma2 semaphore(%run_scoped3A_3239 : memref<!tpu.dma_semaphore, #tpu.memory_space<semaphore_mem>>) src(%arg16 : memref<64xf32, #tpu.memory_space<vmem>>) dst(%dma_wait3A_3245 : memref<64xf32, #tpu.memory_space<hbm>>)
      tpu.yield
    }) : () -> ()
    %mul3A_3237 = arith.constant 64 : i32
    %mul3A_3238 = arith.muli %arg1, %mul3A_3237 : i32
    "tpu.region"() ({
      %run_scoped3A_3239 = tpu.sem_alloc : memref<!tpu.dma_semaphore, #tpu.memory_space<semaphore_mem>>
      %dma_start3A = tpu.memref_slice %arg5[%arg0, %mul3A_3238] : memref<2x1024xi32, #tpu.memory_space<hbm>> -> memref<1x64xi32, #tpu.memory_space<hbm>>
      %dma_start3A_3240 = tpu.memref_squeeze %dma_start3A : memref<1x64xi32, #tpu.memory_space<hbm>> -> memref<64xi32, #tpu.memory_space<hbm>>
      %dma_start3A_3241 = tpu.memref_slice %arg5[%arg0, %mul3A_3238] : memref<2x1024xi32, #tpu.memory_space<hbm>> -> memref<1x64xi32, #tpu.memory_space<hbm>>
      %dma_start3A_3242 = tpu.memref_squeeze %dma_start3A_3241 : memref<1x64xi32, #tpu.memory_space<hbm>> -> memref<64xi32, #tpu.memory_space<hbm>>
      tpu.enqueue_dma source(%arg17 : memref<64xi32, #tpu.memory_space<vmem>>) target(%dma_start3A_3242 : memref<64xi32, #tpu.memory_space<hbm>>) target_semaphore(%run_scoped3A_3239 : memref<!tpu.dma_semaphore, #tpu.memory_space<semaphore_mem>>)
      %dma_wait3A = tpu.memref_slice %arg5[%arg0, %mul3A_3238] : memref<2x1024xi32, #tpu.memory_space<hbm>> -> memref<1x64xi32, #tpu.memory_space<hbm>>
      %dma_wait3A_3243 = tpu.memref_squeeze %dma_wait3A : memref<1x64xi32, #tpu.memory_space<hbm>> -> memref<64xi32, #tpu.memory_space<hbm>>
      %dma_wait3A_3244 = tpu.memref_slice %arg5[%arg0, %mul3A_3238] : memref<2x1024xi32, #tpu.memory_space<hbm>> -> memref<1x64xi32, #tpu.memory_space<hbm>>
      %dma_wait3A_3245 = tpu.memref_squeeze %dma_wait3A_3244 : memref<1x64xi32, #tpu.memory_space<hbm>> -> memref<64xi32, #tpu.memory_space<hbm>>
      tpu.wait_dma2 semaphore(%run_scoped3A_3239 : memref<!tpu.dma_semaphore, #tpu.memory_space<semaphore_mem>>) src(%arg17 : memref<64xi32, #tpu.memory_space<vmem>>) dst(%dma_wait3A_3245 : memref<64xi32, #tpu.memory_space<hbm>>)
      tpu.yield
    }) : () -> ()
    return
  }
}

module attributes {stable_mosaic.version = 14 : i64} {
  func.func @_argmax_body(%arg0: i32, %arg1: memref<2048x1000xf32, #tpu.memory_space<vmem>>, %arg2: memref<2048xi32, #tpu.memory_space<vmem>>) attributes {dimension_semantics = [#tpu.dimension_semantics<arbitrary>], iteration_bounds = array<i64: 8>, scalar_prefetch = 0 : i64, scratch_operands = 0 : i64, tpu.core_type = #tpu.core_type<tc>, window_params = [{transform_indices = @transform_0, window_bounds = array<i64: 2048, 1000>}, {transform_indices = @transform_1, window_bounds = array<i64: 2048>}]} {
    %get3A = arith.constant 0 : index
    %get3A_0 = arith.constant 0 : index
    %get3A_1 = vector.load %arg1[%get3A, %get3A_0] : memref<2048x1000xf32, #tpu.memory_space<vmem>>, vector<2048x1000xf32>
    %reduce_max3A = arith.constant dense<0xFF800000> : vector<2048xf32>
    %reduce_max3A_2 = vector.multi_reduction <maximumf>, %get3A_1, %reduce_max3A [1] : vector<2048x1000xf32> to vector<2048xf32>
    %broadcast_in_dim3A = vector.shape_cast %reduce_max3A_2 : vector<2048xf32> to vector<2048x1xf32>
    %iota3A = tpu.iota {dimensions = array<i32: 1>} : vector<2048x1000xi32>
    %eq3A = vector.broadcast %broadcast_in_dim3A : vector<2048x1xf32> to vector<2048x1000xf32>
    %eq3A_3 = arith.cmpf oeq, %get3A_1, %eq3A : vector<2048x1000xf32>
    %jit3A = arith.constant 1000 : i32
    %broadcast_in_dim3A_4 = vector.broadcast %jit3A : i32 to vector<2048x1000xi32>
    %select_n3A = arith.select %eq3A_3, %iota3A, %broadcast_in_dim3A_4 : vector<2048x1000xi1>, vector<2048x1000xi32>
    %reduce_min3A = arith.constant dense<2147483647> : vector<2048xi32>
    %reduce_min3A_5 = vector.multi_reduction <minsi>, %select_n3A, %reduce_min3A [1] : vector<2048x1000xi32> to vector<2048xi32>
    %swap3A = arith.constant 0 : index
    %swap3A_6 = vector.load %arg2[%swap3A] : memref<2048xi32, #tpu.memory_space<vmem>>, vector<2048xi32>
    tpu.vector_store %arg2[%swap3A], %reduce_min3A_5 {strides = array<i32>} : memref<2048xi32, #tpu.memory_space<vmem>>, vector<2048xi32>,
    return
  }
  func.func @transform_0(%arg0: i32) -> (i32, i32) {
    %c0_i32 = arith.constant 0 : i32
    %c0_i32_0 = arith.constant 0 : i32
    return %arg0, %c0_i32 : i32, i32
  }
  func.func @transform_1(%arg0: i32) -> i32 {
    %c0_i32 = arith.constant 0 : i32
    return %arg0 : i32
  }
}

module attributes {stable_mosaic.version = 14 : i64} {
  func.func @_post_body(%arg0: memref<2x1024xf32, #tpu.memory_space<vmem>>, %arg1: memref<2x1024xi32, #tpu.memory_space<vmem>>, %arg2: memref<1024x2xf32, #tpu.memory_space<vmem>>, %arg3: memref<1024x2xi32, #tpu.memory_space<vmem>>, %arg4: memref<190x2xi32, #tpu.memory_space<vmem>>) attributes {dimension_semantics = [], scalar_prefetch = 0 : i64, scratch_operands = 0 : i64, tpu.core_type = #tpu.core_type<tc>} {
    %get3A = arith.constant 0 : index
    %get3A_0 = arith.constant 0 : index
    %get3A_1 = vector.load %arg0[%get3A, %get3A_0] : memref<2x1024xf32, #tpu.memory_space<vmem>>, vector<2x1024xf32>
    %get3A_2 = arith.constant 0 : index
    %get3A_3 = arith.constant 0 : index
    %get3A_4 = vector.load %arg1[%get3A_2, %get3A_3] : memref<2x1024xi32, #tpu.memory_space<vmem>>, vector<2x1024xi32>
    %slice3A = vector.extract_strided_slice %get3A_1 {offsets = [0, 0], sizes = [1, 1024], strides = [1, 1]} : vector<2x1024xf32> to vector<1x1024xf32>
    %slice3A_5 = vector.extract_strided_slice %get3A_1 {offsets = [1, 0], sizes = [1, 1024], strides = [1, 1]} : vector<2x1024xf32> to vector<1x1024xf32>
    %slice3A_6 = vector.extract_strided_slice %get3A_4 {offsets = [0, 0], sizes = [1, 1024], strides = [1, 1]} : vector<2x1024xi32> to vector<1x1024xi32>
    %slice3A_7 = vector.extract_strided_slice %get3A_4 {offsets = [1, 0], sizes = [1, 1024], strides = [1, 1]} : vector<2x1024xi32> to vector<1x1024xi32>
    %gt3A = arith.cmpf ogt, %slice3A_5, %slice3A : vector<1x1024xf32>
    %select_n3A = arith.select %gt3A, %slice3A_5, %slice3A : vector<1x1024xi1>, vector<1x1024xf32>
    %select_n3A_8 = arith.select %gt3A, %slice3A_7, %slice3A_6 : vector<1x1024xi1>, vector<1x1024xi32>
    %get3A_9 = arith.constant 0 : index
    %get3A_10 = arith.constant 0 : index
    %get3A_11 = vector.load %arg2[%get3A_9, %get3A_10] : memref<1024x2xf32, #tpu.memory_space<vmem>>, vector<1024x2xf32>
    %get3A_12 = arith.constant 0 : index
    %get3A_13 = arith.constant 0 : index
    %get3A_14 = vector.load %arg3[%get3A_12, %get3A_13] : memref<1024x2xi32, #tpu.memory_space<vmem>>, vector<1024x2xi32>
    %slice3A_15 = vector.extract_strided_slice %get3A_11 {offsets = [0, 0], sizes = [1024, 1], strides = [1, 1]} : vector<1024x2xf32> to vector<1024x1xf32>
    %slice3A_16 = vector.extract_strided_slice %get3A_11 {offsets = [0, 1], sizes = [1024, 1], strides = [1, 1]} : vector<1024x2xf32> to vector<1024x1xf32>
    %slice3A_17 = vector.extract_strided_slice %get3A_14 {offsets = [0, 0], sizes = [1024, 1], strides = [1, 1]} : vector<1024x2xi32> to vector<1024x1xi32>
    %slice3A_18 = vector.extract_strided_slice %get3A_14 {offsets = [0, 1], sizes = [1024, 1], strides = [1, 1]} : vector<1024x2xi32> to vector<1024x1xi32>
    %gt3A_19 = arith.cmpf ogt, %slice3A_16, %slice3A_15 : vector<1024x1xf32>
    %select_n3A_20 = arith.select %gt3A_19, %slice3A_16, %slice3A_15 : vector<1024x1xi1>, vector<1024x1xf32>
    %select_n3A_21 = arith.select %gt3A_19, %slice3A_18, %slice3A_17 : vector<1024x1xi1>, vector<1024x1xi32>
    %iota3A = tpu.iota {dimensions = array<i32: 0>} : vector<1000x1024xi32>
    %iota3A_22 = tpu.iota {dimensions = array<i32: 1>} : vector<1000x1024xi32>
    %eq3A = vector.broadcast %select_n3A_8 : vector<1x1024xi32> to vector<1000x1024xi32>
    %eq3A_23 = arith.cmpi eq, %eq3A, %iota3A : vector<1000x1024xi32>
    %lt3A = arith.constant 1000 : i32
    %lt3A_24 = vector.broadcast %lt3A : i32 to vector<1000x1024xi32>
    %lt3A_25 = arith.cmpi slt, %iota3A_22, %lt3A_24 : vector<1000x1024xi32>
    %and3A = arith.andi %eq3A_23, %lt3A_25 : vector<1000x1024xi1>
    %convert_element_type3A = arith.extui %and3A : vector<1000x1024xi1> to vector<1000x1024xi32>
    %convert_element_type3A_26 = arith.sitofp %convert_element_type3A : vector<1000x1024xi32> to vector<1000x1024xf32>
    %reduce_sum3A = arith.constant dense<0.000000e+00> : vector<1000xf32>
    %reduce_sum3A_27 = vector.multi_reduction <add>, %convert_element_type3A_26, %reduce_sum3A [1] : vector<1000x1024xf32> to vector<1000xf32>
    %broadcast_in_dim3A = vector.shape_cast %reduce_sum3A_27 : vector<1000xf32> to vector<1000x1xf32>
    %mul3A = vector.broadcast %select_n3A : vector<1x1024xf32> to vector<1000x1024xf32>
    %mul3A_28 = arith.mulf %convert_element_type3A_26, %mul3A : vector<1000x1024xf32>
    %reduce_sum3A_29 = arith.constant dense<0.000000e+00> : vector<1000xf32>
    %reduce_sum3A_30 = vector.multi_reduction <add>, %mul3A_28, %reduce_sum3A_29 [1] : vector<1000x1024xf32> to vector<1000xf32>
    %broadcast_in_dim3A_31 = vector.shape_cast %reduce_sum3A_30 : vector<1000xf32> to vector<1000x1xf32>
    %iota3A_32 = tpu.iota {dimensions = array<i32: 1>} : vector<1024x1000xi32>
    %iota3A_33 = tpu.iota {dimensions = array<i32: 0>} : vector<1024x1000xi32>
    %eq3A_34 = vector.broadcast %select_n3A_21 : vector<1024x1xi32> to vector<1024x1000xi32>
    %eq3A_35 = arith.cmpi eq, %eq3A_34, %iota3A_32 : vector<1024x1000xi32>
    %lt3A_36 = arith.constant 1000 : i32
    %lt3A_37 = vector.broadcast %lt3A_36 : i32 to vector<1024x1000xi32>
    %lt3A_38 = arith.cmpi slt, %iota3A_33, %lt3A_37 : vector<1024x1000xi32>
    %and3A_39 = arith.andi %eq3A_35, %lt3A_38 : vector<1024x1000xi1>
    %convert_element_type3A_40 = arith.extui %and3A_39 : vector<1024x1000xi1> to vector<1024x1000xi32>
    %convert_element_type3A_41 = arith.sitofp %convert_element_type3A_40 : vector<1024x1000xi32> to vector<1024x1000xf32>
    %reduce_sum3A_42 = arith.constant dense<0.000000e+00> : vector<1000xf32>
    %reduce_sum3A_43 = vector.multi_reduction <add>, %convert_element_type3A_41, %reduce_sum3A_42 [0] : vector<1024x1000xf32> to vector<1000xf32>
    %broadcast_in_dim3A_44 = vector.shape_cast %reduce_sum3A_43 : vector<1000xf32> to vector<1x1000xf32>
    %mul3A_45 = vector.broadcast %select_n3A_20 : vector<1024x1xf32> to vector<1024x1000xf32>
    %mul3A_46 = arith.mulf %convert_element_type3A_41, %mul3A_45 : vector<1024x1000xf32>
    %reduce_sum3A_47 = arith.constant dense<0.000000e+00> : vector<1000xf32>
    %reduce_sum3A_48 = vector.multi_reduction <add>, %mul3A_46, %reduce_sum3A_47 [0] : vector<1024x1000xf32> to vector<1000xf32>
    %broadcast_in_dim3A_49 = vector.shape_cast %reduce_sum3A_48 : vector<1000xf32> to vector<1x1000xf32>
    %iota3A_50 = tpu.iota {dimensions = array<i32: 0>} : vector<1000x1xi32>
    %gt3A_51 = arith.constant 0.000000e+00 : f32
    %gt3A_52 = vector.broadcast %gt3A_51 : f32 to vector<1000x1xf32>
    %gt3A_53 = arith.cmpf ogt, %broadcast_in_dim3A, %gt3A_52 : vector<1000x1xf32>
    %jit3A = arith.constant -1.000000e+00 : f32
    %broadcast_in_dim3A_54 = vector.broadcast %jit3A : f32 to vector<1000x1xf32>
    %select_n3A_55 = arith.select %gt3A_53, %broadcast_in_dim3A_31, %broadcast_in_dim3A_54 : vector<1000x1xi1>, vector<1000x1xf32>
    %gt3A_56 = arith.constant 0.000000e+00 : f32
    %gt3A_57 = vector.broadcast %gt3A_56 : f32 to vector<1000x1xf32>
    %gt3A_58 = arith.cmpf ogt, %broadcast_in_dim3A, %gt3A_57 : vector<1000x1xf32>
    %jit3A_59 = arith.constant -1.000000e+00 : f32
    %broadcast_in_dim3A_60 = vector.broadcast %jit3A_59 : f32 to vector<1000x1xf32>
    %select_n3A_61 = arith.select %gt3A_58, %broadcast_in_dim3A, %broadcast_in_dim3A_60 : vector<1000x1xi1>, vector<1000x1xf32>
    %mul3A_62 = arith.constant 1.024000e+03 : f32
    %mul3A_63 = vector.broadcast %mul3A_62 : f32 to vector<1000x1xf32>
    %mul3A_64 = arith.mulf %select_n3A_61, %mul3A_63 : vector<1000x1xf32>
    %sub3A = arith.constant 1023 : i32
    %sub3A_65 = vector.broadcast %sub3A : i32 to vector<1000x1xi32>
    %sub3A_66 = arith.subi %sub3A_65, %iota3A_50 : vector<1000x1xi32>
    %convert_element_type3A_67 = arith.sitofp %sub3A_66 : vector<1000x1xi32> to vector<1000x1xf32>
    %add3A = arith.addf %mul3A_64, %convert_element_type3A_67 : vector<1000x1xf32>
    %iota3A_68 = tpu.iota {dimensions = array<i32: 1>} : vector<1x1000xi32>
    %gt3A_69 = arith.constant 0.000000e+00 : f32
    %gt3A_70 = vector.broadcast %gt3A_69 : f32 to vector<1x1000xf32>
    %gt3A_71 = arith.cmpf ogt, %broadcast_in_dim3A_44, %gt3A_70 : vector<1x1000xf32>
    %jit3A_72 = arith.constant -1.000000e+00 : f32
    %broadcast_in_dim3A_73 = vector.broadcast %jit3A_72 : f32 to vector<1x1000xf32>
    %select_n3A_74 = arith.select %gt3A_71, %broadcast_in_dim3A_49, %broadcast_in_dim3A_73 : vector<1x1000xi1>, vector<1x1000xf32>
    %gt3A_75 = arith.constant 0.000000e+00 : f32
    %gt3A_76 = vector.broadcast %gt3A_75 : f32 to vector<1x1000xf32>
    %gt3A_77 = arith.cmpf ogt, %broadcast_in_dim3A_44, %gt3A_76 : vector<1x1000xf32>
    %jit3A_78 = arith.constant -1.000000e+00 : f32
    %broadcast_in_dim3A_79 = vector.broadcast %jit3A_78 : f32 to vector<1x1000xf32>
    %select_n3A_80 = arith.select %gt3A_77, %broadcast_in_dim3A_44, %broadcast_in_dim3A_79 : vector<1x1000xi1>, vector<1x1000xf32>
    %mul3A_81 = arith.constant 1.024000e+03 : f32
    %mul3A_82 = vector.broadcast %mul3A_81 : f32 to vector<1x1000xf32>
    %mul3A_83 = arith.mulf %select_n3A_80, %mul3A_82 : vector<1x1000xf32>
    %sub3A_84 = arith.constant 1023 : i32
    %sub3A_85 = vector.broadcast %sub3A_84 : i32 to vector<1x1000xi32>
    %sub3A_86 = arith.subi %sub3A_85, %iota3A_68 : vector<1x1000xi32>
    %convert_element_type3A_87 = arith.sitofp %sub3A_86 : vector<1x1000xi32> to vector<1x1000xf32>
    %add3A_88 = arith.addf %mul3A_83, %convert_element_type3A_87 : vector<1x1000xf32>
    %gt3A_89 = vector.broadcast %select_n3A_55 : vector<1000x1xf32> to vector<1000x1000xf32>
    %gt3A_90 = vector.broadcast %select_n3A_74 : vector<1x1000xf32> to vector<1000x1000xf32>
    %gt3A_91 = arith.cmpf ogt, %gt3A_89, %gt3A_90 : vector<1000x1000xf32>
    %eq3A_92 = vector.broadcast %select_n3A_55 : vector<1000x1xf32> to vector<1000x1000xf32>
    %eq3A_93 = vector.broadcast %select_n3A_74 : vector<1x1000xf32> to vector<1000x1000xf32>
    %eq3A_94 = arith.cmpf oeq, %eq3A_92, %eq3A_93 : vector<1000x1000xf32>
    %gt3A_95 = vector.broadcast %add3A : vector<1000x1xf32> to vector<1000x1000xf32>
    %gt3A_96 = vector.broadcast %add3A_88 : vector<1x1000xf32> to vector<1000x1000xf32>
    %gt3A_97 = arith.cmpf ogt, %gt3A_95, %gt3A_96 : vector<1000x1000xf32>
    %and3A_98 = arith.andi %eq3A_94, %gt3A_97 : vector<1000x1000xi1>
    %or3A = arith.ori %gt3A_91, %and3A_98 : vector<1000x1000xi1>
    %convert_element_type3A_99 = arith.extui %or3A : vector<1000x1000xi1> to vector<1000x1000xi32>
    %convert_element_type3A_100 = arith.sitofp %convert_element_type3A_99 : vector<1000x1000xi32> to vector<1000x1000xf32>
    %reduce_sum3A_101 = arith.constant dense<0.000000e+00> : vector<1000xf32>
    %reduce_sum3A_102 = vector.multi_reduction <add>, %convert_element_type3A_100, %reduce_sum3A_101 [0] : vector<1000x1000xf32> to vector<1000xf32>
    %broadcast_in_dim3A_103 = vector.shape_cast %reduce_sum3A_102 : vector<1000xf32> to vector<1x1000xf32>
    %iota3A_104 = tpu.iota {dimensions = array<i32: 0>} : vector<20x1000xi32>
    %iota3A_105 = tpu.iota {dimensions = array<i32: 1>} : vector<20x1000xi32>
    %convert_element_type3A_106 = arith.sitofp %iota3A_104 : vector<20x1000xi32> to vector<20x1000xf32>
    %eq3A_107 = vector.broadcast %broadcast_in_dim3A_103 : vector<1x1000xf32> to vector<20x1000xf32>
    %eq3A_108 = arith.cmpf oeq, %convert_element_type3A_106, %eq3A_107 : vector<20x1000xf32>
    %convert_element_type3A_109 = arith.extui %eq3A_108 : vector<20x1000xi1> to vector<20x1000xi32>
    %convert_element_type3A_110 = arith.sitofp %convert_element_type3A_109 : vector<20x1000xi32> to vector<20x1000xf32>
    %convert_element_type3A_111 = arith.sitofp %iota3A_105 : vector<20x1000xi32> to vector<20x1000xf32>
    %mul3A_112 = arith.mulf %convert_element_type3A_110, %convert_element_type3A_111 : vector<20x1000xf32>
    %reduce_sum3A_113 = arith.constant dense<0.000000e+00> : vector<20xf32>
    %reduce_sum3A_114 = vector.multi_reduction <add>, %mul3A_112, %reduce_sum3A_113 [1] : vector<20x1000xf32> to vector<20xf32>
    %broadcast_in_dim3A_115 = vector.shape_cast %reduce_sum3A_114 : vector<20xf32> to vector<20x1xf32>
    %slice3A_116 = vector.extract_strided_slice %convert_element_type3A_110 {offsets = [0, 0], sizes = [20, 64], strides = [1, 1]} : vector<20x1000xf32> to vector<20x64xf32>
    %iota3A_117 = tpu.iota {dimensions = array<i32: 1>} : vector<20x20xi32>
    %iota3A_118 = tpu.iota {dimensions = array<i32: 0>} : vector<20x20xi32>
    %le3A = arith.cmpi sle, %iota3A_117, %iota3A_118 : vector<20x20xi32>
    %convert_element_type3A_119 = arith.extui %le3A : vector<20x20xi1> to vector<20x20xi32>
    %convert_element_type3A_120 = arith.sitofp %convert_element_type3A_119 : vector<20x20xi32> to vector<20x20xf32>
    %dot_general3A = arith.constant dense<0.000000e+00> : vector<20x64xf32>
    %dot_general3A_121 = tpu.matmul %convert_element_type3A_120, %slice3A_116, %dot_general3A {dimension_numbers = #tpu.dot_dimension_numbers<[1], [0], [0], [1], [0, 0, 1, 1], [], []>, transpose_lhs_hint = false} : vector<20x20xf32>, vector<20x64xf32>, vector<20x64xf32> -> vector<20x64xf32>
    %eq3A_122 = arith.constant 0.000000e+00 : f32
    %eq3A_123 = vector.broadcast %eq3A_122 : f32 to vector<20x64xf32>
    %eq3A_124 = arith.cmpf oeq, %dot_general3A_121, %eq3A_123 : vector<20x64xf32>
    %convert_element_type3A_125 = arith.extui %eq3A_124 : vector<20x64xi1> to vector<20x64xi32>
    %convert_element_type3A_126 = arith.sitofp %convert_element_type3A_125 : vector<20x64xi32> to vector<20x64xf32>
    %iota3A_127 = tpu.iota {dimensions = array<i32: 0>} : vector<64x64xi32>
    %iota3A_128 = tpu.iota {dimensions = array<i32: 1>} : vector<64x64xi32>
    %le3A_129 = arith.cmpi sle, %iota3A_127, %iota3A_128 : vector<64x64xi32>
    %convert_element_type3A_130 = arith.extui %le3A_129 : vector<64x64xi1> to vector<64x64xi32>
    %convert_element_type3A_131 = arith.sitofp %convert_element_type3A_130 : vector<64x64xi32> to vector<64x64xf32>
    %dot_general3A_132 = arith.constant dense<0.000000e+00> : vector<20x64xf32>
    %dot_general3A_133 = tpu.matmul %convert_element_type3A_126, %convert_element_type3A_131, %dot_general3A_132 {dimension_numbers = #tpu.dot_dimension_numbers<[1], [0], [0], [1], [0, 0, 1, 1], [], []>, transpose_lhs_hint = false} : vector<20x64xf32>, vector<64x64xf32>, vector<20x64xf32> -> vector<20x64xf32>
    %iota3A_134 = tpu.iota {dimensions = array<i32: 0>} : vector<190x20xi32>
    %iota3A_135 = tpu.iota {dimensions = array<i32: 1>} : vector<190x20xi32>
    %mul3A_136 = arith.constant 19 : i32
    %mul3A_137 = vector.broadcast %mul3A_136 : i32 to vector<190x20xi32>
    %mul3A_138 = arith.muli %mul3A_137, %iota3A_135 : vector<190x20xi32>
    %sub3A_139 = arith.constant 1 : i32
    %sub3A_140 = vector.broadcast %sub3A_139 : i32 to vector<190x20xi32>
    %sub3A_141 = arith.subi %iota3A_135, %sub3A_140 : vector<190x20xi32>
    %mul3A_142 = arith.muli %iota3A_135, %sub3A_141 : vector<190x20xi32>
    %jit3A_143 = arith.constant 2 : i32
    %div3A = vector.broadcast %jit3A_143 : i32 to vector<190x20xi32>
    %div3A_144 = arith.divsi %mul3A_142, %div3A : vector<190x20xi32>
    %sign3A = arith.constant 0 : i32
    %sign3A_145 = vector.broadcast %sign3A : i32 to vector<190x20xi32>
    %sign3A_146 = arith.cmpi sgt, %mul3A_142, %sign3A_145 : vector<190x20xi32>
    %sign3A_147 = arith.extui %sign3A_146 : vector<190x20xi1> to vector<190x20xi32>
    %sign3A_148 = arith.constant 0 : i32
    %sign3A_149 = vector.broadcast %sign3A_148 : i32 to vector<190x20xi32>
    %sign3A_150 = arith.cmpi slt, %mul3A_142, %sign3A_149 : vector<190x20xi32>
    %sign3A_151 = arith.extui %sign3A_150 : vector<190x20xi1> to vector<190x20xi32>
    %sign3A_152 = arith.subi %sign3A_147, %sign3A_151 : vector<190x20xi32>
    %sign3A_153 = arith.constant 0 : i32
    %sign3A_154 = arith.cmpi sgt, %jit3A_143, %sign3A_153 : i32
    %sign3A_155 = arith.extui %sign3A_154 : i1 to i32
    %sign3A_156 = arith.constant 0 : i32
    %sign3A_157 = arith.cmpi slt, %jit3A_143, %sign3A_156 : i32
    %sign3A_158 = arith.extui %sign3A_157 : i1 to i32
    %sign3A_159 = arith.subi %sign3A_155, %sign3A_158 : i32
    %ne3A = vector.broadcast %sign3A_159 : i32 to vector<190x20xi32>
    %ne3A_160 = arith.cmpi ne, %sign3A_152, %ne3A : vector<190x20xi32>
    %rem3A = vector.broadcast %jit3A_143 : i32 to vector<190x20xi32>
    %rem3A_161 = arith.remsi %mul3A_142, %rem3A : vector<190x20xi32>
    %ne3A_162 = arith.constant 0 : i32
    %ne3A_163 = vector.broadcast %ne3A_162 : i32 to vector<190x20xi32>
    %ne3A_164 = arith.cmpi ne, %rem3A_161, %ne3A_163 : vector<190x20xi32>
    %and3A_165 = arith.andi %ne3A_160, %ne3A_164 : vector<190x20xi1>
    %sub3A_166 = arith.constant 1 : i32
    %sub3A_167 = vector.broadcast %sub3A_166 : i32 to vector<190x20xi32>
    %sub3A_168 = arith.subi %div3A_144, %sub3A_167 : vector<190x20xi32>
    %select_n3A_169 = arith.select %and3A_165, %sub3A_168, %div3A_144 : vector<190x20xi1>, vector<190x20xi32>
    %sub3A_170 = arith.subi %mul3A_138, %select_n3A_169 : vector<190x20xi32>
    %ge3A = arith.cmpi sge, %iota3A_134, %sub3A_170 : vector<190x20xi32>
    %add3A_171 = arith.constant 19 : i32
    %add3A_172 = vector.broadcast %add3A_171 : i32 to vector<190x20xi32>
    %add3A_173 = arith.addi %sub3A_170, %add3A_172 : vector<190x20xi32>
    %sub3A_174 = arith.subi %add3A_173, %iota3A_135 : vector<190x20xi32>
    %lt3A_175 = arith.cmpi slt, %iota3A_134, %sub3A_174 : vector<190x20xi32>
    %and3A_176 = arith.andi %ge3A, %lt3A_175 : vector<190x20xi1>
    %convert_element_type3A_177 = arith.extui %and3A_176 : vector<190x20xi1> to vector<190x20xi32>
    %convert_element_type3A_178 = arith.sitofp %convert_element_type3A_177 : vector<190x20xi32> to vector<190x20xf32>
    %sub3A_179 = arith.subi %iota3A_134, %sub3A_170 : vector<190x20xi32>
    %convert_element_type3A_180 = arith.sitofp %sub3A_179 : vector<190x20xi32> to vector<190x20xf32>
    %mul3A_181 = arith.mulf %convert_element_type3A_178, %convert_element_type3A_180 : vector<190x20xf32>
    %reduce_sum3A_182 = arith.constant dense<0.000000e+00> : vector<190xf32>
    %reduce_sum3A_183 = vector.multi_reduction <add>, %mul3A_181, %reduce_sum3A_182 [1] : vector<190x20xf32> to vector<190xf32>
    %broadcast_in_dim3A_184 = vector.shape_cast %reduce_sum3A_183 : vector<190xf32> to vector<190x1xf32>
    %add3A_185 = arith.constant 1.000000e+00 : f32
    %add3A_186 = vector.broadcast %add3A_185 : f32 to vector<190x1xf32>
    %add3A_187 = arith.addf %broadcast_in_dim3A_184, %add3A_186 : vector<190x1xf32>
    %dot_general3A_188 = arith.constant dense<0.000000e+00> : vector<190x1xf32>
    %dot_general3A_189 = tpu.matmul %convert_element_type3A_178, %broadcast_in_dim3A_115, %dot_general3A_188 {dimension_numbers = #tpu.dot_dimension_numbers<[1], [0], [0], [1], [0, 0, 1, 1], [], []>, transpose_lhs_hint = false} : vector<190x20xf32>, vector<20x1xf32>, vector<190x1xf32> -> vector<190x1xf32>
    %dot_general3A_190 = arith.constant dense<0.000000e+00> : vector<190x64xf32>
    %dot_general3A_191 = tpu.matmul %convert_element_type3A_178, %convert_element_type3A_126, %dot_general3A_190 {dimension_numbers = #tpu.dot_dimension_numbers<[1], [0], [0], [1], [0, 0, 1, 1], [], []>, transpose_lhs_hint = false} : vector<190x20xf32>, vector<20x64xf32>, vector<190x64xf32> -> vector<190x64xf32>
    %dot_general3A_192 = arith.constant dense<0.000000e+00> : vector<190x64xf32>
    %dot_general3A_193 = tpu.matmul %convert_element_type3A_178, %dot_general3A_133, %dot_general3A_192 {dimension_numbers = #tpu.dot_dimension_numbers<[1], [0], [0], [1], [0, 0, 1, 1], [], []>, transpose_lhs_hint = false} : vector<190x20xf32>, vector<20x64xf32>, vector<190x64xf32> -> vector<190x64xf32>
    %iota3A_194 = tpu.iota {dimensions = array<i32: 1>} : vector<190x64xi32>
    %convert_element_type3A_195 = arith.sitofp %iota3A_194 : vector<190x64xi32> to vector<190x64xf32>
    %mul3A_196 = arith.mulf %convert_element_type3A_195, %dot_general3A_191 : vector<190x64xf32>
    %eq3A_197 = vector.broadcast %add3A_187 : vector<190x1xf32> to vector<190x64xf32>
    %eq3A_198 = arith.cmpf oeq, %dot_general3A_193, %eq3A_197 : vector<190x64xf32>
    %convert_element_type3A_199 = arith.extui %eq3A_198 : vector<190x64xi1> to vector<190x64xi32>
    %convert_element_type3A_200 = arith.sitofp %convert_element_type3A_199 : vector<190x64xi32> to vector<190x64xf32>
    %mul3A_201 = arith.mulf %mul3A_196, %convert_element_type3A_200 : vector<190x64xf32>
    %reduce_sum3A_202 = arith.constant dense<0.000000e+00> : vector<190xf32>
    %reduce_sum3A_203 = vector.multi_reduction <add>, %mul3A_201, %reduce_sum3A_202 [1] : vector<190x64xf32> to vector<190xf32>
    %broadcast_in_dim3A_204 = vector.shape_cast %reduce_sum3A_203 : vector<190xf32> to vector<190x1xf32>
    %concatenate3A = tpu.concatenate %dot_general3A_189, %broadcast_in_dim3A_204 in 1 : vector<190x1xf32>, vector<190x1xf32> -> vector<190x2xf32>
    %convert_element_type3A_205 = arith.fptosi %concatenate3A : vector<190x2xf32> to vector<190x2xi32>
    %swap3A = arith.constant 0 : index
    %swap3A_206 = arith.constant 0 : index
    %swap3A_207 = vector.load %arg4[%swap3A, %swap3A_206] : memref<190x2xi32, #tpu.memory_space<vmem>>, vector<190x2xi32>
    tpu.vector_store %arg4[%swap3A, %swap3A_206], %convert_element_type3A_205 {strides = array<i32>} : memref<190x2xi32, #tpu.memory_space<vmem>>, vector<190x2xi32>,
    return
  }
}

</mosaic_0001>

<sc_bundles>
// kernel: kernel.5.cloned.1.call-start
scs
__scs_entry_jumppad:
0x0: {  	(pc) =	sbr.rel $0x88, $3  }
0x1: {  	(tag) =	ssettag $0x0;
	lr =	simm.s32 $0x1  }
0x2: {  	[smem:$0x3F9F] =	sst lr;
	_ =	strace $0xD0000000  }
0x3: {  	_ = 	snop  }
0x4: {  	_ = 	snop  }
0x5: {  	_ = 	snop  }
0x6: {  	_ = 	snop  }
0x7: {  	_ = 	snop  }
__scs_overlays_trampoline_lowered:
0x8: {  	[smem:$0x3FAE] =	sst s0  }
0x9: {  	[smem:$0x3FAF] =	sst s1  }
0xa: {  	[smem:$0x3FB0] =	sst s2  }
0xb: {  	[smem:$0x3FB1] =	sst s3  }
0xc: {  	[smem:$0x3FB2] =	sst s4  }
0xd: {  	[smem:$0x3FB3] =	sst s5  }
0xe: {  	[smem:$0x3FB4] =	sst s6  }
0xf: {  	[smem:$0x3FB5] =	sst s7  }
0x10: {  	[smem:$0x3FB6] =	sst s8  }
0x11: {  	[smem:$0x3FB7] =	sst s9;
	s0 =	simm.s32 @!p0 $0x0  }
0x12: {  	s1 =	sld [smem:$0x3F9D];
	s0 =	simm.s32 @p0 $0x1  }
0x13: {  	[smem:$0x3FB8] =	sst s0;
	s0 =	simm.s32 @!p1 $0x0  }
0x14: {  	s2 =	sld [smem:$0x3F9C];
	s0 =	simm.s32 @p1 $0x1  }
0x15: {  	[smem:$0x3FB9] =	sst s0;
	s0 =	simm.s32 @!p2 $0x0  }
0x16: {  	s3 =	sld [smem:$0x3FDB];
	s0 =	simm.s32 @p2 $0x1  }
0x17: {  	s4 =	simm.s32 $0x1BF5;
	[smem:$0x3FBB] =	sst s0  }
0x18: {  	s0 =	sld [smem:$0x3F9E];
	_ =	swait.ge [sflag:s4], $0x0  }
0x19: {  	s7 =	sld [smem:$0x3F9F]  }
0x1a: {  	s8 =	sadd.s32 $0xFFFFE003, lr  }
0x1b: {  	s9 =	sadd.s32 $0xFFFFFEF7, lr;
	s5 =	simm.s32 $0xFFFFFFFF;
	p2 =	slt.u32 s8, $0xFFFFF086  }
0x1c: {  	p1 =	slt.u32 s9, $0xF7A;
	s5 =	simm.s32 @!p2 $0x0  }
0x1d: {  	s5 =	simm.s32 @p1 $0x1;
	p0 =	seq.s32 s7, s2  }
0x1e: {  	s7 =	smul.u32 @!p0 $0xF7A, s2;
	p2 =	seq.s32 @!p0 s5, $0x0  }
0x1f: {  	s9 =	smul.u32 $0xF7A, s1;
	s8 =	simm.s32 @!p0 $0x1BF5;
	p2 =	por !p2, p0  }
0x20: {  	[sflag:s8] =	ssyncset.s32 @!p0 $0xFFFFF086;
	s6 =	sadd.s32 @!p0 s3, s7;
	s7 =	simm.s32 @!p0 $0x108  }
0x21: {  	s3 =	sadd.s32 s3, s9;
	s6 =	sadd.s32 @!p0 $0x88, s6;
	s7 =	simm.s32 @p2 $0x1082  }
0x22: {  	[simem:s7], [sflag:s8] =	dma.local @!p0 [hbm:s6], $0xF7A  }
0x23: {  	s9 =	sor.u32 $0xD0000000, s2;
	s6 =	simm.s32 $0x108;
	_ =	swait.ge @!p0 [sflag:s8], $0x0  }
0x24: {  	s3 =	sadd.s32 $0x88, s3;
	s6 =	simm.s32 @!p1 $0x1082;
	[sflag:s4] =	ssyncset.s32 $0xFFFFF086  }
0x25: {  	[simem:s6], [sflag:s4] =	dma.local [hbm:s3], $0xF7A  }
0x26: {  	[smem:$0x3F9F] =	sst s1;
	(tag) =	ssettag s2;
	_ =	strace s9  }
0x27: {  	s1 =	sld [smem:$0x3FAF]  }
0x28: {  	s2 =	sld [smem:$0x3FB0]  }
0x29: {  	s4 =	sld [smem:$0x3FB2]  }
0x2a: {  	p0 =	seq.s32 s5, $0x0;
	s5 =	sld [smem:$0x3FB3]  }
0x2b: {  	s6 =	sld [smem:$0x3FB4]  }
0x2c: {  	s7 =	sld [smem:$0x3FB5]  }
0x2d: {  	s3 =	simm.s32 $0x108;
	s8 =	sld [smem:$0x3FB6]  }
0x2e: {  	s3 =	simm.s32 @!p0 $0x1082;
	s9 =	sld [smem:$0x3FB7]  }
0x2f: {  	lr =	sadd.s32 s0, s3;
	s0 =	sld [smem:$0x3FAE]  }
0x30: {  	s3 =	sld [smem:$0x3FB1]  }
0x31: {  	[smem:$0x3FBA] =	sst s10  }
0x32: {  	s10 =	sld [smem:$0x3FB8];
	_ =	sdelay $0x3  }
0x33: {  	p0 =	seq.s32 s10, $0x1;
	s10 =	sld [smem:$0x3FBA];
	_ =	sdelay $0x3  }
0x34: {  	[smem:$0x3FBA] =	sst s10  }
0x35: {  	s10 =	sld [smem:$0x3FB9];
	_ =	sdelay $0x3  }
0x36: {  	p1 =	seq.s32 s10, $0x1;
	s10 =	sld [smem:$0x3FBA];
	_ =	sdelay $0x3  }
0x37: {  	[smem:$0x3FBA] =	sst s10  }
0x38: {  	s10 =	sld [smem:$0x3FBB]  }
0x39: {  	_ = 	snop;
	(pc) =	sbr.ind lr, $3  }
0x3a: {  	_ = 	snop  }
0x3b: {  	_ = 	snop  }
0x3c: {  	p2 =	seq.s32 s10, $0x1;
	s10 =	sld [smem:$0x3FBA]  }
0x3d: {  	_ =	shalt  }
0x3e: {  	_ =	shalt  }
0x3f: {  	_ =	shalt  }
0x40: {  	_ =	shalt  }
0x41: {  	_ =	shalt  }
0x42: {  	_ =	shalt  }
0x43: {  	_ =	shalt  }
0x44: {  	_ =	shalt  }
0x45: {  	_ =	shalt  }
0x46: {  	_ =	shalt  }
0x47: {  	_ =	shalt  }
0x48: {  	_ =	shalt  }
0x49: {  	_ =	shalt  }
0x4a: {  	_ =	shalt  }
0x4b: {  	_ =	shalt  }
0x4c: {  	_ =	shalt  }
0x4d: {  	_ =	shalt  }
0x4e: {  	_ =	shalt  }
0x4f: {  	_ =	shalt  }
0x50: {  	_ =	shalt  }
0x51: {  	_ =	shalt  }
0x52: {  	_ =	shalt  }
0x53: {  	_ =	shalt  }
0x54: {  	_ =	shalt  }
0x55: {  	_ =	shalt  }
0x56: {  	_ =	shalt  }
0x57: {  	_ =	shalt  }
0x58: {  	_ =	shalt  }
0x59: {  	_ =	shalt  }
0x5a: {  	_ =	shalt  }
0x5b: {  	_ =	shalt  }
0x5c: {  	_ =	shalt  }
0x5d: {  	_ =	shalt  }
0x5e: {  	_ =	shalt  }
0x5f: {  	_ =	shalt  }
0x60: {  	_ =	shalt  }
0x61: {  	_ =	shalt  }
0x62: {  	_ =	shalt  }
0x63: {  	_ =	shalt  }
0x64: {  	_ =	shalt  }
0x65: {  	_ =	shalt  }
0x66: {  	_ =	shalt  }
0x67: {  	_ =	shalt  }
0x68: {  	_ =	shalt  }
0x69: {  	_ =	shalt  }
0x6a: {  	_ =	shalt  }
0x6b: {  	_ =	shalt  }
0x6c: {  	_ =	shalt  }
0x6d: {  	_ =	shalt  }
0x6e: {  	_ =	shalt  }
0x6f: {  	_ =	shalt  }
0x70: {  	_ =	shalt  }
0x71: {  	_ =	shalt  }
0x72: {  	_ =	shalt  }
0x73: {  	_ =	shalt  }
0x74: {  	_ =	shalt  }
0x75: {  	_ =	shalt  }
0x76: {  	_ =	shalt  }
0x77: {  	_ =	shalt  }
0x78: {  	_ =	shalt  }
0x79: {  	_ =	shalt  }
0x7a: {  	_ =	shalt  }
0x7b: {  	_ =	shalt  }
0x7c: {  	_ =	shalt  }
0x7d: {  	_ =	shalt  }
0x7e: {  	_ =	shalt  }
0x7f: {  	_ =	shalt  }
0x80: {  	_ =	shalt  }
0x81: {  	_ =	shalt  }
0x82: {  	_ =	shalt  }
0x83: {  	_ =	shalt  }
0x84: {  	_ =	shalt  }
0x85: {  	_ =	shalt  }
0x86: {  	_ =	shalt  }
0x87: {  	_ =	shalt  }
.Lfunc_end0:
.L_simem_size_0:
called_computation_lowered:
.L_overlay_start_0:
0x88: {  	s2 =	sld [smem:$0x3FD9]  }
0x89: {  	s3 =	sld [smem:$0x3FFE];
	_ =	sdelay $0x1  }
0x8a: {  	s1 =	srdreg.scid  }
0x8b: {  	s0 =	sand.u32 $0x1, s1  }
0x8c: {  	s17 =	sshll.u32 s0, $0xA;
	s2 =	sadd.s32 s3, s2  }
0x8d: {  	s2 =	sadd.s32 s2, s17  }
0x8e: {  	[smem:$0x3FC6] =	sst s2  }
0x8f: {  	_ = 	snop  }
0x90: {  	s2 =	sld [smem:$0x3FC9];
	(tm) =	ssettm $0x1  }
0x91: {  	s18 =	sld [smem:$0x3FFB];
	_ =	sdelay $0x3  }
0x92: {  	_ =	strace s18  }
0x93: {  	s3 =	sld [smem:$0x3FFC];
	_ =	sdelay $0x3  }
0x94: {  	_ =	strace s3  }
0x95: {  	s3 =	sld [smem:$0x3FFD];
	_ =	sdelay $0x3  }
0x96: {  	_ =	strace s3  }
0x97: {  	_ =	strace $0x8FFFFFFF  }
0x98: {  	s19 =	sld [smem:$0x3FDB];
	_ =	sdelay $0x1  }
0x99: {  	s4 =	simm.s32 $_scs_section_size  }
0x9a: {  	s5 =	simm.s32 $_size__tile_overlayer_lowered;
	s6 =	simm.s32 $_tile_overlayer_lowered  }
0x9b: {  	s22 =	simm.s32 $0x1BFF;
	s21 =	sshll.u32 s6, $0x1;
	s3 =	sadd.s32 s4, s19  }
0x9c: {  	s7 =	simm.s32 $0x0;
	s20 =	sshll.u32 s5, $0x1;
	s5 =	sadd.s32 s21, s3  }
0x9d: {  	[timem:s7], [sflag:s22] =	dma.local [hbm:s5], s20  }
0x9e: {  	_ =	swait.ge [sflag:s22], s20  }
0x9f: {  	s4 =	ssub.s32 $0x0, s20;
	[sflag:s22] =	ssyncset.done $0x0  }
0xa0: {  	[sflag:s22] =	ssyncadd.s32 s4;
	_ =	sdelay $0x1  }
0xa1: {  	s23 =	simm.s32 $0x1B8B  }
0xa2: {  	_ =	swait.ge [sflag:s23], $0x1  }
0xa3: {  	[sflag:s23] =	ssyncset.done $0x0  }
0xa4: {  	s25 =	simm.s32 $0x1B8E;
	s24 =	sld [smem:$0x3FFE];
	[sflag:s23] =	ssyncadd.s32 $0xFFFFFFFF  }
0xa5: {  	s26 =	simm.s32 $execute0_lowered;
	[smem:$0x3FD2] =	sst s25  }
0xa6: {  	s5 =	sshll.u32 s26, $0x1;
	_ =	strace $0x80000046;
	[dreg:$0x1] =	wrdreg $0xFFFFFFFF  }
0xa7: {  	s28 =	simm.s32 $_size_execute0_lowered;
	s3 =	sadd.s32 s3, s5;
	[dreg:$0x0] =	wrdreg $0x0  }
0xa8: {  	s5 =	sshll.u32 s28, $0x1;
	[dreg:$0x2] =	wrdreg s3  }
0xa9: {  	[dreg:$0x3] =	wrdreg s5  }
0xaa: {  	[dreg:$0x4] =	wrdreg $0xC0  }
0xab: {  	_ =	task [dreg:s7], $0x5FFFF  }
0xac: {  	[dreg:$0x1] =	wrdreg $0xFFFFFFFF  }
0xad: {  	[dreg:$0x0] =	wrdreg $0x60  }
0xae: {  	[dreg:$0x2] =	wrdreg s2  }
0xaf: {  	[dreg:$0x3] =	wrdreg s24  }
0xb0: {  	[dreg:$0x4] =	wrdreg $0x139000  }
0xb1: {  	[dreg:$0x5] =	wrdreg $0x1B9000  }
0xb2: {  	[dreg:$0x6] =	wrdreg $0x1BD000  }
0xb3: {  	[dreg:$0x7] =	wrdreg $0x9  }
0xb4: {  	_ =	task.clear_ibuf [dreg:s7], $0x8FFFF;
	_ =	strace $0x90000046  }
0xb5: {  	s29 =	simm.s32 $0x9;
	_ =	strace $0x80000048  }
0xb6: {  	_ =	swait.ge [sflag:s29], $0x1  }
0xb7: {  	[sflag:s29] =	ssyncadd.s32 $0xFFFFFFFF  }
0xb8: {  	_ =	strace $0x90000048  }
0xb9: {  	_ =	sfence  }
0xba: {  	s30 =	sld [smem:$0x0];
	_ =	sdelay $0x2  }
0xbb: {  	s31 =	sshll.u32 s1, $0xD;
	s1 =	sshrl.u32 s1, $0x2  }
0xbc: {  	s3 =	sand.u32 $0x4000, s31;
	s1 =	sadd.s32 s1, s30  }
0xbd: {  	s0 =	sor.u32 s3, s0;
	s1 =	sshll.u32 s1, $0x11  }
0xbe: {  	s0 =	sor.u32 s1, s0  }
0xbf: {  	s0 =	sadd.s32 $0x8F2B, s0  }
0xc0: {  	[sflag:s0] =	ssyncadd.remote.s32 $0x1  }
0xc1: {  	_ =	sfence.sel $0xFFFF  }
0xc2: {  	[dreg:$0x0] =	wrdreg $0xFFFFFFFF;
	(pc) =	sbr.abs _section_cstart, $3  }
0xc3: {  	[dreg:$0x1] =	wrdreg $0xFFFFFFFF  }
0xc4: {  	_ =	task.clear_ibuf [dreg:s7], $0x2FFFF;
	_ =	strace $0x9FFFFFFF  }
0xc5: {  	(tm) =	ssettm $0x7FFFFFFF  }
tec
execute0_lowered:
.L_overlay_start_1:
0x0: {  	(tag) =	ssettag $0x1  }
0x1: {  	s0 =	srdreg.scid;
	s10 =	stileid.u32  }
0x2: {  	v1 =	vlaneseq.u32;
	s2 =	sand.u32 $0x1, s0;
	s0 =	sshll.u32 s10, $0xA  }
0x3: {  	v2 =	vor.u32 s0, v1  }
0x4: {  	[tilespmem:$0x1FCD0] =	vst v2;
	v2 =	vor.u32 $0x10, v1  }
0x5: {  	v3 =	vor.u32 $0x20, v1;
	v2 =	vor.u32 s0, v2  }
0x6: {  	v4 =	vor.u32 $0x30, v1;
	[tilespmem:$0x1FCE0] =	vst v2;
	v2 =	vor.u32 s0, v3  }
0x7: {  	[tilespmem:$0x1FCF0] =	vst v2;
	v2 =	vor.u32 s0, v4  }
0x8: {  	[tilespmem:$0x1FD00] =	vst v2;
	v2 =	vor.u32 $0x40, v1  }
0x9: {  	v3 =	vor.u32 $0x50, v1;
	v2 =	vor.u32 s0, v2  }
0xa: {  	v4 =	vor.u32 $0x60, v1;
	[tilespmem:$0x1FD10] =	vst v2;
	v2 =	vor.u32 s0, v3  }
0xb: {  	[tilespmem:$0x1FD20] =	vst v2;
	v2 =	vor.u32 s0, v4  }
0xc: {  	[tilespmem:$0x1FD30] =	vst v2;
	v2 =	vor.u32 $0x70, v1  }
0xd: {  	v3 =	vor.u32 $0x80, v1;
	v2 =	vor.u32 s0, v2  }
0xe: {  	v4 =	vor.u32 $0x90, v1;
	[tilespmem:$0x1FD40] =	vst v2;
	v2 =	vor.u32 s0, v3  }
0xf: {  	[tilespmem:$0x1FD50] =	vst v2;
	v2 =	vor.u32 s0, v4  }
0x10: {  	[tilespmem:$0x1FD60] =	vst v2;
	v2 =	vor.u32 $0xA0, v1  }
0x11: {  	v3 =	vor.u32 $0xB0, v1;
	v2 =	vor.u32 s0, v2  }
0x12: {  	v4 =	vor.u32 $0xC0, v1;
	[tilespmem:$0x1FD70] =	vst v2;
	v2 =	vor.u32 s0, v3  }
0x13: {  	[tilespmem:$0x1FD80] =	vst v2;
	v2 =	vor.u32 s0, v4  }
0x14: {  	[tilespmem:$0x1FD90] =	vst v2;
	v2 =	vor.u32 $0xD0, v1  }
0x15: {  	v3 =	vor.u32 $0xE0, v1;
	v2 =	vor.u32 s0, v2  }
0x16: {  	v4 =	vor.u32 $0xF0, v1;
	[tilespmem:$0x1FDA0] =	vst v2;
	v2 =	vor.u32 s0, v3  }
0x17: {  	[tilespmem:$0x1FDB0] =	vst v2;
	v2 =	vor.u32 s0, v4  }
0x18: {  	[tilespmem:$0x1FDC0] =	vst v2;
	v2 =	vor.u32 $0x100, v1  }
0x19: {  	v3 =	vor.u32 $0x110, v1;
	v2 =	vor.u32 s0, v2  }
0x1a: {  	v4 =	vor.u32 $0x120, v1;
	[tilespmem:$0x1FDD0] =	vst v2;
	v2 =	vor.u32 s0, v3  }
0x1b: {  	[tilespmem:$0x1FDE0] =	vst v2;
	v2 =	vor.u32 s0, v4  }
0x1c: {  	[tilespmem:$0x1FDF0] =	vst v2;
	v2 =	vor.u32 $0x130, v1  }
0x1d: {  	v3 =	vor.u32 $0x140, v1;
	v2 =	vor.u32 s0, v2  }
0x1e: {  	v4 =	vor.u32 $0x150, v1;
	[tilespmem:$0x1FE00] =	vst v2;
	v2 =	vor.u32 s0, v3  }
0x1f: {  	[tilespmem:$0x1FE10] =	vst v2;
	v2 =	vor.u32 s0, v4  }
0x20: {  	[tilespmem:$0x1FE20] =	vst v2;
	v2 =	vor.u32 $0x160, v1  }
0x21: {  	v3 =	vor.u32 $0x170, v1;
	v2 =	vor.u32 s0, v2  }
0x22: {  	v4 =	vor.u32 $0x180, v1;
	[tilespmem:$0x1FE30] =	vst v2;
	v2 =	vor.u32 s0, v3  }
0x23: {  	[tilespmem:$0x1FE40] =	vst v2;
	v2 =	vor.u32 s0, v4  }
0x24: {  	[tilespmem:$0x1FE50] =	vst v2;
	v2 =	vor.u32 $0x190, v1  }
0x25: {  	v3 =	vor.u32 $0x1A0, v1;
	v2 =	vor.u32 s0, v2  }
0x26: {  	v4 =	vor.u32 $0x1B0, v1;
	[tilespmem:$0x1FE60] =	vst v2;
	v2 =	vor.u32 s0, v3  }
0x27: {  	[tilespmem:$0x1FE70] =	vst v2;
	v2 =	vor.u32 s0, v4  }
0x28: {  	[tilespmem:$0x1FE80] =	vst v2;
	v2 =	vor.u32 $0x1C0, v1  }
0x29: {  	v3 =	vor.u32 $0x1D0, v1;
	v2 =	vor.u32 s0, v2  }
0x2a: {  	v4 =	vor.u32 $0x1E0, v1;
	[tilespmem:$0x1FE90] =	vst v2;
	v2 =	vor.u32 s0, v3  }
0x2b: {  	[tilespmem:$0x1FEA0] =	vst v2;
	v2 =	vor.u32 s0, v4  }
0x2c: {  	[tilespmem:$0x1FEB0] =	vst v2;
	v2 =	vor.u32 $0x1F0, v1  }
0x2d: {  	v3 =	vor.u32 $0x200, v1;
	v2 =	vor.u32 s0, v2  }
0x2e: {  	v4 =	vor.u32 $0x210, v1;
	[tilespmem:$0x1FEC0] =	vst v2;
	v2 =	vor.u32 s0, v3  }
0x2f: {  	[tilespmem:$0x1FED0] =	vst v2;
	v2 =	vor.u32 s0, v4  }
0x30: {  	[tilespmem:$0x1FEE0] =	vst v2;
	v2 =	vor.u32 $0x220, v1  }
0x31: {  	s3 =	rddreg [dreg:$0x0];
	v3 =	vor.u32 $0x230, v1;
	v2 =	vor.u32 s0, v2  }
0x32: {  	s4 =	rddreg [dreg:$0x1];
	v4 =	vor.u32 $0x240, v1;
	[tilespmem:$0x1FEF0] =	vst v2;
	v2 =	vor.u32 s0, v3  }
0x33: {  	s13 =	rddreg [dreg:$0x3];
	[tilespmem:$0x1FF00] =	vst v2;
	v2 =	vor.u32 s0, v4  }
0x34: {  	s14 =	rddreg [dreg:$0x4];
	s5 =	simm.s32 $0x0;
	s1 =	sshll.u32 s2, $0x13;
	[tilespmem:$0x1FF10] =	vst v2;
	v2 =	vor.u32 $0x250, v1  }
0x35: {  	[smem:$0x7FF] =	sst s5;
	s1 =	ssub.s32 $0x0, s1;
	v3 =	vor.u32 $0x260, v1;
	v2 =	vor.u32 s0, v2  }
0x36: {  	v0 =	vmov s1;
	s1 =	rddreg [dreg:$0x2];
	v4 =	vor.u32 $0x270, v1;
	_ =	strace $0x80000047;
	[tilespmem:$0x1FF20] =	vst v2;
	v2 =	vor.u32 s0, v3  }
0x37: {  	[tilespmem:$0x1FF30] =	vst v2;
	v2 =	vor.u32 s0, v4  }
0x38: {  	[tilespmem:$0x1FF40] =	vst v2;
	v2 =	vor.u32 $0x280, v1  }
0x39: {  	v3 =	vor.u32 $0x290, v1;
	v2 =	vor.u32 s0, v2  }
0x3a: {  	v4 =	vor.u32 $0x2A0, v1;
	[tilespmem:$0x1FF50] =	vst v2;
	v2 =	vor.u32 s0, v3  }
0x3b: {  	[tilespmem:$0x1FF60] =	vst v2;
	v2 =	vor.u32 s0, v4  }
0x3c: {  	[tilespmem:$0x1FF70] =	vst v2;
	v2 =	vor.u32 $0x2B0, v1  }
0x3d: {  	v3 =	vor.u32 $0x2C0, v1;
	v2 =	vor.u32 s0, v2  }
0x3e: {  	s6 =	sshll.u32 s10, $0x6;
	v4 =	vor.u32 $0x2D0, v1;
	[tilespmem:$0x1FF80] =	vst v2;
	v2 =	vor.u32 s0, v3  }
0x3f: {  	s24 =	sor.u32 $0xFC10, s6;
	[tilespmem:$0x1FF90] =	vst v2;
	v2 =	vor.u32 s0, v4  }
0x40: {  	v10 =	vimm.f32 $0.0e+00;
	s28 =	ssub.s32 $0x2, s2;
	s26 =	sor.u32 $0xBC20, s6;
	v5 =	vmov s24;
	[tilespmem:$0x1FFA0] =	vst v2;
	v2 =	vor.u32 $0x2E0, v1  }
0x41: {  	s30 =	sor.u32 $0xFC30, s6;
	s29 =	sshrl.u32 s28, $0x1;
	v6 =	vmov s26;
	v3 =	vor.u32 $0x2F0, v1;
	v2 =	vor.u32 s0, v2  }
0x42: {  	v9 =	vmov s30;
	s20 =	ssub.s32 s28, s29;
	s28 =	sor.u32 $0xFC20, s6;
	s29 =	sor.u32 $0xBC30, s6;
	v4 =	vor.u32 $0x300, v1;
	[tilespmem:$0x1FFB0] =	vst v2;
	v2 =	vor.u32 s0, v3  }
0x43: {  	s11 =	sshll.u32 s10, $0x7;
	v7 =	vmov s28;
	v8 =	vmov s29;
	[tilespmem:$0x1FFC0] =	vst v2;
	v2 =	vor.u32 s0, v4  }
0x44: {  	s22 =	simm.s32 $0x1000;
	s7 =	sand.u32 $0x700, s11;
	s8 =	sshll.u32 s2, $0x7;
	v3 =	vor.u32 $0x320, v1;
	v4 =	vor.u32 $0x330, v1;
	[tilespmem:$0x1FFD0] =	vst v2;
	v2 =	vor.u32 $0x310, v1  }
0x45: {  	s23 =	simm.s32 $0x1;
	s9 =	sand.u32 $0x40, s6;
	s7 =	sor.u32 s8, s7;
	v52 =	vor.u32 s0, v4;
	v4 =	vor.u32 $0x360, v1;
	v2 =	vor.u32 s0, v2  }
0x46: {  	s25 =	simm.s32 $0x80;
	s31 =	sshll.u32 s10, $0xF;
	s7 =	sor.u32 s9, s7;
	v55 =	vor.u32 s0, v4;
	v4 =	vor.u32 $0x390, v1;
	[tilespmem:$0x1FFE0] =	vst v2;
	v2 =	vor.u32 s0, v3  }
0x47: {  	s21 =	sshll.u32 s10, $0x5;
	s12 =	sadd.s32 s11, s4;
	s7 =	sshrl.u32 s7, $0x3;
	v3 =	vor.u32 $0x350, v1;
	v58 =	vor.u32 s0, v4;
	v4 =	vor.u32 $0x3C0, v1  }
0x48: {  	s4 =	sadd.s32 s7, s4;
	s7 =	sadd.s32 s31, s1;
	s31 =	sor.u32 $0xBC10, s6;
	[tilespmem:$0x1FFF0] =	vst v2;
	v2 =	vor.u32 $0x340, v1;
	v54 =	vor.u32 s0, v3;
	v3 =	vor.u32 $0x380, v1  }
0x49: {  	s2 =	sshll.u32 s2, $0x9;
	s11 =	sadd.s32 s3, s11;
	s13 =	sadd.s32 s0, s13;
	v61 =	vor.u32 s0, v4;
	v4 =	vmov s31;
	v53 =	vor.u32 s0, v2  }
0x4a: {  	s14 =	sadd.s32 s0, s14;
	s15 =	sor.u32 $0x10, s6;
	s16 =	sor.u32 $0x20, s6;
	v2 =	vor.u32 $0x370, v1;
	v57 =	vor.u32 s0, v3;
	v3 =	vor.u32 $0x3B0, v1  }
0x4b: {  	s17 =	sor.u32 $0x30, s6;
	s12 =	sadd.s32 $0xE00, s12;
	s21 =	sor.u32 s21, s2;
	v56 =	vor.u32 s0, v2;
	v2 =	vor.u32 $0x3A0, v1;
	v60 =	vor.u32 s0, v3  }
0x4c: {  	s2 =	sor.u32 $0xF800, s6;
	s30 =	simm.s32 $0x0;
	s20 =	smax.u32 s20, $0x1;
	v3 =	vor.u32 $0x3E0, v1;
	v59 =	vor.u32 s0, v2;
	v2 =	vor.u32 $0x3D0, v1  }
0x4d: {  	s18 =	sadd.s32 $0x1600, s4;
	s19 =	sadd.s32 $0x1800, s4;
	s4 =	sor.u32 $0xB800, s6;
	v1 =	vor.u32 $0x3F0, v1;
	v63 =	vor.u32 s0, v3;
	v3 =	vmov s2  }
0x4e: {  	s8 =	sadd.s32 $0x2000, s7;
	s9 =	sadd.s32 $0x4000, s7;
	s10 =	sadd.s32 $0x6000, s7;
	v62 =	vor.u32 s0, v2;
	v1 =	vor.u32 s0, v1;
	v2 =	vmov s4  }
.LBB2_1:
0x4f: {  	s0 =	simm.s32 $0x40;
	s2 =	simm.s32 $0x0  }
.LBB2_2:
0x50: {  	p0 =	sne.s32 s0, $0x7FC0;
	[tilespmem:s2+$0x1000] =	vst v10;
	s2 =	smov.u32 s0;
	s0 =	sadd.s32 $0x40, s0  }
.Ltmp0:
0x51: {  	(pc) =	sbr.rel @p0 .LBB2_2-.Ltmp0, $2  }
0x52: {  	_ =	sdelay $0x2  }
0x53: {  	s2 =	sshra.s32 s2, $0x2  }
0x54: {  	[tilespmem:s2+$0x1000] =	vst v10  }
0x55: {  	[spmem:s7] =	stream.linear.scatter [tilespmem:s22], [sflag:$0x1], $0x2000, $0x38;
	[tilespmem:$0x1C100] =	vst v63  }
0x56: {  	_ =	swait.ge [sflag:s23], $0x2000  }
0x57: {  	[sflag:s23] =	ssyncset.done $0x0  }
0x58: {  	[sflag:s23] =	ssyncadd.s32 $0xFFFFE000  }
0x59: {  	[spmem:s8] =	stream.linear.scatter [tilespmem:s22], [sflag:$0x1], $0x2000, $0x38;
	[tilespmem:$0x1C100] =	vst v63  }
0x5a: {  	_ =	swait.ge [sflag:s23], $0x2000  }
0x5b: {  	[sflag:s23] =	ssyncset.done $0x0  }
0x5c: {  	[sflag:s23] =	ssyncadd.s32 $0xFFFFE000  }
0x5d: {  	[spmem:s9] =	stream.linear.scatter [tilespmem:s22], [sflag:$0x1], $0x2000, $0x38;
	[tilespmem:$0x1C100] =	vst v63  }
0x5e: {  	_ =	swait.ge [sflag:s23], $0x2000  }
0x5f: {  	[sflag:s23] =	ssyncset.done $0x0  }
0x60: {  	[sflag:s23] =	ssyncadd.s32 $0xFFFFE000  }
0x61: {  	[spmem:s10] =	stream.linear.scatter [tilespmem:s22], [sflag:$0x1], $0x2000, $0x38;
	[tilespmem:$0x1C100] =	vst v63  }
0x62: {  	_ =	swait.ge [sflag:s23], $0x2000  }
0x63: {  	[sflag:s23] =	ssyncset.done $0x0  }
0x64: {  	s31 =	simm.s32 $0x0;
	[sflag:s23] =	ssyncadd.s32 $0xFFFFE000  }
0x65: {  	[tilespmem:s31], [sflag:$0x1] =	stream.linear.gather [hbm4b:s11+s31], $0x400, $0x38;
	[tilespmem:$0x1C100] =	vst v63  }
0x66: {  	_ =	swait.ge [sflag:s23], $0x400  }
0x67: {  	[sflag:s23] =	ssyncset.done $0x0  }
0x68: {  	s0 =	simm.s32 $0x400;
	[sflag:s23] =	ssyncadd.s32 $0xFFFFFC00  }
0x69: {  	[tilespmem:s0], [sflag:$0x1] =	stream.linear.gather [hbm4b:s12+s31], $0x400, $0x38;
	[tilespmem:$0x1C100] =	vst v63  }
0x6a: {  	_ =	swait.ge [sflag:s23], $0x400  }
0x6b: {  	v34 =	vld [tilespmem:$0x1FCE0]  }
0x6c: {  	v36 =	vld [tilespmem:$0x1FCF0]  }
0x6d: {  	[sflag:s23] =	ssyncset.done $0x0;
	v44 =	vld [tilespmem:$0x1FD00]  }
0x6e: {  	v46 =	vld [tilespmem:$0x1FD10];
	[sflag:s23] =	ssyncadd.s32 $0xFFFFFC00  }
0x6f: {  	v11 =	vld [tilespmem:$0x0]  }
0x70: {  	v12 =	vld [tilespmem:$0x400]  }
0x71: {  	v13 =	vld [tilespmem:$0x10]  }
0x72: {  	v14 =	vld [tilespmem:$0x410]  }
0x73: {  	v17 =	vld [tilespmem:$0x20]  }
0x74: {  	v29 =	vld [tilespmem:$0x420]  }
0x75: {  	v18 =	vld [tilespmem:$0x30]  }
0x76: {  	v30 =	vld [tilespmem:$0x430]  }
0x77: {  	v21 =	vld [tilespmem:$0x40]  }
0x78: {  	v24 =	vld [tilespmem:$0x440]  }
0x79: {  	v33 =	vld [tilespmem:$0x50]  }
0x7a: {  	v35 =	vld [tilespmem:$0x450]  }
0x7b: {  	v25 =	vld [tilespmem:$0x60];
	v15 =	vshll.u32 v11, $0xA;
	v16 =	vadd.s32 v0, v12  }
0x7c: {  	v41 =	vld [tilespmem:$0x460];
	vm1 =	vne.s32 v11, v12;
	v19 =	vshll.u32 v13, $0xA;
	v20 =	vadd.s32 v0, v14  }
0x7d: {  	v51 =	vld [tilespmem:$0x490];
	v31 =	vshll.u32 v17, $0xA;
	v22 =	vadd.s32 v0, v29;
	vm10 =	vne.s32 v13, v14  }
0x7e: {  	v26 =	vld [tilespmem:$0x70];
	vm2 =	vne.s32 v17, v29;
	v37 =	vshll.u32 v18, $0xA;
	v38 =	vadd.s32 v0, v30  }
0x7f: {  	v45 =	vld [tilespmem:$0x470];
	v39 =	vshll.u32 v21, $0xA;
	v23 =	vadd.s32 v0, v24;
	vm14 =	vne.s32 v18, v30  }
0x80: {  	v49 =	vld [tilespmem:$0x480];
	vm5 =	vne.s32 v21, v24;
	v42 =	vshll.u32 v33, $0xA;
	v43 =	vadd.s32 v0, v35  }
0x81: {  	v50 =	vld [tilespmem:$0x1FD20];
	vm7 =	vne.s32 v33, v35;
	v47 =	vshll.u32 v25, $0xA;
	v48 =	vadd.s32 v0, v41  }
0x82: {  	v11 =	vld [tilespmem:$0x1FCD0];
	v35 =	vadd.s32 v0, v51;
	v15 =	vadd.s32 v15, v16;
	v19 =	vadd.s32 v19, v20  }
0x83: {  	v29 =	vld [tilespmem:$0x80];
	v32 =	vadd.s32 v31, v22;
	v40 =	vadd.s32 v39, v23;
	v21 =	vadd.s32 v42, v43  }
0x84: {  	v33 =	vld [tilespmem:$0x4A0];
	v14 =	vadd.s32 v47, v48;
	v39 =	vshll.u32 v26, $0xA;
	v31 =	vadd.s32 v0, v45  }
0x85: {  	v22 =	vld [tilespmem:$0xA0];
	v43 =	vadd.s32 v0, v49;
	vm0 =	vlt.u32 v15, $0x80000;
	vm11 =	vlt.u32 v32, $0x80000  }
0x86: {  	v47 =	vld [tilespmem:$0x1FD50];
	vm9 =	vlt.u32 v19, $0x80000;
	vm4 =	vlt.u32 v40, $0x80000;
	vm12 =	vmand vm2, vm11  }
0x87: {  	v48 =	vld [tilespmem:$0x1FD60];
	vm6 =	vlt.u32 v21, $0x80000;
	vm0 =	vmand vm1, vm0;
	v13 =	vsel vm12, v32, v36  }
0x88: {  	v32 =	vld [tilespmem:$0x90];
	v12 =	vsel vm0, v15, v11;
	v11 =	vsel vm0, $0x3F800000, v10;
	vm0 =	vmand vm10, vm9  }
0x89: {  	vm8 =	vlt.u32 v14, $0x80000;
	vm1 =	vmand vm5, vm4;
	v36 =	vld [tilespmem:$0xB0];
	v20 =	vsel vm0, v19, v34  }
0x8a: {  	v19 =	vadd.s32 v37, v38;
	v37 =	vadd.s32 v0, v33;
	vm5 =	vne.s32 v22, v33;
	v33 =	vld [tilespmem:$0xE0]  }
0x8b: {  	v42 =	vshll.u32 v29, $0xA;
	v16 =	vsel vm0, $0x3F800000, v10;
	[tilespmem:$0xC00] =	vst v11;
	v11 =	vld [tilespmem:$0x1FDD0];
	vm13 =	vlt.u32 v19, $0x80000  }
0x8c: {  	vm0 =	vmand vm7, vm6;
	vm15 =	vmand vm14, vm13;
	vm13 =	vne.s32 v29, v49;
	v29 =	vld [tilespmem:$0xC0]  }
0x8d: {  	vm11 =	vne.s32 v26, v45;
	v26 =	vadd.s32 v42, v43;
	v27 =	vsel vm0, $0x3F800000, v10;
	v49 =	vld [tilespmem:$0x4C0]  }
0x8e: {  	v23 =	vsel vm12, $0x3F800000, v10;
	v24 =	vsel vm1, $0x3F800000, v10;
	vm12 =	vlt.u32 v26, $0x80000;
	[tilespmem:$0xC50] =	vst v27;
	v27 =	vld [tilespmem:$0x1FE10]  }
0x8f: {  	v30 =	vsel vm15, v19, v44;
	v19 =	vsel vm1, v40, v46;
	v40 =	vld [tilespmem:$0x1FD30];
	v34 =	vshll.u32 v32, $0xA  }
0x90: {  	vm9 =	vne.s32 v25, v41;
	v44 =	vld [tilespmem:$0x1FD40];
	vm14 =	vmand vm13, vm12;
	v45 =	vadd.s32 v34, v35  }
0x91: {  	v46 =	vld [tilespmem:$0x4B0];
	vm4 =	vne.s32 v32, v51;
	v34 =	vsel vm14, v26, v47;
	vm3 =	vlt.u32 v45, $0x80000  }
0x92: {  	v41 =	vadd.s32 v39, v31;
	v28 =	vsel vm15, $0x3F800000, v10;
	[tilespmem:$0x880] =	vst v34;
	v34 =	vld [tilespmem:$0x5A0];
	vm15 =	vmand vm4, vm3  }
0x93: {  	vm10 =	vlt.u32 v41, $0x80000;
	vm1 =	vmand vm9, vm8;
	v17 =	vsel vm15, v45, v48;
	v45 =	vld [tilespmem:$0x1FD80]  }
0x94: {  	v21 =	vsel vm0, v21, v50;
	vm0 =	vmand vm11, vm10;
	v18 =	vsel vm1, v14, v40;
	v40 =	vld [tilespmem:$0xD0]  }
0x95: {  	v31 =	vsel vm0, v41, v44;
	v41 =	vld [tilespmem:$0x4D0]  }
0x96: {  	v50 =	vshll.u32 v22, $0xA;
	v51 =	vshll.u32 v36, $0xA;
	v47 =	vadd.s32 v0, v49;
	v44 =	vld [tilespmem:$0x1FD70]  }
0x97: {  	v39 =	vadd.s32 v0, v46;
	vm7 =	vne.s32 v36, v46;
	v36 =	vld [tilespmem:$0x4E0];
	v46 =	vshll.u32 v29, $0xA  }
0x98: {  	v26 =	vadd.s32 v50, v37;
	v43 =	vadd.s32 v51, v39;
	v37 =	vadd.s32 v46, v47;
	v46 =	vld [tilespmem:$0x1FD90]  }
0x99: {  	v47 =	vld [tilespmem:$0x1FDA0];
	vm6 =	vlt.u32 v43, $0x80000  }
0x9a: {  	v38 =	vsel vm0, $0x3F800000, v10;
	vm4 =	vlt.u32 v26, $0x80000;
	[tilespmem:$0x870] =	vst v31;
	v31 =	vld [tilespmem:$0x590];
	vm8 =	vmand vm7, vm6  }
0x9b: {  	vm10 =	vne.s32 v29, v49;
	vm9 =	vlt.u32 v37, $0x80000;
	v22 =	vsel vm8, v43, v45;
	v43 =	vld [tilespmem:$0xF0]  }
0x9c: {  	v50 =	vshll.u32 v33, $0xA;
	vm0 =	vmand vm5, vm4;
	vm11 =	vmand vm10, vm9;
	v45 =	vld [tilespmem:$0x100]  }
0x9d: {  	v35 =	vsel vm0, v26, v44;
	v48 =	vshll.u32 v40, $0xA;
	v42 =	vadd.s32 v0, v41;
	v44 =	vld [tilespmem:$0x4F0]  }
0x9e: {  	v51 =	vadd.s32 v0, v36;
	v49 =	vadd.s32 v48, v42;
	v42 =	vsel vm11, v37, v46;
	v37 =	vld [tilespmem:$0x500]  }
0x9f: {  	v15 =	vsel vm1, $0x3F800000, v10;
	v25 =	vsel vm14, $0x3F800000, v10;
	v32 =	vadd.s32 v50, v51;
	v50 =	vld [tilespmem:$0x1FDB0]  }
0xa0: {  	v14 =	vsel vm15, $0x3F800000, v10;
	vm13 =	vne.s32 v40, v41;
	v46 =	vld [tilespmem:$0x110];
	vm12 =	vlt.u32 v49, $0x80000  }
0xa1: {  	v39 =	vsel vm8, $0x3F800000, v10;
	v26 =	vsel vm0, $0x3F800000, v10;
	[tilespmem:$0x8A0] =	vst v35;
	v35 =	vld [tilespmem:$0x1C0];
	vm1 =	vmand vm13, vm12  }
0xa2: {  	vm15 =	vne.s32 v33, v36;
	vm14 =	vlt.u32 v32, $0x80000;
	v29 =	vsel vm1, v49, v47;
	v47 =	vld [tilespmem:$0x510]  }
0xa3: {  	[tilespmem:$0x8C0] =	vst v42;
	v42 =	vld [tilespmem:$0x1E0];
	vm0 =	vmand vm15, vm14;
	v48 =	vshll.u32 v43, $0xA;
	v36 =	vsel vm1, $0x3F800000, v10  }
0xa4: {  	v49 =	vadd.s32 v0, v44;
	vm5 =	vne.s32 v43, v44;
	v32 =	vsel vm0, v32, v50;
	v50 =	vld [tilespmem:$0x1FDC0]  }
0xa5: {  	v43 =	vld [tilespmem:$0x520];
	v44 =	vshll.u32 v45, $0xA;
	v33 =	vadd.s32 v48, v49;
	v49 =	vadd.s32 v0, v37  }
0xa6: {  	v48 =	vld [tilespmem:$0x120];
	vm6 =	vne.s32 v45, v37;
	v45 =	vshll.u32 v46, $0xA;
	vm4 =	vlt.u32 v33, $0x80000  }
0xa7: {  	v44 =	vadd.s32 v44, v49;
	v49 =	vadd.s32 v0, v47;
	vm8 =	vne.s32 v46, v47;
	v47 =	vld [tilespmem:$0x140]  }
0xa8: {  	vm1 =	vmand vm5, vm4;
	vm7 =	vlt.u32 v44, $0x80000;
	v45 =	vadd.s32 v45, v49;
	v49 =	vld [tilespmem:$0x530]  }
0xa9: {  	v41 =	vsel vm0, $0x3F800000, v10;
	vm0 =	vmand vm6, vm7;
	v33 =	vsel vm1, v33, v50;
	v50 =	vld [tilespmem:$0x130]  }
0xaa: {  	[tilespmem:$0x810] =	vst v20;
	v20 =	vsel vm0, v44, v11;
	v11 =	vld [tilespmem:$0x1FDE0]  }
0xab: {  	v44 =	vld [tilespmem:$0x550]  }
0xac: {  	[tilespmem:$0x800] =	vst v12;
	v51 =	vadd.s32 v0, v43;
	v12 =	vshll.u32 v48, $0xA;
	vm12 =	vne.s32 v48, v43;
	v43 =	vld [tilespmem:$0x150]  }
0xad: {  	v46 =	vadd.s32 v12, v51;
	v51 =	vld [tilespmem:$0x540]  }
0xae: {  	[tilespmem:$0x820] =	vst v13;
	vm9 =	vlt.u32 v45, $0x80000;
	v13 =	vshll.u32 v50, $0xA;
	vm13 =	vne.s32 v50, v49;
	v50 =	vld [tilespmem:$0x1FE00]  }
0xaf: {  	vm10 =	vmand vm8, vm9;
	[tilespmem:$0x8F0] =	vst v33;
	v33 =	vld [tilespmem:$0x5F0];
	v48 =	vadd.s32 v0, v49  }
0xb0: {  	v11 =	vsel vm10, v45, v11;
	v45 =	vadd.s32 v13, v48;
	v48 =	vld [tilespmem:$0x1FDF0]  }
0xb1: {  	v49 =	vld [tilespmem:$0x570];
	vm14 =	vlt.u32 v45, $0x80000  }
0xb2: {  	v12 =	vsel vm0, $0x3F800000, v10;
	[tilespmem:$0x910] =	vst v11;
	v11 =	vld [tilespmem:$0x1FE90];
	vm0 =	vmand vm13, vm14  }
0xb3: {  	[tilespmem:$0xC40] =	vst v24;
	v40 =	vsel vm11, $0x3F800000, v10;
	vm11 =	vlt.u32 v46, $0x80000;
	v24 =	vsel vm0, v45, v50;
	v50 =	vld [tilespmem:$0x1FE20]  }
0xb4: {  	[tilespmem:$0x830] =	vst v30;
	v37 =	vsel vm1, $0x3F800000, v10;
	vm1 =	vmand vm12, vm11;
	v45 =	vld [tilespmem:$0x1A0]  }
0xb5: {  	[tilespmem:$0xC30] =	vst v28;
	v30 =	vshll.u32 v47, $0xA;
	v13 =	vsel vm1, v46, v48;
	v46 =	vadd.s32 v0, v51;
	v48 =	vld [tilespmem:$0x160]  }
0xb6: {  	[tilespmem:$0x840] =	vst v19;
	v19 =	vshll.u32 v43, $0xA;
	v28 =	vadd.s32 v30, v46;
	v30 =	vld [tilespmem:$0x560]  }
0xb7: {  	vm4 =	vne.s32 v47, v51;
	v47 =	vadd.s32 v0, v44;
	v46 =	vld [tilespmem:$0x170];
	vm15 =	vlt.u32 v28, $0x80000  }
0xb8: {  	[tilespmem:$0xC10] =	vst v16;
	v16 =	vsel vm1, $0x3F800000, v10;
	v51 =	vadd.s32 v19, v47;
	v47 =	vld [tilespmem:$0x180];
	vm1 =	vmand vm4, vm15  }
0xb9: {  	[tilespmem:$0x850] =	vst v21;
	vm6 =	vne.s32 v43, v44;
	v19 =	vsel vm1, v28, v27;
	v28 =	vld [tilespmem:$0x580]  }
0xba: {  	v21 =	vsel vm0, $0x3F800000, v10;
	vm5 =	vlt.u32 v51, $0x80000;
	v27 =	vsel vm1, $0x3F800000, v10;
	[tilespmem:$0x940] =	vst v19;
	v19 =	vld [tilespmem:$0x230]  }
0xbb: {  	vm0 =	vmand vm6, vm5;
	v43 =	vshll.u32 v48, $0xA;
	[tilespmem:$0xD40] =	vst v27;
	v27 =	vld [tilespmem:$0x240];
	v44 =	vadd.s32 v0, v30  }
0xbc: {  	vm7 =	vne.s32 v48, v30;
	v48 =	vadd.s32 v0, v49;
	vm9 =	vne.s32 v46, v49;
	v49 =	vld [tilespmem:$0x1FE30]  }
0xbd: {  	[tilespmem:$0xC60] =	vst v15;
	v15 =	vsel vm0, v51, v50;
	v51 =	vshll.u32 v46, $0xA;
	v43 =	vadd.s32 v43, v44;
	v44 =	vld [tilespmem:$0x190]  }
0xbe: {  	[tilespmem:$0xC20] =	vst v23;
	v30 =	vadd.s32 v51, v48;
	v51 =	vadd.s32 v0, v28;
	vm13 =	vne.s32 v47, v28;
	v28 =	vld [tilespmem:$0x1B0]  }
0xbf: {  	[tilespmem:$0xC70] =	vst v38;
	v50 =	vshll.u32 v47, $0xA;
	vm8 =	vlt.u32 v43, $0x80000;
	v47 =	vld [tilespmem:$0x1FE50]  }
0xc0: {  	[tilespmem:$0x860] =	vst v18;
	v18 =	vsel vm0, $0x3F800000, v10;
	vm0 =	vmand vm7, vm8;
	v48 =	vadd.s32 v50, v51;
	v50 =	vld [tilespmem:$0x1FE40]  }
0xc1: {  	[tilespmem:$0x890] =	vst v17;
	v17 =	vsel vm0, v43, v49;
	v43 =	vld [tilespmem:$0x5B0]  }
0xc2: {  	[tilespmem:$0xC80] =	vst v25;
	vm5 =	vne.s32 v45, v34;
	v38 =	vsel vm0, $0x3F800000, v10;
	v49 =	vadd.s32 v0, v34;
	v34 =	vld [tilespmem:$0x1D0]  }
0xc3: {  	[tilespmem:$0xD60] =	vst v38;
	v38 =	vld [tilespmem:$0x690]  }
0xc4: {  	[tilespmem:$0xC90] =	vst v14;
	v46 =	vadd.s32 v0, v31;
	vm12 =	vlt.u32 v48, $0x80000;
	vm14 =	vne.s32 v44, v31;
	v31 =	vld [tilespmem:$0x5C0]  }
0xc5: {  	[tilespmem:$0x8B0] =	vst v22;
	v23 =	vsel vm10, $0x3F800000, v10;
	vm1 =	vmand vm13, vm12;
	v51 =	vshll.u32 v44, $0xA;
	v44 =	vld [tilespmem:$0x5D0]  }
0xc6: {  	[tilespmem:$0xCB0] =	vst v39;
	vm10 =	vlt.u32 v30, $0x80000;
	v39 =	vsel vm1, $0x3F800000, v10;
	v25 =	vsel vm1, v48, v47;
	v47 =	vld [tilespmem:$0x1FE60]  }
0xc7: {  	vm11 =	vmand vm9, vm10;
	v48 =	vshll.u32 v45, $0xA;
	[tilespmem:$0xD80] =	vst v39;
	v39 =	vld [tilespmem:$0x1FEF0]  }
0xc8: {  	[tilespmem:$0xCA0] =	vst v26;
	v26 =	vadd.s32 v51, v46;
	v14 =	vsel vm11, v30, v50;
	v22 =	vadd.s32 v48, v49;
	v48 =	vld [tilespmem:$0x1FE70]  }
0xc9: {  	v50 =	vshll.u32 v28, $0xA;
	v51 =	vadd.s32 v0, v43;
	vm7 =	vne.s32 v28, v43;
	v28 =	vld [tilespmem:$0x5E0]  }
0xca: {  	[tilespmem:$0xCC0] =	vst v40;
	vm15 =	vlt.u32 v26, $0x80000;
	v40 =	vadd.s32 v50, v51;
	v51 =	vld [tilespmem:$0x1FE80]  }
0xcb: {  	[tilespmem:$0x8D0] =	vst v29;
	vm0 =	vmand vm14, vm15;
	v49 =	vshll.u32 v35, $0xA;
	vm8 =	vne.s32 v35, v31;
	v35 =	vld [tilespmem:$0x1F0]  }
0xcc: {  	[tilespmem:$0xCE0] =	vst v41;
	v29 =	vsel vm0, $0x3F800000, v10;
	v41 =	vshll.u32 v34, $0xA;
	vm10 =	vne.s32 v34, v44;
	v34 =	vld [tilespmem:$0x260]  }
0xcd: {  	v43 =	vadd.s32 v0, v44;
	[tilespmem:$0xD90] =	vst v29;
	v29 =	vld [tilespmem:$0x370]  }
0xce: {  	v50 =	vadd.s32 v0, v31;
	v31 =	vadd.s32 v41, v43;
	v41 =	vld [tilespmem:$0x200]  }
0xcf: {  	[tilespmem:$0x8E0] =	vst v32;
	vm4 =	vlt.u32 v22, $0x80000;
	v32 =	vadd.s32 v49, v50;
	v49 =	vld [tilespmem:$0x1FEA0]  }
0xd0: {  	v45 =	vshll.u32 v42, $0xA;
	v30 =	vsel vm11, $0x3F800000, v10;
	vm1 =	vmand vm5, vm4;
	v43 =	vld [tilespmem:$0x1FEB0]  }
0xd1: {  	[tilespmem:$0xCD0] =	vst v36;
	vm6 =	vlt.u32 v40, $0x80000;
	v36 =	vsel vm1, $0x3F800000, v10;
	v22 =	vsel vm1, v22, v48;
	v48 =	vld [tilespmem:$0x600]  }
0xd2: {  	v26 =	vsel vm0, v26, v47;
	v46 =	vadd.s32 v0, v28;
	vm14 =	vne.s32 v42, v28;
	v28 =	vld [tilespmem:$0x210]  }
0xd3: {  	[tilespmem:$0xCF0] =	vst v37;
	vm0 =	vmand vm7, vm6;
	vm9 =	vlt.u32 v32, $0x80000;
	vm11 =	vlt.u32 v31, $0x80000;
	v42 =	vld [tilespmem:$0x610]  }
0xd4: {  	[tilespmem:$0xD00] =	vst v12;
	v37 =	vsel vm0, $0x3F800000, v10;
	vm12 =	vmand vm10, vm11;
	v47 =	vadd.s32 v45, v46;
	v46 =	vld [tilespmem:$0x220]  }
0xd5: {  	[tilespmem:$0xD20] =	vst v16;
	v16 =	vsel vm12, $0x3F800000, v10;
	v50 =	vshll.u32 v35, $0xA;
	vm15 =	vne.s32 v35, v33;
	v35 =	vld [tilespmem:$0x1FF50]  }
0xd6: {  	[tilespmem:$0xD10] =	vst v23;
	v40 =	vsel vm0, v40, v51;
	vm0 =	vmand vm8, vm9;
	v51 =	vadd.s32 v0, v33;
	v33 =	vld [tilespmem:$0x300]  }
0xd7: {  	[tilespmem:$0x920] =	vst v13;
	v11 =	vsel vm0, v32, v11;
	vm13 =	vlt.u32 v47, $0x80000;
	v13 =	vadd.s32 v50, v51;
	v50 =	vld [tilespmem:$0x630]  }
0xd8: {  	[tilespmem:$0xD30] =	vst v21;
	v32 =	vsel vm0, $0x3F800000, v10;
	v23 =	vsel vm12, v31, v49;
	v51 =	vld [tilespmem:$0x1FEC0];
	vm1 =	vmand vm14, vm13  }
0xd9: {  	v44 =	vshll.u32 v41, $0xA;
	[tilespmem:$0x9B0] =	vst v40;
	v40 =	vld [tilespmem:$0x2A0];
	vm4 =	vlt.u32 v13, $0x80000;
	v12 =	vsel vm1, v47, v43  }
0xda: {  	[tilespmem:$0x9C0] =	vst v11;
	v11 =	vld [tilespmem:$0x290];
	v45 =	vadd.s32 v0, v48;
	v21 =	vsel vm1, $0x3F800000, v10;
	vm0 =	vmand vm15, vm4  }
0xdb: {  	[tilespmem:$0x930] =	vst v24;
	vm6 =	vne.s32 v41, v48;
	v41 =	vld [tilespmem:$0x1FED0];
	v24 =	vadd.s32 v44, v45;
	v48 =	vshll.u32 v28, $0xA  }
0xdc: {  	[tilespmem:$0x950] =	vst v15;
	v47 =	vld [tilespmem:$0x620];
	v49 =	vadd.s32 v0, v42;
	v15 =	vsel vm0, $0x3F800000, v10;
	vm8 =	vne.s32 v28, v42  }
0xdd: {  	[tilespmem:$0x900] =	vst v20;
	v44 =	vld [tilespmem:$0x1FEE0];
	v45 =	vshll.u32 v19, $0xA;
	vm5 =	vlt.u32 v24, $0x80000;
	v20 =	vadd.s32 v48, v49  }
0xde: {  	v42 =	vshll.u32 v46, $0xA;
	v48 =	vld [tilespmem:$0x650];
	v49 =	vshll.u32 v27, $0xA;
	vm1 =	vmand vm6, vm5  }
0xdf: {  	[tilespmem:$0xD50] =	vst v18;
	v13 =	vsel vm0, v13, v51;
	vm7 =	vlt.u32 v20, $0x80000;
	vm11 =	vne.s32 v19, v50;
	v51 =	vld [tilespmem:$0x660]  }
0xe0: {  	[tilespmem:$0x960] =	vst v17;
	vm0 =	vmand vm8, vm7;
	v28 =	vsel vm1, $0x3F800000, v10;
	v18 =	vsel vm1, v24, v41;
	v24 =	vld [tilespmem:$0x640]  }
0xe1: {  	[tilespmem:$0x970] =	vst v14;
	v43 =	vadd.s32 v0, v47;
	vm9 =	vne.s32 v46, v47;
	v46 =	vadd.s32 v0, v50;
	v41 =	vld [tilespmem:$0x1FF00]  }
0xe2: {  	[tilespmem:$0xD70] =	vst v30;
	v47 =	vld [tilespmem:$0x250];
	v30 =	vsel vm0, $0x3F800000, v10;
	v17 =	vadd.s32 v42, v43;
	v14 =	vadd.s32 v45, v46  }
0xe3: {  	[tilespmem:$0xDC0] =	vst v32;
	v32 =	vld [tilespmem:$0x1FFD0];
	v20 =	vsel vm0, v20, v44;
	vm10 =	vlt.u32 v17, $0x80000;
	vm12 =	vlt.u32 v14, $0x80000  }
0xe4: {  	v42 =	vld [tilespmem:$0x270];
	v44 =	vadd.s32 v0, v48;
	vm0 =	vmand vm9, vm10;
	vm13 =	vmand vm11, vm12  }
0xe5: {  	v45 =	vld [tilespmem:$0x670];
	vm7 =	vne.s32 v34, v51;
	vm12 =	vne.s32 v11, v38;
	v17 =	vsel vm0, v17, v39  }
0xe6: {  	[tilespmem:$0x990] =	vst v26;
	v46 =	vld [tilespmem:$0x1FF10];
	v26 =	vsel vm0, $0x3F800000, v10;
	v50 =	vadd.s32 v0, v24;
	v14 =	vsel vm13, v14, v41  }
0xe7: {  	v39 =	vld [tilespmem:$0x1FF20];
	vm15 =	vne.s32 v27, v24;
	v43 =	vshll.u32 v47, $0xA;
	v27 =	vsel vm13, $0x3F800000, v10  }
0xe8: {  	vm4 =	vne.s32 v47, v48;
	v47 =	vshll.u32 v34, $0xA;
	v48 =	vadd.s32 v0, v51;
	v41 =	vld [tilespmem:$0x1FF30]  }
0xe9: {  	[tilespmem:$0x9A0] =	vst v22;
	v34 =	vld [tilespmem:$0x6C0];
	v19 =	vadd.s32 v49, v50;
	v22 =	vadd.s32 v43, v44;
	v31 =	vadd.s32 v47, v48  }
0xea: {  	[tilespmem:$0xDB0] =	vst v37;
	v49 =	vld [tilespmem:$0x280];
	v51 =	vshll.u32 v42, $0xA;
	v37 =	vadd.s32 v0, v45;
	vm9 =	vne.s32 v42, v45  }
0xeb: {  	[tilespmem:$0x980] =	vst v25;
	v50 =	vld [tilespmem:$0x680];
	v47 =	vadd.s32 v0, v38;
	vm14 =	vlt.u32 v19, $0x80000;
	vm5 =	vlt.u32 v22, $0x80000  }
0xec: {  	[tilespmem:$0xDA0] =	vst v36;
	v42 =	vld [tilespmem:$0x6A0];
	vm6 =	vlt.u32 v31, $0x80000;
	v25 =	vadd.s32 v51, v37;
	vm1 =	vmand vm15, vm14  }
0xed: {  	[tilespmem:$0xDD0] =	vst v16;
	v45 =	vld [tilespmem:$0x1FF40];
	vm0 =	vmand vm4, vm5;
	vm8 =	vlt.u32 v25, $0x80000;
	v19 =	vsel vm1, v19, v46  }
0xee: {  	[tilespmem:$0x9D0] =	vst v23;
	v48 =	vld [tilespmem:$0x2B0];
	v36 =	vsel vm1, $0x3F800000, v10;
	vm1 =	vmand vm7, vm6;
	v22 =	vsel vm0, v22, v39  }
0xef: {  	[tilespmem:$0xDE0] =	vst v21;
	v38 =	vld [tilespmem:$0x2D0];
	v23 =	vsel vm0, $0x3F800000, v10;
	vm0 =	vmand vm9, vm8;
	v46 =	vshll.u32 v11, $0xA  }
0xf0: {  	[tilespmem:$0xDF0] =	vst v15;
	v51 =	vld [tilespmem:$0x2C0];
	v11 =	vshll.u32 v40, $0xA;
	v16 =	vsel vm1, v31, v41;
	v21 =	vsel vm1, $0x3F800000, v10  }
0xf1: {  	[tilespmem:$0x9F0] =	vst v13;
	v37 =	vld [tilespmem:$0x1FF60];
	v15 =	vsel vm0, $0x3F800000, v10;
	v13 =	vadd.s32 v46, v47;
	v43 =	vshll.u32 v49, $0xA  }
0xf2: {  	[tilespmem:$0x9E0] =	vst v12;
	v41 =	vld [tilespmem:$0x6D0];
	v44 =	vadd.s32 v0, v50;
	v25 =	vsel vm0, v25, v45;
	vm10 =	vne.s32 v49, v50  }
0xf3: {  	[tilespmem:$0xE00] =	vst v28;
	v46 =	vld [tilespmem:$0x6E0];
	v50 =	vadd.s32 v0, v42;
	vm13 =	vlt.u32 v13, $0x80000;
	vm4 =	vne.s32 v40, v42  }
0xf4: {  	[tilespmem:$0xA00] =	vst v18;
	v47 =	vld [tilespmem:$0x2F0];
	v39 =	vshll.u32 v48, $0xA;
	v12 =	vadd.s32 v43, v44;
	v11 =	vadd.s32 v11, v50  }
0xf5: {  	[tilespmem:$0xE10] =	vst v30;
	v49 =	vld [tilespmem:$0x6B0];
	vm14 =	vmand vm12, vm13;
	v43 =	vshll.u32 v51, $0xA;
	v44 =	vadd.s32 v0, v34  }
0xf6: {  	[tilespmem:$0xE20] =	vst v26;
	v42 =	vld [tilespmem:$0x1FF70];
	vm8 =	vne.s32 v51, v34;
	vm11 =	vlt.u32 v12, $0x80000;
	v13 =	vsel vm14, v13, v37  }
0xf7: {  	[tilespmem:$0xA30] =	vst v14;
	v31 =	vld [tilespmem:$0x770];
	vm15 =	vlt.u32 v11, $0x80000;
	v26 =	vsel vm14, $0x3F800000, v10;
	v14 =	vadd.s32 v43, v44  }
0xf8: {  	[tilespmem:$0xA10] =	vst v20;
	v45 =	vld [tilespmem:$0x2E0];
	v43 =	vshll.u32 v33, $0xA;
	vm0 =	vmand vm10, vm11;
	vm1 =	vmand vm4, vm15  }
0xf9: {  	[tilespmem:$0xA20] =	vst v17;
	v34 =	vld [tilespmem:$0x1FF90];
	vm7 =	vlt.u32 v14, $0x80000;
	v12 =	vsel vm0, v12, v35;
	v20 =	vsel vm0, $0x3F800000, v10  }
0xfa: {  	[tilespmem:$0xE30] =	vst v27;
	v50 =	vld [tilespmem:$0x6F0];
	v27 =	vsel vm1, $0x3F800000, v10;
	vm10 =	vne.s32 v38, v41;
	v37 =	vadd.s32 v0, v46  }
0xfb: {  	[tilespmem:$0xA40] =	vst v19;
	v51 =	vld [tilespmem:$0x1FF80];
	v40 =	vadd.s32 v0, v49;
	v11 =	vsel vm1, v11, v42;
	vm5 =	vne.s32 v48, v49  }
0xfc: {  	[tilespmem:$0xE40] =	vst v36;
	v35 =	vld [tilespmem:$0x700];
	vm1 =	vmand vm8, vm7;
	v48 =	vshll.u32 v38, $0xA;
	v49 =	vadd.s32 v0, v41  }
0xfd: {  	[tilespmem:$0xA50] =	vst v22;
	v36 =	vshll.u32 v45, $0xA;
	v38 =	vld [tilespmem:$0x1FFA0];
	vm11 =	vne.s32 v45, v46;
	v17 =	vadd.s32 v39, v40  }
0xfe: {  	[tilespmem:$0xA60] =	vst v16;
	v41 =	vld [tilespmem:$0x310];
	v19 =	vadd.s32 v48, v49;
	v14 =	vsel vm1, v14, v34;
	v16 =	vadd.s32 v36, v37  }
0xff: {  	[tilespmem:$0xE60] =	vst v21;
	v42 =	vld [tilespmem:$0x710];
	v21 =	vsel vm1, $0x3F800000, v10;
	v39 =	vshll.u32 v47, $0xA;
	v40 =	vadd.s32 v0, v50  }
0x100: {  	[tilespmem:$0xE50] =	vst v23;
	v45 =	vld [tilespmem:$0x320];
	vm13 =	vne.s32 v47, v50;
	vm6 =	vlt.u32 v17, $0x80000;
	vm9 =	vlt.u32 v19, $0x80000  }
0x101: {  	[tilespmem:$0xE70] =	vst v15;
	v46 =	vld [tilespmem:$0x720];
	vm12 =	vlt.u32 v16, $0x80000;
	v24 =	vadd.s32 v39, v40;
	vm0 =	vmand vm5, vm6  }
0x102: {  	[tilespmem:$0xA70] =	vst v25;
	v47 =	vld [tilespmem:$0x1FFB0];
	vm14 =	vlt.u32 v24, $0x80000;
	v17 =	vsel vm0, v17, v51;
	v22 =	vsel vm0, $0x3F800000, v10  }
0x103: {  	[tilespmem:$0xA90] =	vst v13;
	v48 =	vld [tilespmem:$0x1FFC0];
	vm0 =	vmand vm10, vm9;
	v44 =	vadd.s32 v0, v35;
	vm15 =	vmand vm13, vm14  }
0x104: {  	[tilespmem:$0xA80] =	vst v12;
	v49 =	vld [tilespmem:$0x330];
	vm5 =	vne.s32 v33, v35;
	v19 =	vsel vm0, v19, v38;
	v15 =	vsel vm0, $0x3F800000, v10  }
0x105: {  	[tilespmem:$0xAA0] =	vst v11;
	v37 =	vld [tilespmem:$0x740];
	vm0 =	vmand vm11, vm12;
	v12 =	vadd.s32 v43, v44;
	v11 =	vshll.u32 v41, $0xA  }
0x106: {  	[tilespmem:$0xE90] =	vst v26;
	v51 =	vld [tilespmem:$0x730];
	v50 =	vadd.s32 v0, v42;
	vm6 =	vne.s32 v41, v42;
	v33 =	vshll.u32 v45, $0xA  }
0x107: {  	[tilespmem:$0xE80] =	vst v20;
	v35 =	vld [tilespmem:$0x340];
	v34 =	vadd.s32 v0, v46;
	vm9 =	vne.s32 v45, v46;
	v13 =	vsel vm0, v16, v47  }
0x108: {  	[tilespmem:$0xEA0] =	vst v27;
	v38 =	vld [tilespmem:$0x350];
	v16 =	vsel vm0, $0x3F800000, v10;
	v20 =	vsel vm15, v24, v48;
	vm4 =	vlt.u32 v12, $0x80000  }
0x109: {  	[tilespmem:$0xAB0] =	vst v17;
	v41 =	vld [tilespmem:$0x750];
	v11 =	vadd.s32 v11, v50;
	v24 =	vsel vm15, $0x3F800000, v10;
	v17 =	vadd.s32 v33, v34  }
0x10a: {  	[tilespmem:$0xAC0] =	vst v14;
	v42 =	vld [tilespmem:$0x1FFE0];
	v39 =	vshll.u32 v49, $0xA;
	v48 =	vadd.s32 v0, v37;
	vm1 =	vmand vm5, vm4  }
0x10b: {  	[tilespmem:$0xEC0] =	vst v21;
	v45 =	vld [tilespmem:$0x1FFF0];
	vm7 =	vlt.u32 v11, $0x80000;
	vm8 =	vlt.u32 v17, $0x80000;
	v12 =	vsel vm1, v12, v32  }
0x10c: {  	[tilespmem:$0xEB0] =	vst v22;
	v44 =	vld [tilespmem:$0x360];
	v36 =	vsel vm1, $0x3F800000, v10;
	vm0 =	vmand vm6, vm7;
	vm1 =	vmand vm9, vm8  }
0x10d: {  	v46 =	vld [tilespmem:$0x760];
	[tilespmem:$0xAD0] =	vst v19;
	vm7 =	vne.s32 v29, v31;
	v40 =	vadd.s32 v0, v51;
	v43 =	vsel vm0, $0x3F800000, v10  }
0x10e: {  	[tilespmem:$0xED0] =	vst v15;
	vm11 =	vne.s32 v49, v51;
	v47 =	vshll.u32 v35, $0xA;
	v49 =	vsel vm1, $0x3F800000, v10  }
0x10f: {  	[tilespmem:$0xAE0] =	vst v13;
	vm12 =	vne.s32 v35, v37;
	v11 =	vsel vm0, v11, v42;
	v18 =	vadd.s32 v39, v40  }
0x110: {  	v34 =	vld [tilespmem:$0x380];
	[tilespmem:$0xEE0] =	vst v16;
	v15 =	vsel vm1, v17, v45;
	v13 =	vadd.s32 v47, v48;
	v50 =	vshll.u32 v38, $0xA  }
0x111: {  	[tilespmem:$0xAF0] =	vst v20;
	v51 =	vadd.s32 v0, v41;
	vm14 =	vne.s32 v38, v41;
	v32 =	vshll.u32 v44, $0xA  }
0x112: {  	v25 =	vld [tilespmem:$0x3C0];
	[tilespmem:$0xEF0] =	vst v24;
	v33 =	vadd.s32 v0, v46;
	vm6 =	vne.s32 v44, v46;
	v39 =	vshll.u32 v29, $0xA  }
0x113: {  	v27 =	vld [tilespmem:$0x7C0];
	[tilespmem:$0xB00] =	vst v12;
	v40 =	vadd.s32 v0, v31;
	vm10 =	vlt.u32 v18, $0x80000;
	vm13 =	vlt.u32 v13, $0x80000  }
0x114: {  	v20 =	vadd.s32 v50, v51;
	v12 =	vadd.s32 v32, v33;
	[tilespmem:$0xB20] =	vst v15;
	v15 =	vadd.s32 v39, v40  }
0x115: {  	v35 =	vld [tilespmem:$0x780];
	[tilespmem:$0xF10] =	vst v43;
	v43 =	vshll.u32 v34, $0xA;
	vm0 =	vmand vm11, vm10;
	vm15 =	vlt.u32 v20, $0x80000  }
0x116: {  	[tilespmem:$0xF00] =	vst v36;
	v38 =	vld [tilespmem:$0x390];
	vm5 =	vlt.u32 v12, $0x80000;
	vm8 =	vlt.u32 v15, $0x80000;
	v18 =	vsel vm0, v18, v52  }
0x117: {  	v41 =	vld [tilespmem:$0x790];
	[tilespmem:$0xF20] =	vst v49;
	v30 =	vsel vm0, $0x3F800000, v10;
	vm0 =	vmand vm12, vm13;
	vm4 =	vmand vm14, vm15  }
0x118: {  	v45 =	vld [tilespmem:$0x3A0];
	[tilespmem:$0xB10] =	vst v11;
	vm1 =	vmand vm6, vm5;
	vm6 =	vne.s32 v25, v27;
	v11 =	vsel vm0, v13, v53  }
0x119: {  	v47 =	vld [tilespmem:$0x7A0];
	v36 =	vsel vm0, $0x3F800000, v10;
	v37 =	vsel vm4, v20, v54;
	v42 =	vsel vm4, $0x3F800000, v10;
	[tilespmem:$0xB30] =	vst v18  }
0x11a: {  	v31 =	vld [tilespmem:$0x3D0];
	v12 =	vsel vm1, v12, v55;
	v44 =	vadd.s32 v0, v35;
	[tilespmem:$0xF30] =	vst v30;
	v46 =	vsel vm1, $0x3F800000, v10  }
0x11b: {  	v50 =	vld [tilespmem:$0x7B0];
	vm0 =	vmand vm7, vm8;
	vm10 =	vne.s32 v34, v35;
	v18 =	vadd.s32 v43, v44;
	[tilespmem:$0xB40] =	vst v11  }
0x11c: {  	[tilespmem:$0xF40] =	vst v36;
	v48 =	vshll.u32 v38, $0xA;
	v49 =	vadd.s32 v0, v41;
	v15 =	vsel vm0, v15, v56  }
0x11d: {  	[tilespmem:$0xB50] =	vst v37;
	v51 =	vsel vm0, $0x3F800000, v10;
	vm12 =	vne.s32 v38, v41;
	v28 =	vshll.u32 v45, $0xA  }
0x11e: {  	v34 =	vld [tilespmem:$0x7D0];
	[tilespmem:$0xF50] =	vst v42;
	v29 =	vadd.s32 v0, v47;
	vm13 =	vne.s32 v45, v47;
	v36 =	vadd.s32 v0, v27  }
0x11f: {  	v11 =	vld [tilespmem:$0x3B0];
	[tilespmem:$0xB60] =	vst v12;
	v40 =	vshll.u32 v31, $0xA;
	vm9 =	vlt.u32 v18, $0x80000;
	v13 =	vadd.s32 v48, v49  }
0x120: {  	[tilespmem:$0xF60] =	vst v46;
	v12 =	vadd.s32 v28, v29;
	v33 =	vadd.s32 v0, v50;
	vm11 =	vlt.u32 v13, $0x80000  }
0x121: {  	v37 =	vld [tilespmem:$0x3E0];
	[tilespmem:$0xB70] =	vst v15;
	vm1 =	vmand vm10, vm9;
	vm14 =	vlt.u32 v12, $0x80000;
	vm0 =	vmand vm12, vm11  }
0x122: {  	v38 =	vld [tilespmem:$0x7E0];
	[tilespmem:$0xF70] =	vst v51;
	v26 =	vsel vm1, v18, v57;
	v30 =	vsel vm1, $0x3F800000, v10;
	v13 =	vsel vm0, v13, v58  }
0x123: {  	v35 =	vsel vm0, $0x3F800000, v10;
	[tilespmem:$0xB80] =	vst v26;
	vm0 =	vmand vm13, vm14;
	v41 =	vadd.s32 v0, v34  }
0x124: {  	[tilespmem:$0xF80] =	vst v30;
	vm10 =	vne.s32 v31, v34;
	v32 =	vshll.u32 v11, $0xA;
	vm15 =	vne.s32 v11, v50  }
0x125: {  	v44 =	vld [tilespmem:$0x7F0];
	v11 =	vshll.u32 v25, $0xA;
	[tilespmem:$0xB90] =	vst v13;
	v12 =	vsel vm0, v12, v59;
	v14 =	vadd.s32 v40, v41  }
0x126: {  	v39 =	vsel vm0, $0x3F800000, v10;
	[tilespmem:$0xF90] =	vst v35;
	v46 =	vshll.u32 v37, $0xA;
	vm9 =	vlt.u32 v14, $0x80000  }
0x127: {  	v42 =	vld [tilespmem:$0x3F0];
	v47 =	vadd.s32 v0, v38;
	v11 =	vadd.s32 v11, v36;
	[tilespmem:$0xBA0] =	vst v12;
	vm1 =	vmand vm10, vm9  }
0x128: {  	vm12 =	vne.s32 v37, v38;
	[tilespmem:$0xFA0] =	vst v39;
	vm7 =	vlt.u32 v11, $0x80000;
	v48 =	vsel vm1, v14, v62  }
0x129: {  	v15 =	vadd.s32 v32, v33;
	vm8 =	vmand vm6, vm7;
	v50 =	vsel vm1, $0x3F800000, v10;
	[tilespmem:$0xBD0] =	vst v48  }
0x12a: {  	v49 =	vadd.s32 v0, v44;
	vm4 =	vlt.u32 v15, $0x80000;
	v11 =	vsel vm8, v11, v61;
	[tilespmem:$0xFD0] =	vst v50  }
0x12b: {  	v12 =	vadd.s32 v46, v47;
	vm5 =	vmand vm15, vm4;
	[tilespmem:$0xBC0] =	vst v11;
	v11 =	vsel vm8, $0x3F800000, v10  }
0x12c: {  	vm11 =	vlt.u32 v12, $0x80000;
	v43 =	vsel vm5, v15, v60;
	[tilespmem:$0xFC0] =	vst v11;
	v11 =	vshll.u32 v42, $0xA  }
0x12d: {  	vm0 =	vmand vm12, vm11;
	v45 =	vsel vm5, $0x3F800000, v10;
	[tilespmem:$0xBB0] =	vst v43;
	v11 =	vadd.s32 v11, v49  }
0x12e: {  	vm13 =	vne.s32 v42, v44;
	v12 =	vsel vm0, v12, v63;
	[tilespmem:$0xFB0] =	vst v45;
	vm14 =	vlt.u32 v11, $0x80000  }
0x12f: {  	v51 =	vsel vm0, $0x3F800000, v10;
	[tilespmem:$0xBE0] =	vst v12;
	vm15 =	vmand vm13, vm14  }
0x130: {  	[tilespmem:$0xFE0] =	vst v51;
	v11 =	vsel vm15, v11, v1  }
0x131: {  	[tilespmem:$0xBF0] =	vst v11;
	v11 =	vsel vm15, $0x3F800000, v10  }
0x132: {  	[tilespmem:$0xFF0] =	vst v11  }
0x133: {  	s24 =	simm.s32 $0x800;
	s26 =	simm.s32 $0xC00;
	[bflag:$0x0] =	sbarrier.arrive $0xFFFF  }
0x134: {  	[spmem:s1] =	stream.indirect.scatter.add.f32 [tilespmem:s26], [sflag:$0x1], $0x1, s24, s25, $0xb8;
	[tilespmem:$0x1C100] =	vst v63  }
0x135: {  	_ =	swait.ge [sflag:s23], $0x80  }
0x136: {  	[sflag:s23] =	ssyncset.done $0x0  }
0x137: {  	s28 =	simm.s32 $0x880;
	s29 =	simm.s32 $0xC80;
	[sflag:s23] =	ssyncadd.s32 $0xFFFFFF80  }
0x138: {  	[spmem:s1] =	stream.indirect.scatter.add.f32 [tilespmem:s29], [sflag:$0x1], $0x1, s28, s25, $0xb8;
	[tilespmem:$0x1C100] =	vst v63  }
0x139: {  	_ =	swait.ge [sflag:s23], $0x80  }
0x13a: {  	[sflag:s23] =	ssyncset.done $0x0  }
0x13b: {  	s3 =	simm.s32 $0x900;
	s4 =	simm.s32 $0xD00;
	[sflag:s23] =	ssyncadd.s32 $0xFFFFFF80  }
0x13c: {  	[spmem:s1] =	stream.indirect.scatter.add.f32 [tilespmem:s4], [sflag:$0x1], $0x1, s3, s25, $0xb8;
	[tilespmem:$0x1C100] =	vst v63  }
0x13d: {  	_ =	swait.ge [sflag:s23], $0x80  }
0x13e: {  	[sflag:s23] =	ssyncset.done $0x0  }
0x13f: {  	s24 =	simm.s32 $0x980;
	s26 =	simm.s32 $0xD80;
	[sflag:s23] =	ssyncadd.s32 $0xFFFFFF80  }
0x140: {  	[spmem:s1] =	stream.indirect.scatter.add.f32 [tilespmem:s26], [sflag:$0x1], $0x1, s24, s25, $0xb8;
	[tilespmem:$0x1C100] =	vst v63  }
0x141: {  	_ =	swait.ge [sflag:s23], $0x80  }
0x142: {  	[sflag:s23] =	ssyncset.done $0x0  }
0x143: {  	s28 =	simm.s32 $0xA00;
	s29 =	simm.s32 $0xE00;
	[sflag:s23] =	ssyncadd.s32 $0xFFFFFF80  }
0x144: {  	[spmem:s1] =	stream.indirect.scatter.add.f32 [tilespmem:s29], [sflag:$0x1], $0x1, s28, s25, $0xb8;
	[tilespmem:$0x1C100] =	vst v63  }
0x145: {  	_ =	swait.ge [sflag:s23], $0x80  }
0x146: {  	[sflag:s23] =	ssyncset.done $0x0  }
0x147: {  	s2 =	simm.s32 $0xA80;
	s3 =	simm.s32 $0xE80;
	[sflag:s23] =	ssyncadd.s32 $0xFFFFFF80  }
0x148: {  	[spmem:s1] =	stream.indirect.scatter.add.f32 [tilespmem:s3], [sflag:$0x1], $0x1, s2, s25, $0xb8;
	[tilespmem:$0x1C100] =	vst v63  }
0x149: {  	_ =	swait.ge [sflag:s23], $0x80  }
0x14a: {  	[sflag:s23] =	ssyncset.done $0x0  }
0x14b: {  	s4 =	simm.s32 $0xB00;
	s24 =	simm.s32 $0xF00;
	[sflag:s23] =	ssyncadd.s32 $0xFFFFFF80  }
0x14c: {  	[spmem:s1] =	stream.indirect.scatter.add.f32 [tilespmem:s24], [sflag:$0x1], $0x1, s4, s25, $0xb8;
	[tilespmem:$0x1C100] =	vst v63  }
0x14d: {  	_ =	swait.ge [sflag:s23], $0x80  }
0x14e: {  	[sflag:s23] =	ssyncset.done $0x0  }
0x14f: {  	s26 =	simm.s32 $0xB80;
	s28 =	simm.s32 $0xF80;
	[sflag:s23] =	ssyncadd.s32 $0xFFFFFF80  }
0x150: {  	[spmem:s1] =	stream.indirect.scatter.add.f32 [tilespmem:s28], [sflag:$0x1], $0x1, s26, s25, $0xb8;
	[tilespmem:$0x1C100] =	vst v63  }
0x151: {  	_ =	swait.ge [sflag:s23], $0x80  }
0x152: {  	[sflag:s23] =	ssyncset.done $0x0  }
0x153: {  	[sflag:s23] =	ssyncadd.s32 $0xFFFFFF80  }
0x154: {  	s29 =	simm.s32 $0x3000;
	[bflag:$0x0] =	sbarrier.arrive $0xFFFF  }
0x155: {  	[tilespmem:s29], [sflag:$0x1] =	stream.linear.gather [spmem:s7], $0x8000, $0x38;
	[tilespmem:$0x1C100] =	vst v63  }
0x156: {  	_ =	swait.ge [sflag:s23], $0x8000  }
0x157: {  	[sflag:s23] =	ssyncset.done $0x0  }
0x158: {  	s0 =	simm.s32 $0x0;
	s3 =	simm.s32 $0x0;
	[sflag:s23] =	ssyncadd.s32 $0xFFFF8000  }
.LBB2_4:
0x159: {  	s2 =	sshll.u32 s3, $0x2;
	s4 =	sand.u32 $0x7, s31  }
0x15a: {  	s2 =	sand.u32 $0xFFFFFE00, s2;
	s4 =	sshll.u32 s4, $0x6  }
0x15b: {  	s2 =	sor.u32 s4, s2  }
0x15c: {  	s2 =	sshrl.u32 s2, $0x2  }
0x15d: {  	s2 =	sadd.s32 $0x3800, s2  }
0x15e: {  	v12 =	vld [tilespmem:s2+$0xFFFFF800];
	_ =	sdelay $0x1  }
0x15f: {  	v14 =	vld [tilespmem:s2+$0xFFFFFC00];
	_ =	sdelay $0x1  }
0x160: {  	v13 =	vimm.f32 $-1.000000000e+00;
	v11 =	vld [tilespmem:s2+$0x0]  }
0x161: {  	vm0 =	vgt.f32 v12, v13  }
0x162: {  	v15 =	vimm.s32 $0x0;
	s24 =	sadd.s32 $0x0, s21;
	v16 =	vsel vm0, v12, v13;
	v12 =	vld [tilespmem:s2+$0x400]  }
0x163: {  	s29 =	sadd.s32 $0x1, s24;
	s26 =	sadd.s32 $0x1000, s2;
	v17 =	vsel vm0, s24, v15;
	vm15 =	vgt.f32 v14, v16  }
0x164: {  	s28 =	simm.s32 $0x8;
	s4 =	simm.s32 $0x4;
	s2 =	sshll.u32 s0, $0x4;
	v13 =	vld [tilespmem:s26+$0xFFFFF800];
	v15 =	vsel vm15, v14, v16;
	v14 =	vsel vm15, s29, v17  }
.LBB2_5:
0x165: {  	p0 =	sne.s32 s28, $0x1C;
	vm0 =	vgt.f32 v11, v15;
	s29 =	sadd.s32 $0x2, s24  }
0x166: {  	v16 =	vld [tilespmem:s26+$0xFFFFFC00];
	v15 =	vsel vm0, v11, v15;
	v14 =	vsel vm0, s29, v14  }
0x167: {  	s24 =	sadd.s32 $0x3, s24;
	vm0 =	vgt.f32 v12, v15  }
.Ltmp1:
0x168: {  	v11 =	vld [tilespmem:s26+$0x0];
	v12 =	vsel vm0, v12, v15;
	v14 =	vsel vm0, s24, v14;
	(pc) =	sbr.rel @p0 .LBB2_5-.Ltmp1, $4  }
0x169: {  	s24 =	sadd.s32 s4, s21;
	s4 =	smov.u32 s28;
	vm0 =	vgt.f32 v13, v12  }
0x16a: {  	v15 =	vsel vm0, v13, v12;
	v14 =	vsel vm0, s24, v14;
	v12 =	vld [tilespmem:s26+$0x400]  }
0x16b: {  	s29 =	sadd.s32 $0x1, s24;
	s26 =	sadd.s32 $0x1000, s26;
	vm0 =	vgt.f32 v16, v15  }
0x16c: {  	s28 =	sadd.s32 $0x4, s28;
	v13 =	vld [tilespmem:s26+$0xFFFFF800];
	v15 =	vsel vm0, v16, v15;
	v14 =	vsel vm0, s29, v14  }
0x16d: {  	vm0 =	vgt.f32 v11, v15  }
0x16e: {  	v16 =	vld [tilespmem:s26+$0xFFFFFC00];
	v11 =	vsel vm0, v11, v15  }
0x16f: {  	vm1 =	vgt.f32 v12, v11  }
0x170: {  	v48 =	vld [tilespmem:s26+$0x0];
	v11 =	vsel vm1, v12, v11  }
0x171: {  	vm2 =	vgt.f32 v13, v11  }
0x172: {  	v49 =	vld [tilespmem:s26+$0x400];
	v11 =	vsel vm2, v13, v11  }
0x173: {  	s29 =	sadd.s32 $0x2, s24;
	vm3 =	vgt.f32 v16, v11  }
0x174: {  	s26 =	sadd.s32 $0x3, s24;
	s0 =	sadd.s32 $0x1, s0;
	v50 =	vsel vm0, s29, v14;
	v11 =	vsel vm3, v16, v11  }
0x175: {  	s4 =	sadd.s32 s4, s21;
	p0 =	sne.s32 s0, $0x40;
	v13 =	vsel vm1, s26, v50;
	vm14 =	vgt.f32 v48, v11  }
.Ltmp2:
0x176: {  	s28 =	sadd.s32 $0x1, s4;
	v13 =	vsel vm2, s4, v13;
	v11 =	vsel vm14, v48, v11;
	(pc) =	sbr.rel @p0 .LBB2_4-.Ltmp2, $4  }
0x177: {  	s29 =	sadd.s32 $0x2, s4;
	v13 =	vsel vm3, s28, v13;
	vm15 =	vgt.f32 v49, v11  }
0x178: {  	s4 =	sadd.s32 $0x3, s4;
	v13 =	vsel vm14, s29, v13;
	v11 =	vsel vm15, v49, v11  }
0x179: {  	v51 =	vsel vm15, s4, v13;
	[tilespmem:s2+$0xB000] =	vst v11  }
0x17a: {  	s3 =	sadd.s32 $0x10, s3;
	s31 =	sadd.s32 $0x1, s31;
	[tilespmem:s2+$0xB400] =	vst v51  }
0x17b: {  	s0 =	simm.s32 $0xB000  }
0x17c: {  	[spmem:s13] =	stream.linear.scatter [tilespmem:s0], [sflag:$0x1], $0x400, $0x38;
	[tilespmem:$0x1C100] =	vst v63  }
0x17d: {  	_ =	swait.ge [sflag:s23], $0x400  }
0x17e: {  	[sflag:s23] =	ssyncset.done $0x0  }
0x17f: {  	s24 =	simm.s32 $0xB400;
	[sflag:s23] =	ssyncadd.s32 $0xFFFFFC00  }
0x180: {  	[spmem:s14] =	stream.linear.scatter [tilespmem:s24], [sflag:$0x1], $0x400, $0x38;
	[tilespmem:$0x1C100] =	vst v63  }
0x181: {  	_ =	swait.ge [sflag:s23], $0x400  }
0x182: {  	[sflag:s23] =	ssyncset.done $0x0  }
0x183: {  	[sflag:s23] =	ssyncadd.s32 $0xFFFFFC00  }
0x184: {  	[bflag:$0x0] =	sbarrier.arrive $0xFFFF  }
0x185: {  	s2 =	simm.s32 $0xB800;
	s26 =	rddreg [dreg:$0x3]  }
0x186: {  	[tilespmem:s2], [sflag:$0x1] =	stream.linear.gather [spmem:s26], $0x4000, $0x38;
	[tilespmem:$0x1C100] =	vst v63  }
0x187: {  	_ =	swait.ge [sflag:s23], $0x4000  }
0x188: {  	[sflag:s23] =	ssyncset.done $0x0  }
0x189: {  	[sflag:s23] =	ssyncadd.s32 $0xFFFFC000  }
0x18a: {  	s29 =	simm.s32 $0xF800;
	s28 =	rddreg [dreg:$0x4]  }
0x18b: {  	[tilespmem:s29], [sflag:$0x1] =	stream.linear.gather [spmem:s28], $0x4000, $0x38;
	[tilespmem:$0x1C100] =	vst v63  }
0x18c: {  	_ =	swait.ge [sflag:s23], $0x4000  }
0x18d: {  	[sflag:s23] =	ssyncset.done $0x0  }
0x18e: {  	[sflag:s23] =	ssyncadd.s32 $0xFFFFC000  }
0x18f: {  	v11 =	vld [tilespmem:s6+$0xB800]  }
0x190: {  	s31 =	simm.s32 $0x400;
	v12 =	vld [tilespmem:s6+$0xF800]  }
0x191: {  	v13 =	vld.idx.msk [tilespmem:v2+s31+$0x0 ss:$0x1], $0xffff  }
0x192: {  	s0 =	simm.s32 $0x2000;
	v14 =	vld.idx.msk [tilespmem:v3+s31+$0x0 ss:$0x1], $0xffff  }
.LBB2_8:
0x193: {  	p0 =	sne.s32 s0, $0xF000  }
.Ltmp3:
0x194: {  	_ = 	snop;
	(pc) =	sbr.rel @p0 .LBB2_8-.Ltmp3, $4  }
0x195: {  	_ = 	snop  }
0x196: {  	s2 =	sshra.s32 s0, $0x2;
	s0 =	sadd.s32 $0x1000, s0  }
0x197: {  	vm0 =	vgt.f32 v13, v11;
	v15 =	vmov v13;
	v13 =	vld.idx.msk [tilespmem:v2+s2+$0x0 ss:$0x1], $0xffff  }
0x198: {  	v11 =	vsel vm0, v15, v11;
	v12 =	vsel vm0, v14, v12;
	v14 =	vld.idx.msk [tilespmem:v3+s2+$0x0 ss:$0x1], $0xffff  }
0x199: {  	_ =	sdelay $0x2  }
0x19a: {  	vm0 =	vgt.f32 v13, v11  }
0x19b: {  	v11 =	vsel vm0, v13, v11  }
0x19c: {  	v12 =	vsel vm0, v14, v12;
	[tilespmem:$0x13800] =	vst v11  }
0x19d: {  	[tilespmem:$0x13880] =	vst v12  }
0x19e: {  	v11 =	vld [tilespmem:s15+$0xB800]  }
0x19f: {  	s2 =	simm.s32 $0x0;
	v12 =	vld [tilespmem:s15+$0xF800]  }
0x1a0: {  	v13 =	vld.idx.msk [tilespmem:v4+s2+$0x0 ss:$0x1], $0xffff  }
0x1a1: {  	s0 =	simm.s32 $0x1000;
	v14 =	vld.idx.msk [tilespmem:v5+s2+$0x0 ss:$0x1], $0xffff  }
.LBB2_10:
0x1a2: {  	p0 =	sne.s32 s0, $0xE000  }
.Ltmp4:
0x1a3: {  	_ = 	snop;
	(pc) =	sbr.rel @p0 .LBB2_10-.Ltmp4, $4  }
0x1a4: {  	_ = 	snop  }
0x1a5: {  	s2 =	sshra.s32 s0, $0x2;
	s0 =	sadd.s32 $0x1000, s0  }
0x1a6: {  	vm0 =	vgt.f32 v13, v11;
	v15 =	vmov v13;
	v13 =	vld.idx.msk [tilespmem:v4+s2+$0x0 ss:$0x1], $0xffff  }
0x1a7: {  	v11 =	vsel vm0, v15, v11;
	v12 =	vsel vm0, v14, v12;
	v14 =	vld.idx.msk [tilespmem:v5+s2+$0x0 ss:$0x1], $0xffff  }
0x1a8: {  	_ =	sdelay $0x2  }
0x1a9: {  	vm0 =	vgt.f32 v13, v11  }
0x1aa: {  	v11 =	vsel vm0, v13, v11  }
0x1ab: {  	v12 =	vsel vm0, v14, v12;
	[tilespmem:$0x13810] =	vst v11  }
0x1ac: {  	[tilespmem:$0x13890] =	vst v12  }
0x1ad: {  	v11 =	vld [tilespmem:s16+$0xB800]  }
0x1ae: {  	s2 =	simm.s32 $0x0;
	v12 =	vld [tilespmem:s16+$0xF800]  }
0x1af: {  	v13 =	vld.idx.msk [tilespmem:v6+s2+$0x0 ss:$0x1], $0xffff  }
0x1b0: {  	s0 =	simm.s32 $0x1000;
	v14 =	vld.idx.msk [tilespmem:v7+s2+$0x0 ss:$0x1], $0xffff  }
.LBB2_12:
0x1b1: {  	p0 =	sne.s32 s0, $0xE000  }
.Ltmp5:
0x1b2: {  	_ = 	snop;
	(pc) =	sbr.rel @p0 .LBB2_12-.Ltmp5, $4  }
0x1b3: {  	_ = 	snop  }
0x1b4: {  	s2 =	sshra.s32 s0, $0x2;
	s0 =	sadd.s32 $0x1000, s0  }
0x1b5: {  	vm0 =	vgt.f32 v13, v11;
	v15 =	vmov v13;
	v13 =	vld.idx.msk [tilespmem:v6+s2+$0x0 ss:$0x1], $0xffff  }
0x1b6: {  	v11 =	vsel vm0, v15, v11;
	v12 =	vsel vm0, v14, v12;
	v14 =	vld.idx.msk [tilespmem:v7+s2+$0x0 ss:$0x1], $0xffff  }
0x1b7: {  	_ =	sdelay $0x2  }
0x1b8: {  	vm0 =	vgt.f32 v13, v11  }
0x1b9: {  	v11 =	vsel vm0, v13, v11  }
0x1ba: {  	v12 =	vsel vm0, v14, v12;
	[tilespmem:$0x13820] =	vst v11  }
0x1bb: {  	[tilespmem:$0x138A0] =	vst v12  }
0x1bc: {  	v11 =	vld [tilespmem:s17+$0xB800]  }
0x1bd: {  	s2 =	simm.s32 $0x0;
	v12 =	vld [tilespmem:s17+$0xF800]  }
0x1be: {  	v13 =	vld.idx.msk [tilespmem:v8+s2+$0x0 ss:$0x1], $0xffff  }
0x1bf: {  	s0 =	simm.s32 $0x1000;
	v14 =	vld.idx.msk [tilespmem:v9+s2+$0x0 ss:$0x1], $0xffff  }
.LBB2_14:
0x1c0: {  	p0 =	sne.s32 s0, $0xE000  }
.Ltmp6:
0x1c1: {  	_ = 	snop;
	(pc) =	sbr.rel @p0 .LBB2_14-.Ltmp6, $4  }
0x1c2: {  	_ = 	snop  }
0x1c3: {  	s2 =	sshra.s32 s0, $0x2;
	s0 =	sadd.s32 $0x1000, s0  }
0x1c4: {  	vm0 =	vgt.f32 v13, v11;
	v15 =	vmov v13;
	v13 =	vld.idx.msk [tilespmem:v8+s2+$0x0 ss:$0x1], $0xffff  }
0x1c5: {  	v11 =	vsel vm0, v15, v11;
	v12 =	vsel vm0, v14, v12;
	v14 =	vld.idx.msk [tilespmem:v9+s2+$0x0 ss:$0x1], $0xffff  }
0x1c6: {  	_ =	sdelay $0x2  }
0x1c7: {  	vm0 =	vgt.f32 v13, v11  }
0x1c8: {  	v11 =	vsel vm0, v13, v11  }
0x1c9: {  	v12 =	vsel vm0, v14, v12;
	[tilespmem:$0x13830] =	vst v11  }
0x1ca: {  	s0 =	simm.s32 $0x13800;
	[tilespmem:$0x138B0] =	vst v12  }
0x1cb: {  	[hbm4b:s18+s5] =	stream.linear.scatter [tilespmem:s0], [sflag:$0x1], $0x40, $0x38;
	[tilespmem:$0x1C100] =	vst v63  }
0x1cc: {  	s30 =	sadd.s32 $0x1, s30;
	_ =	swait.ge [sflag:s23], $0x40  }
0x1cd: {  	p0 =	sne.s32 s30, s20;
	[sflag:s23] =	ssyncset.done $0x0  }
.Ltmp7:
0x1ce: {  	s31 =	simm.s32 $0x13880;
	[sflag:s23] =	ssyncadd.s32 $0xFFFFFFC0;
	(pc) =	sbr.rel @p0 .LBB2_1-.Ltmp7, $4  }
0x1cf: {  	[hbm4b:s19+s5] =	stream.linear.scatter [tilespmem:s31], [sflag:$0x1], $0x40, $0x38;
	[tilespmem:$0x1C100] =	vst v63  }
0x1d0: {  	_ =	swait.ge [sflag:s23], $0x40  }
0x1d1: {  	[sflag:s23] =	ssyncset.done $0x0  }
0x1d2: {  	[sflag:s23] =	ssyncadd.s32 $0xFFFFFFC0  }
0x1d3: {  	_ =	sfence.sel $0x180000  }
0x1d4: {  	[bflag:$0x0] =	sbarrier.arrive $0xFFFF  }
0x1d5: {  	_ =	strace $0x90000047  }
0x1d6: {  	s0 =	stileid.u32;
	[bflag:$0x2] =	sbarrier.arrive $0xFFFF  }
0x1d7: {  	p0 =	sne.s32 s0, $0x0;
	s0 =	rddreg [dreg:$0x5]  }
0x1d8: {  	s0 =	sadd.s32 @!p0 $0x100000, s0  }
0x1d9: {  	[sflag:s0] =	ssyncadd.tile.s32 @!p0 $0x1;
	_ =	shalt  }
.Lfunc_end2:
_tile_overlayer_lowered:
.L_overlay_start_2:
0x1da: {  	(tag) =	ssettag $0x2  }
0x1db: {  	s0 =	rddreg [dreg:$0x0];
	s2 =	stileid.u32  }
0x1dc: {  	s1 =	rddreg [dreg:$0x1];
	p0 =	sne.s32 s2, $0x0  }
0x1dd: {  	s3 =	rddreg [dreg:$0x2];
	[bflag:$0x3] =	sbarrier.arrive $0xFFFF;
	s2 =	simm.s32 @!p0 $0x1C01  }
0x1de: {  	[timem:s3], [sflag:s2] =	dma.local @!p0 [hbm:s0], s1  }
0x1df: {  	s0 =	simm.s32 @!p0 $0x1  }
0x1e0: {  	_ =	swait.ge @!p0 [sflag:s0], s1  }
0x1e1: {  	s1 =	ssub.s32 @!p0 $0x0, s1;
	[sflag:s0] =	ssyncset.done @!p0 $0x0  }
0x1e2: {  	[sflag:s0] =	ssyncadd.s32 @!p0 s1  }
0x1e3: {  	[bflag:$0x3] =	sbarrier.arrive $0xFFFF  }
0x1e4: {  	_ =	shalt  }

</sc_bundles>
